<compile_context>
chip_gen: v7x
topology: tpu7x:2x2x1
jax: 0.10.2.dev20260603
libtpu: 0.0.44.dev20260713+nightly
codegen_flags: <defaults>
</compile_context>

<pallas_src>
import functools

import jax
import jax.numpy as jnp
from jax import lax
from jax.experimental import pallas as pl
from jax.experimental.pallas import tpu as pltpu
from jax.experimental.pallas import tpu_sc as plsc

N = 10000
E = 320000
D_IN = 128
D_HID = 64
D_OUT = 7
B = 1000
GAMMA = 1.0

NP = 10240
EPS_W = 20480
EP = EPS_W * 16
RSUB = NP // 16
BP = 1024
NW = 32

_mesh = plsc.VectorSubcoreMesh(
    core_axis_name="c", subcore_axis_name="s", num_cores=2, num_subcores=16)

_sc_params = pltpu.CompilerParams(
    needs_layout_passes=False, use_tc_tiling_on_sc=False)



def _tca_body(x_ref, kf_ref, om_ref, ov_ref):
    h = jnp.dot(x_ref[...], kf_ref[...], preferred_element_type=jnp.float32)
    m = jnp.maximum(h, 0.0)
    a = jnp.exp(-GAMMA * m)
    ma = m * a
    om_ref[...] = ma
    ov_ref[...] = ma * a


def _tc_a(xp, kf):
    return pl.pallas_call(
        _tca_body,
        grid=(NP // 256,),
        in_specs=[
            pl.BlockSpec((256, D_IN), lambda i: (i, 0)),
            pl.BlockSpec((D_IN, D_HID), lambda i: (0, 0)),
        ],
        out_specs=[pl.BlockSpec((256, D_HID), lambda i: (i, 0)),
                   pl.BlockSpec((256, D_HID), lambda i: (i, 0))],
        out_shape=[jax.ShapeDtypeStruct((NP, D_HID), jnp.float32),
                   jax.ShapeDtypeStruct((NP, D_HID), jnp.float32)],
    )(xp, kf)



def _tcb_body(am_ref, av_ref, km_ref, kv_ref, om_ref, ov_ref):
    m2 = jnp.dot(am_ref[...], km_ref[...], preferred_element_type=jnp.float32)
    v2 = jnp.maximum(
        jnp.dot(av_ref[...], kv_ref[...], preferred_element_type=jnp.float32),
        0.0)
    a = jnp.exp(-GAMMA * v2)
    om_ref[...] = m2 * a
    ov_ref[...] = v2 * a * a


def _tc_b(am, av, kmp, kvp):
    return pl.pallas_call(
        _tcb_body,
        grid=(NP // 256,),
        in_specs=[
            pl.BlockSpec((256, D_HID), lambda i: (i, 0)),
            pl.BlockSpec((256, D_HID), lambda i: (i, 0)),
            pl.BlockSpec((D_HID, 16), lambda i: (0, 0)),
            pl.BlockSpec((D_HID, 16), lambda i: (0, 0)),
        ],
        out_specs=[pl.BlockSpec((256, 16), lambda i: (i, 0)),
                   pl.BlockSpec((256, 16), lambda i: (i, 0))],
        out_shape=[jax.ShapeDtypeStruct((NP, 16), jnp.float32),
                   jax.ShapeDtypeStruct((NP, 16), jnp.float32)],
    )(am, av, kmp, kvp)



def _tcd_body(qm_ref, qv_ref, eps_ref, o_ref):
    o_ref[...] = qm_ref[...] + jnp.sqrt(qv_ref[...] + 1e-8) * eps_ref[...]


def _tc_d(qm, qv, epsp):
    return pl.pallas_call(
        _tcd_body,
        grid=(NP // 1024,),
        in_specs=[
            pl.BlockSpec((1024, 16), lambda i: (i, 0)),
            pl.BlockSpec((1024, 16), lambda i: (i, 0)),
            pl.BlockSpec((1024, 16), lambda i: (i, 0)),
        ],
        out_specs=pl.BlockSpec((1024, 16), lambda i: (i, 0)),
        out_shape=jax.ShapeDtypeStruct((NP, 16), jnp.float32),
    )(qm, qv, epsp)



def _lane_splat(vec, u):
    return lax.gather(
        vec, jnp.full((16, 1), u, jnp.int32),
        lax.GatherDimensionNumbers(offset_dims=(),
                                   collapsed_slice_dims=(0,),
                                   start_index_map=(0,)),
        (1,), mode=lax.GatherScatterMode.PROMISE_IN_BOUNDS)


def _make_spmm(d, ch, nbuf):
    n_vreg = d // 16
    nr = ch // 128
    pr = 4 * nr
    nchunk = EPS_W // ch

    @functools.partial(
        pl.kernel,
        out_type=[jax.ShapeDtypeStruct((NP, d), jnp.float32),
                  jax.ShapeDtypeStruct((NP, d), jnp.float32)],
        mesh=_mesh,
        compiler_params=_sc_params,
        scratch_types=[
            pltpu.VMEM(((nbuf + 1) * 4 * nr, 128), jnp.int32),
            pltpu.VMEM((nbuf * ch, d), jnp.float32),
            pltpu.VMEM_SHARED((NP, d), jnp.float32),
            pltpu.SemaphoreType.DMA,
            pltpu.SemaphoreType.DMA,
            pltpu.SemaphoreType.DMA,
        ],
    )
    def spmm(msg_m, msg_v, ed_hbm, out_m, out_v,
             ed_v, rows_v, acc_sh, gsem, ssem, esem):
        cid = lax.axis_index("c")
        sid = lax.axis_index("s")

        zval = jnp.zeros((16,), jnp.float32)

        def zbody(i, _):
            for k in range(n_vreg):
                rows_v[i, pl.ds(k * 16, 16)] = zval
            return 0

        lax.fori_loop(0, 128, zbody, 0)
        for z in range(RSUB // 128):
            pltpu.sync_copy(rows_v.at[pl.ds(0, 128)],
                            acc_sh.at[pl.ds(sid * RSUB + z * 128, 128)])
        plsc.subcore_barrier()

        bbase = sid * nchunk
        nes = nbuf + 1

        def issue_gather(p, es):
            for j in range(nr):
                dst = rows_v.at[pl.ds(p * ch + j * 128, 128)]

                @pl.when(cid == 0)
                def _():
                    pltpu.async_copy(msg_m.at[ed_v.at[es * pr + j]], dst, gsem)

                @pl.when(cid == 1)
                def _():
                    pltpu.async_copy(msg_v.at[ed_v.at[es * pr + j]], dst, gsem)

        def wait_gather(p, es):
            for j in range(nr):
                pltpu.make_async_copy(
                    msg_m.at[ed_v.at[es * pr + j]],
                    rows_v.at[pl.ds(p * ch + j * 128, 128)], gsem).wait()

        def issue_scatter(p, es):
            for j in range(nr):
                pltpu.async_copy(
                    rows_v.at[pl.ds(p * ch + j * 128, 128)],
                    acc_sh.at[ed_v.at[es * pr + nr + j]], ssem, add=True)

        def wait_scatter(p, es):
            for j in range(nr):
                pltpu.make_async_copy(
                    rows_v.at[pl.ds(p * ch + j * 128, 128)],
                    acc_sh.at[ed_v.at[es * pr + nr + j]], ssem).wait()

        pltpu.sync_copy(ed_hbm.at[bbase], ed_v.at[pl.ds(0, pr)])
        issue_gather(jnp.int32(0), jnp.int32(0))
        if nchunk > 1:
            pltpu.async_copy(ed_hbm.at[bbase + 1],
                             ed_v.at[pl.ds(pr, pr)], esem)

        def chunk_body(ci, _):
            p = lax.rem(ci, nbuf)
            q = lax.rem(ci + 1, nbuf)
            es = lax.rem(ci, nes)
            es1 = lax.rem(ci + 1, nes)
            es2 = lax.rem(ci + 2, nes)
            wait_gather(p, es)

            @pl.when(ci >= nbuf - 1)
            def _():
                wait_scatter(q, lax.rem(ci + 1 - nbuf, nes))

            @pl.when(ci + 1 < nchunk)
            def _():
                pltpu.make_async_copy(ed_hbm.at[bbase],
                                      ed_v.at[pl.ds(es1 * pr, pr)],
                                      esem).wait()
                issue_gather(q, es1)

            @pl.when(ci + 2 < nchunk)
            def _():
                pltpu.async_copy(ed_hbm.at[bbase + ci + 2],
                                 ed_v.at[pl.ds(es2 * pr, pr)], esem)

            wrow0 = es * pr + 2 * nr + cid * nr

            @plsc.parallel_loop(0, ch // 16, unroll=4)
            def grp(g):
                j = lax.div(g, 8)
                col = lax.rem(g, 8) * 16
                wi = ed_v[wrow0 + j, pl.ds(col, 16)]
                wv = plsc.bitcast(wi, jnp.float32)
                ebase = p * ch + g * 16
                for u in range(16):
                    ws = _lane_splat(wv, u)
                    e = ebase + u
                    for kk in range(n_vreg):
                        rows_v[e, pl.ds(kk * 16, 16)] = (
                            rows_v[e, pl.ds(kk * 16, 16)] * ws)

            issue_scatter(p, es)
            return 0

        lax.fori_loop(0, nchunk, chunk_body, 0)
        for c in range(max(0, nchunk - nbuf + 1), nchunk):
            wait_scatter(jnp.int32(c % nbuf), jnp.int32(c % nes))
        plsc.subcore_barrier()

        sl = pl.ds(sid * RSUB, RSUB)

        @pl.when(cid == 0)
        def _():
            pltpu.sync_copy(acc_sh.at[sl], out_m.at[sl])

        @pl.when(cid == 1)
        def _():
            pltpu.sync_copy(acc_sh.at[sl], out_v.at[sl])

    return spmm


CH1, NBUF1 = 128, 3
CH2, NBUF2 = 512, 4
_spmm1 = _make_spmm(D_HID, CH1, NBUF1)
_spmm2 = _make_spmm(16, CH2, NBUF2)



@functools.partial(
    pl.kernel,
    out_type=jax.ShapeDtypeStruct((BP, 16), jnp.float32),
    mesh=_mesh,
    compiler_params=_sc_params,
    scratch_types=[
        pltpu.VMEM((BP // NW,), jnp.int32),
        pltpu.VMEM((BP // NW, 16), jnp.float32),
        pltpu.SemaphoreType.DMA,
    ],
)
def _gather_out(hs_hbm, idx_hbm, out_hbm, idx_v, rows_v, sem):
    wid = lax.axis_index("s") * 2 + lax.axis_index("c")
    b_per_w = BP // NW
    base = wid * b_per_w
    pltpu.sync_copy(idx_hbm.at[pl.ds(base, b_per_w)], idx_v)
    pltpu.async_copy(hs_hbm.at[idx_v], rows_v, sem).wait()
    pltpu.sync_copy(rows_v, out_hbm.at[pl.ds(base, b_per_w)])



def kernel(x, edge_index, adj1_values, adj2_values, node_index,
           kernel_f, kernel_mean, kernel_var):
    src = edge_index[0]
    dst = edge_index[1]
    epad = EP - E
    src_p = jnp.concatenate([src, jnp.zeros((epad,), jnp.int32)])
    dst_p = jnp.concatenate([dst, jnp.full((epad,), N, jnp.int32)])
    w1_p = jnp.concatenate([adj1_values, jnp.zeros((epad,), jnp.float32)])
    w2_p = jnp.concatenate([adj2_values, jnp.zeros((epad,), jnp.float32)])

    w1i = lax.bitcast_convert_type(w1_p, jnp.int32)
    w2i = lax.bitcast_convert_type(w2_p, jnp.int32)

    def _pack(ch):
        nr = ch // 128
        nchunk = EPS_W // ch

        def r(a):
            return a.reshape(16, nchunk, nr, 128)

        return jnp.concatenate([r(src_p), r(dst_p), r(w1i), r(w2i)],
                               axis=2).reshape(16 * nchunk, 4 * nr, 128)

    ed1 = _pack(CH1)
    ed2 = _pack(CH2)
    xp = jnp.pad(x, ((0, NP - N), (0, 0)))
    kmp = jnp.pad(kernel_mean, ((0, 0), (0, 16 - D_OUT)))
    kvp = jnp.pad(kernel_var, ((0, 0), (0, 16 - D_OUT)))
    eps = jax.random.normal(jax.random.key(42), (N, D_OUT), dtype=jnp.float32)
    epsp = jnp.pad(eps, ((0, NP - N), (0, 16 - D_OUT)))
    ni_p = jnp.pad(node_index, (0, BP - B))

    msg_m, msg_v = _tc_a(xp, kernel_f)
    am, av = _spmm1(msg_m, msg_v, ed1)
    m2, v2 = _tc_b(am, av, kmp, kvp)
    qm, qv = _spmm2(m2, v2, ed2)
    hs = _tc_d(qm, qv, epsp)
    out = _gather_out(hs, ni_p)
    return out[:B, :D_OUT]

# --- scband reference (transcript-rebuilt; emitter-appended) ---
"""Pipeline reference for scband-robust-gcn-32109175504990 (READ-ONLY COPY).

The authoritative reference and input builder live on the scoring server;
editing this copy changes nothing except your own understanding.
"""

import jax, jax.numpy as jnp
import numpy as np

N = 10000
E = 320000
D_IN = 128
D_HID = 64
D_OUT = 7
B = 1000
GAMMA = 1.0


def spmm(edge_index, w, h, n):
    # sparse(adj) @ h, adj given as COO (src->dst) with values w
    src = edge_index[0]
    dst = edge_index[1]
    msgs = jnp.take(h, src, axis=0) * w[:, None]
    return jax.ops.segment_sum(msgs, dst, num_segments=n)


def setup_inputs(seed: int = 0):
    key = jax.random.key(seed)
    ks = jax.random.split(key, 8)
    x = jax.random.normal(ks[0], (N, D_IN), dtype=jnp.float32)
    edge_index = jax.random.randint(ks[1], (2, E), 0, N, dtype=jnp.int32)
    # normalized adjacency values (rate -0.5 and -1.0 normalizations in the original);
    # approximated here as positive weights ~ 1/avg_degree
    adj1_values = jax.random.uniform(ks[2], (E,), dtype=jnp.float32) / 16.0
    adj2_values = jax.random.uniform(ks[3], (E,), dtype=jnp.float32) / 16.0
    node_index = jax.random.randint(ks[4], (B,), 0, N, dtype=jnp.int32)
    # learned parameters
    kernel_f = jax.random.normal(ks[5], (D_IN, D_HID), dtype=jnp.float32) * (1.0 / np.sqrt(D_IN))
    kernel_mean = jax.random.normal(ks[6], (D_HID, D_OUT), dtype=jnp.float32) * (1.0 / np.sqrt(D_HID))
    kernel_var = jax.random.normal(ks[7], (D_HID, D_OUT), dtype=jnp.float32) * (1.0 / np.sqrt(D_HID))
    return {"x": x, "edge_index": edge_index, "adj1_values": adj1_values,
            "adj2_values": adj2_values, "node_index": node_index,
            "kernel_f": kernel_f, "kernel_mean": kernel_mean, "kernel_var": kernel_var}


def reference(x, edge_index, adj1_values, adj2_values, node_index, kernel_f, kernel_mean, kernel_var):
    # GaussionConvolution_F (first layer), activation='relu', use_bias=False
    h = x @ kernel_f
    mean = jax.nn.relu(h)
    var = jax.nn.relu(h)
    attention = jnp.exp(-GAMMA * var)
    mean = spmm(edge_index, adj1_values, mean * attention, N)
    var = spmm(edge_index, adj2_values, var * attention * attention, N)
    # (hiddens[1:] is empty -> no GaussionConvolution_D hidden layers / dropout)
    # GaussionConvolution_D output layer (linear activation on mean; var kept non-negative
    # via relu so the variance stays valid for sampling, as in the RGCN paper)
    mean = mean @ kernel_mean
    var = jax.nn.relu(var @ kernel_var)
    attention = jnp.exp(-GAMMA * var)
    mean = spmm(edge_index, adj1_values, mean * attention, N)
    var = spmm(edge_index, adj2_values, var * attention * attention, N)
    # Sample: z = mean + sqrt(var + eps) * N(0, 1)
    eps = jax.random.normal(jax.random.key(42), var.shape, dtype=jnp.float32)
    hs = mean + jnp.sqrt(var + 1e-8) * eps
    # Gather output nodes
    return jnp.take(hs, node_index, axis=0)

if __name__ == "__main__":
    import jax
    _d = setup_inputs()
    print(jax.jit(kernel)(*tuple(_d.values())))

</pallas_src>

<mosaic_0001>
#map = affine_map<(d0, d1) -> (0, 0)>
#map1 = affine_map<(d0, d1) -> (0)>
module attributes {stable_mosaic.version = 14 : i64} {
  func.func @_gather_out(%arg0: i32, %arg1: i32, %arg2: memref<10240x16xf32, #tpu.memory_space<hbm>>, %arg3: memref<1024xi32, #tpu.memory_space<hbm>>, %arg4: memref<1024x16xf32, #tpu.memory_space<hbm>>, %arg5: memref<32xi32, #tpu.memory_space<vmem>>, %arg6: memref<32x16xf32, #tpu.memory_space<vmem>>, %arg7: memref<!tpu.dma_semaphore, #tpu.memory_space<semaphore_mem>>) attributes {dimension_semantics = [#tpu.dimension_semantics<core_parallel>, #tpu.dimension_semantics<subcore_parallel>], iteration_bounds = array<i64: 2, 16>, scalar_prefetch = 0 : i64, scratch_operands = 3 : i64, tpu.core_type = #tpu.core_type<sc_vector_subcore>, window_params = [{transform_indices = #map}, {transform_indices = #map1}, {transform_indices = #map}]} {
    %mul3A = arith.constant 2 : i32
    %mul3A_0 = arith.muli %arg1, %mul3A : i32
    %add3A = arith.addi %mul3A_0, %arg0 : i32
    %mul3A_1 = arith.constant 32 : i32
    %mul3A_2 = arith.muli %add3A, %mul3A_1 : i32
    "tpu.region"() ({
      %run_scoped3A = tpu.sem_alloc : memref<!tpu.dma_semaphore, #tpu.memory_space<semaphore_mem>>
      %dma_start3A_7 = tpu.memref_slice %arg3[%mul3A_2] : memref<1024xi32, #tpu.memory_space<hbm>> -> memref<32xi32, #tpu.memory_space<hbm>>
      %dma_start3A_8 = tpu.memref_slice %arg3[%mul3A_2] : memref<1024xi32, #tpu.memory_space<hbm>> -> memref<32xi32, #tpu.memory_space<hbm>>
      tpu.enqueue_dma source(%dma_start3A_8 : memref<32xi32, #tpu.memory_space<hbm>>) target(%arg5 : memref<32xi32, #tpu.memory_space<vmem>>) target_semaphore(%run_scoped3A : memref<!tpu.dma_semaphore, #tpu.memory_space<semaphore_mem>>)
      %dma_wait3A_9 = tpu.memref_slice %arg3[%mul3A_2] : memref<1024xi32, #tpu.memory_space<hbm>> -> memref<32xi32, #tpu.memory_space<hbm>>
      %dma_wait3A_10 = tpu.memref_slice %arg3[%mul3A_2] : memref<1024xi32, #tpu.memory_space<hbm>> -> memref<32xi32, #tpu.memory_space<hbm>>
      tpu.wait_dma2 semaphore(%run_scoped3A : memref<!tpu.dma_semaphore, #tpu.memory_space<semaphore_mem>>) src(%dma_wait3A_10 : memref<32xi32, #tpu.memory_space<hbm>>) dst(%arg5 : memref<32xi32, #tpu.memory_space<vmem>>)
      tpu.yield
    }) : () -> ()
    %dma_start3A = arith.constant 0 : i32
    %dma_start3A_3 = arith.constant 0 : i32
    %dma_start3A_4 = tpu.memref_slice %arg2[%dma_start3A, %dma_start3A_3] : memref<10240x16xf32, #tpu.memory_space<hbm>> -> memref<10240x16xf32, #tpu.memory_space<hbm>>
    tpu.enqueue_indirect_dma source(%dma_start3A_4 : memref<10240x16xf32, #tpu.memory_space<hbm>>) target(%arg6 : memref<32x16xf32, #tpu.memory_space<vmem>>) offsets(%arg5 : memref<32xi32, #tpu.memory_space<vmem>>) semaphore(%arg7 : memref<!tpu.dma_semaphore, #tpu.memory_space<semaphore_mem>>)
    %dma_wait3A = arith.constant 0 : i32
    %dma_wait3A_5 = arith.constant 0 : i32
    %dma_wait3A_6 = tpu.memref_slice %arg2[%dma_wait3A, %dma_wait3A_5] : memref<10240x16xf32, #tpu.memory_space<hbm>> -> memref<10240x16xf32, #tpu.memory_space<hbm>>
    tpu.wait_indirect_dma semaphore(%arg7 : memref<!tpu.dma_semaphore, #tpu.memory_space<semaphore_mem>>) src(%dma_wait3A_6 : memref<10240x16xf32, #tpu.memory_space<hbm>>) dst(%arg6 : memref<32x16xf32, #tpu.memory_space<vmem>>)
    "tpu.region"() ({
      %run_scoped3A = tpu.sem_alloc : memref<!tpu.dma_semaphore, #tpu.memory_space<semaphore_mem>>
      %dma_start3A_7 = arith.constant 0 : i32
      %dma_start3A_8 = tpu.memref_slice %arg4[%mul3A_2, %dma_start3A_7] : memref<1024x16xf32, #tpu.memory_space<hbm>> -> memref<32x16xf32, #tpu.memory_space<hbm>>
      %dma_start3A_9 = arith.constant 0 : i32
      %dma_start3A_10 = tpu.memref_slice %arg4[%mul3A_2, %dma_start3A_9] : memref<1024x16xf32, #tpu.memory_space<hbm>> -> memref<32x16xf32, #tpu.memory_space<hbm>>
      tpu.enqueue_dma source(%arg6 : memref<32x16xf32, #tpu.memory_space<vmem>>) target(%dma_start3A_10 : memref<32x16xf32, #tpu.memory_space<hbm>>) target_semaphore(%run_scoped3A : memref<!tpu.dma_semaphore, #tpu.memory_space<semaphore_mem>>)
      %dma_wait3A_11 = arith.constant 0 : i32
      %dma_wait3A_12 = tpu.memref_slice %arg4[%mul3A_2, %dma_wait3A_11] : memref<1024x16xf32, #tpu.memory_space<hbm>> -> memref<32x16xf32, #tpu.memory_space<hbm>>
      %dma_wait3A_13 = arith.constant 0 : i32
      %dma_wait3A_14 = tpu.memref_slice %arg4[%mul3A_2, %dma_wait3A_13] : memref<1024x16xf32, #tpu.memory_space<hbm>> -> memref<32x16xf32, #tpu.memory_space<hbm>>
      tpu.wait_dma2 semaphore(%run_scoped3A : memref<!tpu.dma_semaphore, #tpu.memory_space<semaphore_mem>>) src(%arg6 : memref<32x16xf32, #tpu.memory_space<vmem>>) dst(%dma_wait3A_14 : memref<32x16xf32, #tpu.memory_space<hbm>>)
      tpu.yield
    }) : () -> ()
    return
  }
}

#map = affine_map<(d0, d1) -> (0, 0)>
#map1 = affine_map<(d0, d1) -> (0, 0, 0)>
module attributes {stable_mosaic.version = 14 : i64} {
  func.func @spmm(%arg0: i32, %arg1: i32, %arg2: memref<10240x64xf32, #tpu.memory_space<hbm>>, %arg3: memref<10240x64xf32, #tpu.memory_space<hbm>>, %arg4: memref<2560x4x128xi32, #tpu.memory_space<hbm>>, %arg5: memref<10240x64xf32, #tpu.memory_space<hbm>>, %arg6: memref<10240x64xf32, #tpu.memory_space<hbm>>, %arg7: memref<16x128xi32, #tpu.memory_space<vmem>>, %arg8: memref<384x64xf32, #tpu.memory_space<vmem>>, %arg9: memref<10240x64xf32, #tpu.memory_space<vmem_shared>>, %arg10: memref<!tpu.dma_semaphore, #tpu.memory_space<semaphore_mem>>, %arg11: memref<!tpu.dma_semaphore, #tpu.memory_space<semaphore_mem>>, %arg12: memref<!tpu.dma_semaphore, #tpu.memory_space<semaphore_mem>>) attributes {dimension_semantics = [#tpu.dimension_semantics<core_parallel>, #tpu.dimension_semantics<subcore_parallel>], iteration_bounds = array<i64: 2, 16>, scalar_prefetch = 0 : i64, scratch_operands = 6 : i64, tpu.core_type = #tpu.core_type<sc_vector_subcore>, window_params = [{transform_indices = #map}, {transform_indices = #map}, {transform_indices = #map1}, {transform_indices = #map}, {transform_indices = #map}]} {
    %broadcast_in_dim3A = arith.constant 0.000000e+00 : f32
    %broadcast_in_dim3A_0 = vector.broadcast %broadcast_in_dim3A : f32 to vector<16xf32>
    %scan3A = arith.constant 0 : i32
    %scan3A_1 = arith.constant 0 : i32
    %scan3A_2 = arith.constant 128 : i32
    %scan3A_3 = arith.addi %scan3A_1, %scan3A_2 : i32
    %scan3A_4 = arith.constant 1 : i32
    %scan3A_5 = scf.for %scan3A_115 = %scan3A_1 to %scan3A_3 step %scan3A_4 iter_args(%scan3A_116 = %scan3A) -> (i32)  : i32 {
      %swap3A = arith.index_cast %scan3A_115 : i32 to index
      %swap3A_117 = arith.constant 0 : index
      %swap3A_118 = tpu.vector_load %arg8[%swap3A, %swap3A_117] {strides = array<i32>} : memref<384x64xf32, #tpu.memory_space<vmem>>, vector<16xf32>,
      tpu.vector_store %arg8[%swap3A, %swap3A_117], %broadcast_in_dim3A_0 {strides = array<i32>} : memref<384x64xf32, #tpu.memory_space<vmem>>, vector<16xf32>,
      %swap3A_119 = arith.index_cast %scan3A_115 : i32 to index
      %swap3A_120 = arith.constant 16 : index
      %swap3A_121 = tpu.vector_load %arg8[%swap3A_119, %swap3A_120] {strides = array<i32>} : memref<384x64xf32, #tpu.memory_space<vmem>>, vector<16xf32>,
      tpu.vector_store %arg8[%swap3A_119, %swap3A_120], %broadcast_in_dim3A_0 {strides = array<i32>} : memref<384x64xf32, #tpu.memory_space<vmem>>, vector<16xf32>,
      %swap3A_122 = arith.index_cast %scan3A_115 : i32 to index
      %swap3A_123 = arith.constant 32 : index
      %swap3A_124 = tpu.vector_load %arg8[%swap3A_122, %swap3A_123] {strides = array<i32>} : memref<384x64xf32, #tpu.memory_space<vmem>>, vector<16xf32>,
      tpu.vector_store %arg8[%swap3A_122, %swap3A_123], %broadcast_in_dim3A_0 {strides = array<i32>} : memref<384x64xf32, #tpu.memory_space<vmem>>, vector<16xf32>,
      %swap3A_125 = arith.index_cast %scan3A_115 : i32 to index
      %swap3A_126 = arith.constant 48 : index
      %swap3A_127 = tpu.vector_load %arg8[%swap3A_125, %swap3A_126] {strides = array<i32>} : memref<384x64xf32, #tpu.memory_space<vmem>>, vector<16xf32>,
      tpu.vector_store %arg8[%swap3A_125, %swap3A_126], %broadcast_in_dim3A_0 {strides = array<i32>} : memref<384x64xf32, #tpu.memory_space<vmem>>, vector<16xf32>,
      %scan3A_128 = arith.constant 0 : i32
      scf.yield %scan3A_128 : i32
    }
    %scan3A_6 = arith.constant 128 : i32
    %mul3A = arith.constant 640 : i32
    %mul3A_7 = arith.muli %arg1, %mul3A : i32
    %add3A = arith.constant 0 : i32
    %add3A_8 = arith.addi %mul3A_7, %add3A : i32
    "tpu.region"() ({
      %run_scoped3A = tpu.sem_alloc : memref<!tpu.dma_semaphore, #tpu.memory_space<semaphore_mem>>
      %dma_start3A_115 = arith.constant 0 : i32
      %dma_start3A_116 = arith.constant 0 : i32
      %dma_start3A_117 = tpu.memref_slice %arg8[%dma_start3A_115, %dma_start3A_116] : memref<384x64xf32, #tpu.memory_space<vmem>> -> memref<128x64xf32, #tpu.memory_space<vmem>>
      %dma_start3A_118 = arith.constant 0 : i32
      %dma_start3A_119 = tpu.memref_slice %arg9[%add3A_8, %dma_start3A_118] : memref<10240x64xf32, #tpu.memory_space<vmem_shared>> -> memref<128x64xf32, #tpu.memory_space<vmem_shared>>
      %dma_start3A_120 = arith.constant 0 : i32
      %dma_start3A_121 = tpu.memref_slice %arg9[%add3A_8, %dma_start3A_120] : memref<10240x64xf32, #tpu.memory_space<vmem_shared>> -> memref<128x64xf32, #tpu.memory_space<vmem_shared>>
      %dma_start3A_122 = arith.constant 0 : i32
      %dma_start3A_123 = arith.constant 0 : i32
      %dma_start3A_124 = tpu.memref_slice %arg8[%dma_start3A_122, %dma_start3A_123] : memref<384x64xf32, #tpu.memory_space<vmem>> -> memref<128x64xf32, #tpu.memory_space<vmem>>
      tpu.enqueue_dma source(%dma_start3A_124 : memref<128x64xf32, #tpu.memory_space<vmem>>) target(%dma_start3A_121 : memref<128x64xf32, #tpu.memory_space<vmem_shared>>) target_semaphore(%run_scoped3A : memref<!tpu.dma_semaphore, #tpu.memory_space<semaphore_mem>>)
      %dma_wait3A_125 = arith.constant 0 : i32
      %dma_wait3A_126 = arith.constant 0 : i32
      %dma_wait3A_127 = tpu.memref_slice %arg8[%dma_wait3A_125, %dma_wait3A_126] : memref<384x64xf32, #tpu.memory_space<vmem>> -> memref<128x64xf32, #tpu.memory_space<vmem>>
      %dma_wait3A_128 = arith.constant 0 : i32
      %dma_wait3A_129 = tpu.memref_slice %arg9[%add3A_8, %dma_wait3A_128] : memref<10240x64xf32, #tpu.memory_space<vmem_shared>> -> memref<128x64xf32, #tpu.memory_space<vmem_shared>>
      %dma_wait3A_130 = arith.constant 0 : i32
      %dma_wait3A_131 = tpu.memref_slice %arg9[%add3A_8, %dma_wait3A_130] : memref<10240x64xf32, #tpu.memory_space<vmem_shared>> -> memref<128x64xf32, #tpu.memory_space<vmem_shared>>
      %dma_wait3A_132 = arith.constant 0 : i32
      %dma_wait3A_133 = arith.constant 0 : i32
      %dma_wait3A_134 = tpu.memref_slice %arg8[%dma_wait3A_132, %dma_wait3A_133] : memref<384x64xf32, #tpu.memory_space<vmem>> -> memref<128x64xf32, #tpu.memory_space<vmem>>
      tpu.wait_dma2 semaphore(%run_scoped3A : memref<!tpu.dma_semaphore, #tpu.memory_space<semaphore_mem>>) src(%dma_wait3A_134 : memref<128x64xf32, #tpu.memory_space<vmem>>) dst(%dma_wait3A_131 : memref<128x64xf32, #tpu.memory_space<vmem_shared>>)
      tpu.yield
    }) : () -> ()
    %mul3A_9 = arith.constant 640 : i32
    %mul3A_10 = arith.muli %arg1, %mul3A_9 : i32
    %add3A_11 = arith.constant 128 : i32
    %add3A_12 = arith.addi %mul3A_10, %add3A_11 : i32
    "tpu.region"() ({
      %run_scoped3A = tpu.sem_alloc : memref<!tpu.dma_semaphore, #tpu.memory_space<semaphore_mem>>
      %dma_start3A_115 = arith.constant 0 : i32
      %dma_start3A_116 = arith.constant 0 : i32
      %dma_start3A_117 = tpu.memref_slice %arg8[%dma_start3A_115, %dma_start3A_116] : memref<384x64xf32, #tpu.memory_space<vmem>> -> memref<128x64xf32, #tpu.memory_space<vmem>>
      %dma_start3A_118 = arith.constant 0 : i32
      %dma_start3A_119 = tpu.memref_slice %arg9[%add3A_12, %dma_start3A_118] : memref<10240x64xf32, #tpu.memory_space<vmem_shared>> -> memref<128x64xf32, #tpu.memory_space<vmem_shared>>
      %dma_start3A_120 = arith.constant 0 : i32
      %dma_start3A_121 = tpu.memref_slice %arg9[%add3A_12, %dma_start3A_120] : memref<10240x64xf32, #tpu.memory_space<vmem_shared>> -> memref<128x64xf32, #tpu.memory_space<vmem_shared>>
      %dma_start3A_122 = arith.constant 0 : i32
      %dma_start3A_123 = arith.constant 0 : i32
      %dma_start3A_124 = tpu.memref_slice %arg8[%dma_start3A_122, %dma_start3A_123] : memref<384x64xf32, #tpu.memory_space<vmem>> -> memref<128x64xf32, #tpu.memory_space<vmem>>
      tpu.enqueue_dma source(%dma_start3A_124 : memref<128x64xf32, #tpu.memory_space<vmem>>) target(%dma_start3A_121 : memref<128x64xf32, #tpu.memory_space<vmem_shared>>) target_semaphore(%run_scoped3A : memref<!tpu.dma_semaphore, #tpu.memory_space<semaphore_mem>>)
      %dma_wait3A_125 = arith.constant 0 : i32
      %dma_wait3A_126 = arith.constant 0 : i32
      %dma_wait3A_127 = tpu.memref_slice %arg8[%dma_wait3A_125, %dma_wait3A_126] : memref<384x64xf32, #tpu.memory_space<vmem>> -> memref<128x64xf32, #tpu.memory_space<vmem>>
      %dma_wait3A_128 = arith.constant 0 : i32
      %dma_wait3A_129 = tpu.memref_slice %arg9[%add3A_12, %dma_wait3A_128] : memref<10240x64xf32, #tpu.memory_space<vmem_shared>> -> memref<128x64xf32, #tpu.memory_space<vmem_shared>>
      %dma_wait3A_130 = arith.constant 0 : i32
      %dma_wait3A_131 = tpu.memref_slice %arg9[%add3A_12, %dma_wait3A_130] : memref<10240x64xf32, #tpu.memory_space<vmem_shared>> -> memref<128x64xf32, #tpu.memory_space<vmem_shared>>
      %dma_wait3A_132 = arith.constant 0 : i32
      %dma_wait3A_133 = arith.constant 0 : i32
      %dma_wait3A_134 = tpu.memref_slice %arg8[%dma_wait3A_132, %dma_wait3A_133] : memref<384x64xf32, #tpu.memory_space<vmem>> -> memref<128x64xf32, #tpu.memory_space<vmem>>
      tpu.wait_dma2 semaphore(%run_scoped3A : memref<!tpu.dma_semaphore, #tpu.memory_space<semaphore_mem>>) src(%dma_wait3A_134 : memref<128x64xf32, #tpu.memory_space<vmem>>) dst(%dma_wait3A_131 : memref<128x64xf32, #tpu.memory_space<vmem_shared>>)
      tpu.yield
    }) : () -> ()
    %mul3A_13 = arith.constant 640 : i32
    %mul3A_14 = arith.muli %arg1, %mul3A_13 : i32
    %add3A_15 = arith.constant 256 : i32
    %add3A_16 = arith.addi %mul3A_14, %add3A_15 : i32
    "tpu.region"() ({
      %run_scoped3A = tpu.sem_alloc : memref<!tpu.dma_semaphore, #tpu.memory_space<semaphore_mem>>
      %dma_start3A_115 = arith.constant 0 : i32
      %dma_start3A_116 = arith.constant 0 : i32
      %dma_start3A_117 = tpu.memref_slice %arg8[%dma_start3A_115, %dma_start3A_116] : memref<384x64xf32, #tpu.memory_space<vmem>> -> memref<128x64xf32, #tpu.memory_space<vmem>>
      %dma_start3A_118 = arith.constant 0 : i32
      %dma_start3A_119 = tpu.memref_slice %arg9[%add3A_16, %dma_start3A_118] : memref<10240x64xf32, #tpu.memory_space<vmem_shared>> -> memref<128x64xf32, #tpu.memory_space<vmem_shared>>
      %dma_start3A_120 = arith.constant 0 : i32
      %dma_start3A_121 = tpu.memref_slice %arg9[%add3A_16, %dma_start3A_120] : memref<10240x64xf32, #tpu.memory_space<vmem_shared>> -> memref<128x64xf32, #tpu.memory_space<vmem_shared>>
      %dma_start3A_122 = arith.constant 0 : i32
      %dma_start3A_123 = arith.constant 0 : i32
      %dma_start3A_124 = tpu.memref_slice %arg8[%dma_start3A_122, %dma_start3A_123] : memref<384x64xf32, #tpu.memory_space<vmem>> -> memref<128x64xf32, #tpu.memory_space<vmem>>
      tpu.enqueue_dma source(%dma_start3A_124 : memref<128x64xf32, #tpu.memory_space<vmem>>) target(%dma_start3A_121 : memref<128x64xf32, #tpu.memory_space<vmem_shared>>) target_semaphore(%run_scoped3A : memref<!tpu.dma_semaphore, #tpu.memory_space<semaphore_mem>>)
      %dma_wait3A_125 = arith.constant 0 : i32
      %dma_wait3A_126 = arith.constant 0 : i32
      %dma_wait3A_127 = tpu.memref_slice %arg8[%dma_wait3A_125, %dma_wait3A_126] : memref<384x64xf32, #tpu.memory_space<vmem>> -> memref<128x64xf32, #tpu.memory_space<vmem>>
      %dma_wait3A_128 = arith.constant 0 : i32
      %dma_wait3A_129 = tpu.memref_slice %arg9[%add3A_16, %dma_wait3A_128] : memref<10240x64xf32, #tpu.memory_space<vmem_shared>> -> memref<128x64xf32, #tpu.memory_space<vmem_shared>>
      %dma_wait3A_130 = arith.constant 0 : i32
      %dma_wait3A_131 = tpu.memref_slice %arg9[%add3A_16, %dma_wait3A_130] : memref<10240x64xf32, #tpu.memory_space<vmem_shared>> -> memref<128x64xf32, #tpu.memory_space<vmem_shared>>
      %dma_wait3A_132 = arith.constant 0 : i32
      %dma_wait3A_133 = arith.constant 0 : i32
      %dma_wait3A_134 = tpu.memref_slice %arg8[%dma_wait3A_132, %dma_wait3A_133] : memref<384x64xf32, #tpu.memory_space<vmem>> -> memref<128x64xf32, #tpu.memory_space<vmem>>
      tpu.wait_dma2 semaphore(%run_scoped3A : memref<!tpu.dma_semaphore, #tpu.memory_space<semaphore_mem>>) src(%dma_wait3A_134 : memref<128x64xf32, #tpu.memory_space<vmem>>) dst(%dma_wait3A_131 : memref<128x64xf32, #tpu.memory_space<vmem_shared>>)
      tpu.yield
    }) : () -> ()
    %mul3A_17 = arith.constant 640 : i32
    %mul3A_18 = arith.muli %arg1, %mul3A_17 : i32
    %add3A_19 = arith.constant 384 : i32
    %add3A_20 = arith.addi %mul3A_18, %add3A_19 : i32
    "tpu.region"() ({
      %run_scoped3A = tpu.sem_alloc : memref<!tpu.dma_semaphore, #tpu.memory_space<semaphore_mem>>
      %dma_start3A_115 = arith.constant 0 : i32
      %dma_start3A_116 = arith.constant 0 : i32
      %dma_start3A_117 = tpu.memref_slice %arg8[%dma_start3A_115, %dma_start3A_116] : memref<384x64xf32, #tpu.memory_space<vmem>> -> memref<128x64xf32, #tpu.memory_space<vmem>>
      %dma_start3A_118 = arith.constant 0 : i32
      %dma_start3A_119 = tpu.memref_slice %arg9[%add3A_20, %dma_start3A_118] : memref<10240x64xf32, #tpu.memory_space<vmem_shared>> -> memref<128x64xf32, #tpu.memory_space<vmem_shared>>
      %dma_start3A_120 = arith.constant 0 : i32
      %dma_start3A_121 = tpu.memref_slice %arg9[%add3A_20, %dma_start3A_120] : memref<10240x64xf32, #tpu.memory_space<vmem_shared>> -> memref<128x64xf32, #tpu.memory_space<vmem_shared>>
      %dma_start3A_122 = arith.constant 0 : i32
      %dma_start3A_123 = arith.constant 0 : i32
      %dma_start3A_124 = tpu.memref_slice %arg8[%dma_start3A_122, %dma_start3A_123] : memref<384x64xf32, #tpu.memory_space<vmem>> -> memref<128x64xf32, #tpu.memory_space<vmem>>
      tpu.enqueue_dma source(%dma_start3A_124 : memref<128x64xf32, #tpu.memory_space<vmem>>) target(%dma_start3A_121 : memref<128x64xf32, #tpu.memory_space<vmem_shared>>) target_semaphore(%run_scoped3A : memref<!tpu.dma_semaphore, #tpu.memory_space<semaphore_mem>>)
      %dma_wait3A_125 = arith.constant 0 : i32
      %dma_wait3A_126 = arith.constant 0 : i32
      %dma_wait3A_127 = tpu.memref_slice %arg8[%dma_wait3A_125, %dma_wait3A_126] : memref<384x64xf32, #tpu.memory_space<vmem>> -> memref<128x64xf32, #tpu.memory_space<vmem>>
      %dma_wait3A_128 = arith.constant 0 : i32
      %dma_wait3A_129 = tpu.memref_slice %arg9[%add3A_20, %dma_wait3A_128] : memref<10240x64xf32, #tpu.memory_space<vmem_shared>> -> memref<128x64xf32, #tpu.memory_space<vmem_shared>>
      %dma_wait3A_130 = arith.constant 0 : i32
      %dma_wait3A_131 = tpu.memref_slice %arg9[%add3A_20, %dma_wait3A_130] : memref<10240x64xf32, #tpu.memory_space<vmem_shared>> -> memref<128x64xf32, #tpu.memory_space<vmem_shared>>
      %dma_wait3A_132 = arith.constant 0 : i32
      %dma_wait3A_133 = arith.constant 0 : i32
      %dma_wait3A_134 = tpu.memref_slice %arg8[%dma_wait3A_132, %dma_wait3A_133] : memref<384x64xf32, #tpu.memory_space<vmem>> -> memref<128x64xf32, #tpu.memory_space<vmem>>
      tpu.wait_dma2 semaphore(%run_scoped3A : memref<!tpu.dma_semaphore, #tpu.memory_space<semaphore_mem>>) src(%dma_wait3A_134 : memref<128x64xf32, #tpu.memory_space<vmem>>) dst(%dma_wait3A_131 : memref<128x64xf32, #tpu.memory_space<vmem_shared>>)
      tpu.yield
    }) : () -> ()
    %mul3A_21 = arith.constant 640 : i32
    %mul3A_22 = arith.muli %arg1, %mul3A_21 : i32
    %add3A_23 = arith.constant 512 : i32
    %add3A_24 = arith.addi %mul3A_22, %add3A_23 : i32
    "tpu.region"() ({
      %run_scoped3A = tpu.sem_alloc : memref<!tpu.dma_semaphore, #tpu.memory_space<semaphore_mem>>
      %dma_start3A_115 = arith.constant 0 : i32
      %dma_start3A_116 = arith.constant 0 : i32
      %dma_start3A_117 = tpu.memref_slice %arg8[%dma_start3A_115, %dma_start3A_116] : memref<384x64xf32, #tpu.memory_space<vmem>> -> memref<128x64xf32, #tpu.memory_space<vmem>>
      %dma_start3A_118 = arith.constant 0 : i32
      %dma_start3A_119 = tpu.memref_slice %arg9[%add3A_24, %dma_start3A_118] : memref<10240x64xf32, #tpu.memory_space<vmem_shared>> -> memref<128x64xf32, #tpu.memory_space<vmem_shared>>
      %dma_start3A_120 = arith.constant 0 : i32
      %dma_start3A_121 = tpu.memref_slice %arg9[%add3A_24, %dma_start3A_120] : memref<10240x64xf32, #tpu.memory_space<vmem_shared>> -> memref<128x64xf32, #tpu.memory_space<vmem_shared>>
      %dma_start3A_122 = arith.constant 0 : i32
      %dma_start3A_123 = arith.constant 0 : i32
      %dma_start3A_124 = tpu.memref_slice %arg8[%dma_start3A_122, %dma_start3A_123] : memref<384x64xf32, #tpu.memory_space<vmem>> -> memref<128x64xf32, #tpu.memory_space<vmem>>
      tpu.enqueue_dma source(%dma_start3A_124 : memref<128x64xf32, #tpu.memory_space<vmem>>) target(%dma_start3A_121 : memref<128x64xf32, #tpu.memory_space<vmem_shared>>) target_semaphore(%run_scoped3A : memref<!tpu.dma_semaphore, #tpu.memory_space<semaphore_mem>>)
      %dma_wait3A_125 = arith.constant 0 : i32
      %dma_wait3A_126 = arith.constant 0 : i32
      %dma_wait3A_127 = tpu.memref_slice %arg8[%dma_wait3A_125, %dma_wait3A_126] : memref<384x64xf32, #tpu.memory_space<vmem>> -> memref<128x64xf32, #tpu.memory_space<vmem>>
      %dma_wait3A_128 = arith.constant 0 : i32
      %dma_wait3A_129 = tpu.memref_slice %arg9[%add3A_24, %dma_wait3A_128] : memref<10240x64xf32, #tpu.memory_space<vmem_shared>> -> memref<128x64xf32, #tpu.memory_space<vmem_shared>>
      %dma_wait3A_130 = arith.constant 0 : i32
      %dma_wait3A_131 = tpu.memref_slice %arg9[%add3A_24, %dma_wait3A_130] : memref<10240x64xf32, #tpu.memory_space<vmem_shared>> -> memref<128x64xf32, #tpu.memory_space<vmem_shared>>
      %dma_wait3A_132 = arith.constant 0 : i32
      %dma_wait3A_133 = arith.constant 0 : i32
      %dma_wait3A_134 = tpu.memref_slice %arg8[%dma_wait3A_132, %dma_wait3A_133] : memref<384x64xf32, #tpu.memory_space<vmem>> -> memref<128x64xf32, #tpu.memory_space<vmem>>
      tpu.wait_dma2 semaphore(%run_scoped3A : memref<!tpu.dma_semaphore, #tpu.memory_space<semaphore_mem>>) src(%dma_wait3A_134 : memref<128x64xf32, #tpu.memory_space<vmem>>) dst(%dma_wait3A_131 : memref<128x64xf32, #tpu.memory_space<vmem_shared>>)
      tpu.yield
    }) : () -> ()
    %barrier3A = arith.constant 0 : index
    tpu.barrier barrier_id(%barrier3A)
    %mul3A_25 = arith.constant 160 : i32
    %mul3A_26 = arith.muli %arg1, %mul3A_25 : i32
    "tpu.region"() ({
      %run_scoped3A = tpu.sem_alloc : memref<!tpu.dma_semaphore, #tpu.memory_space<semaphore_mem>>
      %dma_start3A_115 = arith.constant 0 : i32
      %dma_start3A_116 = arith.constant 0 : i32
      %dma_start3A_117 = tpu.memref_slice %arg7[%dma_start3A_115, %dma_start3A_116] : memref<16x128xi32, #tpu.memory_space<vmem>> -> memref<4x128xi32, #tpu.memory_space<vmem>>
      %dma_start3A_118 = arith.constant 0 : i32
      %dma_start3A_119 = arith.constant 0 : i32
      %dma_start3A_120 = tpu.memref_slice %arg4[%mul3A_26, %dma_start3A_118, %dma_start3A_119] : memref<2560x4x128xi32, #tpu.memory_space<hbm>> -> memref<1x4x128xi32, #tpu.memory_space<hbm>>
      %dma_start3A_121 = tpu.memref_squeeze %dma_start3A_120 : memref<1x4x128xi32, #tpu.memory_space<hbm>> -> memref<4x128xi32, #tpu.memory_space<hbm>>
      %dma_start3A_122 = arith.constant 0 : i32
      %dma_start3A_123 = arith.constant 0 : i32
      %dma_start3A_124 = tpu.memref_slice %arg7[%dma_start3A_122, %dma_start3A_123] : memref<16x128xi32, #tpu.memory_space<vmem>> -> memref<4x128xi32, #tpu.memory_space<vmem>>
      %dma_start3A_125 = arith.constant 0 : i32
      %dma_start3A_126 = arith.constant 0 : i32
      %dma_start3A_127 = tpu.memref_slice %arg4[%mul3A_26, %dma_start3A_125, %dma_start3A_126] : memref<2560x4x128xi32, #tpu.memory_space<hbm>> -> memref<1x4x128xi32, #tpu.memory_space<hbm>>
      %dma_start3A_128 = tpu.memref_squeeze %dma_start3A_127 : memref<1x4x128xi32, #tpu.memory_space<hbm>> -> memref<4x128xi32, #tpu.memory_space<hbm>>
      tpu.enqueue_dma source(%dma_start3A_128 : memref<4x128xi32, #tpu.memory_space<hbm>>) target(%dma_start3A_124 : memref<4x128xi32, #tpu.memory_space<vmem>>) target_semaphore(%run_scoped3A : memref<!tpu.dma_semaphore, #tpu.memory_space<semaphore_mem>>)
      %dma_wait3A_129 = arith.constant 0 : i32
      %dma_wait3A_130 = arith.constant 0 : i32
      %dma_wait3A_131 = tpu.memref_slice %arg7[%dma_wait3A_129, %dma_wait3A_130] : memref<16x128xi32, #tpu.memory_space<vmem>> -> memref<4x128xi32, #tpu.memory_space<vmem>>
      %dma_wait3A_132 = arith.constant 0 : i32
      %dma_wait3A_133 = arith.constant 0 : i32
      %dma_wait3A_134 = tpu.memref_slice %arg4[%mul3A_26, %dma_wait3A_132, %dma_wait3A_133] : memref<2560x4x128xi32, #tpu.memory_space<hbm>> -> memref<1x4x128xi32, #tpu.memory_space<hbm>>
      %dma_wait3A_135 = tpu.memref_squeeze %dma_wait3A_134 : memref<1x4x128xi32, #tpu.memory_space<hbm>> -> memref<4x128xi32, #tpu.memory_space<hbm>>
      %dma_wait3A_136 = arith.constant 0 : i32
      %dma_wait3A_137 = arith.constant 0 : i32
      %dma_wait3A_138 = tpu.memref_slice %arg7[%dma_wait3A_136, %dma_wait3A_137] : memref<16x128xi32, #tpu.memory_space<vmem>> -> memref<4x128xi32, #tpu.memory_space<vmem>>
      %dma_wait3A_139 = arith.constant 0 : i32
      %dma_wait3A_140 = arith.constant 0 : i32
      %dma_wait3A_141 = tpu.memref_slice %arg4[%mul3A_26, %dma_wait3A_139, %dma_wait3A_140] : memref<2560x4x128xi32, #tpu.memory_space<hbm>> -> memref<1x4x128xi32, #tpu.memory_space<hbm>>
      %dma_wait3A_142 = tpu.memref_squeeze %dma_wait3A_141 : memref<1x4x128xi32, #tpu.memory_space<hbm>> -> memref<4x128xi32, #tpu.memory_space<hbm>>
      tpu.wait_dma2 semaphore(%run_scoped3A : memref<!tpu.dma_semaphore, #tpu.memory_space<semaphore_mem>>) src(%dma_wait3A_142 : memref<4x128xi32, #tpu.memory_space<hbm>>) dst(%dma_wait3A_138 : memref<4x128xi32, #tpu.memory_space<vmem>>)
      tpu.yield
    }) : () -> ()
    %mul3A_27 = arith.constant 0 : i32
    %mul3A_28 = arith.constant 128 : i32
    %mul3A_29 = arith.muli %mul3A_27, %mul3A_28 : i32
    %add3A_30 = arith.constant 0 : i32
    %add3A_31 = arith.addi %mul3A_29, %add3A_30 : i32
    %eq3A = arith.constant 0 : i32
    %eq3A_32 = arith.cmpi eq, %arg0, %eq3A : i32
    %convert_element_type3A = arith.extui %eq3A_32 : i1 to i32
    %cond3A = arith.constant 0 : i32
    %cond3A_33 = arith.constant 0 : i32
    %cond3A_34 = arith.cmpi ne, %convert_element_type3A, %cond3A_33 : i32
    scf.if %cond3A_34 {
      %mul3A_115 = arith.constant 4 : i32
      %mul3A_116 = arith.muli %cond3A, %mul3A_115 : i32
      %add3A_117 = arith.constant 0 : i32
      %add3A_118 = arith.addi %mul3A_116, %add3A_117 : i32
      %dma_start3A_119 = arith.constant 0 : i32
      %dma_start3A_120 = tpu.memref_slice %arg8[%add3A_31, %dma_start3A_119] : memref<384x64xf32, #tpu.memory_space<vmem>> -> memref<128x64xf32, #tpu.memory_space<vmem>>
      %dma_start3A_121 = arith.constant 0 : i32
      %dma_start3A_122 = tpu.memref_slice %arg7[%add3A_118, %dma_start3A_121] : memref<16x128xi32, #tpu.memory_space<vmem>> -> memref<1x128xi32, #tpu.memory_space<vmem>>
      %dma_start3A_123 = tpu.memref_squeeze %dma_start3A_122 : memref<1x128xi32, #tpu.memory_space<vmem>> -> memref<128xi32, #tpu.memory_space<vmem>>
      %dma_start3A_124 = arith.constant 0 : i32
      %dma_start3A_125 = arith.constant 0 : i32
      %dma_start3A_126 = tpu.memref_slice %arg2[%dma_start3A_124, %dma_start3A_125] : memref<10240x64xf32, #tpu.memory_space<hbm>> -> memref<10240x64xf32, #tpu.memory_space<hbm>>
      tpu.enqueue_indirect_dma source(%dma_start3A_126 : memref<10240x64xf32, #tpu.memory_space<hbm>>) target(%dma_start3A_120 : memref<128x64xf32, #tpu.memory_space<vmem>>) offsets(%dma_start3A_123 : memref<128xi32, #tpu.memory_space<vmem>>) semaphore(%arg10 : memref<!tpu.dma_semaphore, #tpu.memory_space<semaphore_mem>>)
    } else {
    }
    %eq3A_35 = arith.constant 1 : i32
    %eq3A_36 = arith.cmpi eq, %arg0, %eq3A_35 : i32
    %convert_element_type3A_37 = arith.extui %eq3A_36 : i1 to i32
    %cond3A_38 = arith.constant 0 : i32
    %cond3A_39 = arith.constant 0 : i32
    %cond3A_40 = arith.cmpi ne, %convert_element_type3A_37, %cond3A_39 : i32
    scf.if %cond3A_40 {
      %mul3A_115 = arith.constant 4 : i32
      %mul3A_116 = arith.muli %cond3A_38, %mul3A_115 : i32
      %add3A_117 = arith.constant 0 : i32
      %add3A_118 = arith.addi %mul3A_116, %add3A_117 : i32
      %dma_start3A_119 = arith.constant 0 : i32
      %dma_start3A_120 = tpu.memref_slice %arg8[%add3A_31, %dma_start3A_119] : memref<384x64xf32, #tpu.memory_space<vmem>> -> memref<128x64xf32, #tpu.memory_space<vmem>>
      %dma_start3A_121 = arith.constant 0 : i32
      %dma_start3A_122 = tpu.memref_slice %arg7[%add3A_118, %dma_start3A_121] : memref<16x128xi32, #tpu.memory_space<vmem>> -> memref<1x128xi32, #tpu.memory_space<vmem>>
      %dma_start3A_123 = tpu.memref_squeeze %dma_start3A_122 : memref<1x128xi32, #tpu.memory_space<vmem>> -> memref<128xi32, #tpu.memory_space<vmem>>
      %dma_start3A_124 = arith.constant 0 : i32
      %dma_start3A_125 = arith.constant 0 : i32
      %dma_start3A_126 = tpu.memref_slice %arg3[%dma_start3A_124, %dma_start3A_125] : memref<10240x64xf32, #tpu.memory_space<hbm>> -> memref<10240x64xf32, #tpu.memory_space<hbm>>
      tpu.enqueue_indirect_dma source(%dma_start3A_126 : memref<10240x64xf32, #tpu.memory_space<hbm>>) target(%dma_start3A_120 : memref<128x64xf32, #tpu.memory_space<vmem>>) offsets(%dma_start3A_123 : memref<128xi32, #tpu.memory_space<vmem>>) semaphore(%arg10 : memref<!tpu.dma_semaphore, #tpu.memory_space<semaphore_mem>>)
    } else {
    }
    %add3A_41 = arith.constant 1 : i32
    %add3A_42 = arith.addi %mul3A_26, %add3A_41 : i32
    %dma_start3A = arith.constant 4 : i32
    %dma_start3A_43 = arith.constant 0 : i32
    %dma_start3A_44 = tpu.memref_slice %arg7[%dma_start3A, %dma_start3A_43] : memref<16x128xi32, #tpu.memory_space<vmem>> -> memref<4x128xi32, #tpu.memory_space<vmem>>
    %dma_start3A_45 = arith.constant 0 : i32
    %dma_start3A_46 = arith.constant 0 : i32
    %dma_start3A_47 = tpu.memref_slice %arg4[%add3A_42, %dma_start3A_45, %dma_start3A_46] : memref<2560x4x128xi32, #tpu.memory_space<hbm>> -> memref<1x4x128xi32, #tpu.memory_space<hbm>>
    %dma_start3A_48 = tpu.memref_squeeze %dma_start3A_47 : memref<1x4x128xi32, #tpu.memory_space<hbm>> -> memref<4x128xi32, #tpu.memory_space<hbm>>
    %dma_start3A_49 = arith.constant 4 : i32
    %dma_start3A_50 = arith.constant 0 : i32
    %dma_start3A_51 = tpu.memref_slice %arg7[%dma_start3A_49, %dma_start3A_50] : memref<16x128xi32, #tpu.memory_space<vmem>> -> memref<4x128xi32, #tpu.memory_space<vmem>>
    %dma_start3A_52 = arith.constant 0 : i32
    %dma_start3A_53 = arith.constant 0 : i32
    %dma_start3A_54 = tpu.memref_slice %arg4[%add3A_42, %dma_start3A_52, %dma_start3A_53] : memref<2560x4x128xi32, #tpu.memory_space<hbm>> -> memref<1x4x128xi32, #tpu.memory_space<hbm>>
    %dma_start3A_55 = tpu.memref_squeeze %dma_start3A_54 : memref<1x4x128xi32, #tpu.memory_space<hbm>> -> memref<4x128xi32, #tpu.memory_space<hbm>>
    tpu.enqueue_dma source(%dma_start3A_55 : memref<4x128xi32, #tpu.memory_space<hbm>>) target(%dma_start3A_51 : memref<4x128xi32, #tpu.memory_space<vmem>>) target_semaphore(%arg12 : memref<!tpu.dma_semaphore, #tpu.memory_space<semaphore_mem>>)
    %scan3A_56 = arith.constant 0 : i32
    %scan3A_57 = arith.constant 0 : i32
    %scan3A_58 = arith.constant 160 : i32
    %scan3A_59 = arith.addi %scan3A_57, %scan3A_58 : i32
    %scan3A_60 = arith.constant 1 : i32
    %scan3A_61 = scf.for %scan3A_115 = %scan3A_57 to %scan3A_59 step %scan3A_60 iter_args(%scan3A_116 = %scan3A_56) -> (i32)  : i32 {
      %rem3A = arith.constant 3 : i32
      %rem3A_117 = arith.remsi %scan3A_115, %rem3A : i32
      %add3A_118 = arith.constant 1 : i32
      %add3A_119 = arith.addi %scan3A_115, %add3A_118 : i32
      %rem3A_120 = arith.constant 3 : i32
      %rem3A_121 = arith.remsi %add3A_119, %rem3A_120 : i32
      %rem3A_122 = arith.constant 4 : i32
      %rem3A_123 = arith.remsi %scan3A_115, %rem3A_122 : i32
      %add3A_124 = arith.constant 1 : i32
      %add3A_125 = arith.addi %scan3A_115, %add3A_124 : i32
      %rem3A_126 = arith.constant 4 : i32
      %rem3A_127 = arith.remsi %add3A_125, %rem3A_126 : i32
      %add3A_128 = arith.constant 2 : i32
      %add3A_129 = arith.addi %scan3A_115, %add3A_128 : i32
      %rem3A_130 = arith.constant 4 : i32
      %rem3A_131 = arith.remsi %add3A_129, %rem3A_130 : i32
      %mul3A_132 = arith.constant 4 : i32
      %mul3A_133 = arith.muli %rem3A_123, %mul3A_132 : i32
      %add3A_134 = arith.constant 0 : i32
      %add3A_135 = arith.addi %mul3A_133, %add3A_134 : i32
      %mul3A_136 = arith.constant 128 : i32
      %mul3A_137 = arith.muli %rem3A_117, %mul3A_136 : i32
      %add3A_138 = arith.constant 0 : i32
      %add3A_139 = arith.addi %mul3A_137, %add3A_138 : i32
      %dma_wait3A_140 = arith.constant 0 : i32
      %dma_wait3A_141 = tpu.memref_slice %arg8[%add3A_139, %dma_wait3A_140] : memref<384x64xf32, #tpu.memory_space<vmem>> -> memref<128x64xf32, #tpu.memory_space<vmem>>
      %dma_wait3A_142 = arith.constant 0 : i32
      %dma_wait3A_143 = tpu.memref_slice %arg7[%add3A_135, %dma_wait3A_142] : memref<16x128xi32, #tpu.memory_space<vmem>> -> memref<1x128xi32, #tpu.memory_space<vmem>>
      %dma_wait3A_144 = tpu.memref_squeeze %dma_wait3A_143 : memref<1x128xi32, #tpu.memory_space<vmem>> -> memref<128xi32, #tpu.memory_space<vmem>>
      %dma_wait3A_145 = arith.constant 0 : i32
      %dma_wait3A_146 = arith.constant 0 : i32
      %dma_wait3A_147 = tpu.memref_slice %arg2[%dma_wait3A_145, %dma_wait3A_146] : memref<10240x64xf32, #tpu.memory_space<hbm>> -> memref<10240x64xf32, #tpu.memory_space<hbm>>
      tpu.wait_indirect_dma semaphore(%arg10 : memref<!tpu.dma_semaphore, #tpu.memory_space<semaphore_mem>>) src(%dma_wait3A_147 : memref<10240x64xf32, #tpu.memory_space<hbm>>) dst(%dma_wait3A_141 : memref<128x64xf32, #tpu.memory_space<vmem>>)
      %ge3A = arith.constant 2 : i32
      %ge3A_148 = arith.cmpi sge, %scan3A_115, %ge3A : i32
      %convert_element_type3A_149 = arith.extui %ge3A_148 : i1 to i32
      %cond3A_150 = arith.constant 0 : i32
      %cond3A_151 = arith.cmpi ne, %convert_element_type3A_149, %cond3A_150 : i32
      scf.if %cond3A_151 {
        %add3A_193 = arith.constant 1 : i32
        %add3A_194 = arith.addi %scan3A_115, %add3A_193 : i32
        %sub3A = arith.constant 3 : i32
        %sub3A_195 = arith.subi %add3A_194, %sub3A : i32
        %rem3A_196 = arith.constant 4 : i32
        %rem3A_197 = arith.remsi %sub3A_195, %rem3A_196 : i32
        %mul3A_198 = arith.constant 128 : i32
        %mul3A_199 = arith.muli %rem3A_121, %mul3A_198 : i32
        %add3A_200 = arith.constant 0 : i32
        %add3A_201 = arith.addi %mul3A_199, %add3A_200 : i32
        %mul3A_202 = arith.constant 4 : i32
        %mul3A_203 = arith.muli %rem3A_197, %mul3A_202 : i32
        %add3A_204 = arith.constant 1 : i32
        %add3A_205 = arith.addi %mul3A_203, %add3A_204 : i32
        %add3A_206 = arith.constant 0 : i32
        %add3A_207 = arith.addi %add3A_205, %add3A_206 : i32
        %dma_wait3A_208 = arith.constant 0 : i32
        %dma_wait3A_209 = tpu.memref_slice %arg8[%add3A_201, %dma_wait3A_208] : memref<384x64xf32, #tpu.memory_space<vmem>> -> memref<128x64xf32, #tpu.memory_space<vmem>>
        %dma_wait3A_210 = arith.constant 0 : i32
        %dma_wait3A_211 = tpu.memref_slice %arg7[%add3A_207, %dma_wait3A_210] : memref<16x128xi32, #tpu.memory_space<vmem>> -> memref<1x128xi32, #tpu.memory_space<vmem>>
        %dma_wait3A_212 = tpu.memref_squeeze %dma_wait3A_211 : memref<1x128xi32, #tpu.memory_space<vmem>> -> memref<128xi32, #tpu.memory_space<vmem>>
        %dma_wait3A_213 = arith.constant 0 : i32
        %dma_wait3A_214 = arith.constant 0 : i32
        %dma_wait3A_215 = tpu.memref_slice %arg9[%dma_wait3A_213, %dma_wait3A_214] : memref<10240x64xf32, #tpu.memory_space<vmem_shared>> -> memref<10240x64xf32, #tpu.memory_space<vmem_shared>>
        tpu.wait_indirect_dma semaphore(%arg11 : memref<!tpu.dma_semaphore, #tpu.memory_space<semaphore_mem>>) src(%dma_wait3A_209 : memref<128x64xf32, #tpu.memory_space<vmem>>) dst(%dma_wait3A_215 : memref<10240x64xf32, #tpu.memory_space<vmem_shared>>)
      } else {
      }
      %add3A_152 = arith.constant 1 : i32
      %add3A_153 = arith.addi %scan3A_115, %add3A_152 : i32
      %lt3A = arith.constant 160 : i32
      %lt3A_154 = arith.cmpi slt, %add3A_153, %lt3A : i32
      %convert_element_type3A_155 = arith.extui %lt3A_154 : i1 to i32
      %cond3A_156 = arith.constant 0 : i32
      %cond3A_157 = arith.cmpi ne, %convert_element_type3A_155, %cond3A_156 : i32
      scf.if %cond3A_157 {
        %mul3A_193 = arith.constant 4 : i32
        %mul3A_194 = arith.muli %rem3A_127, %mul3A_193 : i32
        %dma_wait3A_195 = arith.constant 0 : i32
        %dma_wait3A_196 = tpu.memref_slice %arg7[%mul3A_194, %dma_wait3A_195] : memref<16x128xi32, #tpu.memory_space<vmem>> -> memref<4x128xi32, #tpu.memory_space<vmem>>
        %dma_wait3A_197 = arith.constant 0 : i32
        %dma_wait3A_198 = arith.constant 0 : i32
        %dma_wait3A_199 = tpu.memref_slice %arg4[%mul3A_26, %dma_wait3A_197, %dma_wait3A_198] : memref<2560x4x128xi32, #tpu.memory_space<hbm>> -> memref<1x4x128xi32, #tpu.memory_space<hbm>>
        %dma_wait3A_200 = tpu.memref_squeeze %dma_wait3A_199 : memref<1x4x128xi32, #tpu.memory_space<hbm>> -> memref<4x128xi32, #tpu.memory_space<hbm>>
        %dma_wait3A_201 = arith.constant 0 : i32
        %dma_wait3A_202 = tpu.memref_slice %arg7[%mul3A_194, %dma_wait3A_201] : memref<16x128xi32, #tpu.memory_space<vmem>> -> memref<4x128xi32, #tpu.memory_space<vmem>>
        %dma_wait3A_203 = arith.constant 0 : i32
        %dma_wait3A_204 = arith.constant 0 : i32
        %dma_wait3A_205 = tpu.memref_slice %arg4[%mul3A_26, %dma_wait3A_203, %dma_wait3A_204] : memref<2560x4x128xi32, #tpu.memory_space<hbm>> -> memref<1x4x128xi32, #tpu.memory_space<hbm>>
        %dma_wait3A_206 = tpu.memref_squeeze %dma_wait3A_205 : memref<1x4x128xi32, #tpu.memory_space<hbm>> -> memref<4x128xi32, #tpu.memory_space<hbm>>
        tpu.wait_dma2 semaphore(%arg12 : memref<!tpu.dma_semaphore, #tpu.memory_space<semaphore_mem>>) src(%dma_wait3A_206 : memref<4x128xi32, #tpu.memory_space<hbm>>) dst(%dma_wait3A_202 : memref<4x128xi32, #tpu.memory_space<vmem>>)
        %mul3A_207 = arith.constant 128 : i32
        %mul3A_208 = arith.muli %rem3A_121, %mul3A_207 : i32
        %add3A_209 = arith.constant 0 : i32
        %add3A_210 = arith.addi %mul3A_208, %add3A_209 : i32
        %eq3A_211 = arith.constant 0 : i32
        %eq3A_212 = arith.cmpi eq, %arg0, %eq3A_211 : i32
        %convert_element_type3A_213 = arith.extui %eq3A_212 : i1 to i32
        %cond3A_214 = arith.constant 0 : i32
        %cond3A_215 = arith.cmpi ne, %convert_element_type3A_213, %cond3A_214 : i32
        scf.if %cond3A_215 {
          %mul3A_221 = arith.constant 4 : i32
          %mul3A_222 = arith.muli %rem3A_127, %mul3A_221 : i32
          %add3A_223 = arith.constant 0 : i32
          %add3A_224 = arith.addi %mul3A_222, %add3A_223 : i32
          %dma_start3A_225 = arith.constant 0 : i32
          %dma_start3A_226 = tpu.memref_slice %arg8[%add3A_210, %dma_start3A_225] : memref<384x64xf32, #tpu.memory_space<vmem>> -> memref<128x64xf32, #tpu.memory_space<vmem>>
          %dma_start3A_227 = arith.constant 0 : i32
          %dma_start3A_228 = tpu.memref_slice %arg7[%add3A_224, %dma_start3A_227] : memref<16x128xi32, #tpu.memory_space<vmem>> -> memref<1x128xi32, #tpu.memory_space<vmem>>
          %dma_start3A_229 = tpu.memref_squeeze %dma_start3A_228 : memref<1x128xi32, #tpu.memory_space<vmem>> -> memref<128xi32, #tpu.memory_space<vmem>>
          %dma_start3A_230 = arith.constant 0 : i32
          %dma_start3A_231 = arith.constant 0 : i32
          %dma_start3A_232 = tpu.memref_slice %arg2[%dma_start3A_230, %dma_start3A_231] : memref<10240x64xf32, #tpu.memory_space<hbm>> -> memref<10240x64xf32, #tpu.memory_space<hbm>>
          tpu.enqueue_indirect_dma source(%dma_start3A_232 : memref<10240x64xf32, #tpu.memory_space<hbm>>) target(%dma_start3A_226 : memref<128x64xf32, #tpu.memory_space<vmem>>) offsets(%dma_start3A_229 : memref<128xi32, #tpu.memory_space<vmem>>) semaphore(%arg10 : memref<!tpu.dma_semaphore, #tpu.memory_space<semaphore_mem>>)
        } else {
        }
        %eq3A_216 = arith.constant 1 : i32
        %eq3A_217 = arith.cmpi eq, %arg0, %eq3A_216 : i32
        %convert_element_type3A_218 = arith.extui %eq3A_217 : i1 to i32
        %cond3A_219 = arith.constant 0 : i32
        %cond3A_220 = arith.cmpi ne, %convert_element_type3A_218, %cond3A_219 : i32
        scf.if %cond3A_220 {
          %mul3A_221 = arith.constant 4 : i32
          %mul3A_222 = arith.muli %rem3A_127, %mul3A_221 : i32
          %add3A_223 = arith.constant 0 : i32
          %add3A_224 = arith.addi %mul3A_222, %add3A_223 : i32
          %dma_start3A_225 = arith.constant 0 : i32
          %dma_start3A_226 = tpu.memref_slice %arg8[%add3A_210, %dma_start3A_225] : memref<384x64xf32, #tpu.memory_space<vmem>> -> memref<128x64xf32, #tpu.memory_space<vmem>>
          %dma_start3A_227 = arith.constant 0 : i32
          %dma_start3A_228 = tpu.memref_slice %arg7[%add3A_224, %dma_start3A_227] : memref<16x128xi32, #tpu.memory_space<vmem>> -> memref<1x128xi32, #tpu.memory_space<vmem>>
          %dma_start3A_229 = tpu.memref_squeeze %dma_start3A_228 : memref<1x128xi32, #tpu.memory_space<vmem>> -> memref<128xi32, #tpu.memory_space<vmem>>
          %dma_start3A_230 = arith.constant 0 : i32
          %dma_start3A_231 = arith.constant 0 : i32
          %dma_start3A_232 = tpu.memref_slice %arg3[%dma_start3A_230, %dma_start3A_231] : memref<10240x64xf32, #tpu.memory_space<hbm>> -> memref<10240x64xf32, #tpu.memory_space<hbm>>
          tpu.enqueue_indirect_dma source(%dma_start3A_232 : memref<10240x64xf32, #tpu.memory_space<hbm>>) target(%dma_start3A_226 : memref<128x64xf32, #tpu.memory_space<vmem>>) offsets(%dma_start3A_229 : memref<128xi32, #tpu.memory_space<vmem>>) semaphore(%arg10 : memref<!tpu.dma_semaphore, #tpu.memory_space<semaphore_mem>>)
        } else {
        }
      } else {
      }
      %add3A_158 = arith.constant 2 : i32
      %add3A_159 = arith.addi %scan3A_115, %add3A_158 : i32
      %lt3A_160 = arith.constant 160 : i32
      %lt3A_161 = arith.cmpi slt, %add3A_159, %lt3A_160 : i32
      %convert_element_type3A_162 = arith.extui %lt3A_161 : i1 to i32
      %cond3A_163 = arith.constant 0 : i32
      %cond3A_164 = arith.cmpi ne, %convert_element_type3A_162, %cond3A_163 : i32
      scf.if %cond3A_164 {
        %add3A_193 = arith.addi %mul3A_26, %scan3A_115 : i32
        %add3A_194 = arith.constant 2 : i32
        %add3A_195 = arith.addi %add3A_193, %add3A_194 : i32
        %mul3A_196 = arith.constant 4 : i32
        %mul3A_197 = arith.muli %rem3A_131, %mul3A_196 : i32
        %dma_start3A_198 = arith.constant 0 : i32
        %dma_start3A_199 = tpu.memref_slice %arg7[%mul3A_197, %dma_start3A_198] : memref<16x128xi32, #tpu.memory_space<vmem>> -> memref<4x128xi32, #tpu.memory_space<vmem>>
        %dma_start3A_200 = arith.constant 0 : i32
        %dma_start3A_201 = arith.constant 0 : i32
        %dma_start3A_202 = tpu.memref_slice %arg4[%add3A_195, %dma_start3A_200, %dma_start3A_201] : memref<2560x4x128xi32, #tpu.memory_space<hbm>> -> memref<1x4x128xi32, #tpu.memory_space<hbm>>
        %dma_start3A_203 = tpu.memref_squeeze %dma_start3A_202 : memref<1x4x128xi32, #tpu.memory_space<hbm>> -> memref<4x128xi32, #tpu.memory_space<hbm>>
        %dma_start3A_204 = arith.constant 0 : i32
        %dma_start3A_205 = tpu.memref_slice %arg7[%mul3A_197, %dma_start3A_204] : memref<16x128xi32, #tpu.memory_space<vmem>> -> memref<4x128xi32, #tpu.memory_space<vmem>>
        %dma_start3A_206 = arith.constant 0 : i32
        %dma_start3A_207 = arith.constant 0 : i32
        %dma_start3A_208 = tpu.memref_slice %arg4[%add3A_195, %dma_start3A_206, %dma_start3A_207] : memref<2560x4x128xi32, #tpu.memory_space<hbm>> -> memref<1x4x128xi32, #tpu.memory_space<hbm>>
        %dma_start3A_209 = tpu.memref_squeeze %dma_start3A_208 : memref<1x4x128xi32, #tpu.memory_space<hbm>> -> memref<4x128xi32, #tpu.memory_space<hbm>>
        tpu.enqueue_dma source(%dma_start3A_209 : memref<4x128xi32, #tpu.memory_space<hbm>>) target(%dma_start3A_205 : memref<4x128xi32, #tpu.memory_space<vmem>>) target_semaphore(%arg12 : memref<!tpu.dma_semaphore, #tpu.memory_space<semaphore_mem>>)
      } else {
      }
      %mul3A_165 = arith.constant 4 : i32
      %mul3A_166 = arith.muli %rem3A_123, %mul3A_165 : i32
      %add3A_167 = arith.constant 2 : i32
      %add3A_168 = arith.addi %mul3A_166, %add3A_167 : i32
      %mul3A_169 = arith.constant 1 : i32
      %mul3A_170 = arith.muli %arg0, %mul3A_169 : i32
      %add3A_171 = arith.addi %add3A_168, %mul3A_170 : i32
      %parallel_loop3A = arith.constant 0 : i32
      %parallel_loop3A_172 = arith.constant 8 : i32
      %parallel_loop3A_173 = arith.constant 1 : i32
      scf.for %parallel_loop3A_193 = %parallel_loop3A to %parallel_loop3A_172 step %parallel_loop3A_173  : i32 {
        %parallel_loop3A_194 = arith.constant 8 : i32
        %parallel_loop3A_195 = arith.divsi %parallel_loop3A_193, %parallel_loop3A_194 : i32
        %parallel_loop3A_196 = arith.constant 8 : i32
        %parallel_loop3A_197 = arith.remsi %parallel_loop3A_193, %parallel_loop3A_196 : i32
        %parallel_loop3A_198 = arith.constant 16 : i32
        %parallel_loop3A_199 = arith.muli %parallel_loop3A_197, %parallel_loop3A_198 : i32
        %parallel_loop3A_200 = arith.addi %add3A_171, %parallel_loop3A_195 : i32
        %parallel_loop3A_201 = arith.index_cast %parallel_loop3A_200 : i32 to index
        %parallel_loop3A_202 = arith.index_cast %parallel_loop3A_199 : i32 to index
        %parallel_loop3A_203 = tpu.vector_load %arg7[%parallel_loop3A_201, %parallel_loop3A_202] {strides = array<i32>} : memref<16x128xi32, #tpu.memory_space<vmem>>, vector<16xi32>,
        %parallel_loop3A_204 = vector.bitcast %parallel_loop3A_203 : vector<16xi32> to vector<16xf32>
        %parallel_loop3A_205 = arith.constant 128 : i32
        %parallel_loop3A_206 = arith.muli %rem3A_117, %parallel_loop3A_205 : i32
        %parallel_loop3A_207 = arith.constant 16 : i32
        %parallel_loop3A_208 = arith.muli %parallel_loop3A_193, %parallel_loop3A_207 : i32
        %parallel_loop3A_209 = arith.addi %parallel_loop3A_206, %parallel_loop3A_208 : i32
        %parallel_loop3A_210 = arith.constant 0 : i32
        %parallel_loop3A_211 = vector.broadcast %parallel_loop3A_210 : i32 to vector<16x1xi32>
        %parallel_loop3A_212 = vector.shape_cast %parallel_loop3A_211 : vector<16x1xi32> to vector<16xi32>
        %parallel_loop3A_213 = tpu.dynamic_gather %parallel_loop3A_204[%parallel_loop3A_212] in [0] : vector<16xf32>, vector<16xi32> -> vector<16xf32>
        %parallel_loop3A_214 = arith.constant 0 : i32
        %parallel_loop3A_215 = arith.addi %parallel_loop3A_209, %parallel_loop3A_214 : i32
        %parallel_loop3A_216 = arith.index_cast %parallel_loop3A_215 : i32 to index
        %parallel_loop3A_217 = arith.constant 0 : index
        %parallel_loop3A_218 = tpu.vector_load %arg8[%parallel_loop3A_216, %parallel_loop3A_217] {strides = array<i32>} : memref<384x64xf32, #tpu.memory_space<vmem>>, vector<16xf32>,
        %parallel_loop3A_219 = arith.mulf %parallel_loop3A_218, %parallel_loop3A_213 : vector<16xf32>
        %parallel_loop3A_220 = arith.index_cast %parallel_loop3A_215 : i32 to index
        %parallel_loop3A_221 = arith.constant 0 : index
        %parallel_loop3A_222 = tpu.vector_load %arg8[%parallel_loop3A_220, %parallel_loop3A_221] {strides = array<i32>} : memref<384x64xf32, #tpu.memory_space<vmem>>, vector<16xf32>,
        tpu.vector_store %arg8[%parallel_loop3A_220, %parallel_loop3A_221], %parallel_loop3A_219 {strides = array<i32>} : memref<384x64xf32, #tpu.memory_space<vmem>>, vector<16xf32>,
        %parallel_loop3A_223 = arith.index_cast %parallel_loop3A_215 : i32 to index
        %parallel_loop3A_224 = arith.constant 16 : index
        %parallel_loop3A_225 = tpu.vector_load %arg8[%parallel_loop3A_223, %parallel_loop3A_224] {strides = array<i32>} : memref<384x64xf32, #tpu.memory_space<vmem>>, vector<16xf32>,
        %parallel_loop3A_226 = arith.mulf %parallel_loop3A_225, %parallel_loop3A_213 : vector<16xf32>
        %parallel_loop3A_227 = arith.index_cast %parallel_loop3A_215 : i32 to index
        %parallel_loop3A_228 = arith.constant 16 : index
        %parallel_loop3A_229 = tpu.vector_load %arg8[%parallel_loop3A_227, %parallel_loop3A_228] {strides = array<i32>} : memref<384x64xf32, #tpu.memory_space<vmem>>, vector<16xf32>,
        tpu.vector_store %arg8[%parallel_loop3A_227, %parallel_loop3A_228], %parallel_loop3A_226 {strides = array<i32>} : memref<384x64xf32, #tpu.memory_space<vmem>>, vector<16xf32>,
        %parallel_loop3A_230 = arith.index_cast %parallel_loop3A_215 : i32 to index
        %parallel_loop3A_231 = arith.constant 32 : index
        %parallel_loop3A_232 = tpu.vector_load %arg8[%parallel_loop3A_230, %parallel_loop3A_231] {strides = array<i32>} : memref<384x64xf32, #tpu.memory_space<vmem>>, vector<16xf32>,
        %parallel_loop3A_233 = arith.mulf %parallel_loop3A_232, %parallel_loop3A_213 : vector<16xf32>
        %parallel_loop3A_234 = arith.index_cast %parallel_loop3A_215 : i32 to index
        %parallel_loop3A_235 = arith.constant 32 : index
        %parallel_loop3A_236 = tpu.vector_load %arg8[%parallel_loop3A_234, %parallel_loop3A_235] {strides = array<i32>} : memref<384x64xf32, #tpu.memory_space<vmem>>, vector<16xf32>,
        tpu.vector_store %arg8[%parallel_loop3A_234, %parallel_loop3A_235], %parallel_loop3A_233 {strides = array<i32>} : memref<384x64xf32, #tpu.memory_space<vmem>>, vector<16xf32>,
        %parallel_loop3A_237 = arith.index_cast %parallel_loop3A_215 : i32 to index
        %parallel_loop3A_238 = arith.constant 48 : index
        %parallel_loop3A_239 = tpu.vector_load %arg8[%parallel_loop3A_237, %parallel_loop3A_238] {strides = array<i32>} : memref<384x64xf32, #tpu.memory_space<vmem>>, vector<16xf32>,
        %parallel_loop3A_240 = arith.mulf %parallel_loop3A_239, %parallel_loop3A_213 : vector<16xf32>
        %parallel_loop3A_241 = arith.index_cast %parallel_loop3A_215 : i32 to index
        %parallel_loop3A_242 = arith.constant 48 : index
        %parallel_loop3A_243 = tpu.vector_load %arg8[%parallel_loop3A_241, %parallel_loop3A_242] {strides = array<i32>} : memref<384x64xf32, #tpu.memory_space<vmem>>, vector<16xf32>,
        tpu.vector_store %arg8[%parallel_loop3A_241, %parallel_loop3A_242], %parallel_loop3A_240 {strides = array<i32>} : memref<384x64xf32, #tpu.memory_space<vmem>>, vector<16xf32>,
        %parallel_loop3A_244 = arith.constant 1 : i32
        %parallel_loop3A_245 = vector.broadcast %parallel_loop3A_244 : i32 to vector<16x1xi32>
        %parallel_loop3A_246 = vector.shape_cast %parallel_loop3A_245 : vector<16x1xi32> to vector<16xi32>
        %parallel_loop3A_247 = tpu.dynamic_gather %parallel_loop3A_204[%parallel_loop3A_246] in [0] : vector<16xf32>, vector<16xi32> -> vector<16xf32>
        %parallel_loop3A_248 = arith.constant 1 : i32
        %parallel_loop3A_249 = arith.addi %parallel_loop3A_209, %parallel_loop3A_248 : i32
        %parallel_loop3A_250 = arith.index_cast %parallel_loop3A_249 : i32 to index
        %parallel_loop3A_251 = arith.constant 0 : index
        %parallel_loop3A_252 = tpu.vector_load %arg8[%parallel_loop3A_250, %parallel_loop3A_251] {strides = array<i32>} : memref<384x64xf32, #tpu.memory_space<vmem>>, vector<16xf32>,
        %parallel_loop3A_253 = arith.mulf %parallel_loop3A_252, %parallel_loop3A_247 : vector<16xf32>
        %parallel_loop3A_254 = arith.index_cast %parallel_loop3A_249 : i32 to index
        %parallel_loop3A_255 = arith.constant 0 : index
        %parallel_loop3A_256 = tpu.vector_load %arg8[%parallel_loop3A_254, %parallel_loop3A_255] {strides = array<i32>} : memref<384x64xf32, #tpu.memory_space<vmem>>, vector<16xf32>,
        tpu.vector_store %arg8[%parallel_loop3A_254, %parallel_loop3A_255], %parallel_loop3A_253 {strides = array<i32>} : memref<384x64xf32, #tpu.memory_space<vmem>>, vector<16xf32>,
        %parallel_loop3A_257 = arith.index_cast %parallel_loop3A_249 : i32 to index
        %parallel_loop3A_258 = arith.constant 16 : index
        %parallel_loop3A_259 = tpu.vector_load %arg8[%parallel_loop3A_257, %parallel_loop3A_258] {strides = array<i32>} : memref<384x64xf32, #tpu.memory_space<vmem>>, vector<16xf32>,
        %parallel_loop3A_260 = arith.mulf %parallel_loop3A_259, %parallel_loop3A_247 : vector<16xf32>
        %parallel_loop3A_261 = arith.index_cast %parallel_loop3A_249 : i32 to index
        %parallel_loop3A_262 = arith.constant 16 : index
        %parallel_loop3A_263 = tpu.vector_load %arg8[%parallel_loop3A_261, %parallel_loop3A_262] {strides = array<i32>} : memref<384x64xf32, #tpu.memory_space<vmem>>, vector<16xf32>,
        tpu.vector_store %arg8[%parallel_loop3A_261, %parallel_loop3A_262], %parallel_loop3A_260 {strides = array<i32>} : memref<384x64xf32, #tpu.memory_space<vmem>>, vector<16xf32>,
        %parallel_loop3A_264 = arith.index_cast %parallel_loop3A_249 : i32 to index
        %parallel_loop3A_265 = arith.constant 32 : index
        %parallel_loop3A_266 = tpu.vector_load %arg8[%parallel_loop3A_264, %parallel_loop3A_265] {strides = array<i32>} : memref<384x64xf32, #tpu.memory_space<vmem>>, vector<16xf32>,
        %parallel_loop3A_267 = arith.mulf %parallel_loop3A_266, %parallel_loop3A_247 : vector<16xf32>
        %parallel_loop3A_268 = arith.index_cast %parallel_loop3A_249 : i32 to index
        %parallel_loop3A_269 = arith.constant 32 : index
        %parallel_loop3A_270 = tpu.vector_load %arg8[%parallel_loop3A_268, %parallel_loop3A_269] {strides = array<i32>} : memref<384x64xf32, #tpu.memory_space<vmem>>, vector<16xf32>,
        tpu.vector_store %arg8[%parallel_loop3A_268, %parallel_loop3A_269], %parallel_loop3A_267 {strides = array<i32>} : memref<384x64xf32, #tpu.memory_space<vmem>>, vector<16xf32>,
        %parallel_loop3A_271 = arith.index_cast %parallel_loop3A_249 : i32 to index
        %parallel_loop3A_272 = arith.constant 48 : index
        %parallel_loop3A_273 = tpu.vector_load %arg8[%parallel_loop3A_271, %parallel_loop3A_272] {strides = array<i32>} : memref<384x64xf32, #tpu.memory_space<vmem>>, vector<16xf32>,
        %parallel_loop3A_274 = arith.mulf %parallel_loop3A_273, %parallel_loop3A_247 : vector<16xf32>
        %parallel_loop3A_275 = arith.index_cast %parallel_loop3A_249 : i32 to index
        %parallel_loop3A_276 = arith.constant 48 : index
        %parallel_loop3A_277 = tpu.vector_load %arg8[%parallel_loop3A_275, %parallel_loop3A_276] {strides = array<i32>} : memref<384x64xf32, #tpu.memory_space<vmem>>, vector<16xf32>,
        tpu.vector_store %arg8[%parallel_loop3A_275, %parallel_loop3A_276], %parallel_loop3A_274 {strides = array<i32>} : memref<384x64xf32, #tpu.memory_space<vmem>>, vector<16xf32>,
        %parallel_loop3A_278 = arith.constant 2 : i32
        %parallel_loop3A_279 = vector.broadcast %parallel_loop3A_278 : i32 to vector<16x1xi32>
        %parallel_loop3A_280 = vector.shape_cast %parallel_loop3A_279 : vector<16x1xi32> to vector<16xi32>
        %parallel_loop3A_281 = tpu.dynamic_gather %parallel_loop3A_204[%parallel_loop3A_280] in [0] : vector<16xf32>, vector<16xi32> -> vector<16xf32>
        %parallel_loop3A_282 = arith.constant 2 : i32
        %parallel_loop3A_283 = arith.addi %parallel_loop3A_209, %parallel_loop3A_282 : i32
        %parallel_loop3A_284 = arith.index_cast %parallel_loop3A_283 : i32 to index
        %parallel_loop3A_285 = arith.constant 0 : index
        %parallel_loop3A_286 = tpu.vector_load %arg8[%parallel_loop3A_284, %parallel_loop3A_285] {strides = array<i32>} : memref<384x64xf32, #tpu.memory_space<vmem>>, vector<16xf32>,
        %parallel_loop3A_287 = arith.mulf %parallel_loop3A_286, %parallel_loop3A_281 : vector<16xf32>
        %parallel_loop3A_288 = arith.index_cast %parallel_loop3A_283 : i32 to index
        %parallel_loop3A_289 = arith.constant 0 : index
        %parallel_loop3A_290 = tpu.vector_load %arg8[%parallel_loop3A_288, %parallel_loop3A_289] {strides = array<i32>} : memref<384x64xf32, #tpu.memory_space<vmem>>, vector<16xf32>,
        tpu.vector_store %arg8[%parallel_loop3A_288, %parallel_loop3A_289], %parallel_loop3A_287 {strides = array<i32>} : memref<384x64xf32, #tpu.memory_space<vmem>>, vector<16xf32>,
        %parallel_loop3A_291 = arith.index_cast %parallel_loop3A_283 : i32 to index
        %parallel_loop3A_292 = arith.constant 16 : index
        %parallel_loop3A_293 = tpu.vector_load %arg8[%parallel_loop3A_291, %parallel_loop3A_292] {strides = array<i32>} : memref<384x64xf32, #tpu.memory_space<vmem>>, vector<16xf32>,
        %parallel_loop3A_294 = arith.mulf %parallel_loop3A_293, %parallel_loop3A_281 : vector<16xf32>
        %parallel_loop3A_295 = arith.index_cast %parallel_loop3A_283 : i32 to index
        %parallel_loop3A_296 = arith.constant 16 : index
        %parallel_loop3A_297 = tpu.vector_load %arg8[%parallel_loop3A_295, %parallel_loop3A_296] {strides = array<i32>} : memref<384x64xf32, #tpu.memory_space<vmem>>, vector<16xf32>,
        tpu.vector_store %arg8[%parallel_loop3A_295, %parallel_loop3A_296], %parallel_loop3A_294 {strides = array<i32>} : memref<384x64xf32, #tpu.memory_space<vmem>>, vector<16xf32>,
        %parallel_loop3A_298 = arith.index_cast %parallel_loop3A_283 : i32 to index
        %parallel_loop3A_299 = arith.constant 32 : index
        %parallel_loop3A_300 = tpu.vector_load %arg8[%parallel_loop3A_298, %parallel_loop3A_299] {strides = array<i32>} : memref<384x64xf32, #tpu.memory_space<vmem>>, vector<16xf32>,
        %parallel_loop3A_301 = arith.mulf %parallel_loop3A_300, %parallel_loop3A_281 : vector<16xf32>
        %parallel_loop3A_302 = arith.index_cast %parallel_loop3A_283 : i32 to index
        %parallel_loop3A_303 = arith.constant 32 : index
        %parallel_loop3A_304 = tpu.vector_load %arg8[%parallel_loop3A_302, %parallel_loop3A_303] {strides = array<i32>} : memref<384x64xf32, #tpu.memory_space<vmem>>, vector<16xf32>,
        tpu.vector_store %arg8[%parallel_loop3A_302, %parallel_loop3A_303], %parallel_loop3A_301 {strides = array<i32>} : memref<384x64xf32, #tpu.memory_space<vmem>>, vector<16xf32>,
        %parallel_loop3A_305 = arith.index_cast %parallel_loop3A_283 : i32 to index
        %parallel_loop3A_306 = arith.constant 48 : index
        %parallel_loop3A_307 = tpu.vector_load %arg8[%parallel_loop3A_305, %parallel_loop3A_306] {strides = array<i32>} : memref<384x64xf32, #tpu.memory_space<vmem>>, vector<16xf32>,
        %parallel_loop3A_308 = arith.mulf %parallel_loop3A_307, %parallel_loop3A_281 : vector<16xf32>
        %parallel_loop3A_309 = arith.index_cast %parallel_loop3A_283 : i32 to index
        %parallel_loop3A_310 = arith.constant 48 : index
        %parallel_loop3A_311 = tpu.vector_load %arg8[%parallel_loop3A_309, %parallel_loop3A_310] {strides = array<i32>} : memref<384x64xf32, #tpu.memory_space<vmem>>, vector<16xf32>,
        tpu.vector_store %arg8[%parallel_loop3A_309, %parallel_loop3A_310], %parallel_loop3A_308 {strides = array<i32>} : memref<384x64xf32, #tpu.memory_space<vmem>>, vector<16xf32>,
        %parallel_loop3A_312 = arith.constant 3 : i32
        %parallel_loop3A_313 = vector.broadcast %parallel_loop3A_312 : i32 to vector<16x1xi32>
        %parallel_loop3A_314 = vector.shape_cast %parallel_loop3A_313 : vector<16x1xi32> to vector<16xi32>
        %parallel_loop3A_315 = tpu.dynamic_gather %parallel_loop3A_204[%parallel_loop3A_314] in [0] : vector<16xf32>, vector<16xi32> -> vector<16xf32>
        %parallel_loop3A_316 = arith.constant 3 : i32
        %parallel_loop3A_317 = arith.addi %parallel_loop3A_209, %parallel_loop3A_316 : i32
        %parallel_loop3A_318 = arith.index_cast %parallel_loop3A_317 : i32 to index
        %parallel_loop3A_319 = arith.constant 0 : index
        %parallel_loop3A_320 = tpu.vector_load %arg8[%parallel_loop3A_318, %parallel_loop3A_319] {strides = array<i32>} : memref<384x64xf32, #tpu.memory_space<vmem>>, vector<16xf32>,
        %parallel_loop3A_321 = arith.mulf %parallel_loop3A_320, %parallel_loop3A_315 : vector<16xf32>
        %parallel_loop3A_322 = arith.index_cast %parallel_loop3A_317 : i32 to index
        %parallel_loop3A_323 = arith.constant 0 : index
        %parallel_loop3A_324 = tpu.vector_load %arg8[%parallel_loop3A_322, %parallel_loop3A_323] {strides = array<i32>} : memref<384x64xf32, #tpu.memory_space<vmem>>, vector<16xf32>,
        tpu.vector_store %arg8[%parallel_loop3A_322, %parallel_loop3A_323], %parallel_loop3A_321 {strides = array<i32>} : memref<384x64xf32, #tpu.memory_space<vmem>>, vector<16xf32>,
        %parallel_loop3A_325 = arith.index_cast %parallel_loop3A_317 : i32 to index
        %parallel_loop3A_326 = arith.constant 16 : index
        %parallel_loop3A_327 = tpu.vector_load %arg8[%parallel_loop3A_325, %parallel_loop3A_326] {strides = array<i32>} : memref<384x64xf32, #tpu.memory_space<vmem>>, vector<16xf32>,
        %parallel_loop3A_328 = arith.mulf %parallel_loop3A_327, %parallel_loop3A_315 : vector<16xf32>
        %parallel_loop3A_329 = arith.index_cast %parallel_loop3A_317 : i32 to index
        %parallel_loop3A_330 = arith.constant 16 : index
        %parallel_loop3A_331 = tpu.vector_load %arg8[%parallel_loop3A_329, %parallel_loop3A_330] {strides = array<i32>} : memref<384x64xf32, #tpu.memory_space<vmem>>, vector<16xf32>,
        tpu.vector_store %arg8[%parallel_loop3A_329, %parallel_loop3A_330], %parallel_loop3A_328 {strides = array<i32>} : memref<384x64xf32, #tpu.memory_space<vmem>>, vector<16xf32>,
        %parallel_loop3A_332 = arith.index_cast %parallel_loop3A_317 : i32 to index
        %parallel_loop3A_333 = arith.constant 32 : index
        %parallel_loop3A_334 = tpu.vector_load %arg8[%parallel_loop3A_332, %parallel_loop3A_333] {strides = array<i32>} : memref<384x64xf32, #tpu.memory_space<vmem>>, vector<16xf32>,
        %parallel_loop3A_335 = arith.mulf %parallel_loop3A_334, %parallel_loop3A_315 : vector<16xf32>
        %parallel_loop3A_336 = arith.index_cast %parallel_loop3A_317 : i32 to index
        %parallel_loop3A_337 = arith.constant 32 : index
        %parallel_loop3A_338 = tpu.vector_load %arg8[%parallel_loop3A_336, %parallel_loop3A_337] {strides = array<i32>} : memref<384x64xf32, #tpu.memory_space<vmem>>, vector<16xf32>,
        tpu.vector_store %arg8[%parallel_loop3A_336, %parallel_loop3A_337], %parallel_loop3A_335 {strides = array<i32>} : memref<384x64xf32, #tpu.memory_space<vmem>>, vector<16xf32>,
        %parallel_loop3A_339 = arith.index_cast %parallel_loop3A_317 : i32 to index
        %parallel_loop3A_340 = arith.constant 48 : index
        %parallel_loop3A_341 = tpu.vector_load %arg8[%parallel_loop3A_339, %parallel_loop3A_340] {strides = array<i32>} : memref<384x64xf32, #tpu.memory_space<vmem>>, vector<16xf32>,
        %parallel_loop3A_342 = arith.mulf %parallel_loop3A_341, %parallel_loop3A_315 : vector<16xf32>
        %parallel_loop3A_343 = arith.index_cast %parallel_loop3A_317 : i32 to index
        %parallel_loop3A_344 = arith.constant 48 : index
        %parallel_loop3A_345 = tpu.vector_load %arg8[%parallel_loop3A_343, %parallel_loop3A_344] {strides = array<i32>} : memref<384x64xf32, #tpu.memory_space<vmem>>, vector<16xf32>,
        tpu.vector_store %arg8[%parallel_loop3A_343, %parallel_loop3A_344], %parallel_loop3A_342 {strides = array<i32>} : memref<384x64xf32, #tpu.memory_space<vmem>>, vector<16xf32>,
        %parallel_loop3A_346 = arith.constant 4 : i32
        %parallel_loop3A_347 = vector.broadcast %parallel_loop3A_346 : i32 to vector<16x1xi32>
        %parallel_loop3A_348 = vector.shape_cast %parallel_loop3A_347 : vector<16x1xi32> to vector<16xi32>
        %parallel_loop3A_349 = tpu.dynamic_gather %parallel_loop3A_204[%parallel_loop3A_348] in [0] : vector<16xf32>, vector<16xi32> -> vector<16xf32>
        %parallel_loop3A_350 = arith.constant 4 : i32
        %parallel_loop3A_351 = arith.addi %parallel_loop3A_209, %parallel_loop3A_350 : i32
        %parallel_loop3A_352 = arith.index_cast %parallel_loop3A_351 : i32 to index
        %parallel_loop3A_353 = arith.constant 0 : index
        %parallel_loop3A_354 = tpu.vector_load %arg8[%parallel_loop3A_352, %parallel_loop3A_353] {strides = array<i32>} : memref<384x64xf32, #tpu.memory_space<vmem>>, vector<16xf32>,
        %parallel_loop3A_355 = arith.mulf %parallel_loop3A_354, %parallel_loop3A_349 : vector<16xf32>
        %parallel_loop3A_356 = arith.index_cast %parallel_loop3A_351 : i32 to index
        %parallel_loop3A_357 = arith.constant 0 : index
        %parallel_loop3A_358 = tpu.vector_load %arg8[%parallel_loop3A_356, %parallel_loop3A_357] {strides = array<i32>} : memref<384x64xf32, #tpu.memory_space<vmem>>, vector<16xf32>,
        tpu.vector_store %arg8[%parallel_loop3A_356, %parallel_loop3A_357], %parallel_loop3A_355 {strides = array<i32>} : memref<384x64xf32, #tpu.memory_space<vmem>>, vector<16xf32>,
        %parallel_loop3A_359 = arith.index_cast %parallel_loop3A_351 : i32 to index
        %parallel_loop3A_360 = arith.constant 16 : index
        %parallel_loop3A_361 = tpu.vector_load %arg8[%parallel_loop3A_359, %parallel_loop3A_360] {strides = array<i32>} : memref<384x64xf32, #tpu.memory_space<vmem>>, vector<16xf32>,
        %parallel_loop3A_362 = arith.mulf %parallel_loop3A_361, %parallel_loop3A_349 : vector<16xf32>
        %parallel_loop3A_363 = arith.index_cast %parallel_loop3A_351 : i32 to index
        %parallel_loop3A_364 = arith.constant 16 : index
        %parallel_loop3A_365 = tpu.vector_load %arg8[%parallel_loop3A_363, %parallel_loop3A_364] {strides = array<i32>} : memref<384x64xf32, #tpu.memory_space<vmem>>, vector<16xf32>,
        tpu.vector_store %arg8[%parallel_loop3A_363, %parallel_loop3A_364], %parallel_loop3A_362 {strides = array<i32>} : memref<384x64xf32, #tpu.memory_space<vmem>>, vector<16xf32>,
        %parallel_loop3A_366 = arith.index_cast %parallel_loop3A_351 : i32 to index
        %parallel_loop3A_367 = arith.constant 32 : index
        %parallel_loop3A_368 = tpu.vector_load %arg8[%parallel_loop3A_366, %parallel_loop3A_367] {strides = array<i32>} : memref<384x64xf32, #tpu.memory_space<vmem>>, vector<16xf32>,
        %parallel_loop3A_369 = arith.mulf %parallel_loop3A_368, %parallel_loop3A_349 : vector<16xf32>
        %parallel_loop3A_370 = arith.index_cast %parallel_loop3A_351 : i32 to index
        %parallel_loop3A_371 = arith.constant 32 : index
        %parallel_loop3A_372 = tpu.vector_load %arg8[%parallel_loop3A_370, %parallel_loop3A_371] {strides = array<i32>} : memref<384x64xf32, #tpu.memory_space<vmem>>, vector<16xf32>,
        tpu.vector_store %arg8[%parallel_loop3A_370, %parallel_loop3A_371], %parallel_loop3A_369 {strides = array<i32>} : memref<384x64xf32, #tpu.memory_space<vmem>>, vector<16xf32>,
        %parallel_loop3A_373 = arith.index_cast %parallel_loop3A_351 : i32 to index
        %parallel_loop3A_374 = arith.constant 48 : index
        %parallel_loop3A_375 = tpu.vector_load %arg8[%parallel_loop3A_373, %parallel_loop3A_374] {strides = array<i32>} : memref<384x64xf32, #tpu.memory_space<vmem>>, vector<16xf32>,
        %parallel_loop3A_376 = arith.mulf %parallel_loop3A_375, %parallel_loop3A_349 : vector<16xf32>
        %parallel_loop3A_377 = arith.index_cast %parallel_loop3A_351 : i32 to index
        %parallel_loop3A_378 = arith.constant 48 : index
        %parallel_loop3A_379 = tpu.vector_load %arg8[%parallel_loop3A_377, %parallel_loop3A_378] {strides = array<i32>} : memref<384x64xf32, #tpu.memory_space<vmem>>, vector<16xf32>,
        tpu.vector_store %arg8[%parallel_loop3A_377, %parallel_loop3A_378], %parallel_loop3A_376 {strides = array<i32>} : memref<384x64xf32, #tpu.memory_space<vmem>>, vector<16xf32>,
        %parallel_loop3A_380 = arith.constant 5 : i32
        %parallel_loop3A_381 = vector.broadcast %parallel_loop3A_380 : i32 to vector<16x1xi32>
        %parallel_loop3A_382 = vector.shape_cast %parallel_loop3A_381 : vector<16x1xi32> to vector<16xi32>
        %parallel_loop3A_383 = tpu.dynamic_gather %parallel_loop3A_204[%parallel_loop3A_382] in [0] : vector<16xf32>, vector<16xi32> -> vector<16xf32>
        %parallel_loop3A_384 = arith.constant 5 : i32
        %parallel_loop3A_385 = arith.addi %parallel_loop3A_209, %parallel_loop3A_384 : i32
        %parallel_loop3A_386 = arith.index_cast %parallel_loop3A_385 : i32 to index
        %parallel_loop3A_387 = arith.constant 0 : index
        %parallel_loop3A_388 = tpu.vector_load %arg8[%parallel_loop3A_386, %parallel_loop3A_387] {strides = array<i32>} : memref<384x64xf32, #tpu.memory_space<vmem>>, vector<16xf32>,
        %parallel_loop3A_389 = arith.mulf %parallel_loop3A_388, %parallel_loop3A_383 : vector<16xf32>
        %parallel_loop3A_390 = arith.index_cast %parallel_loop3A_385 : i32 to index
        %parallel_loop3A_391 = arith.constant 0 : index
        %parallel_loop3A_392 = tpu.vector_load %arg8[%parallel_loop3A_390, %parallel_loop3A_391] {strides = array<i32>} : memref<384x64xf32, #tpu.memory_space<vmem>>, vector<16xf32>,
        tpu.vector_store %arg8[%parallel_loop3A_390, %parallel_loop3A_391], %parallel_loop3A_389 {strides = array<i32>} : memref<384x64xf32, #tpu.memory_space<vmem>>, vector<16xf32>,
        %parallel_loop3A_393 = arith.index_cast %parallel_loop3A_385 : i32 to index
        %parallel_loop3A_394 = arith.constant 16 : index
        %parallel_loop3A_395 = tpu.vector_load %arg8[%parallel_loop3A_393, %parallel_loop3A_394] {strides = array<i32>} : memref<384x64xf32, #tpu.memory_space<vmem>>, vector<16xf32>,
        %parallel_loop3A_396 = arith.mulf %parallel_loop3A_395, %parallel_loop3A_383 : vector<16xf32>
        %parallel_loop3A_397 = arith.index_cast %parallel_loop3A_385 : i32 to index
        %parallel_loop3A_398 = arith.constant 16 : index
        %parallel_loop3A_399 = tpu.vector_load %arg8[%parallel_loop3A_397, %parallel_loop3A_398] {strides = array<i32>} : memref<384x64xf32, #tpu.memory_space<vmem>>, vector<16xf32>,
        tpu.vector_store %arg8[%parallel_loop3A_397, %parallel_loop3A_398], %parallel_loop3A_396 {strides = array<i32>} : memref<384x64xf32, #tpu.memory_space<vmem>>, vector<16xf32>,
        %parallel_loop3A_400 = arith.index_cast %parallel_loop3A_385 : i32 to index
        %parallel_loop3A_401 = arith.constant 32 : index
        %parallel_loop3A_402 = tpu.vector_load %arg8[%parallel_loop3A_400, %parallel_loop3A_401] {strides = array<i32>} : memref<384x64xf32, #tpu.memory_space<vmem>>, vector<16xf32>,
        %parallel_loop3A_403 = arith.mulf %parallel_loop3A_402, %parallel_loop3A_383 : vector<16xf32>
        %parallel_loop3A_404 = arith.index_cast %parallel_loop3A_385 : i32 to index
        %parallel_loop3A_405 = arith.constant 32 : index
        %parallel_loop3A_406 = tpu.vector_load %arg8[%parallel_loop3A_404, %parallel_loop3A_405] {strides = array<i32>} : memref<384x64xf32, #tpu.memory_space<vmem>>, vector<16xf32>,
        tpu.vector_store %arg8[%parallel_loop3A_404, %parallel_loop3A_405], %parallel_loop3A_403 {strides = array<i32>} : memref<384x64xf32, #tpu.memory_space<vmem>>, vector<16xf32>,
        %parallel_loop3A_407 = arith.index_cast %parallel_loop3A_385 : i32 to index
        %parallel_loop3A_408 = arith.constant 48 : index
        %parallel_loop3A_409 = tpu.vector_load %arg8[%parallel_loop3A_407, %parallel_loop3A_408] {strides = array<i32>} : memref<384x64xf32, #tpu.memory_space<vmem>>, vector<16xf32>,
        %parallel_loop3A_410 = arith.mulf %parallel_loop3A_409, %parallel_loop3A_383 : vector<16xf32>
        %parallel_loop3A_411 = arith.index_cast %parallel_loop3A_385 : i32 to index
        %parallel_loop3A_412 = arith.constant 48 : index
        %parallel_loop3A_413 = tpu.vector_load %arg8[%parallel_loop3A_411, %parallel_loop3A_412] {strides = array<i32>} : memref<384x64xf32, #tpu.memory_space<vmem>>, vector<16xf32>,
        tpu.vector_store %arg8[%parallel_loop3A_411, %parallel_loop3A_412], %parallel_loop3A_410 {strides = array<i32>} : memref<384x64xf32, #tpu.memory_space<vmem>>, vector<16xf32>,
        %parallel_loop3A_414 = arith.constant 6 : i32
        %parallel_loop3A_415 = vector.broadcast %parallel_loop3A_414 : i32 to vector<16x1xi32>
        %parallel_loop3A_416 = vector.shape_cast %parallel_loop3A_415 : vector<16x1xi32> to vector<16xi32>
        %parallel_loop3A_417 = tpu.dynamic_gather %parallel_loop3A_204[%parallel_loop3A_416] in [0] : vector<16xf32>, vector<16xi32> -> vector<16xf32>
        %parallel_loop3A_418 = arith.constant 6 : i32
        %parallel_loop3A_419 = arith.addi %parallel_loop3A_209, %parallel_loop3A_418 : i32
        %parallel_loop3A_420 = arith.index_cast %parallel_loop3A_419 : i32 to index
        %parallel_loop3A_421 = arith.constant 0 : index
        %parallel_loop3A_422 = tpu.vector_load %arg8[%parallel_loop3A_420, %parallel_loop3A_421] {strides = array<i32>} : memref<384x64xf32, #tpu.memory_space<vmem>>, vector<16xf32>,
        %parallel_loop3A_423 = arith.mulf %parallel_loop3A_422, %parallel_loop3A_417 : vector<16xf32>
        %parallel_loop3A_424 = arith.index_cast %parallel_loop3A_419 : i32 to index
        %parallel_loop3A_425 = arith.constant 0 : index
        %parallel_loop3A_426 = tpu.vector_load %arg8[%parallel_loop3A_424, %parallel_loop3A_425] {strides = array<i32>} : memref<384x64xf32, #tpu.memory_space<vmem>>, vector<16xf32>,
        tpu.vector_store %arg8[%parallel_loop3A_424, %parallel_loop3A_425], %parallel_loop3A_423 {strides = array<i32>} : memref<384x64xf32, #tpu.memory_space<vmem>>, vector<16xf32>,
        %parallel_loop3A_427 = arith.index_cast %parallel_loop3A_419 : i32 to index
        %parallel_loop3A_428 = arith.constant 16 : index
        %parallel_loop3A_429 = tpu.vector_load %arg8[%parallel_loop3A_427, %parallel_loop3A_428] {strides = array<i32>} : memref<384x64xf32, #tpu.memory_space<vmem>>, vector<16xf32>,
        %parallel_loop3A_430 = arith.mulf %parallel_loop3A_429, %parallel_loop3A_417 : vector<16xf32>
        %parallel_loop3A_431 = arith.index_cast %parallel_loop3A_419 : i32 to index
        %parallel_loop3A_432 = arith.constant 16 : index
        %parallel_loop3A_433 = tpu.vector_load %arg8[%parallel_loop3A_431, %parallel_loop3A_432] {strides = array<i32>} : memref<384x64xf32, #tpu.memory_space<vmem>>, vector<16xf32>,
        tpu.vector_store %arg8[%parallel_loop3A_431, %parallel_loop3A_432], %parallel_loop3A_430 {strides = array<i32>} : memref<384x64xf32, #tpu.memory_space<vmem>>, vector<16xf32>,
        %parallel_loop3A_434 = arith.index_cast %parallel_loop3A_419 : i32 to index
        %parallel_loop3A_435 = arith.constant 32 : index
        %parallel_loop3A_436 = tpu.vector_load %arg8[%parallel_loop3A_434, %parallel_loop3A_435] {strides = array<i32>} : memref<384x64xf32, #tpu.memory_space<vmem>>, vector<16xf32>,
        %parallel_loop3A_437 = arith.mulf %parallel_loop3A_436, %parallel_loop3A_417 : vector<16xf32>
        %parallel_loop3A_438 = arith.index_cast %parallel_loop3A_419 : i32 to index
        %parallel_loop3A_439 = arith.constant 32 : index
        %parallel_loop3A_440 = tpu.vector_load %arg8[%parallel_loop3A_438, %parallel_loop3A_439] {strides = array<i32>} : memref<384x64xf32, #tpu.memory_space<vmem>>, vector<16xf32>,
        tpu.vector_store %arg8[%parallel_loop3A_438, %parallel_loop3A_439], %parallel_loop3A_437 {strides = array<i32>} : memref<384x64xf32, #tpu.memory_space<vmem>>, vector<16xf32>,
        %parallel_loop3A_441 = arith.index_cast %parallel_loop3A_419 : i32 to index
        %parallel_loop3A_442 = arith.constant 48 : index
        %parallel_loop3A_443 = tpu.vector_load %arg8[%parallel_loop3A_441, %parallel_loop3A_442] {strides = array<i32>} : memref<384x64xf32, #tpu.memory_space<vmem>>, vector<16xf32>,
        %parallel_loop3A_444 = arith.mulf %parallel_loop3A_443, %parallel_loop3A_417 : vector<16xf32>
        %parallel_loop3A_445 = arith.index_cast %parallel_loop3A_419 : i32 to index
        %parallel_loop3A_446 = arith.constant 48 : index
        %parallel_loop3A_447 = tpu.vector_load %arg8[%parallel_loop3A_445, %parallel_loop3A_446] {strides = array<i32>} : memref<384x64xf32, #tpu.memory_space<vmem>>, vector<16xf32>,
        tpu.vector_store %arg8[%parallel_loop3A_445, %parallel_loop3A_446], %parallel_loop3A_444 {strides = array<i32>} : memref<384x64xf32, #tpu.memory_space<vmem>>, vector<16xf32>,
        %parallel_loop3A_448 = arith.constant 7 : i32
        %parallel_loop3A_449 = vector.broadcast %parallel_loop3A_448 : i32 to vector<16x1xi32>
        %parallel_loop3A_450 = vector.shape_cast %parallel_loop3A_449 : vector<16x1xi32> to vector<16xi32>
        %parallel_loop3A_451 = tpu.dynamic_gather %parallel_loop3A_204[%parallel_loop3A_450] in [0] : vector<16xf32>, vector<16xi32> -> vector<16xf32>
        %parallel_loop3A_452 = arith.constant 7 : i32
        %parallel_loop3A_453 = arith.addi %parallel_loop3A_209, %parallel_loop3A_452 : i32
        %parallel_loop3A_454 = arith.index_cast %parallel_loop3A_453 : i32 to index
        %parallel_loop3A_455 = arith.constant 0 : index
        %parallel_loop3A_456 = tpu.vector_load %arg8[%parallel_loop3A_454, %parallel_loop3A_455] {strides = array<i32>} : memref<384x64xf32, #tpu.memory_space<vmem>>, vector<16xf32>,
        %parallel_loop3A_457 = arith.mulf %parallel_loop3A_456, %parallel_loop3A_451 : vector<16xf32>
        %parallel_loop3A_458 = arith.index_cast %parallel_loop3A_453 : i32 to index
        %parallel_loop3A_459 = arith.constant 0 : index
        %parallel_loop3A_460 = tpu.vector_load %arg8[%parallel_loop3A_458, %parallel_loop3A_459] {strides = array<i32>} : memref<384x64xf32, #tpu.memory_space<vmem>>, vector<16xf32>,
        tpu.vector_store %arg8[%parallel_loop3A_458, %parallel_loop3A_459], %parallel_loop3A_457 {strides = array<i32>} : memref<384x64xf32, #tpu.memory_space<vmem>>, vector<16xf32>,
        %parallel_loop3A_461 = arith.index_cast %parallel_loop3A_453 : i32 to index
        %parallel_loop3A_462 = arith.constant 16 : index
        %parallel_loop3A_463 = tpu.vector_load %arg8[%parallel_loop3A_461, %parallel_loop3A_462] {strides = array<i32>} : memref<384x64xf32, #tpu.memory_space<vmem>>, vector<16xf32>,
        %parallel_loop3A_464 = arith.mulf %parallel_loop3A_463, %parallel_loop3A_451 : vector<16xf32>
        %parallel_loop3A_465 = arith.index_cast %parallel_loop3A_453 : i32 to index
        %parallel_loop3A_466 = arith.constant 16 : index
        %parallel_loop3A_467 = tpu.vector_load %arg8[%parallel_loop3A_465, %parallel_loop3A_466] {strides = array<i32>} : memref<384x64xf32, #tpu.memory_space<vmem>>, vector<16xf32>,
        tpu.vector_store %arg8[%parallel_loop3A_465, %parallel_loop3A_466], %parallel_loop3A_464 {strides = array<i32>} : memref<384x64xf32, #tpu.memory_space<vmem>>, vector<16xf32>,
        %parallel_loop3A_468 = arith.index_cast %parallel_loop3A_453 : i32 to index
        %parallel_loop3A_469 = arith.constant 32 : index
        %parallel_loop3A_470 = tpu.vector_load %arg8[%parallel_loop3A_468, %parallel_loop3A_469] {strides = array<i32>} : memref<384x64xf32, #tpu.memory_space<vmem>>, vector<16xf32>,
        %parallel_loop3A_471 = arith.mulf %parallel_loop3A_470, %parallel_loop3A_451 : vector<16xf32>
        %parallel_loop3A_472 = arith.index_cast %parallel_loop3A_453 : i32 to index
        %parallel_loop3A_473 = arith.constant 32 : index
        %parallel_loop3A_474 = tpu.vector_load %arg8[%parallel_loop3A_472, %parallel_loop3A_473] {strides = array<i32>} : memref<384x64xf32, #tpu.memory_space<vmem>>, vector<16xf32>,
        tpu.vector_store %arg8[%parallel_loop3A_472, %parallel_loop3A_473], %parallel_loop3A_471 {strides = array<i32>} : memref<384x64xf32, #tpu.memory_space<vmem>>, vector<16xf32>,
        %parallel_loop3A_475 = arith.index_cast %parallel_loop3A_453 : i32 to index
        %parallel_loop3A_476 = arith.constant 48 : index
        %parallel_loop3A_477 = tpu.vector_load %arg8[%parallel_loop3A_475, %parallel_loop3A_476] {strides = array<i32>} : memref<384x64xf32, #tpu.memory_space<vmem>>, vector<16xf32>,
        %parallel_loop3A_478 = arith.mulf %parallel_loop3A_477, %parallel_loop3A_451 : vector<16xf32>
        %parallel_loop3A_479 = arith.index_cast %parallel_loop3A_453 : i32 to index
        %parallel_loop3A_480 = arith.constant 48 : index
        %parallel_loop3A_481 = tpu.vector_load %arg8[%parallel_loop3A_479, %parallel_loop3A_480] {strides = array<i32>} : memref<384x64xf32, #tpu.memory_space<vmem>>, vector<16xf32>,
        tpu.vector_store %arg8[%parallel_loop3A_479, %parallel_loop3A_480], %parallel_loop3A_478 {strides = array<i32>} : memref<384x64xf32, #tpu.memory_space<vmem>>, vector<16xf32>,
        %parallel_loop3A_482 = arith.constant 8 : i32
        %parallel_loop3A_483 = vector.broadcast %parallel_loop3A_482 : i32 to vector<16x1xi32>
        %parallel_loop3A_484 = vector.shape_cast %parallel_loop3A_483 : vector<16x1xi32> to vector<16xi32>
        %parallel_loop3A_485 = tpu.dynamic_gather %parallel_loop3A_204[%parallel_loop3A_484] in [0] : vector<16xf32>, vector<16xi32> -> vector<16xf32>
        %parallel_loop3A_486 = arith.constant 8 : i32
        %parallel_loop3A_487 = arith.addi %parallel_loop3A_209, %parallel_loop3A_486 : i32
        %parallel_loop3A_488 = arith.index_cast %parallel_loop3A_487 : i32 to index
        %parallel_loop3A_489 = arith.constant 0 : index
        %parallel_loop3A_490 = tpu.vector_load %arg8[%parallel_loop3A_488, %parallel_loop3A_489] {strides = array<i32>} : memref<384x64xf32, #tpu.memory_space<vmem>>, vector<16xf32>,
        %parallel_loop3A_491 = arith.mulf %parallel_loop3A_490, %parallel_loop3A_485 : vector<16xf32>
        %parallel_loop3A_492 = arith.index_cast %parallel_loop3A_487 : i32 to index
        %parallel_loop3A_493 = arith.constant 0 : index
        %parallel_loop3A_494 = tpu.vector_load %arg8[%parallel_loop3A_492, %parallel_loop3A_493] {strides = array<i32>} : memref<384x64xf32, #tpu.memory_space<vmem>>, vector<16xf32>,
        tpu.vector_store %arg8[%parallel_loop3A_492, %parallel_loop3A_493], %parallel_loop3A_491 {strides = array<i32>} : memref<384x64xf32, #tpu.memory_space<vmem>>, vector<16xf32>,
        %parallel_loop3A_495 = arith.index_cast %parallel_loop3A_487 : i32 to index
        %parallel_loop3A_496 = arith.constant 16 : index
        %parallel_loop3A_497 = tpu.vector_load %arg8[%parallel_loop3A_495, %parallel_loop3A_496] {strides = array<i32>} : memref<384x64xf32, #tpu.memory_space<vmem>>, vector<16xf32>,
        %parallel_loop3A_498 = arith.mulf %parallel_loop3A_497, %parallel_loop3A_485 : vector<16xf32>
        %parallel_loop3A_499 = arith.index_cast %parallel_loop3A_487 : i32 to index
        %parallel_loop3A_500 = arith.constant 16 : index
        %parallel_loop3A_501 = tpu.vector_load %arg8[%parallel_loop3A_499, %parallel_loop3A_500] {strides = array<i32>} : memref<384x64xf32, #tpu.memory_space<vmem>>, vector<16xf32>,
        tpu.vector_store %arg8[%parallel_loop3A_499, %parallel_loop3A_500], %parallel_loop3A_498 {strides = array<i32>} : memref<384x64xf32, #tpu.memory_space<vmem>>, vector<16xf32>,
        %parallel_loop3A_502 = arith.index_cast %parallel_loop3A_487 : i32 to index
        %parallel_loop3A_503 = arith.constant 32 : index
        %parallel_loop3A_504 = tpu.vector_load %arg8[%parallel_loop3A_502, %parallel_loop3A_503] {strides = array<i32>} : memref<384x64xf32, #tpu.memory_space<vmem>>, vector<16xf32>,
        %parallel_loop3A_505 = arith.mulf %parallel_loop3A_504, %parallel_loop3A_485 : vector<16xf32>
        %parallel_loop3A_506 = arith.index_cast %parallel_loop3A_487 : i32 to index
        %parallel_loop3A_507 = arith.constant 32 : index
        %parallel_loop3A_508 = tpu.vector_load %arg8[%parallel_loop3A_506, %parallel_loop3A_507] {strides = array<i32>} : memref<384x64xf32, #tpu.memory_space<vmem>>, vector<16xf32>,
        tpu.vector_store %arg8[%parallel_loop3A_506, %parallel_loop3A_507], %parallel_loop3A_505 {strides = array<i32>} : memref<384x64xf32, #tpu.memory_space<vmem>>, vector<16xf32>,
        %parallel_loop3A_509 = arith.index_cast %parallel_loop3A_487 : i32 to index
        %parallel_loop3A_510 = arith.constant 48 : index
        %parallel_loop3A_511 = tpu.vector_load %arg8[%parallel_loop3A_509, %parallel_loop3A_510] {strides = array<i32>} : memref<384x64xf32, #tpu.memory_space<vmem>>, vector<16xf32>,
        %parallel_loop3A_512 = arith.mulf %parallel_loop3A_511, %parallel_loop3A_485 : vector<16xf32>
        %parallel_loop3A_513 = arith.index_cast %parallel_loop3A_487 : i32 to index
        %parallel_loop3A_514 = arith.constant 48 : index
        %parallel_loop3A_515 = tpu.vector_load %arg8[%parallel_loop3A_513, %parallel_loop3A_514] {strides = array<i32>} : memref<384x64xf32, #tpu.memory_space<vmem>>, vector<16xf32>,
        tpu.vector_store %arg8[%parallel_loop3A_513, %parallel_loop3A_514], %parallel_loop3A_512 {strides = array<i32>} : memref<384x64xf32, #tpu.memory_space<vmem>>, vector<16xf32>,
        %parallel_loop3A_516 = arith.constant 9 : i32
        %parallel_loop3A_517 = vector.broadcast %parallel_loop3A_516 : i32 to vector<16x1xi32>
        %parallel_loop3A_518 = vector.shape_cast %parallel_loop3A_517 : vector<16x1xi32> to vector<16xi32>
        %parallel_loop3A_519 = tpu.dynamic_gather %parallel_loop3A_204[%parallel_loop3A_518] in [0] : vector<16xf32>, vector<16xi32> -> vector<16xf32>
        %parallel_loop3A_520 = arith.constant 9 : i32
        %parallel_loop3A_521 = arith.addi %parallel_loop3A_209, %parallel_loop3A_520 : i32
        %parallel_loop3A_522 = arith.index_cast %parallel_loop3A_521 : i32 to index
        %parallel_loop3A_523 = arith.constant 0 : index
        %parallel_loop3A_524 = tpu.vector_load %arg8[%parallel_loop3A_522, %parallel_loop3A_523] {strides = array<i32>} : memref<384x64xf32, #tpu.memory_space<vmem>>, vector<16xf32>,
        %parallel_loop3A_525 = arith.mulf %parallel_loop3A_524, %parallel_loop3A_519 : vector<16xf32>
        %parallel_loop3A_526 = arith.index_cast %parallel_loop3A_521 : i32 to index
        %parallel_loop3A_527 = arith.constant 0 : index
        %parallel_loop3A_528 = tpu.vector_load %arg8[%parallel_loop3A_526, %parallel_loop3A_527] {strides = array<i32>} : memref<384x64xf32, #tpu.memory_space<vmem>>, vector<16xf32>,
        tpu.vector_store %arg8[%parallel_loop3A_526, %parallel_loop3A_527], %parallel_loop3A_525 {strides = array<i32>} : memref<384x64xf32, #tpu.memory_space<vmem>>, vector<16xf32>,
        %parallel_loop3A_529 = arith.index_cast %parallel_loop3A_521 : i32 to index
        %parallel_loop3A_530 = arith.constant 16 : index
        %parallel_loop3A_531 = tpu.vector_load %arg8[%parallel_loop3A_529, %parallel_loop3A_530] {strides = array<i32>} : memref<384x64xf32, #tpu.memory_space<vmem>>, vector<16xf32>,
        %parallel_loop3A_532 = arith.mulf %parallel_loop3A_531, %parallel_loop3A_519 : vector<16xf32>
        %parallel_loop3A_533 = arith.index_cast %parallel_loop3A_521 : i32 to index
        %parallel_loop3A_534 = arith.constant 16 : index
        %parallel_loop3A_535 = tpu.vector_load %arg8[%parallel_loop3A_533, %parallel_loop3A_534] {strides = array<i32>} : memref<384x64xf32, #tpu.memory_space<vmem>>, vector<16xf32>,
        tpu.vector_store %arg8[%parallel_loop3A_533, %parallel_loop3A_534], %parallel_loop3A_532 {strides = array<i32>} : memref<384x64xf32, #tpu.memory_space<vmem>>, vector<16xf32>,
        %parallel_loop3A_536 = arith.index_cast %parallel_loop3A_521 : i32 to index
        %parallel_loop3A_537 = arith.constant 32 : index
        %parallel_loop3A_538 = tpu.vector_load %arg8[%parallel_loop3A_536, %parallel_loop3A_537] {strides = array<i32>} : memref<384x64xf32, #tpu.memory_space<vmem>>, vector<16xf32>,
        %parallel_loop3A_539 = arith.mulf %parallel_loop3A_538, %parallel_loop3A_519 : vector<16xf32>
        %parallel_loop3A_540 = arith.index_cast %parallel_loop3A_521 : i32 to index
        %parallel_loop3A_541 = arith.constant 32 : index
        %parallel_loop3A_542 = tpu.vector_load %arg8[%parallel_loop3A_540, %parallel_loop3A_541] {strides = array<i32>} : memref<384x64xf32, #tpu.memory_space<vmem>>, vector<16xf32>,
        tpu.vector_store %arg8[%parallel_loop3A_540, %parallel_loop3A_541], %parallel_loop3A_539 {strides = array<i32>} : memref<384x64xf32, #tpu.memory_space<vmem>>, vector<16xf32>,
        %parallel_loop3A_543 = arith.index_cast %parallel_loop3A_521 : i32 to index
        %parallel_loop3A_544 = arith.constant 48 : index
        %parallel_loop3A_545 = tpu.vector_load %arg8[%parallel_loop3A_543, %parallel_loop3A_544] {strides = array<i32>} : memref<384x64xf32, #tpu.memory_space<vmem>>, vector<16xf32>,
        %parallel_loop3A_546 = arith.mulf %parallel_loop3A_545, %parallel_loop3A_519 : vector<16xf32>
        %parallel_loop3A_547 = arith.index_cast %parallel_loop3A_521 : i32 to index
        %parallel_loop3A_548 = arith.constant 48 : index
        %parallel_loop3A_549 = tpu.vector_load %arg8[%parallel_loop3A_547, %parallel_loop3A_548] {strides = array<i32>} : memref<384x64xf32, #tpu.memory_space<vmem>>, vector<16xf32>,
        tpu.vector_store %arg8[%parallel_loop3A_547, %parallel_loop3A_548], %parallel_loop3A_546 {strides = array<i32>} : memref<384x64xf32, #tpu.memory_space<vmem>>, vector<16xf32>,
        %parallel_loop3A_550 = arith.constant 10 : i32
        %parallel_loop3A_551 = vector.broadcast %parallel_loop3A_550 : i32 to vector<16x1xi32>
        %parallel_loop3A_552 = vector.shape_cast %parallel_loop3A_551 : vector<16x1xi32> to vector<16xi32>
        %parallel_loop3A_553 = tpu.dynamic_gather %parallel_loop3A_204[%parallel_loop3A_552] in [0] : vector<16xf32>, vector<16xi32> -> vector<16xf32>
        %parallel_loop3A_554 = arith.constant 10 : i32
        %parallel_loop3A_555 = arith.addi %parallel_loop3A_209, %parallel_loop3A_554 : i32
        %parallel_loop3A_556 = arith.index_cast %parallel_loop3A_555 : i32 to index
        %parallel_loop3A_557 = arith.constant 0 : index
        %parallel_loop3A_558 = tpu.vector_load %arg8[%parallel_loop3A_556, %parallel_loop3A_557] {strides = array<i32>} : memref<384x64xf32, #tpu.memory_space<vmem>>, vector<16xf32>,
        %parallel_loop3A_559 = arith.mulf %parallel_loop3A_558, %parallel_loop3A_553 : vector<16xf32>
        %parallel_loop3A_560 = arith.index_cast %parallel_loop3A_555 : i32 to index
        %parallel_loop3A_561 = arith.constant 0 : index
        %parallel_loop3A_562 = tpu.vector_load %arg8[%parallel_loop3A_560, %parallel_loop3A_561] {strides = array<i32>} : memref<384x64xf32, #tpu.memory_space<vmem>>, vector<16xf32>,
        tpu.vector_store %arg8[%parallel_loop3A_560, %parallel_loop3A_561], %parallel_loop3A_559 {strides = array<i32>} : memref<384x64xf32, #tpu.memory_space<vmem>>, vector<16xf32>,
        %parallel_loop3A_563 = arith.index_cast %parallel_loop3A_555 : i32 to index
        %parallel_loop3A_564 = arith.constant 16 : index
        %parallel_loop3A_565 = tpu.vector_load %arg8[%parallel_loop3A_563, %parallel_loop3A_564] {strides = array<i32>} : memref<384x64xf32, #tpu.memory_space<vmem>>, vector<16xf32>,
        %parallel_loop3A_566 = arith.mulf %parallel_loop3A_565, %parallel_loop3A_553 : vector<16xf32>
        %parallel_loop3A_567 = arith.index_cast %parallel_loop3A_555 : i32 to index
        %parallel_loop3A_568 = arith.constant 16 : index
        %parallel_loop3A_569 = tpu.vector_load %arg8[%parallel_loop3A_567, %parallel_loop3A_568] {strides = array<i32>} : memref<384x64xf32, #tpu.memory_space<vmem>>, vector<16xf32>,
        tpu.vector_store %arg8[%parallel_loop3A_567, %parallel_loop3A_568], %parallel_loop3A_566 {strides = array<i32>} : memref<384x64xf32, #tpu.memory_space<vmem>>, vector<16xf32>,
        %parallel_loop3A_570 = arith.index_cast %parallel_loop3A_555 : i32 to index
        %parallel_loop3A_571 = arith.constant 32 : index
        %parallel_loop3A_572 = tpu.vector_load %arg8[%parallel_loop3A_570, %parallel_loop3A_571] {strides = array<i32>} : memref<384x64xf32, #tpu.memory_space<vmem>>, vector<16xf32>,
        %parallel_loop3A_573 = arith.mulf %parallel_loop3A_572, %parallel_loop3A_553 : vector<16xf32>
        %parallel_loop3A_574 = arith.index_cast %parallel_loop3A_555 : i32 to index
        %parallel_loop3A_575 = arith.constant 32 : index
        %parallel_loop3A_576 = tpu.vector_load %arg8[%parallel_loop3A_574, %parallel_loop3A_575] {strides = array<i32>} : memref<384x64xf32, #tpu.memory_space<vmem>>, vector<16xf32>,
        tpu.vector_store %arg8[%parallel_loop3A_574, %parallel_loop3A_575], %parallel_loop3A_573 {strides = array<i32>} : memref<384x64xf32, #tpu.memory_space<vmem>>, vector<16xf32>,
        %parallel_loop3A_577 = arith.index_cast %parallel_loop3A_555 : i32 to index
        %parallel_loop3A_578 = arith.constant 48 : index
        %parallel_loop3A_579 = tpu.vector_load %arg8[%parallel_loop3A_577, %parallel_loop3A_578] {strides = array<i32>} : memref<384x64xf32, #tpu.memory_space<vmem>>, vector<16xf32>,
        %parallel_loop3A_580 = arith.mulf %parallel_loop3A_579, %parallel_loop3A_553 : vector<16xf32>
        %parallel_loop3A_581 = arith.index_cast %parallel_loop3A_555 : i32 to index
        %parallel_loop3A_582 = arith.constant 48 : index
        %parallel_loop3A_583 = tpu.vector_load %arg8[%parallel_loop3A_581, %parallel_loop3A_582] {strides = array<i32>} : memref<384x64xf32, #tpu.memory_space<vmem>>, vector<16xf32>,
        tpu.vector_store %arg8[%parallel_loop3A_581, %parallel_loop3A_582], %parallel_loop3A_580 {strides = array<i32>} : memref<384x64xf32, #tpu.memory_space<vmem>>, vector<16xf32>,
        %parallel_loop3A_584 = arith.constant 11 : i32
        %parallel_loop3A_585 = vector.broadcast %parallel_loop3A_584 : i32 to vector<16x1xi32>
        %parallel_loop3A_586 = vector.shape_cast %parallel_loop3A_585 : vector<16x1xi32> to vector<16xi32>
        %parallel_loop3A_587 = tpu.dynamic_gather %parallel_loop3A_204[%parallel_loop3A_586] in [0] : vector<16xf32>, vector<16xi32> -> vector<16xf32>
        %parallel_loop3A_588 = arith.constant 11 : i32
        %parallel_loop3A_589 = arith.addi %parallel_loop3A_209, %parallel_loop3A_588 : i32
        %parallel_loop3A_590 = arith.index_cast %parallel_loop3A_589 : i32 to index
        %parallel_loop3A_591 = arith.constant 0 : index
        %parallel_loop3A_592 = tpu.vector_load %arg8[%parallel_loop3A_590, %parallel_loop3A_591] {strides = array<i32>} : memref<384x64xf32, #tpu.memory_space<vmem>>, vector<16xf32>,
        %parallel_loop3A_593 = arith.mulf %parallel_loop3A_592, %parallel_loop3A_587 : vector<16xf32>
        %parallel_loop3A_594 = arith.index_cast %parallel_loop3A_589 : i32 to index
        %parallel_loop3A_595 = arith.constant 0 : index
        %parallel_loop3A_596 = tpu.vector_load %arg8[%parallel_loop3A_594, %parallel_loop3A_595] {strides = array<i32>} : memref<384x64xf32, #tpu.memory_space<vmem>>, vector<16xf32>,
        tpu.vector_store %arg8[%parallel_loop3A_594, %parallel_loop3A_595], %parallel_loop3A_593 {strides = array<i32>} : memref<384x64xf32, #tpu.memory_space<vmem>>, vector<16xf32>,
        %parallel_loop3A_597 = arith.index_cast %parallel_loop3A_589 : i32 to index
        %parallel_loop3A_598 = arith.constant 16 : index
        %parallel_loop3A_599 = tpu.vector_load %arg8[%parallel_loop3A_597, %parallel_loop3A_598] {strides = array<i32>} : memref<384x64xf32, #tpu.memory_space<vmem>>, vector<16xf32>,
        %parallel_loop3A_600 = arith.mulf %parallel_loop3A_599, %parallel_loop3A_587 : vector<16xf32>
        %parallel_loop3A_601 = arith.index_cast %parallel_loop3A_589 : i32 to index
        %parallel_loop3A_602 = arith.constant 16 : index
        %parallel_loop3A_603 = tpu.vector_load %arg8[%parallel_loop3A_601, %parallel_loop3A_602] {strides = array<i32>} : memref<384x64xf32, #tpu.memory_space<vmem>>, vector<16xf32>,
        tpu.vector_store %arg8[%parallel_loop3A_601, %parallel_loop3A_602], %parallel_loop3A_600 {strides = array<i32>} : memref<384x64xf32, #tpu.memory_space<vmem>>, vector<16xf32>,
        %parallel_loop3A_604 = arith.index_cast %parallel_loop3A_589 : i32 to index
        %parallel_loop3A_605 = arith.constant 32 : index
        %parallel_loop3A_606 = tpu.vector_load %arg8[%parallel_loop3A_604, %parallel_loop3A_605] {strides = array<i32>} : memref<384x64xf32, #tpu.memory_space<vmem>>, vector<16xf32>,
        %parallel_loop3A_607 = arith.mulf %parallel_loop3A_606, %parallel_loop3A_587 : vector<16xf32>
        %parallel_loop3A_608 = arith.index_cast %parallel_loop3A_589 : i32 to index
        %parallel_loop3A_609 = arith.constant 32 : index
        %parallel_loop3A_610 = tpu.vector_load %arg8[%parallel_loop3A_608, %parallel_loop3A_609] {strides = array<i32>} : memref<384x64xf32, #tpu.memory_space<vmem>>, vector<16xf32>,
        tpu.vector_store %arg8[%parallel_loop3A_608, %parallel_loop3A_609], %parallel_loop3A_607 {strides = array<i32>} : memref<384x64xf32, #tpu.memory_space<vmem>>, vector<16xf32>,
        %parallel_loop3A_611 = arith.index_cast %parallel_loop3A_589 : i32 to index
        %parallel_loop3A_612 = arith.constant 48 : index
        %parallel_loop3A_613 = tpu.vector_load %arg8[%parallel_loop3A_611, %parallel_loop3A_612] {strides = array<i32>} : memref<384x64xf32, #tpu.memory_space<vmem>>, vector<16xf32>,
        %parallel_loop3A_614 = arith.mulf %parallel_loop3A_613, %parallel_loop3A_587 : vector<16xf32>
        %parallel_loop3A_615 = arith.index_cast %parallel_loop3A_589 : i32 to index
        %parallel_loop3A_616 = arith.constant 48 : index
        %parallel_loop3A_617 = tpu.vector_load %arg8[%parallel_loop3A_615, %parallel_loop3A_616] {strides = array<i32>} : memref<384x64xf32, #tpu.memory_space<vmem>>, vector<16xf32>,
        tpu.vector_store %arg8[%parallel_loop3A_615, %parallel_loop3A_616], %parallel_loop3A_614 {strides = array<i32>} : memref<384x64xf32, #tpu.memory_space<vmem>>, vector<16xf32>,
        %parallel_loop3A_618 = arith.constant 12 : i32
        %parallel_loop3A_619 = vector.broadcast %parallel_loop3A_618 : i32 to vector<16x1xi32>
        %parallel_loop3A_620 = vector.shape_cast %parallel_loop3A_619 : vector<16x1xi32> to vector<16xi32>
        %parallel_loop3A_621 = tpu.dynamic_gather %parallel_loop3A_204[%parallel_loop3A_620] in [0] : vector<16xf32>, vector<16xi32> -> vector<16xf32>
        %parallel_loop3A_622 = arith.constant 12 : i32
        %parallel_loop3A_623 = arith.addi %parallel_loop3A_209, %parallel_loop3A_622 : i32
        %parallel_loop3A_624 = arith.index_cast %parallel_loop3A_623 : i32 to index
        %parallel_loop3A_625 = arith.constant 0 : index
        %parallel_loop3A_626 = tpu.vector_load %arg8[%parallel_loop3A_624, %parallel_loop3A_625] {strides = array<i32>} : memref<384x64xf32, #tpu.memory_space<vmem>>, vector<16xf32>,
        %parallel_loop3A_627 = arith.mulf %parallel_loop3A_626, %parallel_loop3A_621 : vector<16xf32>
        %parallel_loop3A_628 = arith.index_cast %parallel_loop3A_623 : i32 to index
        %parallel_loop3A_629 = arith.constant 0 : index
        %parallel_loop3A_630 = tpu.vector_load %arg8[%parallel_loop3A_628, %parallel_loop3A_629] {strides = array<i32>} : memref<384x64xf32, #tpu.memory_space<vmem>>, vector<16xf32>,
        tpu.vector_store %arg8[%parallel_loop3A_628, %parallel_loop3A_629], %parallel_loop3A_627 {strides = array<i32>} : memref<384x64xf32, #tpu.memory_space<vmem>>, vector<16xf32>,
        %parallel_loop3A_631 = arith.index_cast %parallel_loop3A_623 : i32 to index
        %parallel_loop3A_632 = arith.constant 16 : index
        %parallel_loop3A_633 = tpu.vector_load %arg8[%parallel_loop3A_631, %parallel_loop3A_632] {strides = array<i32>} : memref<384x64xf32, #tpu.memory_space<vmem>>, vector<16xf32>,
        %parallel_loop3A_634 = arith.mulf %parallel_loop3A_633, %parallel_loop3A_621 : vector<16xf32>
        %parallel_loop3A_635 = arith.index_cast %parallel_loop3A_623 : i32 to index
        %parallel_loop3A_636 = arith.constant 16 : index
        %parallel_loop3A_637 = tpu.vector_load %arg8[%parallel_loop3A_635, %parallel_loop3A_636] {strides = array<i32>} : memref<384x64xf32, #tpu.memory_space<vmem>>, vector<16xf32>,
        tpu.vector_store %arg8[%parallel_loop3A_635, %parallel_loop3A_636], %parallel_loop3A_634 {strides = array<i32>} : memref<384x64xf32, #tpu.memory_space<vmem>>, vector<16xf32>,
        %parallel_loop3A_638 = arith.index_cast %parallel_loop3A_623 : i32 to index
        %parallel_loop3A_639 = arith.constant 32 : index
        %parallel_loop3A_640 = tpu.vector_load %arg8[%parallel_loop3A_638, %parallel_loop3A_639] {strides = array<i32>} : memref<384x64xf32, #tpu.memory_space<vmem>>, vector<16xf32>,
        %parallel_loop3A_641 = arith.mulf %parallel_loop3A_640, %parallel_loop3A_621 : vector<16xf32>
        %parallel_loop3A_642 = arith.index_cast %parallel_loop3A_623 : i32 to index
        %parallel_loop3A_643 = arith.constant 32 : index
        %parallel_loop3A_644 = tpu.vector_load %arg8[%parallel_loop3A_642, %parallel_loop3A_643] {strides = array<i32>} : memref<384x64xf32, #tpu.memory_space<vmem>>, vector<16xf32>,
        tpu.vector_store %arg8[%parallel_loop3A_642, %parallel_loop3A_643], %parallel_loop3A_641 {strides = array<i32>} : memref<384x64xf32, #tpu.memory_space<vmem>>, vector<16xf32>,
        %parallel_loop3A_645 = arith.index_cast %parallel_loop3A_623 : i32 to index
        %parallel_loop3A_646 = arith.constant 48 : index
        %parallel_loop3A_647 = tpu.vector_load %arg8[%parallel_loop3A_645, %parallel_loop3A_646] {strides = array<i32>} : memref<384x64xf32, #tpu.memory_space<vmem>>, vector<16xf32>,
        %parallel_loop3A_648 = arith.mulf %parallel_loop3A_647, %parallel_loop3A_621 : vector<16xf32>
        %parallel_loop3A_649 = arith.index_cast %parallel_loop3A_623 : i32 to index
        %parallel_loop3A_650 = arith.constant 48 : index
        %parallel_loop3A_651 = tpu.vector_load %arg8[%parallel_loop3A_649, %parallel_loop3A_650] {strides = array<i32>} : memref<384x64xf32, #tpu.memory_space<vmem>>, vector<16xf32>,
        tpu.vector_store %arg8[%parallel_loop3A_649, %parallel_loop3A_650], %parallel_loop3A_648 {strides = array<i32>} : memref<384x64xf32, #tpu.memory_space<vmem>>, vector<16xf32>,
        %parallel_loop3A_652 = arith.constant 13 : i32
        %parallel_loop3A_653 = vector.broadcast %parallel_loop3A_652 : i32 to vector<16x1xi32>
        %parallel_loop3A_654 = vector.shape_cast %parallel_loop3A_653 : vector<16x1xi32> to vector<16xi32>
        %parallel_loop3A_655 = tpu.dynamic_gather %parallel_loop3A_204[%parallel_loop3A_654] in [0] : vector<16xf32>, vector<16xi32> -> vector<16xf32>
        %parallel_loop3A_656 = arith.constant 13 : i32
        %parallel_loop3A_657 = arith.addi %parallel_loop3A_209, %parallel_loop3A_656 : i32
        %parallel_loop3A_658 = arith.index_cast %parallel_loop3A_657 : i32 to index
        %parallel_loop3A_659 = arith.constant 0 : index
        %parallel_loop3A_660 = tpu.vector_load %arg8[%parallel_loop3A_658, %parallel_loop3A_659] {strides = array<i32>} : memref<384x64xf32, #tpu.memory_space<vmem>>, vector<16xf32>,
        %parallel_loop3A_661 = arith.mulf %parallel_loop3A_660, %parallel_loop3A_655 : vector<16xf32>
        %parallel_loop3A_662 = arith.index_cast %parallel_loop3A_657 : i32 to index
        %parallel_loop3A_663 = arith.constant 0 : index
        %parallel_loop3A_664 = tpu.vector_load %arg8[%parallel_loop3A_662, %parallel_loop3A_663] {strides = array<i32>} : memref<384x64xf32, #tpu.memory_space<vmem>>, vector<16xf32>,
        tpu.vector_store %arg8[%parallel_loop3A_662, %parallel_loop3A_663], %parallel_loop3A_661 {strides = array<i32>} : memref<384x64xf32, #tpu.memory_space<vmem>>, vector<16xf32>,
        %parallel_loop3A_665 = arith.index_cast %parallel_loop3A_657 : i32 to index
        %parallel_loop3A_666 = arith.constant 16 : index
        %parallel_loop3A_667 = tpu.vector_load %arg8[%parallel_loop3A_665, %parallel_loop3A_666] {strides = array<i32>} : memref<384x64xf32, #tpu.memory_space<vmem>>, vector<16xf32>,
        %parallel_loop3A_668 = arith.mulf %parallel_loop3A_667, %parallel_loop3A_655 : vector<16xf32>
        %parallel_loop3A_669 = arith.index_cast %parallel_loop3A_657 : i32 to index
        %parallel_loop3A_670 = arith.constant 16 : index
        %parallel_loop3A_671 = tpu.vector_load %arg8[%parallel_loop3A_669, %parallel_loop3A_670] {strides = array<i32>} : memref<384x64xf32, #tpu.memory_space<vmem>>, vector<16xf32>,
        tpu.vector_store %arg8[%parallel_loop3A_669, %parallel_loop3A_670], %parallel_loop3A_668 {strides = array<i32>} : memref<384x64xf32, #tpu.memory_space<vmem>>, vector<16xf32>,
        %parallel_loop3A_672 = arith.index_cast %parallel_loop3A_657 : i32 to index
        %parallel_loop3A_673 = arith.constant 32 : index
        %parallel_loop3A_674 = tpu.vector_load %arg8[%parallel_loop3A_672, %parallel_loop3A_673] {strides = array<i32>} : memref<384x64xf32, #tpu.memory_space<vmem>>, vector<16xf32>,
        %parallel_loop3A_675 = arith.mulf %parallel_loop3A_674, %parallel_loop3A_655 : vector<16xf32>
        %parallel_loop3A_676 = arith.index_cast %parallel_loop3A_657 : i32 to index
        %parallel_loop3A_677 = arith.constant 32 : index
        %parallel_loop3A_678 = tpu.vector_load %arg8[%parallel_loop3A_676, %parallel_loop3A_677] {strides = array<i32>} : memref<384x64xf32, #tpu.memory_space<vmem>>, vector<16xf32>,
        tpu.vector_store %arg8[%parallel_loop3A_676, %parallel_loop3A_677], %parallel_loop3A_675 {strides = array<i32>} : memref<384x64xf32, #tpu.memory_space<vmem>>, vector<16xf32>,
        %parallel_loop3A_679 = arith.index_cast %parallel_loop3A_657 : i32 to index
        %parallel_loop3A_680 = arith.constant 48 : index
        %parallel_loop3A_681 = tpu.vector_load %arg8[%parallel_loop3A_679, %parallel_loop3A_680] {strides = array<i32>} : memref<384x64xf32, #tpu.memory_space<vmem>>, vector<16xf32>,
        %parallel_loop3A_682 = arith.mulf %parallel_loop3A_681, %parallel_loop3A_655 : vector<16xf32>
        %parallel_loop3A_683 = arith.index_cast %parallel_loop3A_657 : i32 to index
        %parallel_loop3A_684 = arith.constant 48 : index
        %parallel_loop3A_685 = tpu.vector_load %arg8[%parallel_loop3A_683, %parallel_loop3A_684] {strides = array<i32>} : memref<384x64xf32, #tpu.memory_space<vmem>>, vector<16xf32>,
        tpu.vector_store %arg8[%parallel_loop3A_683, %parallel_loop3A_684], %parallel_loop3A_682 {strides = array<i32>} : memref<384x64xf32, #tpu.memory_space<vmem>>, vector<16xf32>,
        %parallel_loop3A_686 = arith.constant 14 : i32
        %parallel_loop3A_687 = vector.broadcast %parallel_loop3A_686 : i32 to vector<16x1xi32>
        %parallel_loop3A_688 = vector.shape_cast %parallel_loop3A_687 : vector<16x1xi32> to vector<16xi32>
        %parallel_loop3A_689 = tpu.dynamic_gather %parallel_loop3A_204[%parallel_loop3A_688] in [0] : vector<16xf32>, vector<16xi32> -> vector<16xf32>
        %parallel_loop3A_690 = arith.constant 14 : i32
        %parallel_loop3A_691 = arith.addi %parallel_loop3A_209, %parallel_loop3A_690 : i32
        %parallel_loop3A_692 = arith.index_cast %parallel_loop3A_691 : i32 to index
        %parallel_loop3A_693 = arith.constant 0 : index
        %parallel_loop3A_694 = tpu.vector_load %arg8[%parallel_loop3A_692, %parallel_loop3A_693] {strides = array<i32>} : memref<384x64xf32, #tpu.memory_space<vmem>>, vector<16xf32>,
        %parallel_loop3A_695 = arith.mulf %parallel_loop3A_694, %parallel_loop3A_689 : vector<16xf32>
        %parallel_loop3A_696 = arith.index_cast %parallel_loop3A_691 : i32 to index
        %parallel_loop3A_697 = arith.constant 0 : index
        %parallel_loop3A_698 = tpu.vector_load %arg8[%parallel_loop3A_696, %parallel_loop3A_697] {strides = array<i32>} : memref<384x64xf32, #tpu.memory_space<vmem>>, vector<16xf32>,
        tpu.vector_store %arg8[%parallel_loop3A_696, %parallel_loop3A_697], %parallel_loop3A_695 {strides = array<i32>} : memref<384x64xf32, #tpu.memory_space<vmem>>, vector<16xf32>,
        %parallel_loop3A_699 = arith.index_cast %parallel_loop3A_691 : i32 to index
        %parallel_loop3A_700 = arith.constant 16 : index
        %parallel_loop3A_701 = tpu.vector_load %arg8[%parallel_loop3A_699, %parallel_loop3A_700] {strides = array<i32>} : memref<384x64xf32, #tpu.memory_space<vmem>>, vector<16xf32>,
        %parallel_loop3A_702 = arith.mulf %parallel_loop3A_701, %parallel_loop3A_689 : vector<16xf32>
        %parallel_loop3A_703 = arith.index_cast %parallel_loop3A_691 : i32 to index
        %parallel_loop3A_704 = arith.constant 16 : index
        %parallel_loop3A_705 = tpu.vector_load %arg8[%parallel_loop3A_703, %parallel_loop3A_704] {strides = array<i32>} : memref<384x64xf32, #tpu.memory_space<vmem>>, vector<16xf32>,
        tpu.vector_store %arg8[%parallel_loop3A_703, %parallel_loop3A_704], %parallel_loop3A_702 {strides = array<i32>} : memref<384x64xf32, #tpu.memory_space<vmem>>, vector<16xf32>,
        %parallel_loop3A_706 = arith.index_cast %parallel_loop3A_691 : i32 to index
        %parallel_loop3A_707 = arith.constant 32 : index
        %parallel_loop3A_708 = tpu.vector_load %arg8[%parallel_loop3A_706, %parallel_loop3A_707] {strides = array<i32>} : memref<384x64xf32, #tpu.memory_space<vmem>>, vector<16xf32>,
        %parallel_loop3A_709 = arith.mulf %parallel_loop3A_708, %parallel_loop3A_689 : vector<16xf32>
        %parallel_loop3A_710 = arith.index_cast %parallel_loop3A_691 : i32 to index
        %parallel_loop3A_711 = arith.constant 32 : index
        %parallel_loop3A_712 = tpu.vector_load %arg8[%parallel_loop3A_710, %parallel_loop3A_711] {strides = array<i32>} : memref<384x64xf32, #tpu.memory_space<vmem>>, vector<16xf32>,
        tpu.vector_store %arg8[%parallel_loop3A_710, %parallel_loop3A_711], %parallel_loop3A_709 {strides = array<i32>} : memref<384x64xf32, #tpu.memory_space<vmem>>, vector<16xf32>,
        %parallel_loop3A_713 = arith.index_cast %parallel_loop3A_691 : i32 to index
        %parallel_loop3A_714 = arith.constant 48 : index
        %parallel_loop3A_715 = tpu.vector_load %arg8[%parallel_loop3A_713, %parallel_loop3A_714] {strides = array<i32>} : memref<384x64xf32, #tpu.memory_space<vmem>>, vector<16xf32>,
        %parallel_loop3A_716 = arith.mulf %parallel_loop3A_715, %parallel_loop3A_689 : vector<16xf32>
        %parallel_loop3A_717 = arith.index_cast %parallel_loop3A_691 : i32 to index
        %parallel_loop3A_718 = arith.constant 48 : index
        %parallel_loop3A_719 = tpu.vector_load %arg8[%parallel_loop3A_717, %parallel_loop3A_718] {strides = array<i32>} : memref<384x64xf32, #tpu.memory_space<vmem>>, vector<16xf32>,
        tpu.vector_store %arg8[%parallel_loop3A_717, %parallel_loop3A_718], %parallel_loop3A_716 {strides = array<i32>} : memref<384x64xf32, #tpu.memory_space<vmem>>, vector<16xf32>,
        %parallel_loop3A_720 = arith.constant 15 : i32
        %parallel_loop3A_721 = vector.broadcast %parallel_loop3A_720 : i32 to vector<16x1xi32>
        %parallel_loop3A_722 = vector.shape_cast %parallel_loop3A_721 : vector<16x1xi32> to vector<16xi32>
        %parallel_loop3A_723 = tpu.dynamic_gather %parallel_loop3A_204[%parallel_loop3A_722] in [0] : vector<16xf32>, vector<16xi32> -> vector<16xf32>
        %parallel_loop3A_724 = arith.constant 15 : i32
        %parallel_loop3A_725 = arith.addi %parallel_loop3A_209, %parallel_loop3A_724 : i32
        %parallel_loop3A_726 = arith.index_cast %parallel_loop3A_725 : i32 to index
        %parallel_loop3A_727 = arith.constant 0 : index
        %parallel_loop3A_728 = tpu.vector_load %arg8[%parallel_loop3A_726, %parallel_loop3A_727] {strides = array<i32>} : memref<384x64xf32, #tpu.memory_space<vmem>>, vector<16xf32>,
        %parallel_loop3A_729 = arith.mulf %parallel_loop3A_728, %parallel_loop3A_723 : vector<16xf32>
        %parallel_loop3A_730 = arith.index_cast %parallel_loop3A_725 : i32 to index
        %parallel_loop3A_731 = arith.constant 0 : index
        %parallel_loop3A_732 = tpu.vector_load %arg8[%parallel_loop3A_730, %parallel_loop3A_731] {strides = array<i32>} : memref<384x64xf32, #tpu.memory_space<vmem>>, vector<16xf32>,
        tpu.vector_store %arg8[%parallel_loop3A_730, %parallel_loop3A_731], %parallel_loop3A_729 {strides = array<i32>} : memref<384x64xf32, #tpu.memory_space<vmem>>, vector<16xf32>,
        %parallel_loop3A_733 = arith.index_cast %parallel_loop3A_725 : i32 to index
        %parallel_loop3A_734 = arith.constant 16 : index
        %parallel_loop3A_735 = tpu.vector_load %arg8[%parallel_loop3A_733, %parallel_loop3A_734] {strides = array<i32>} : memref<384x64xf32, #tpu.memory_space<vmem>>, vector<16xf32>,
        %parallel_loop3A_736 = arith.mulf %parallel_loop3A_735, %parallel_loop3A_723 : vector<16xf32>
        %parallel_loop3A_737 = arith.index_cast %parallel_loop3A_725 : i32 to index
        %parallel_loop3A_738 = arith.constant 16 : index
        %parallel_loop3A_739 = tpu.vector_load %arg8[%parallel_loop3A_737, %parallel_loop3A_738] {strides = array<i32>} : memref<384x64xf32, #tpu.memory_space<vmem>>, vector<16xf32>,
        tpu.vector_store %arg8[%parallel_loop3A_737, %parallel_loop3A_738], %parallel_loop3A_736 {strides = array<i32>} : memref<384x64xf32, #tpu.memory_space<vmem>>, vector<16xf32>,
        %parallel_loop3A_740 = arith.index_cast %parallel_loop3A_725 : i32 to index
        %parallel_loop3A_741 = arith.constant 32 : index
        %parallel_loop3A_742 = tpu.vector_load %arg8[%parallel_loop3A_740, %parallel_loop3A_741] {strides = array<i32>} : memref<384x64xf32, #tpu.memory_space<vmem>>, vector<16xf32>,
        %parallel_loop3A_743 = arith.mulf %parallel_loop3A_742, %parallel_loop3A_723 : vector<16xf32>
        %parallel_loop3A_744 = arith.index_cast %parallel_loop3A_725 : i32 to index
        %parallel_loop3A_745 = arith.constant 32 : index
        %parallel_loop3A_746 = tpu.vector_load %arg8[%parallel_loop3A_744, %parallel_loop3A_745] {strides = array<i32>} : memref<384x64xf32, #tpu.memory_space<vmem>>, vector<16xf32>,
        tpu.vector_store %arg8[%parallel_loop3A_744, %parallel_loop3A_745], %parallel_loop3A_743 {strides = array<i32>} : memref<384x64xf32, #tpu.memory_space<vmem>>, vector<16xf32>,
        %parallel_loop3A_747 = arith.index_cast %parallel_loop3A_725 : i32 to index
        %parallel_loop3A_748 = arith.constant 48 : index
        %parallel_loop3A_749 = tpu.vector_load %arg8[%parallel_loop3A_747, %parallel_loop3A_748] {strides = array<i32>} : memref<384x64xf32, #tpu.memory_space<vmem>>, vector<16xf32>,
        %parallel_loop3A_750 = arith.mulf %parallel_loop3A_749, %parallel_loop3A_723 : vector<16xf32>
        %parallel_loop3A_751 = arith.index_cast %parallel_loop3A_725 : i32 to index
        %parallel_loop3A_752 = arith.constant 48 : index
        %parallel_loop3A_753 = tpu.vector_load %arg8[%parallel_loop3A_751, %parallel_loop3A_752] {strides = array<i32>} : memref<384x64xf32, #tpu.memory_space<vmem>>, vector<16xf32>,
        tpu.vector_store %arg8[%parallel_loop3A_751, %parallel_loop3A_752], %parallel_loop3A_750 {strides = array<i32>} : memref<384x64xf32, #tpu.memory_space<vmem>>, vector<16xf32>,
      } {sc.loop_unroll_factor = 4 : i64, sc.parallel_access}
      %mul3A_174 = arith.constant 128 : i32
      %mul3A_175 = arith.muli %rem3A_117, %mul3A_174 : i32
      %add3A_176 = arith.constant 0 : i32
      %add3A_177 = arith.addi %mul3A_175, %add3A_176 : i32
      %mul3A_178 = arith.constant 4 : i32
      %mul3A_179 = arith.muli %rem3A_123, %mul3A_178 : i32
      %add3A_180 = arith.constant 1 : i32
      %add3A_181 = arith.addi %mul3A_179, %add3A_180 : i32
      %add3A_182 = arith.constant 0 : i32
      %add3A_183 = arith.addi %add3A_181, %add3A_182 : i32
      %dma_start3A_184 = arith.constant 0 : i32
      %dma_start3A_185 = tpu.memref_slice %arg8[%add3A_177, %dma_start3A_184] : memref<384x64xf32, #tpu.memory_space<vmem>> -> memref<128x64xf32, #tpu.memory_space<vmem>>
      %dma_start3A_186 = arith.constant 0 : i32
      %dma_start3A_187 = tpu.memref_slice %arg7[%add3A_183, %dma_start3A_186] : memref<16x128xi32, #tpu.memory_space<vmem>> -> memref<1x128xi32, #tpu.memory_space<vmem>>
      %dma_start3A_188 = tpu.memref_squeeze %dma_start3A_187 : memref<1x128xi32, #tpu.memory_space<vmem>> -> memref<128xi32, #tpu.memory_space<vmem>>
      %dma_start3A_189 = arith.constant 0 : i32
      %dma_start3A_190 = arith.constant 0 : i32
      %dma_start3A_191 = tpu.memref_slice %arg9[%dma_start3A_189, %dma_start3A_190] : memref<10240x64xf32, #tpu.memory_space<vmem_shared>> -> memref<10240x64xf32, #tpu.memory_space<vmem_shared>>
      tpu.enqueue_indirect_dma source(%dma_start3A_185 : memref<128x64xf32, #tpu.memory_space<vmem>>) target(%dma_start3A_191 : memref<10240x64xf32, #tpu.memory_space<vmem_shared>>) offsets(%dma_start3A_188 : memref<128xi32, #tpu.memory_space<vmem>>) semaphore(%arg11 : memref<!tpu.dma_semaphore, #tpu.memory_space<semaphore_mem>>) {add = true}
      %scan3A_192 = arith.constant 0 : i32
      scf.yield %scan3A_192 : i32
    }
    %scan3A_62 = arith.constant 160 : i32
    %mul3A_63 = arith.constant 2 : i32
    %mul3A_64 = arith.constant 128 : i32
    %mul3A_65 = arith.muli %mul3A_63, %mul3A_64 : i32
    %add3A_66 = arith.constant 0 : i32
    %add3A_67 = arith.addi %mul3A_65, %add3A_66 : i32
    %mul3A_68 = arith.constant 2 : i32
    %mul3A_69 = arith.constant 4 : i32
    %mul3A_70 = arith.muli %mul3A_68, %mul3A_69 : i32
    %add3A_71 = arith.constant 1 : i32
    %add3A_72 = arith.addi %mul3A_70, %add3A_71 : i32
    %add3A_73 = arith.constant 0 : i32
    %add3A_74 = arith.addi %add3A_72, %add3A_73 : i32
    %dma_wait3A = arith.constant 0 : i32
    %dma_wait3A_75 = tpu.memref_slice %arg8[%add3A_67, %dma_wait3A] : memref<384x64xf32, #tpu.memory_space<vmem>> -> memref<128x64xf32, #tpu.memory_space<vmem>>
    %dma_wait3A_76 = arith.constant 0 : i32
    %dma_wait3A_77 = tpu.memref_slice %arg7[%add3A_74, %dma_wait3A_76] : memref<16x128xi32, #tpu.memory_space<vmem>> -> memref<1x128xi32, #tpu.memory_space<vmem>>
    %dma_wait3A_78 = tpu.memref_squeeze %dma_wait3A_77 : memref<1x128xi32, #tpu.memory_space<vmem>> -> memref<128xi32, #tpu.memory_space<vmem>>
    %dma_wait3A_79 = arith.constant 0 : i32
    %dma_wait3A_80 = arith.constant 0 : i32
    %dma_wait3A_81 = tpu.memref_slice %arg9[%dma_wait3A_79, %dma_wait3A_80] : memref<10240x64xf32, #tpu.memory_space<vmem_shared>> -> memref<10240x64xf32, #tpu.memory_space<vmem_shared>>
    tpu.wait_indirect_dma semaphore(%arg11 : memref<!tpu.dma_semaphore, #tpu.memory_space<semaphore_mem>>) src(%dma_wait3A_75 : memref<128x64xf32, #tpu.memory_space<vmem>>) dst(%dma_wait3A_81 : memref<10240x64xf32, #tpu.memory_space<vmem_shared>>)
    %mul3A_82 = arith.constant 0 : i32
    %mul3A_83 = arith.constant 128 : i32
    %mul3A_84 = arith.muli %mul3A_82, %mul3A_83 : i32
    %add3A_85 = arith.constant 0 : i32
    %add3A_86 = arith.addi %mul3A_84, %add3A_85 : i32
    %mul3A_87 = arith.constant 3 : i32
    %mul3A_88 = arith.constant 4 : i32
    %mul3A_89 = arith.muli %mul3A_87, %mul3A_88 : i32
    %add3A_90 = arith.constant 1 : i32
    %add3A_91 = arith.addi %mul3A_89, %add3A_90 : i32
    %add3A_92 = arith.constant 0 : i32
    %add3A_93 = arith.addi %add3A_91, %add3A_92 : i32
    %dma_wait3A_94 = arith.constant 0 : i32
    %dma_wait3A_95 = tpu.memref_slice %arg8[%add3A_86, %dma_wait3A_94] : memref<384x64xf32, #tpu.memory_space<vmem>> -> memref<128x64xf32, #tpu.memory_space<vmem>>
    %dma_wait3A_96 = arith.constant 0 : i32
    %dma_wait3A_97 = tpu.memref_slice %arg7[%add3A_93, %dma_wait3A_96] : memref<16x128xi32, #tpu.memory_space<vmem>> -> memref<1x128xi32, #tpu.memory_space<vmem>>
    %dma_wait3A_98 = tpu.memref_squeeze %dma_wait3A_97 : memref<1x128xi32, #tpu.memory_space<vmem>> -> memref<128xi32, #tpu.memory_space<vmem>>
    %dma_wait3A_99 = arith.constant 0 : i32
    %dma_wait3A_100 = arith.constant 0 : i32
    %dma_wait3A_101 = tpu.memref_slice %arg9[%dma_wait3A_99, %dma_wait3A_100] : memref<10240x64xf32, #tpu.memory_space<vmem_shared>> -> memref<10240x64xf32, #tpu.memory_space<vmem_shared>>
    tpu.wait_indirect_dma semaphore(%arg11 : memref<!tpu.dma_semaphore, #tpu.memory_space<semaphore_mem>>) src(%dma_wait3A_95 : memref<128x64xf32, #tpu.memory_space<vmem>>) dst(%dma_wait3A_101 : memref<10240x64xf32, #tpu.memory_space<vmem_shared>>)
    %barrier3A_102 = arith.constant 0 : index
    tpu.barrier barrier_id(%barrier3A_102)
    %mul3A_103 = arith.constant 640 : i32
    %mul3A_104 = arith.muli %arg1, %mul3A_103 : i32
    %eq3A_105 = arith.constant 0 : i32
    %eq3A_106 = arith.cmpi eq, %arg0, %eq3A_105 : i32
    %convert_element_type3A_107 = arith.extui %eq3A_106 : i1 to i32
    %cond3A_108 = arith.constant 0 : i32
    %cond3A_109 = arith.cmpi ne, %convert_element_type3A_107, %cond3A_108 : i32
    scf.if %cond3A_109 {
      "tpu.region"() ({
        %run_scoped3A = tpu.sem_alloc : memref<!tpu.dma_semaphore, #tpu.memory_space<semaphore_mem>>
        %dma_start3A_115 = arith.constant 0 : i32
        %dma_start3A_116 = tpu.memref_slice %arg5[%mul3A_104, %dma_start3A_115] : memref<10240x64xf32, #tpu.memory_space<hbm>> -> memref<640x64xf32, #tpu.memory_space<hbm>>
        %dma_start3A_117 = arith.constant 0 : i32
        %dma_start3A_118 = tpu.memref_slice %arg9[%mul3A_104, %dma_start3A_117] : memref<10240x64xf32, #tpu.memory_space<vmem_shared>> -> memref<640x64xf32, #tpu.memory_space<vmem_shared>>
        tpu.enqueue_dma source(%dma_start3A_118 : memref<640x64xf32, #tpu.memory_space<vmem_shared>>) target(%dma_start3A_116 : memref<640x64xf32, #tpu.memory_space<hbm>>) target_semaphore(%run_scoped3A : memref<!tpu.dma_semaphore, #tpu.memory_space<semaphore_mem>>)
        %dma_wait3A_119 = arith.constant 0 : i32
        %dma_wait3A_120 = tpu.memref_slice %arg5[%mul3A_104, %dma_wait3A_119] : memref<10240x64xf32, #tpu.memory_space<hbm>> -> memref<640x64xf32, #tpu.memory_space<hbm>>
        %dma_wait3A_121 = arith.constant 0 : i32
        %dma_wait3A_122 = tpu.memref_slice %arg9[%mul3A_104, %dma_wait3A_121] : memref<10240x64xf32, #tpu.memory_space<vmem_shared>> -> memref<640x64xf32, #tpu.memory_space<vmem_shared>>
        tpu.wait_dma2 semaphore(%run_scoped3A : memref<!tpu.dma_semaphore, #tpu.memory_space<semaphore_mem>>) src(%dma_wait3A_122 : memref<640x64xf32, #tpu.memory_space<vmem_shared>>) dst(%dma_wait3A_120 : memref<640x64xf32, #tpu.memory_space<hbm>>)
        tpu.yield
      }) : () -> ()
    } else {
    }
    %eq3A_110 = arith.constant 1 : i32
    %eq3A_111 = arith.cmpi eq, %arg0, %eq3A_110 : i32
    %convert_element_type3A_112 = arith.extui %eq3A_111 : i1 to i32
    %cond3A_113 = arith.constant 0 : i32
    %cond3A_114 = arith.cmpi ne, %convert_element_type3A_112, %cond3A_113 : i32
    scf.if %cond3A_114 {
      "tpu.region"() ({
        %run_scoped3A = tpu.sem_alloc : memref<!tpu.dma_semaphore, #tpu.memory_space<semaphore_mem>>
        %dma_start3A_115 = arith.constant 0 : i32
        %dma_start3A_116 = tpu.memref_slice %arg6[%mul3A_104, %dma_start3A_115] : memref<10240x64xf32, #tpu.memory_space<hbm>> -> memref<640x64xf32, #tpu.memory_space<hbm>>
        %dma_start3A_117 = arith.constant 0 : i32
        %dma_start3A_118 = tpu.memref_slice %arg9[%mul3A_104, %dma_start3A_117] : memref<10240x64xf32, #tpu.memory_space<vmem_shared>> -> memref<640x64xf32, #tpu.memory_space<vmem_shared>>
        tpu.enqueue_dma source(%dma_start3A_118 : memref<640x64xf32, #tpu.memory_space<vmem_shared>>) target(%dma_start3A_116 : memref<640x64xf32, #tpu.memory_space<hbm>>) target_semaphore(%run_scoped3A : memref<!tpu.dma_semaphore, #tpu.memory_space<semaphore_mem>>)
        %dma_wait3A_119 = arith.constant 0 : i32
        %dma_wait3A_120 = tpu.memref_slice %arg6[%mul3A_104, %dma_wait3A_119] : memref<10240x64xf32, #tpu.memory_space<hbm>> -> memref<640x64xf32, #tpu.memory_space<hbm>>
        %dma_wait3A_121 = arith.constant 0 : i32
        %dma_wait3A_122 = tpu.memref_slice %arg9[%mul3A_104, %dma_wait3A_121] : memref<10240x64xf32, #tpu.memory_space<vmem_shared>> -> memref<640x64xf32, #tpu.memory_space<vmem_shared>>
        tpu.wait_dma2 semaphore(%run_scoped3A : memref<!tpu.dma_semaphore, #tpu.memory_space<semaphore_mem>>) src(%dma_wait3A_122 : memref<640x64xf32, #tpu.memory_space<vmem_shared>>) dst(%dma_wait3A_120 : memref<640x64xf32, #tpu.memory_space<hbm>>)
        tpu.yield
      }) : () -> ()
    } else {
    }
    return
  }
}

#map = affine_map<(d0, d1) -> (0, 0)>
#map1 = affine_map<(d0, d1) -> (0, 0, 0)>
module attributes {stable_mosaic.version = 14 : i64} {
  func.func @spmm(%arg0: i32, %arg1: i32, %arg2: memref<10240x16xf32, #tpu.memory_space<hbm>>, %arg3: memref<10240x16xf32, #tpu.memory_space<hbm>>, %arg4: memref<640x16x128xi32, #tpu.memory_space<hbm>>, %arg5: memref<10240x16xf32, #tpu.memory_space<hbm>>, %arg6: memref<10240x16xf32, #tpu.memory_space<hbm>>, %arg7: memref<80x128xi32, #tpu.memory_space<vmem>>, %arg8: memref<2048x16xf32, #tpu.memory_space<vmem>>, %arg9: memref<10240x16xf32, #tpu.memory_space<vmem_shared>>, %arg10: memref<!tpu.dma_semaphore, #tpu.memory_space<semaphore_mem>>, %arg11: memref<!tpu.dma_semaphore, #tpu.memory_space<semaphore_mem>>, %arg12: memref<!tpu.dma_semaphore, #tpu.memory_space<semaphore_mem>>) attributes {dimension_semantics = [#tpu.dimension_semantics<core_parallel>, #tpu.dimension_semantics<subcore_parallel>], iteration_bounds = array<i64: 2, 16>, scalar_prefetch = 0 : i64, scratch_operands = 6 : i64, tpu.core_type = #tpu.core_type<sc_vector_subcore>, window_params = [{transform_indices = #map}, {transform_indices = #map}, {transform_indices = #map1}, {transform_indices = #map}, {transform_indices = #map}]} {
    %broadcast_in_dim3A = arith.constant 0.000000e+00 : f32
    %broadcast_in_dim3A_0 = vector.broadcast %broadcast_in_dim3A : f32 to vector<16xf32>
    %scan3A = arith.constant 0 : i32
    %scan3A_1 = arith.constant 0 : i32
    %scan3A_2 = arith.constant 128 : i32
    %scan3A_3 = arith.addi %scan3A_1, %scan3A_2 : i32
    %scan3A_4 = arith.constant 1 : i32
    %scan3A_5 = scf.for %scan3A_366 = %scan3A_1 to %scan3A_3 step %scan3A_4 iter_args(%scan3A_367 = %scan3A) -> (i32)  : i32 {
      %swap3A = arith.index_cast %scan3A_366 : i32 to index
      %swap3A_368 = arith.constant 0 : index
      %swap3A_369 = tpu.vector_load %arg8[%swap3A, %swap3A_368] {strides = array<i32>} : memref<2048x16xf32, #tpu.memory_space<vmem>>, vector<16xf32>,
      tpu.vector_store %arg8[%swap3A, %swap3A_368], %broadcast_in_dim3A_0 {strides = array<i32>} : memref<2048x16xf32, #tpu.memory_space<vmem>>, vector<16xf32>,
      %scan3A_370 = arith.constant 0 : i32
      scf.yield %scan3A_370 : i32
    }
    %scan3A_6 = arith.constant 128 : i32
    %mul3A = arith.constant 640 : i32
    %mul3A_7 = arith.muli %arg1, %mul3A : i32
    %add3A = arith.constant 0 : i32
    %add3A_8 = arith.addi %mul3A_7, %add3A : i32
    "tpu.region"() ({
      %run_scoped3A = tpu.sem_alloc : memref<!tpu.dma_semaphore, #tpu.memory_space<semaphore_mem>>
      %dma_start3A_366 = arith.constant 0 : i32
      %dma_start3A_367 = arith.constant 0 : i32
      %dma_start3A_368 = tpu.memref_slice %arg8[%dma_start3A_366, %dma_start3A_367] : memref<2048x16xf32, #tpu.memory_space<vmem>> -> memref<128x16xf32, #tpu.memory_space<vmem>>
      %dma_start3A_369 = arith.constant 0 : i32
      %dma_start3A_370 = tpu.memref_slice %arg9[%add3A_8, %dma_start3A_369] : memref<10240x16xf32, #tpu.memory_space<vmem_shared>> -> memref<128x16xf32, #tpu.memory_space<vmem_shared>>
      %dma_start3A_371 = arith.constant 0 : i32
      %dma_start3A_372 = tpu.memref_slice %arg9[%add3A_8, %dma_start3A_371] : memref<10240x16xf32, #tpu.memory_space<vmem_shared>> -> memref<128x16xf32, #tpu.memory_space<vmem_shared>>
      %dma_start3A_373 = arith.constant 0 : i32
      %dma_start3A_374 = arith.constant 0 : i32
      %dma_start3A_375 = tpu.memref_slice %arg8[%dma_start3A_373, %dma_start3A_374] : memref<2048x16xf32, #tpu.memory_space<vmem>> -> memref<128x16xf32, #tpu.memory_space<vmem>>
      tpu.enqueue_dma source(%dma_start3A_375 : memref<128x16xf32, #tpu.memory_space<vmem>>) target(%dma_start3A_372 : memref<128x16xf32, #tpu.memory_space<vmem_shared>>) target_semaphore(%run_scoped3A : memref<!tpu.dma_semaphore, #tpu.memory_space<semaphore_mem>>)
      %dma_wait3A_376 = arith.constant 0 : i32
      %dma_wait3A_377 = arith.constant 0 : i32
      %dma_wait3A_378 = tpu.memref_slice %arg8[%dma_wait3A_376, %dma_wait3A_377] : memref<2048x16xf32, #tpu.memory_space<vmem>> -> memref<128x16xf32, #tpu.memory_space<vmem>>
      %dma_wait3A_379 = arith.constant 0 : i32
      %dma_wait3A_380 = tpu.memref_slice %arg9[%add3A_8, %dma_wait3A_379] : memref<10240x16xf32, #tpu.memory_space<vmem_shared>> -> memref<128x16xf32, #tpu.memory_space<vmem_shared>>
      %dma_wait3A_381 = arith.constant 0 : i32
      %dma_wait3A_382 = tpu.memref_slice %arg9[%add3A_8, %dma_wait3A_381] : memref<10240x16xf32, #tpu.memory_space<vmem_shared>> -> memref<128x16xf32, #tpu.memory_space<vmem_shared>>
      %dma_wait3A_383 = arith.constant 0 : i32
      %dma_wait3A_384 = arith.constant 0 : i32
      %dma_wait3A_385 = tpu.memref_slice %arg8[%dma_wait3A_383, %dma_wait3A_384] : memref<2048x16xf32, #tpu.memory_space<vmem>> -> memref<128x16xf32, #tpu.memory_space<vmem>>
      tpu.wait_dma2 semaphore(%run_scoped3A : memref<!tpu.dma_semaphore, #tpu.memory_space<semaphore_mem>>) src(%dma_wait3A_385 : memref<128x16xf32, #tpu.memory_space<vmem>>) dst(%dma_wait3A_382 : memref<128x16xf32, #tpu.memory_space<vmem_shared>>)
      tpu.yield
    }) : () -> ()
    %mul3A_9 = arith.constant 640 : i32
    %mul3A_10 = arith.muli %arg1, %mul3A_9 : i32
    %add3A_11 = arith.constant 128 : i32
    %add3A_12 = arith.addi %mul3A_10, %add3A_11 : i32
    "tpu.region"() ({
      %run_scoped3A = tpu.sem_alloc : memref<!tpu.dma_semaphore, #tpu.memory_space<semaphore_mem>>
      %dma_start3A_366 = arith.constant 0 : i32
      %dma_start3A_367 = arith.constant 0 : i32
      %dma_start3A_368 = tpu.memref_slice %arg8[%dma_start3A_366, %dma_start3A_367] : memref<2048x16xf32, #tpu.memory_space<vmem>> -> memref<128x16xf32, #tpu.memory_space<vmem>>
      %dma_start3A_369 = arith.constant 0 : i32
      %dma_start3A_370 = tpu.memref_slice %arg9[%add3A_12, %dma_start3A_369] : memref<10240x16xf32, #tpu.memory_space<vmem_shared>> -> memref<128x16xf32, #tpu.memory_space<vmem_shared>>
      %dma_start3A_371 = arith.constant 0 : i32
      %dma_start3A_372 = tpu.memref_slice %arg9[%add3A_12, %dma_start3A_371] : memref<10240x16xf32, #tpu.memory_space<vmem_shared>> -> memref<128x16xf32, #tpu.memory_space<vmem_shared>>
      %dma_start3A_373 = arith.constant 0 : i32
      %dma_start3A_374 = arith.constant 0 : i32
      %dma_start3A_375 = tpu.memref_slice %arg8[%dma_start3A_373, %dma_start3A_374] : memref<2048x16xf32, #tpu.memory_space<vmem>> -> memref<128x16xf32, #tpu.memory_space<vmem>>
      tpu.enqueue_dma source(%dma_start3A_375 : memref<128x16xf32, #tpu.memory_space<vmem>>) target(%dma_start3A_372 : memref<128x16xf32, #tpu.memory_space<vmem_shared>>) target_semaphore(%run_scoped3A : memref<!tpu.dma_semaphore, #tpu.memory_space<semaphore_mem>>)
      %dma_wait3A_376 = arith.constant 0 : i32
      %dma_wait3A_377 = arith.constant 0 : i32
      %dma_wait3A_378 = tpu.memref_slice %arg8[%dma_wait3A_376, %dma_wait3A_377] : memref<2048x16xf32, #tpu.memory_space<vmem>> -> memref<128x16xf32, #tpu.memory_space<vmem>>
      %dma_wait3A_379 = arith.constant 0 : i32
      %dma_wait3A_380 = tpu.memref_slice %arg9[%add3A_12, %dma_wait3A_379] : memref<10240x16xf32, #tpu.memory_space<vmem_shared>> -> memref<128x16xf32, #tpu.memory_space<vmem_shared>>
      %dma_wait3A_381 = arith.constant 0 : i32
      %dma_wait3A_382 = tpu.memref_slice %arg9[%add3A_12, %dma_wait3A_381] : memref<10240x16xf32, #tpu.memory_space<vmem_shared>> -> memref<128x16xf32, #tpu.memory_space<vmem_shared>>
      %dma_wait3A_383 = arith.constant 0 : i32
      %dma_wait3A_384 = arith.constant 0 : i32
      %dma_wait3A_385 = tpu.memref_slice %arg8[%dma_wait3A_383, %dma_wait3A_384] : memref<2048x16xf32, #tpu.memory_space<vmem>> -> memref<128x16xf32, #tpu.memory_space<vmem>>
      tpu.wait_dma2 semaphore(%run_scoped3A : memref<!tpu.dma_semaphore, #tpu.memory_space<semaphore_mem>>) src(%dma_wait3A_385 : memref<128x16xf32, #tpu.memory_space<vmem>>) dst(%dma_wait3A_382 : memref<128x16xf32, #tpu.memory_space<vmem_shared>>)
      tpu.yield
    }) : () -> ()
    %mul3A_13 = arith.constant 640 : i32
    %mul3A_14 = arith.muli %arg1, %mul3A_13 : i32
    %add3A_15 = arith.constant 256 : i32
    %add3A_16 = arith.addi %mul3A_14, %add3A_15 : i32
    "tpu.region"() ({
      %run_scoped3A = tpu.sem_alloc : memref<!tpu.dma_semaphore, #tpu.memory_space<semaphore_mem>>
      %dma_start3A_366 = arith.constant 0 : i32
      %dma_start3A_367 = arith.constant 0 : i32
      %dma_start3A_368 = tpu.memref_slice %arg8[%dma_start3A_366, %dma_start3A_367] : memref<2048x16xf32, #tpu.memory_space<vmem>> -> memref<128x16xf32, #tpu.memory_space<vmem>>
      %dma_start3A_369 = arith.constant 0 : i32
      %dma_start3A_370 = tpu.memref_slice %arg9[%add3A_16, %dma_start3A_369] : memref<10240x16xf32, #tpu.memory_space<vmem_shared>> -> memref<128x16xf32, #tpu.memory_space<vmem_shared>>
      %dma_start3A_371 = arith.constant 0 : i32
      %dma_start3A_372 = tpu.memref_slice %arg9[%add3A_16, %dma_start3A_371] : memref<10240x16xf32, #tpu.memory_space<vmem_shared>> -> memref<128x16xf32, #tpu.memory_space<vmem_shared>>
      %dma_start3A_373 = arith.constant 0 : i32
      %dma_start3A_374 = arith.constant 0 : i32
      %dma_start3A_375 = tpu.memref_slice %arg8[%dma_start3A_373, %dma_start3A_374] : memref<2048x16xf32, #tpu.memory_space<vmem>> -> memref<128x16xf32, #tpu.memory_space<vmem>>
      tpu.enqueue_dma source(%dma_start3A_375 : memref<128x16xf32, #tpu.memory_space<vmem>>) target(%dma_start3A_372 : memref<128x16xf32, #tpu.memory_space<vmem_shared>>) target_semaphore(%run_scoped3A : memref<!tpu.dma_semaphore, #tpu.memory_space<semaphore_mem>>)
      %dma_wait3A_376 = arith.constant 0 : i32
      %dma_wait3A_377 = arith.constant 0 : i32
      %dma_wait3A_378 = tpu.memref_slice %arg8[%dma_wait3A_376, %dma_wait3A_377] : memref<2048x16xf32, #tpu.memory_space<vmem>> -> memref<128x16xf32, #tpu.memory_space<vmem>>
      %dma_wait3A_379 = arith.constant 0 : i32
      %dma_wait3A_380 = tpu.memref_slice %arg9[%add3A_16, %dma_wait3A_379] : memref<10240x16xf32, #tpu.memory_space<vmem_shared>> -> memref<128x16xf32, #tpu.memory_space<vmem_shared>>
      %dma_wait3A_381 = arith.constant 0 : i32
      %dma_wait3A_382 = tpu.memref_slice %arg9[%add3A_16, %dma_wait3A_381] : memref<10240x16xf32, #tpu.memory_space<vmem_shared>> -> memref<128x16xf32, #tpu.memory_space<vmem_shared>>
      %dma_wait3A_383 = arith.constant 0 : i32
      %dma_wait3A_384 = arith.constant 0 : i32
      %dma_wait3A_385 = tpu.memref_slice %arg8[%dma_wait3A_383, %dma_wait3A_384] : memref<2048x16xf32, #tpu.memory_space<vmem>> -> memref<128x16xf32, #tpu.memory_space<vmem>>
      tpu.wait_dma2 semaphore(%run_scoped3A : memref<!tpu.dma_semaphore, #tpu.memory_space<semaphore_mem>>) src(%dma_wait3A_385 : memref<128x16xf32, #tpu.memory_space<vmem>>) dst(%dma_wait3A_382 : memref<128x16xf32, #tpu.memory_space<vmem_shared>>)
      tpu.yield
    }) : () -> ()
    %mul3A_17 = arith.constant 640 : i32
    %mul3A_18 = arith.muli %arg1, %mul3A_17 : i32
    %add3A_19 = arith.constant 384 : i32
    %add3A_20 = arith.addi %mul3A_18, %add3A_19 : i32
    "tpu.region"() ({
      %run_scoped3A = tpu.sem_alloc : memref<!tpu.dma_semaphore, #tpu.memory_space<semaphore_mem>>
      %dma_start3A_366 = arith.constant 0 : i32
      %dma_start3A_367 = arith.constant 0 : i32
      %dma_start3A_368 = tpu.memref_slice %arg8[%dma_start3A_366, %dma_start3A_367] : memref<2048x16xf32, #tpu.memory_space<vmem>> -> memref<128x16xf32, #tpu.memory_space<vmem>>
      %dma_start3A_369 = arith.constant 0 : i32
      %dma_start3A_370 = tpu.memref_slice %arg9[%add3A_20, %dma_start3A_369] : memref<10240x16xf32, #tpu.memory_space<vmem_shared>> -> memref<128x16xf32, #tpu.memory_space<vmem_shared>>
      %dma_start3A_371 = arith.constant 0 : i32
      %dma_start3A_372 = tpu.memref_slice %arg9[%add3A_20, %dma_start3A_371] : memref<10240x16xf32, #tpu.memory_space<vmem_shared>> -> memref<128x16xf32, #tpu.memory_space<vmem_shared>>
      %dma_start3A_373 = arith.constant 0 : i32
      %dma_start3A_374 = arith.constant 0 : i32
      %dma_start3A_375 = tpu.memref_slice %arg8[%dma_start3A_373, %dma_start3A_374] : memref<2048x16xf32, #tpu.memory_space<vmem>> -> memref<128x16xf32, #tpu.memory_space<vmem>>
      tpu.enqueue_dma source(%dma_start3A_375 : memref<128x16xf32, #tpu.memory_space<vmem>>) target(%dma_start3A_372 : memref<128x16xf32, #tpu.memory_space<vmem_shared>>) target_semaphore(%run_scoped3A : memref<!tpu.dma_semaphore, #tpu.memory_space<semaphore_mem>>)
      %dma_wait3A_376 = arith.constant 0 : i32
      %dma_wait3A_377 = arith.constant 0 : i32
      %dma_wait3A_378 = tpu.memref_slice %arg8[%dma_wait3A_376, %dma_wait3A_377] : memref<2048x16xf32, #tpu.memory_space<vmem>> -> memref<128x16xf32, #tpu.memory_space<vmem>>
      %dma_wait3A_379 = arith.constant 0 : i32
      %dma_wait3A_380 = tpu.memref_slice %arg9[%add3A_20, %dma_wait3A_379] : memref<10240x16xf32, #tpu.memory_space<vmem_shared>> -> memref<128x16xf32, #tpu.memory_space<vmem_shared>>
      %dma_wait3A_381 = arith.constant 0 : i32
      %dma_wait3A_382 = tpu.memref_slice %arg9[%add3A_20, %dma_wait3A_381] : memref<10240x16xf32, #tpu.memory_space<vmem_shared>> -> memref<128x16xf32, #tpu.memory_space<vmem_shared>>
      %dma_wait3A_383 = arith.constant 0 : i32
      %dma_wait3A_384 = arith.constant 0 : i32
      %dma_wait3A_385 = tpu.memref_slice %arg8[%dma_wait3A_383, %dma_wait3A_384] : memref<2048x16xf32, #tpu.memory_space<vmem>> -> memref<128x16xf32, #tpu.memory_space<vmem>>
      tpu.wait_dma2 semaphore(%run_scoped3A : memref<!tpu.dma_semaphore, #tpu.memory_space<semaphore_mem>>) src(%dma_wait3A_385 : memref<128x16xf32, #tpu.memory_space<vmem>>) dst(%dma_wait3A_382 : memref<128x16xf32, #tpu.memory_space<vmem_shared>>)
      tpu.yield
    }) : () -> ()
    %mul3A_21 = arith.constant 640 : i32
    %mul3A_22 = arith.muli %arg1, %mul3A_21 : i32
    %add3A_23 = arith.constant 512 : i32
    %add3A_24 = arith.addi %mul3A_22, %add3A_23 : i32
    "tpu.region"() ({
      %run_scoped3A = tpu.sem_alloc : memref<!tpu.dma_semaphore, #tpu.memory_space<semaphore_mem>>
      %dma_start3A_366 = arith.constant 0 : i32
      %dma_start3A_367 = arith.constant 0 : i32
      %dma_start3A_368 = tpu.memref_slice %arg8[%dma_start3A_366, %dma_start3A_367] : memref<2048x16xf32, #tpu.memory_space<vmem>> -> memref<128x16xf32, #tpu.memory_space<vmem>>
      %dma_start3A_369 = arith.constant 0 : i32
      %dma_start3A_370 = tpu.memref_slice %arg9[%add3A_24, %dma_start3A_369] : memref<10240x16xf32, #tpu.memory_space<vmem_shared>> -> memref<128x16xf32, #tpu.memory_space<vmem_shared>>
      %dma_start3A_371 = arith.constant 0 : i32
      %dma_start3A_372 = tpu.memref_slice %arg9[%add3A_24, %dma_start3A_371] : memref<10240x16xf32, #tpu.memory_space<vmem_shared>> -> memref<128x16xf32, #tpu.memory_space<vmem_shared>>
      %dma_start3A_373 = arith.constant 0 : i32
      %dma_start3A_374 = arith.constant 0 : i32
      %dma_start3A_375 = tpu.memref_slice %arg8[%dma_start3A_373, %dma_start3A_374] : memref<2048x16xf32, #tpu.memory_space<vmem>> -> memref<128x16xf32, #tpu.memory_space<vmem>>
      tpu.enqueue_dma source(%dma_start3A_375 : memref<128x16xf32, #tpu.memory_space<vmem>>) target(%dma_start3A_372 : memref<128x16xf32, #tpu.memory_space<vmem_shared>>) target_semaphore(%run_scoped3A : memref<!tpu.dma_semaphore, #tpu.memory_space<semaphore_mem>>)
      %dma_wait3A_376 = arith.constant 0 : i32
      %dma_wait3A_377 = arith.constant 0 : i32
      %dma_wait3A_378 = tpu.memref_slice %arg8[%dma_wait3A_376, %dma_wait3A_377] : memref<2048x16xf32, #tpu.memory_space<vmem>> -> memref<128x16xf32, #tpu.memory_space<vmem>>
      %dma_wait3A_379 = arith.constant 0 : i32
      %dma_wait3A_380 = tpu.memref_slice %arg9[%add3A_24, %dma_wait3A_379] : memref<10240x16xf32, #tpu.memory_space<vmem_shared>> -> memref<128x16xf32, #tpu.memory_space<vmem_shared>>
      %dma_wait3A_381 = arith.constant 0 : i32
      %dma_wait3A_382 = tpu.memref_slice %arg9[%add3A_24, %dma_wait3A_381] : memref<10240x16xf32, #tpu.memory_space<vmem_shared>> -> memref<128x16xf32, #tpu.memory_space<vmem_shared>>
      %dma_wait3A_383 = arith.constant 0 : i32
      %dma_wait3A_384 = arith.constant 0 : i32
      %dma_wait3A_385 = tpu.memref_slice %arg8[%dma_wait3A_383, %dma_wait3A_384] : memref<2048x16xf32, #tpu.memory_space<vmem>> -> memref<128x16xf32, #tpu.memory_space<vmem>>
      tpu.wait_dma2 semaphore(%run_scoped3A : memref<!tpu.dma_semaphore, #tpu.memory_space<semaphore_mem>>) src(%dma_wait3A_385 : memref<128x16xf32, #tpu.memory_space<vmem>>) dst(%dma_wait3A_382 : memref<128x16xf32, #tpu.memory_space<vmem_shared>>)
      tpu.yield
    }) : () -> ()
    %barrier3A = arith.constant 0 : index
    tpu.barrier barrier_id(%barrier3A)
    %mul3A_25 = arith.constant 40 : i32
    %mul3A_26 = arith.muli %arg1, %mul3A_25 : i32
    "tpu.region"() ({
      %run_scoped3A = tpu.sem_alloc : memref<!tpu.dma_semaphore, #tpu.memory_space<semaphore_mem>>
      %dma_start3A_366 = arith.constant 0 : i32
      %dma_start3A_367 = arith.constant 0 : i32
      %dma_start3A_368 = tpu.memref_slice %arg7[%dma_start3A_366, %dma_start3A_367] : memref<80x128xi32, #tpu.memory_space<vmem>> -> memref<16x128xi32, #tpu.memory_space<vmem>>
      %dma_start3A_369 = arith.constant 0 : i32
      %dma_start3A_370 = arith.constant 0 : i32
      %dma_start3A_371 = tpu.memref_slice %arg4[%mul3A_26, %dma_start3A_369, %dma_start3A_370] : memref<640x16x128xi32, #tpu.memory_space<hbm>> -> memref<1x16x128xi32, #tpu.memory_space<hbm>>
      %dma_start3A_372 = tpu.memref_squeeze %dma_start3A_371 : memref<1x16x128xi32, #tpu.memory_space<hbm>> -> memref<16x128xi32, #tpu.memory_space<hbm>>
      %dma_start3A_373 = arith.constant 0 : i32
      %dma_start3A_374 = arith.constant 0 : i32
      %dma_start3A_375 = tpu.memref_slice %arg7[%dma_start3A_373, %dma_start3A_374] : memref<80x128xi32, #tpu.memory_space<vmem>> -> memref<16x128xi32, #tpu.memory_space<vmem>>
      %dma_start3A_376 = arith.constant 0 : i32
      %dma_start3A_377 = arith.constant 0 : i32
      %dma_start3A_378 = tpu.memref_slice %arg4[%mul3A_26, %dma_start3A_376, %dma_start3A_377] : memref<640x16x128xi32, #tpu.memory_space<hbm>> -> memref<1x16x128xi32, #tpu.memory_space<hbm>>
      %dma_start3A_379 = tpu.memref_squeeze %dma_start3A_378 : memref<1x16x128xi32, #tpu.memory_space<hbm>> -> memref<16x128xi32, #tpu.memory_space<hbm>>
      tpu.enqueue_dma source(%dma_start3A_379 : memref<16x128xi32, #tpu.memory_space<hbm>>) target(%dma_start3A_375 : memref<16x128xi32, #tpu.memory_space<vmem>>) target_semaphore(%run_scoped3A : memref<!tpu.dma_semaphore, #tpu.memory_space<semaphore_mem>>)
      %dma_wait3A_380 = arith.constant 0 : i32
      %dma_wait3A_381 = arith.constant 0 : i32
      %dma_wait3A_382 = tpu.memref_slice %arg7[%dma_wait3A_380, %dma_wait3A_381] : memref<80x128xi32, #tpu.memory_space<vmem>> -> memref<16x128xi32, #tpu.memory_space<vmem>>
      %dma_wait3A_383 = arith.constant 0 : i32
      %dma_wait3A_384 = arith.constant 0 : i32
      %dma_wait3A_385 = tpu.memref_slice %arg4[%mul3A_26, %dma_wait3A_383, %dma_wait3A_384] : memref<640x16x128xi32, #tpu.memory_space<hbm>> -> memref<1x16x128xi32, #tpu.memory_space<hbm>>
      %dma_wait3A_386 = tpu.memref_squeeze %dma_wait3A_385 : memref<1x16x128xi32, #tpu.memory_space<hbm>> -> memref<16x128xi32, #tpu.memory_space<hbm>>
      %dma_wait3A_387 = arith.constant 0 : i32
      %dma_wait3A_388 = arith.constant 0 : i32
      %dma_wait3A_389 = tpu.memref_slice %arg7[%dma_wait3A_387, %dma_wait3A_388] : memref<80x128xi32, #tpu.memory_space<vmem>> -> memref<16x128xi32, #tpu.memory_space<vmem>>
      %dma_wait3A_390 = arith.constant 0 : i32
      %dma_wait3A_391 = arith.constant 0 : i32
      %dma_wait3A_392 = tpu.memref_slice %arg4[%mul3A_26, %dma_wait3A_390, %dma_wait3A_391] : memref<640x16x128xi32, #tpu.memory_space<hbm>> -> memref<1x16x128xi32, #tpu.memory_space<hbm>>
      %dma_wait3A_393 = tpu.memref_squeeze %dma_wait3A_392 : memref<1x16x128xi32, #tpu.memory_space<hbm>> -> memref<16x128xi32, #tpu.memory_space<hbm>>
      tpu.wait_dma2 semaphore(%run_scoped3A : memref<!tpu.dma_semaphore, #tpu.memory_space<semaphore_mem>>) src(%dma_wait3A_393 : memref<16x128xi32, #tpu.memory_space<hbm>>) dst(%dma_wait3A_389 : memref<16x128xi32, #tpu.memory_space<vmem>>)
      tpu.yield
    }) : () -> ()
    %mul3A_27 = arith.constant 0 : i32
    %mul3A_28 = arith.constant 512 : i32
    %mul3A_29 = arith.muli %mul3A_27, %mul3A_28 : i32
    %add3A_30 = arith.constant 0 : i32
    %add3A_31 = arith.addi %mul3A_29, %add3A_30 : i32
    %eq3A = arith.constant 0 : i32
    %eq3A_32 = arith.cmpi eq, %arg0, %eq3A : i32
    %convert_element_type3A = arith.extui %eq3A_32 : i1 to i32
    %cond3A = arith.constant 0 : i32
    %cond3A_33 = arith.constant 0 : i32
    %cond3A_34 = arith.cmpi ne, %convert_element_type3A, %cond3A_33 : i32
    scf.if %cond3A_34 {
      %mul3A_366 = arith.constant 16 : i32
      %mul3A_367 = arith.muli %cond3A, %mul3A_366 : i32
      %add3A_368 = arith.constant 0 : i32
      %add3A_369 = arith.addi %mul3A_367, %add3A_368 : i32
      %dma_start3A_370 = arith.constant 0 : i32
      %dma_start3A_371 = tpu.memref_slice %arg8[%add3A_31, %dma_start3A_370] : memref<2048x16xf32, #tpu.memory_space<vmem>> -> memref<128x16xf32, #tpu.memory_space<vmem>>
      %dma_start3A_372 = arith.constant 0 : i32
      %dma_start3A_373 = tpu.memref_slice %arg7[%add3A_369, %dma_start3A_372] : memref<80x128xi32, #tpu.memory_space<vmem>> -> memref<1x128xi32, #tpu.memory_space<vmem>>
      %dma_start3A_374 = tpu.memref_squeeze %dma_start3A_373 : memref<1x128xi32, #tpu.memory_space<vmem>> -> memref<128xi32, #tpu.memory_space<vmem>>
      %dma_start3A_375 = arith.constant 0 : i32
      %dma_start3A_376 = arith.constant 0 : i32
      %dma_start3A_377 = tpu.memref_slice %arg2[%dma_start3A_375, %dma_start3A_376] : memref<10240x16xf32, #tpu.memory_space<hbm>> -> memref<10240x16xf32, #tpu.memory_space<hbm>>
      tpu.enqueue_indirect_dma source(%dma_start3A_377 : memref<10240x16xf32, #tpu.memory_space<hbm>>) target(%dma_start3A_371 : memref<128x16xf32, #tpu.memory_space<vmem>>) offsets(%dma_start3A_374 : memref<128xi32, #tpu.memory_space<vmem>>) semaphore(%arg10 : memref<!tpu.dma_semaphore, #tpu.memory_space<semaphore_mem>>)
    } else {
    }
    %eq3A_35 = arith.constant 1 : i32
    %eq3A_36 = arith.cmpi eq, %arg0, %eq3A_35 : i32
    %convert_element_type3A_37 = arith.extui %eq3A_36 : i1 to i32
    %cond3A_38 = arith.constant 0 : i32
    %cond3A_39 = arith.constant 0 : i32
    %cond3A_40 = arith.cmpi ne, %convert_element_type3A_37, %cond3A_39 : i32
    scf.if %cond3A_40 {
      %mul3A_366 = arith.constant 16 : i32
      %mul3A_367 = arith.muli %cond3A_38, %mul3A_366 : i32
      %add3A_368 = arith.constant 0 : i32
      %add3A_369 = arith.addi %mul3A_367, %add3A_368 : i32
      %dma_start3A_370 = arith.constant 0 : i32
      %dma_start3A_371 = tpu.memref_slice %arg8[%add3A_31, %dma_start3A_370] : memref<2048x16xf32, #tpu.memory_space<vmem>> -> memref<128x16xf32, #tpu.memory_space<vmem>>
      %dma_start3A_372 = arith.constant 0 : i32
      %dma_start3A_373 = tpu.memref_slice %arg7[%add3A_369, %dma_start3A_372] : memref<80x128xi32, #tpu.memory_space<vmem>> -> memref<1x128xi32, #tpu.memory_space<vmem>>
      %dma_start3A_374 = tpu.memref_squeeze %dma_start3A_373 : memref<1x128xi32, #tpu.memory_space<vmem>> -> memref<128xi32, #tpu.memory_space<vmem>>
      %dma_start3A_375 = arith.constant 0 : i32
      %dma_start3A_376 = arith.constant 0 : i32
      %dma_start3A_377 = tpu.memref_slice %arg3[%dma_start3A_375, %dma_start3A_376] : memref<10240x16xf32, #tpu.memory_space<hbm>> -> memref<10240x16xf32, #tpu.memory_space<hbm>>
      tpu.enqueue_indirect_dma source(%dma_start3A_377 : memref<10240x16xf32, #tpu.memory_space<hbm>>) target(%dma_start3A_371 : memref<128x16xf32, #tpu.memory_space<vmem>>) offsets(%dma_start3A_374 : memref<128xi32, #tpu.memory_space<vmem>>) semaphore(%arg10 : memref<!tpu.dma_semaphore, #tpu.memory_space<semaphore_mem>>)
    } else {
    }
    %mul3A_41 = arith.constant 0 : i32
    %mul3A_42 = arith.constant 512 : i32
    %mul3A_43 = arith.muli %mul3A_41, %mul3A_42 : i32
    %add3A_44 = arith.constant 128 : i32
    %add3A_45 = arith.addi %mul3A_43, %add3A_44 : i32
    %eq3A_46 = arith.constant 0 : i32
    %eq3A_47 = arith.cmpi eq, %arg0, %eq3A_46 : i32
    %convert_element_type3A_48 = arith.extui %eq3A_47 : i1 to i32
    %cond3A_49 = arith.constant 0 : i32
    %cond3A_50 = arith.constant 0 : i32
    %cond3A_51 = arith.cmpi ne, %convert_element_type3A_48, %cond3A_50 : i32
    scf.if %cond3A_51 {
      %mul3A_366 = arith.constant 16 : i32
      %mul3A_367 = arith.muli %cond3A_49, %mul3A_366 : i32
      %add3A_368 = arith.constant 1 : i32
      %add3A_369 = arith.addi %mul3A_367, %add3A_368 : i32
      %dma_start3A_370 = arith.constant 0 : i32
      %dma_start3A_371 = tpu.memref_slice %arg8[%add3A_45, %dma_start3A_370] : memref<2048x16xf32, #tpu.memory_space<vmem>> -> memref<128x16xf32, #tpu.memory_space<vmem>>
      %dma_start3A_372 = arith.constant 0 : i32
      %dma_start3A_373 = tpu.memref_slice %arg7[%add3A_369, %dma_start3A_372] : memref<80x128xi32, #tpu.memory_space<vmem>> -> memref<1x128xi32, #tpu.memory_space<vmem>>
      %dma_start3A_374 = tpu.memref_squeeze %dma_start3A_373 : memref<1x128xi32, #tpu.memory_space<vmem>> -> memref<128xi32, #tpu.memory_space<vmem>>
      %dma_start3A_375 = arith.constant 0 : i32
      %dma_start3A_376 = arith.constant 0 : i32
      %dma_start3A_377 = tpu.memref_slice %arg2[%dma_start3A_375, %dma_start3A_376] : memref<10240x16xf32, #tpu.memory_space<hbm>> -> memref<10240x16xf32, #tpu.memory_space<hbm>>
      tpu.enqueue_indirect_dma source(%dma_start3A_377 : memref<10240x16xf32, #tpu.memory_space<hbm>>) target(%dma_start3A_371 : memref<128x16xf32, #tpu.memory_space<vmem>>) offsets(%dma_start3A_374 : memref<128xi32, #tpu.memory_space<vmem>>) semaphore(%arg10 : memref<!tpu.dma_semaphore, #tpu.memory_space<semaphore_mem>>)
    } else {
    }
    %eq3A_52 = arith.constant 1 : i32
    %eq3A_53 = arith.cmpi eq, %arg0, %eq3A_52 : i32
    %convert_element_type3A_54 = arith.extui %eq3A_53 : i1 to i32
    %cond3A_55 = arith.constant 0 : i32
    %cond3A_56 = arith.constant 0 : i32
    %cond3A_57 = arith.cmpi ne, %convert_element_type3A_54, %cond3A_56 : i32
    scf.if %cond3A_57 {
      %mul3A_366 = arith.constant 16 : i32
      %mul3A_367 = arith.muli %cond3A_55, %mul3A_366 : i32
      %add3A_368 = arith.constant 1 : i32
      %add3A_369 = arith.addi %mul3A_367, %add3A_368 : i32
      %dma_start3A_370 = arith.constant 0 : i32
      %dma_start3A_371 = tpu.memref_slice %arg8[%add3A_45, %dma_start3A_370] : memref<2048x16xf32, #tpu.memory_space<vmem>> -> memref<128x16xf32, #tpu.memory_space<vmem>>
      %dma_start3A_372 = arith.constant 0 : i32
      %dma_start3A_373 = tpu.memref_slice %arg7[%add3A_369, %dma_start3A_372] : memref<80x128xi32, #tpu.memory_space<vmem>> -> memref<1x128xi32, #tpu.memory_space<vmem>>
      %dma_start3A_374 = tpu.memref_squeeze %dma_start3A_373 : memref<1x128xi32, #tpu.memory_space<vmem>> -> memref<128xi32, #tpu.memory_space<vmem>>
      %dma_start3A_375 = arith.constant 0 : i32
      %dma_start3A_376 = arith.constant 0 : i32
      %dma_start3A_377 = tpu.memref_slice %arg3[%dma_start3A_375, %dma_start3A_376] : memref<10240x16xf32, #tpu.memory_space<hbm>> -> memref<10240x16xf32, #tpu.memory_space<hbm>>
      tpu.enqueue_indirect_dma source(%dma_start3A_377 : memref<10240x16xf32, #tpu.memory_space<hbm>>) target(%dma_start3A_371 : memref<128x16xf32, #tpu.memory_space<vmem>>) offsets(%dma_start3A_374 : memref<128xi32, #tpu.memory_space<vmem>>) semaphore(%arg10 : memref<!tpu.dma_semaphore, #tpu.memory_space<semaphore_mem>>)
    } else {
    }
    %mul3A_58 = arith.constant 0 : i32
    %mul3A_59 = arith.constant 512 : i32
    %mul3A_60 = arith.muli %mul3A_58, %mul3A_59 : i32
    %add3A_61 = arith.constant 256 : i32
    %add3A_62 = arith.addi %mul3A_60, %add3A_61 : i32
    %eq3A_63 = arith.constant 0 : i32
    %eq3A_64 = arith.cmpi eq, %arg0, %eq3A_63 : i32
    %convert_element_type3A_65 = arith.extui %eq3A_64 : i1 to i32
    %cond3A_66 = arith.constant 0 : i32
    %cond3A_67 = arith.constant 0 : i32
    %cond3A_68 = arith.cmpi ne, %convert_element_type3A_65, %cond3A_67 : i32
    scf.if %cond3A_68 {
      %mul3A_366 = arith.constant 16 : i32
      %mul3A_367 = arith.muli %cond3A_66, %mul3A_366 : i32
      %add3A_368 = arith.constant 2 : i32
      %add3A_369 = arith.addi %mul3A_367, %add3A_368 : i32
      %dma_start3A_370 = arith.constant 0 : i32
      %dma_start3A_371 = tpu.memref_slice %arg8[%add3A_62, %dma_start3A_370] : memref<2048x16xf32, #tpu.memory_space<vmem>> -> memref<128x16xf32, #tpu.memory_space<vmem>>
      %dma_start3A_372 = arith.constant 0 : i32
      %dma_start3A_373 = tpu.memref_slice %arg7[%add3A_369, %dma_start3A_372] : memref<80x128xi32, #tpu.memory_space<vmem>> -> memref<1x128xi32, #tpu.memory_space<vmem>>
      %dma_start3A_374 = tpu.memref_squeeze %dma_start3A_373 : memref<1x128xi32, #tpu.memory_space<vmem>> -> memref<128xi32, #tpu.memory_space<vmem>>
      %dma_start3A_375 = arith.constant 0 : i32
      %dma_start3A_376 = arith.constant 0 : i32
      %dma_start3A_377 = tpu.memref_slice %arg2[%dma_start3A_375, %dma_start3A_376] : memref<10240x16xf32, #tpu.memory_space<hbm>> -> memref<10240x16xf32, #tpu.memory_space<hbm>>
      tpu.enqueue_indirect_dma source(%dma_start3A_377 : memref<10240x16xf32, #tpu.memory_space<hbm>>) target(%dma_start3A_371 : memref<128x16xf32, #tpu.memory_space<vmem>>) offsets(%dma_start3A_374 : memref<128xi32, #tpu.memory_space<vmem>>) semaphore(%arg10 : memref<!tpu.dma_semaphore, #tpu.memory_space<semaphore_mem>>)
    } else {
    }
    %eq3A_69 = arith.constant 1 : i32
    %eq3A_70 = arith.cmpi eq, %arg0, %eq3A_69 : i32
    %convert_element_type3A_71 = arith.extui %eq3A_70 : i1 to i32
    %cond3A_72 = arith.constant 0 : i32
    %cond3A_73 = arith.constant 0 : i32
    %cond3A_74 = arith.cmpi ne, %convert_element_type3A_71, %cond3A_73 : i32
    scf.if %cond3A_74 {
      %mul3A_366 = arith.constant 16 : i32
      %mul3A_367 = arith.muli %cond3A_72, %mul3A_366 : i32
      %add3A_368 = arith.constant 2 : i32
      %add3A_369 = arith.addi %mul3A_367, %add3A_368 : i32
      %dma_start3A_370 = arith.constant 0 : i32
      %dma_start3A_371 = tpu.memref_slice %arg8[%add3A_62, %dma_start3A_370] : memref<2048x16xf32, #tpu.memory_space<vmem>> -> memref<128x16xf32, #tpu.memory_space<vmem>>
      %dma_start3A_372 = arith.constant 0 : i32
      %dma_start3A_373 = tpu.memref_slice %arg7[%add3A_369, %dma_start3A_372] : memref<80x128xi32, #tpu.memory_space<vmem>> -> memref<1x128xi32, #tpu.memory_space<vmem>>
      %dma_start3A_374 = tpu.memref_squeeze %dma_start3A_373 : memref<1x128xi32, #tpu.memory_space<vmem>> -> memref<128xi32, #tpu.memory_space<vmem>>
      %dma_start3A_375 = arith.constant 0 : i32
      %dma_start3A_376 = arith.constant 0 : i32
      %dma_start3A_377 = tpu.memref_slice %arg3[%dma_start3A_375, %dma_start3A_376] : memref<10240x16xf32, #tpu.memory_space<hbm>> -> memref<10240x16xf32, #tpu.memory_space<hbm>>
      tpu.enqueue_indirect_dma source(%dma_start3A_377 : memref<10240x16xf32, #tpu.memory_space<hbm>>) target(%dma_start3A_371 : memref<128x16xf32, #tpu.memory_space<vmem>>) offsets(%dma_start3A_374 : memref<128xi32, #tpu.memory_space<vmem>>) semaphore(%arg10 : memref<!tpu.dma_semaphore, #tpu.memory_space<semaphore_mem>>)
    } else {
    }
    %mul3A_75 = arith.constant 0 : i32
    %mul3A_76 = arith.constant 512 : i32
    %mul3A_77 = arith.muli %mul3A_75, %mul3A_76 : i32
    %add3A_78 = arith.constant 384 : i32
    %add3A_79 = arith.addi %mul3A_77, %add3A_78 : i32
    %eq3A_80 = arith.constant 0 : i32
    %eq3A_81 = arith.cmpi eq, %arg0, %eq3A_80 : i32
    %convert_element_type3A_82 = arith.extui %eq3A_81 : i1 to i32
    %cond3A_83 = arith.constant 0 : i32
    %cond3A_84 = arith.constant 0 : i32
    %cond3A_85 = arith.cmpi ne, %convert_element_type3A_82, %cond3A_84 : i32
    scf.if %cond3A_85 {
      %mul3A_366 = arith.constant 16 : i32
      %mul3A_367 = arith.muli %cond3A_83, %mul3A_366 : i32
      %add3A_368 = arith.constant 3 : i32
      %add3A_369 = arith.addi %mul3A_367, %add3A_368 : i32
      %dma_start3A_370 = arith.constant 0 : i32
      %dma_start3A_371 = tpu.memref_slice %arg8[%add3A_79, %dma_start3A_370] : memref<2048x16xf32, #tpu.memory_space<vmem>> -> memref<128x16xf32, #tpu.memory_space<vmem>>
      %dma_start3A_372 = arith.constant 0 : i32
      %dma_start3A_373 = tpu.memref_slice %arg7[%add3A_369, %dma_start3A_372] : memref<80x128xi32, #tpu.memory_space<vmem>> -> memref<1x128xi32, #tpu.memory_space<vmem>>
      %dma_start3A_374 = tpu.memref_squeeze %dma_start3A_373 : memref<1x128xi32, #tpu.memory_space<vmem>> -> memref<128xi32, #tpu.memory_space<vmem>>
      %dma_start3A_375 = arith.constant 0 : i32
      %dma_start3A_376 = arith.constant 0 : i32
      %dma_start3A_377 = tpu.memref_slice %arg2[%dma_start3A_375, %dma_start3A_376] : memref<10240x16xf32, #tpu.memory_space<hbm>> -> memref<10240x16xf32, #tpu.memory_space<hbm>>
      tpu.enqueue_indirect_dma source(%dma_start3A_377 : memref<10240x16xf32, #tpu.memory_space<hbm>>) target(%dma_start3A_371 : memref<128x16xf32, #tpu.memory_space<vmem>>) offsets(%dma_start3A_374 : memref<128xi32, #tpu.memory_space<vmem>>) semaphore(%arg10 : memref<!tpu.dma_semaphore, #tpu.memory_space<semaphore_mem>>)
    } else {
    }
    %eq3A_86 = arith.constant 1 : i32
    %eq3A_87 = arith.cmpi eq, %arg0, %eq3A_86 : i32
    %convert_element_type3A_88 = arith.extui %eq3A_87 : i1 to i32
    %cond3A_89 = arith.constant 0 : i32
    %cond3A_90 = arith.constant 0 : i32
    %cond3A_91 = arith.cmpi ne, %convert_element_type3A_88, %cond3A_90 : i32
    scf.if %cond3A_91 {
      %mul3A_366 = arith.constant 16 : i32
      %mul3A_367 = arith.muli %cond3A_89, %mul3A_366 : i32
      %add3A_368 = arith.constant 3 : i32
      %add3A_369 = arith.addi %mul3A_367, %add3A_368 : i32
      %dma_start3A_370 = arith.constant 0 : i32
      %dma_start3A_371 = tpu.memref_slice %arg8[%add3A_79, %dma_start3A_370] : memref<2048x16xf32, #tpu.memory_space<vmem>> -> memref<128x16xf32, #tpu.memory_space<vmem>>
      %dma_start3A_372 = arith.constant 0 : i32
      %dma_start3A_373 = tpu.memref_slice %arg7[%add3A_369, %dma_start3A_372] : memref<80x128xi32, #tpu.memory_space<vmem>> -> memref<1x128xi32, #tpu.memory_space<vmem>>
      %dma_start3A_374 = tpu.memref_squeeze %dma_start3A_373 : memref<1x128xi32, #tpu.memory_space<vmem>> -> memref<128xi32, #tpu.memory_space<vmem>>
      %dma_start3A_375 = arith.constant 0 : i32
      %dma_start3A_376 = arith.constant 0 : i32
      %dma_start3A_377 = tpu.memref_slice %arg3[%dma_start3A_375, %dma_start3A_376] : memref<10240x16xf32, #tpu.memory_space<hbm>> -> memref<10240x16xf32, #tpu.memory_space<hbm>>
      tpu.enqueue_indirect_dma source(%dma_start3A_377 : memref<10240x16xf32, #tpu.memory_space<hbm>>) target(%dma_start3A_371 : memref<128x16xf32, #tpu.memory_space<vmem>>) offsets(%dma_start3A_374 : memref<128xi32, #tpu.memory_space<vmem>>) semaphore(%arg10 : memref<!tpu.dma_semaphore, #tpu.memory_space<semaphore_mem>>)
    } else {
    }
    %add3A_92 = arith.constant 1 : i32
    %add3A_93 = arith.addi %mul3A_26, %add3A_92 : i32
    %dma_start3A = arith.constant 16 : i32
    %dma_start3A_94 = arith.constant 0 : i32
    %dma_start3A_95 = tpu.memref_slice %arg7[%dma_start3A, %dma_start3A_94] : memref<80x128xi32, #tpu.memory_space<vmem>> -> memref<16x128xi32, #tpu.memory_space<vmem>>
    %dma_start3A_96 = arith.constant 0 : i32
    %dma_start3A_97 = arith.constant 0 : i32
    %dma_start3A_98 = tpu.memref_slice %arg4[%add3A_93, %dma_start3A_96, %dma_start3A_97] : memref<640x16x128xi32, #tpu.memory_space<hbm>> -> memref<1x16x128xi32, #tpu.memory_space<hbm>>
    %dma_start3A_99 = tpu.memref_squeeze %dma_start3A_98 : memref<1x16x128xi32, #tpu.memory_space<hbm>> -> memref<16x128xi32, #tpu.memory_space<hbm>>
    %dma_start3A_100 = arith.constant 16 : i32
    %dma_start3A_101 = arith.constant 0 : i32
    %dma_start3A_102 = tpu.memref_slice %arg7[%dma_start3A_100, %dma_start3A_101] : memref<80x128xi32, #tpu.memory_space<vmem>> -> memref<16x128xi32, #tpu.memory_space<vmem>>
    %dma_start3A_103 = arith.constant 0 : i32
    %dma_start3A_104 = arith.constant 0 : i32
    %dma_start3A_105 = tpu.memref_slice %arg4[%add3A_93, %dma_start3A_103, %dma_start3A_104] : memref<640x16x128xi32, #tpu.memory_space<hbm>> -> memref<1x16x128xi32, #tpu.memory_space<hbm>>
    %dma_start3A_106 = tpu.memref_squeeze %dma_start3A_105 : memref<1x16x128xi32, #tpu.memory_space<hbm>> -> memref<16x128xi32, #tpu.memory_space<hbm>>
    tpu.enqueue_dma source(%dma_start3A_106 : memref<16x128xi32, #tpu.memory_space<hbm>>) target(%dma_start3A_102 : memref<16x128xi32, #tpu.memory_space<vmem>>) target_semaphore(%arg12 : memref<!tpu.dma_semaphore, #tpu.memory_space<semaphore_mem>>)
    %scan3A_107 = arith.constant 0 : i32
    %scan3A_108 = arith.constant 0 : i32
    %scan3A_109 = arith.constant 40 : i32
    %scan3A_110 = arith.addi %scan3A_108, %scan3A_109 : i32
    %scan3A_111 = arith.constant 1 : i32
    %scan3A_112 = scf.for %scan3A_366 = %scan3A_108 to %scan3A_110 step %scan3A_111 iter_args(%scan3A_367 = %scan3A_107) -> (i32)  : i32 {
      %rem3A = arith.constant 4 : i32
      %rem3A_368 = arith.remsi %scan3A_366, %rem3A : i32
      %add3A_369 = arith.constant 1 : i32
      %add3A_370 = arith.addi %scan3A_366, %add3A_369 : i32
      %rem3A_371 = arith.constant 4 : i32
      %rem3A_372 = arith.remsi %add3A_370, %rem3A_371 : i32
      %rem3A_373 = arith.constant 5 : i32
      %rem3A_374 = arith.remsi %scan3A_366, %rem3A_373 : i32
      %add3A_375 = arith.constant 1 : i32
      %add3A_376 = arith.addi %scan3A_366, %add3A_375 : i32
      %rem3A_377 = arith.constant 5 : i32
      %rem3A_378 = arith.remsi %add3A_376, %rem3A_377 : i32
      %add3A_379 = arith.constant 2 : i32
      %add3A_380 = arith.addi %scan3A_366, %add3A_379 : i32
      %rem3A_381 = arith.constant 5 : i32
      %rem3A_382 = arith.remsi %add3A_380, %rem3A_381 : i32
      %mul3A_383 = arith.constant 16 : i32
      %mul3A_384 = arith.muli %rem3A_374, %mul3A_383 : i32
      %add3A_385 = arith.constant 0 : i32
      %add3A_386 = arith.addi %mul3A_384, %add3A_385 : i32
      %mul3A_387 = arith.constant 512 : i32
      %mul3A_388 = arith.muli %rem3A_368, %mul3A_387 : i32
      %add3A_389 = arith.constant 0 : i32
      %add3A_390 = arith.addi %mul3A_388, %add3A_389 : i32
      %dma_wait3A_391 = arith.constant 0 : i32
      %dma_wait3A_392 = tpu.memref_slice %arg8[%add3A_390, %dma_wait3A_391] : memref<2048x16xf32, #tpu.memory_space<vmem>> -> memref<128x16xf32, #tpu.memory_space<vmem>>
      %dma_wait3A_393 = arith.constant 0 : i32
      %dma_wait3A_394 = tpu.memref_slice %arg7[%add3A_386, %dma_wait3A_393] : memref<80x128xi32, #tpu.memory_space<vmem>> -> memref<1x128xi32, #tpu.memory_space<vmem>>
      %dma_wait3A_395 = tpu.memref_squeeze %dma_wait3A_394 : memref<1x128xi32, #tpu.memory_space<vmem>> -> memref<128xi32, #tpu.memory_space<vmem>>
      %dma_wait3A_396 = arith.constant 0 : i32
      %dma_wait3A_397 = arith.constant 0 : i32
      %dma_wait3A_398 = tpu.memref_slice %arg2[%dma_wait3A_396, %dma_wait3A_397] : memref<10240x16xf32, #tpu.memory_space<hbm>> -> memref<10240x16xf32, #tpu.memory_space<hbm>>
      tpu.wait_indirect_dma semaphore(%arg10 : memref<!tpu.dma_semaphore, #tpu.memory_space<semaphore_mem>>) src(%dma_wait3A_398 : memref<10240x16xf32, #tpu.memory_space<hbm>>) dst(%dma_wait3A_392 : memref<128x16xf32, #tpu.memory_space<vmem>>)
      %mul3A_399 = arith.constant 16 : i32
      %mul3A_400 = arith.muli %rem3A_374, %mul3A_399 : i32
      %add3A_401 = arith.constant 1 : i32
      %add3A_402 = arith.addi %mul3A_400, %add3A_401 : i32
      %mul3A_403 = arith.constant 512 : i32
      %mul3A_404 = arith.muli %rem3A_368, %mul3A_403 : i32
      %add3A_405 = arith.constant 128 : i32
      %add3A_406 = arith.addi %mul3A_404, %add3A_405 : i32
      %dma_wait3A_407 = arith.constant 0 : i32
      %dma_wait3A_408 = tpu.memref_slice %arg8[%add3A_406, %dma_wait3A_407] : memref<2048x16xf32, #tpu.memory_space<vmem>> -> memref<128x16xf32, #tpu.memory_space<vmem>>
      %dma_wait3A_409 = arith.constant 0 : i32
      %dma_wait3A_410 = tpu.memref_slice %arg7[%add3A_402, %dma_wait3A_409] : memref<80x128xi32, #tpu.memory_space<vmem>> -> memref<1x128xi32, #tpu.memory_space<vmem>>
      %dma_wait3A_411 = tpu.memref_squeeze %dma_wait3A_410 : memref<1x128xi32, #tpu.memory_space<vmem>> -> memref<128xi32, #tpu.memory_space<vmem>>
      %dma_wait3A_412 = arith.constant 0 : i32
      %dma_wait3A_413 = arith.constant 0 : i32
      %dma_wait3A_414 = tpu.memref_slice %arg2[%dma_wait3A_412, %dma_wait3A_413] : memref<10240x16xf32, #tpu.memory_space<hbm>> -> memref<10240x16xf32, #tpu.memory_space<hbm>>
      tpu.wait_indirect_dma semaphore(%arg10 : memref<!tpu.dma_semaphore, #tpu.memory_space<semaphore_mem>>) src(%dma_wait3A_414 : memref<10240x16xf32, #tpu.memory_space<hbm>>) dst(%dma_wait3A_408 : memref<128x16xf32, #tpu.memory_space<vmem>>)
      %mul3A_415 = arith.constant 16 : i32
      %mul3A_416 = arith.muli %rem3A_374, %mul3A_415 : i32
      %add3A_417 = arith.constant 2 : i32
      %add3A_418 = arith.addi %mul3A_416, %add3A_417 : i32
      %mul3A_419 = arith.constant 512 : i32
      %mul3A_420 = arith.muli %rem3A_368, %mul3A_419 : i32
      %add3A_421 = arith.constant 256 : i32
      %add3A_422 = arith.addi %mul3A_420, %add3A_421 : i32
      %dma_wait3A_423 = arith.constant 0 : i32
      %dma_wait3A_424 = tpu.memref_slice %arg8[%add3A_422, %dma_wait3A_423] : memref<2048x16xf32, #tpu.memory_space<vmem>> -> memref<128x16xf32, #tpu.memory_space<vmem>>
      %dma_wait3A_425 = arith.constant 0 : i32
      %dma_wait3A_426 = tpu.memref_slice %arg7[%add3A_418, %dma_wait3A_425] : memref<80x128xi32, #tpu.memory_space<vmem>> -> memref<1x128xi32, #tpu.memory_space<vmem>>
      %dma_wait3A_427 = tpu.memref_squeeze %dma_wait3A_426 : memref<1x128xi32, #tpu.memory_space<vmem>> -> memref<128xi32, #tpu.memory_space<vmem>>
      %dma_wait3A_428 = arith.constant 0 : i32
      %dma_wait3A_429 = arith.constant 0 : i32
      %dma_wait3A_430 = tpu.memref_slice %arg2[%dma_wait3A_428, %dma_wait3A_429] : memref<10240x16xf32, #tpu.memory_space<hbm>> -> memref<10240x16xf32, #tpu.memory_space<hbm>>
      tpu.wait_indirect_dma semaphore(%arg10 : memref<!tpu.dma_semaphore, #tpu.memory_space<semaphore_mem>>) src(%dma_wait3A_430 : memref<10240x16xf32, #tpu.memory_space<hbm>>) dst(%dma_wait3A_424 : memref<128x16xf32, #tpu.memory_space<vmem>>)
      %mul3A_431 = arith.constant 16 : i32
      %mul3A_432 = arith.muli %rem3A_374, %mul3A_431 : i32
      %add3A_433 = arith.constant 3 : i32
      %add3A_434 = arith.addi %mul3A_432, %add3A_433 : i32
      %mul3A_435 = arith.constant 512 : i32
      %mul3A_436 = arith.muli %rem3A_368, %mul3A_435 : i32
      %add3A_437 = arith.constant 384 : i32
      %add3A_438 = arith.addi %mul3A_436, %add3A_437 : i32
      %dma_wait3A_439 = arith.constant 0 : i32
      %dma_wait3A_440 = tpu.memref_slice %arg8[%add3A_438, %dma_wait3A_439] : memref<2048x16xf32, #tpu.memory_space<vmem>> -> memref<128x16xf32, #tpu.memory_space<vmem>>
      %dma_wait3A_441 = arith.constant 0 : i32
      %dma_wait3A_442 = tpu.memref_slice %arg7[%add3A_434, %dma_wait3A_441] : memref<80x128xi32, #tpu.memory_space<vmem>> -> memref<1x128xi32, #tpu.memory_space<vmem>>
      %dma_wait3A_443 = tpu.memref_squeeze %dma_wait3A_442 : memref<1x128xi32, #tpu.memory_space<vmem>> -> memref<128xi32, #tpu.memory_space<vmem>>
      %dma_wait3A_444 = arith.constant 0 : i32
      %dma_wait3A_445 = arith.constant 0 : i32
      %dma_wait3A_446 = tpu.memref_slice %arg2[%dma_wait3A_444, %dma_wait3A_445] : memref<10240x16xf32, #tpu.memory_space<hbm>> -> memref<10240x16xf32, #tpu.memory_space<hbm>>
      tpu.wait_indirect_dma semaphore(%arg10 : memref<!tpu.dma_semaphore, #tpu.memory_space<semaphore_mem>>) src(%dma_wait3A_446 : memref<10240x16xf32, #tpu.memory_space<hbm>>) dst(%dma_wait3A_440 : memref<128x16xf32, #tpu.memory_space<vmem>>)
      %ge3A = arith.constant 3 : i32
      %ge3A_447 = arith.cmpi sge, %scan3A_366, %ge3A : i32
      %convert_element_type3A_448 = arith.extui %ge3A_447 : i1 to i32
      %cond3A_449 = arith.constant 0 : i32
      %cond3A_450 = arith.cmpi ne, %convert_element_type3A_448, %cond3A_449 : i32
      scf.if %cond3A_450 {
        %add3A_546 = arith.constant 1 : i32
        %add3A_547 = arith.addi %scan3A_366, %add3A_546 : i32
        %sub3A = arith.constant 4 : i32
        %sub3A_548 = arith.subi %add3A_547, %sub3A : i32
        %rem3A_549 = arith.constant 5 : i32
        %rem3A_550 = arith.remsi %sub3A_548, %rem3A_549 : i32
        %mul3A_551 = arith.constant 512 : i32
        %mul3A_552 = arith.muli %rem3A_372, %mul3A_551 : i32
        %add3A_553 = arith.constant 0 : i32
        %add3A_554 = arith.addi %mul3A_552, %add3A_553 : i32
        %mul3A_555 = arith.constant 16 : i32
        %mul3A_556 = arith.muli %rem3A_550, %mul3A_555 : i32
        %add3A_557 = arith.constant 4 : i32
        %add3A_558 = arith.addi %mul3A_556, %add3A_557 : i32
        %add3A_559 = arith.constant 0 : i32
        %add3A_560 = arith.addi %add3A_558, %add3A_559 : i32
        %dma_wait3A_561 = arith.constant 0 : i32
        %dma_wait3A_562 = tpu.memref_slice %arg8[%add3A_554, %dma_wait3A_561] : memref<2048x16xf32, #tpu.memory_space<vmem>> -> memref<128x16xf32, #tpu.memory_space<vmem>>
        %dma_wait3A_563 = arith.constant 0 : i32
        %dma_wait3A_564 = tpu.memref_slice %arg7[%add3A_560, %dma_wait3A_563] : memref<80x128xi32, #tpu.memory_space<vmem>> -> memref<1x128xi32, #tpu.memory_space<vmem>>
        %dma_wait3A_565 = tpu.memref_squeeze %dma_wait3A_564 : memref<1x128xi32, #tpu.memory_space<vmem>> -> memref<128xi32, #tpu.memory_space<vmem>>
        %dma_wait3A_566 = arith.constant 0 : i32
        %dma_wait3A_567 = arith.constant 0 : i32
        %dma_wait3A_568 = tpu.memref_slice %arg9[%dma_wait3A_566, %dma_wait3A_567] : memref<10240x16xf32, #tpu.memory_space<vmem_shared>> -> memref<10240x16xf32, #tpu.memory_space<vmem_shared>>
        tpu.wait_indirect_dma semaphore(%arg11 : memref<!tpu.dma_semaphore, #tpu.memory_space<semaphore_mem>>) src(%dma_wait3A_562 : memref<128x16xf32, #tpu.memory_space<vmem>>) dst(%dma_wait3A_568 : memref<10240x16xf32, #tpu.memory_space<vmem_shared>>)
        %mul3A_569 = arith.constant 512 : i32
        %mul3A_570 = arith.muli %rem3A_372, %mul3A_569 : i32
        %add3A_571 = arith.constant 128 : i32
        %add3A_572 = arith.addi %mul3A_570, %add3A_571 : i32
        %mul3A_573 = arith.constant 16 : i32
        %mul3A_574 = arith.muli %rem3A_550, %mul3A_573 : i32
        %add3A_575 = arith.constant 4 : i32
        %add3A_576 = arith.addi %mul3A_574, %add3A_575 : i32
        %add3A_577 = arith.constant 1 : i32
        %add3A_578 = arith.addi %add3A_576, %add3A_577 : i32
        %dma_wait3A_579 = arith.constant 0 : i32
        %dma_wait3A_580 = tpu.memref_slice %arg8[%add3A_572, %dma_wait3A_579] : memref<2048x16xf32, #tpu.memory_space<vmem>> -> memref<128x16xf32, #tpu.memory_space<vmem>>
        %dma_wait3A_581 = arith.constant 0 : i32
        %dma_wait3A_582 = tpu.memref_slice %arg7[%add3A_578, %dma_wait3A_581] : memref<80x128xi32, #tpu.memory_space<vmem>> -> memref<1x128xi32, #tpu.memory_space<vmem>>
        %dma_wait3A_583 = tpu.memref_squeeze %dma_wait3A_582 : memref<1x128xi32, #tpu.memory_space<vmem>> -> memref<128xi32, #tpu.memory_space<vmem>>
        %dma_wait3A_584 = arith.constant 0 : i32
        %dma_wait3A_585 = arith.constant 0 : i32
        %dma_wait3A_586 = tpu.memref_slice %arg9[%dma_wait3A_584, %dma_wait3A_585] : memref<10240x16xf32, #tpu.memory_space<vmem_shared>> -> memref<10240x16xf32, #tpu.memory_space<vmem_shared>>
        tpu.wait_indirect_dma semaphore(%arg11 : memref<!tpu.dma_semaphore, #tpu.memory_space<semaphore_mem>>) src(%dma_wait3A_580 : memref<128x16xf32, #tpu.memory_space<vmem>>) dst(%dma_wait3A_586 : memref<10240x16xf32, #tpu.memory_space<vmem_shared>>)
        %mul3A_587 = arith.constant 512 : i32
        %mul3A_588 = arith.muli %rem3A_372, %mul3A_587 : i32
        %add3A_589 = arith.constant 256 : i32
        %add3A_590 = arith.addi %mul3A_588, %add3A_589 : i32
        %mul3A_591 = arith.constant 16 : i32
        %mul3A_592 = arith.muli %rem3A_550, %mul3A_591 : i32
        %add3A_593 = arith.constant 4 : i32
        %add3A_594 = arith.addi %mul3A_592, %add3A_593 : i32
        %add3A_595 = arith.constant 2 : i32
        %add3A_596 = arith.addi %add3A_594, %add3A_595 : i32
        %dma_wait3A_597 = arith.constant 0 : i32
        %dma_wait3A_598 = tpu.memref_slice %arg8[%add3A_590, %dma_wait3A_597] : memref<2048x16xf32, #tpu.memory_space<vmem>> -> memref<128x16xf32, #tpu.memory_space<vmem>>
        %dma_wait3A_599 = arith.constant 0 : i32
        %dma_wait3A_600 = tpu.memref_slice %arg7[%add3A_596, %dma_wait3A_599] : memref<80x128xi32, #tpu.memory_space<vmem>> -> memref<1x128xi32, #tpu.memory_space<vmem>>
        %dma_wait3A_601 = tpu.memref_squeeze %dma_wait3A_600 : memref<1x128xi32, #tpu.memory_space<vmem>> -> memref<128xi32, #tpu.memory_space<vmem>>
        %dma_wait3A_602 = arith.constant 0 : i32
        %dma_wait3A_603 = arith.constant 0 : i32
        %dma_wait3A_604 = tpu.memref_slice %arg9[%dma_wait3A_602, %dma_wait3A_603] : memref<10240x16xf32, #tpu.memory_space<vmem_shared>> -> memref<10240x16xf32, #tpu.memory_space<vmem_shared>>
        tpu.wait_indirect_dma semaphore(%arg11 : memref<!tpu.dma_semaphore, #tpu.memory_space<semaphore_mem>>) src(%dma_wait3A_598 : memref<128x16xf32, #tpu.memory_space<vmem>>) dst(%dma_wait3A_604 : memref<10240x16xf32, #tpu.memory_space<vmem_shared>>)
        %mul3A_605 = arith.constant 512 : i32
        %mul3A_606 = arith.muli %rem3A_372, %mul3A_605 : i32
        %add3A_607 = arith.constant 384 : i32
        %add3A_608 = arith.addi %mul3A_606, %add3A_607 : i32
        %mul3A_609 = arith.constant 16 : i32
        %mul3A_610 = arith.muli %rem3A_550, %mul3A_609 : i32
        %add3A_611 = arith.constant 4 : i32
        %add3A_612 = arith.addi %mul3A_610, %add3A_611 : i32
        %add3A_613 = arith.constant 3 : i32
        %add3A_614 = arith.addi %add3A_612, %add3A_613 : i32
        %dma_wait3A_615 = arith.constant 0 : i32
        %dma_wait3A_616 = tpu.memref_slice %arg8[%add3A_608, %dma_wait3A_615] : memref<2048x16xf32, #tpu.memory_space<vmem>> -> memref<128x16xf32, #tpu.memory_space<vmem>>
        %dma_wait3A_617 = arith.constant 0 : i32
        %dma_wait3A_618 = tpu.memref_slice %arg7[%add3A_614, %dma_wait3A_617] : memref<80x128xi32, #tpu.memory_space<vmem>> -> memref<1x128xi32, #tpu.memory_space<vmem>>
        %dma_wait3A_619 = tpu.memref_squeeze %dma_wait3A_618 : memref<1x128xi32, #tpu.memory_space<vmem>> -> memref<128xi32, #tpu.memory_space<vmem>>
        %dma_wait3A_620 = arith.constant 0 : i32
        %dma_wait3A_621 = arith.constant 0 : i32
        %dma_wait3A_622 = tpu.memref_slice %arg9[%dma_wait3A_620, %dma_wait3A_621] : memref<10240x16xf32, #tpu.memory_space<vmem_shared>> -> memref<10240x16xf32, #tpu.memory_space<vmem_shared>>
        tpu.wait_indirect_dma semaphore(%arg11 : memref<!tpu.dma_semaphore, #tpu.memory_space<semaphore_mem>>) src(%dma_wait3A_616 : memref<128x16xf32, #tpu.memory_space<vmem>>) dst(%dma_wait3A_622 : memref<10240x16xf32, #tpu.memory_space<vmem_shared>>)
      } else {
      }
      %add3A_451 = arith.constant 1 : i32
      %add3A_452 = arith.addi %scan3A_366, %add3A_451 : i32
      %lt3A = arith.constant 40 : i32
      %lt3A_453 = arith.cmpi slt, %add3A_452, %lt3A : i32
      %convert_element_type3A_454 = arith.extui %lt3A_453 : i1 to i32
      %cond3A_455 = arith.constant 0 : i32
      %cond3A_456 = arith.cmpi ne, %convert_element_type3A_454, %cond3A_455 : i32
      scf.if %cond3A_456 {
        %mul3A_546 = arith.constant 16 : i32
        %mul3A_547 = arith.muli %rem3A_378, %mul3A_546 : i32
        %dma_wait3A_548 = arith.constant 0 : i32
        %dma_wait3A_549 = tpu.memref_slice %arg7[%mul3A_547, %dma_wait3A_548] : memref<80x128xi32, #tpu.memory_space<vmem>> -> memref<16x128xi32, #tpu.memory_space<vmem>>
        %dma_wait3A_550 = arith.constant 0 : i32
        %dma_wait3A_551 = arith.constant 0 : i32
        %dma_wait3A_552 = tpu.memref_slice %arg4[%mul3A_26, %dma_wait3A_550, %dma_wait3A_551] : memref<640x16x128xi32, #tpu.memory_space<hbm>> -> memref<1x16x128xi32, #tpu.memory_space<hbm>>
        %dma_wait3A_553 = tpu.memref_squeeze %dma_wait3A_552 : memref<1x16x128xi32, #tpu.memory_space<hbm>> -> memref<16x128xi32, #tpu.memory_space<hbm>>
        %dma_wait3A_554 = arith.constant 0 : i32
        %dma_wait3A_555 = tpu.memref_slice %arg7[%mul3A_547, %dma_wait3A_554] : memref<80x128xi32, #tpu.memory_space<vmem>> -> memref<16x128xi32, #tpu.memory_space<vmem>>
        %dma_wait3A_556 = arith.constant 0 : i32
        %dma_wait3A_557 = arith.constant 0 : i32
        %dma_wait3A_558 = tpu.memref_slice %arg4[%mul3A_26, %dma_wait3A_556, %dma_wait3A_557] : memref<640x16x128xi32, #tpu.memory_space<hbm>> -> memref<1x16x128xi32, #tpu.memory_space<hbm>>
        %dma_wait3A_559 = tpu.memref_squeeze %dma_wait3A_558 : memref<1x16x128xi32, #tpu.memory_space<hbm>> -> memref<16x128xi32, #tpu.memory_space<hbm>>
        tpu.wait_dma2 semaphore(%arg12 : memref<!tpu.dma_semaphore, #tpu.memory_space<semaphore_mem>>) src(%dma_wait3A_559 : memref<16x128xi32, #tpu.memory_space<hbm>>) dst(%dma_wait3A_555 : memref<16x128xi32, #tpu.memory_space<vmem>>)
        %mul3A_560 = arith.constant 512 : i32
        %mul3A_561 = arith.muli %rem3A_372, %mul3A_560 : i32
        %add3A_562 = arith.constant 0 : i32
        %add3A_563 = arith.addi %mul3A_561, %add3A_562 : i32
        %eq3A_564 = arith.constant 0 : i32
        %eq3A_565 = arith.cmpi eq, %arg0, %eq3A_564 : i32
        %convert_element_type3A_566 = arith.extui %eq3A_565 : i1 to i32
        %cond3A_567 = arith.constant 0 : i32
        %cond3A_568 = arith.cmpi ne, %convert_element_type3A_566, %cond3A_567 : i32
        scf.if %cond3A_568 {
          %mul3A_616 = arith.constant 16 : i32
          %mul3A_617 = arith.muli %rem3A_378, %mul3A_616 : i32
          %add3A_618 = arith.constant 0 : i32
          %add3A_619 = arith.addi %mul3A_617, %add3A_618 : i32
          %dma_start3A_620 = arith.constant 0 : i32
          %dma_start3A_621 = tpu.memref_slice %arg8[%add3A_563, %dma_start3A_620] : memref<2048x16xf32, #tpu.memory_space<vmem>> -> memref<128x16xf32, #tpu.memory_space<vmem>>
          %dma_start3A_622 = arith.constant 0 : i32
          %dma_start3A_623 = tpu.memref_slice %arg7[%add3A_619, %dma_start3A_622] : memref<80x128xi32, #tpu.memory_space<vmem>> -> memref<1x128xi32, #tpu.memory_space<vmem>>
          %dma_start3A_624 = tpu.memref_squeeze %dma_start3A_623 : memref<1x128xi32, #tpu.memory_space<vmem>> -> memref<128xi32, #tpu.memory_space<vmem>>
          %dma_start3A_625 = arith.constant 0 : i32
          %dma_start3A_626 = arith.constant 0 : i32
          %dma_start3A_627 = tpu.memref_slice %arg2[%dma_start3A_625, %dma_start3A_626] : memref<10240x16xf32, #tpu.memory_space<hbm>> -> memref<10240x16xf32, #tpu.memory_space<hbm>>
          tpu.enqueue_indirect_dma source(%dma_start3A_627 : memref<10240x16xf32, #tpu.memory_space<hbm>>) target(%dma_start3A_621 : memref<128x16xf32, #tpu.memory_space<vmem>>) offsets(%dma_start3A_624 : memref<128xi32, #tpu.memory_space<vmem>>) semaphore(%arg10 : memref<!tpu.dma_semaphore, #tpu.memory_space<semaphore_mem>>)
        } else {
        }
        %eq3A_569 = arith.constant 1 : i32
        %eq3A_570 = arith.cmpi eq, %arg0, %eq3A_569 : i32
        %convert_element_type3A_571 = arith.extui %eq3A_570 : i1 to i32
        %cond3A_572 = arith.constant 0 : i32
        %cond3A_573 = arith.cmpi ne, %convert_element_type3A_571, %cond3A_572 : i32
        scf.if %cond3A_573 {
          %mul3A_616 = arith.constant 16 : i32
          %mul3A_617 = arith.muli %rem3A_378, %mul3A_616 : i32
          %add3A_618 = arith.constant 0 : i32
          %add3A_619 = arith.addi %mul3A_617, %add3A_618 : i32
          %dma_start3A_620 = arith.constant 0 : i32
          %dma_start3A_621 = tpu.memref_slice %arg8[%add3A_563, %dma_start3A_620] : memref<2048x16xf32, #tpu.memory_space<vmem>> -> memref<128x16xf32, #tpu.memory_space<vmem>>
          %dma_start3A_622 = arith.constant 0 : i32
          %dma_start3A_623 = tpu.memref_slice %arg7[%add3A_619, %dma_start3A_622] : memref<80x128xi32, #tpu.memory_space<vmem>> -> memref<1x128xi32, #tpu.memory_space<vmem>>
          %dma_start3A_624 = tpu.memref_squeeze %dma_start3A_623 : memref<1x128xi32, #tpu.memory_space<vmem>> -> memref<128xi32, #tpu.memory_space<vmem>>
          %dma_start3A_625 = arith.constant 0 : i32
          %dma_start3A_626 = arith.constant 0 : i32
          %dma_start3A_627 = tpu.memref_slice %arg3[%dma_start3A_625, %dma_start3A_626] : memref<10240x16xf32, #tpu.memory_space<hbm>> -> memref<10240x16xf32, #tpu.memory_space<hbm>>
          tpu.enqueue_indirect_dma source(%dma_start3A_627 : memref<10240x16xf32, #tpu.memory_space<hbm>>) target(%dma_start3A_621 : memref<128x16xf32, #tpu.memory_space<vmem>>) offsets(%dma_start3A_624 : memref<128xi32, #tpu.memory_space<vmem>>) semaphore(%arg10 : memref<!tpu.dma_semaphore, #tpu.memory_space<semaphore_mem>>)
        } else {
        }
        %mul3A_574 = arith.constant 512 : i32
        %mul3A_575 = arith.muli %rem3A_372, %mul3A_574 : i32
        %add3A_576 = arith.constant 128 : i32
        %add3A_577 = arith.addi %mul3A_575, %add3A_576 : i32
        %eq3A_578 = arith.constant 0 : i32
        %eq3A_579 = arith.cmpi eq, %arg0, %eq3A_578 : i32
        %convert_element_type3A_580 = arith.extui %eq3A_579 : i1 to i32
        %cond3A_581 = arith.constant 0 : i32
        %cond3A_582 = arith.cmpi ne, %convert_element_type3A_580, %cond3A_581 : i32
        scf.if %cond3A_582 {
          %mul3A_616 = arith.constant 16 : i32
          %mul3A_617 = arith.muli %rem3A_378, %mul3A_616 : i32
          %add3A_618 = arith.constant 1 : i32
          %add3A_619 = arith.addi %mul3A_617, %add3A_618 : i32
          %dma_start3A_620 = arith.constant 0 : i32
          %dma_start3A_621 = tpu.memref_slice %arg8[%add3A_577, %dma_start3A_620] : memref<2048x16xf32, #tpu.memory_space<vmem>> -> memref<128x16xf32, #tpu.memory_space<vmem>>
          %dma_start3A_622 = arith.constant 0 : i32
          %dma_start3A_623 = tpu.memref_slice %arg7[%add3A_619, %dma_start3A_622] : memref<80x128xi32, #tpu.memory_space<vmem>> -> memref<1x128xi32, #tpu.memory_space<vmem>>
          %dma_start3A_624 = tpu.memref_squeeze %dma_start3A_623 : memref<1x128xi32, #tpu.memory_space<vmem>> -> memref<128xi32, #tpu.memory_space<vmem>>
          %dma_start3A_625 = arith.constant 0 : i32
          %dma_start3A_626 = arith.constant 0 : i32
          %dma_start3A_627 = tpu.memref_slice %arg2[%dma_start3A_625, %dma_start3A_626] : memref<10240x16xf32, #tpu.memory_space<hbm>> -> memref<10240x16xf32, #tpu.memory_space<hbm>>
          tpu.enqueue_indirect_dma source(%dma_start3A_627 : memref<10240x16xf32, #tpu.memory_space<hbm>>) target(%dma_start3A_621 : memref<128x16xf32, #tpu.memory_space<vmem>>) offsets(%dma_start3A_624 : memref<128xi32, #tpu.memory_space<vmem>>) semaphore(%arg10 : memref<!tpu.dma_semaphore, #tpu.memory_space<semaphore_mem>>)
        } else {
        }
        %eq3A_583 = arith.constant 1 : i32
        %eq3A_584 = arith.cmpi eq, %arg0, %eq3A_583 : i32
        %convert_element_type3A_585 = arith.extui %eq3A_584 : i1 to i32
        %cond3A_586 = arith.constant 0 : i32
        %cond3A_587 = arith.cmpi ne, %convert_element_type3A_585, %cond3A_586 : i32
        scf.if %cond3A_587 {
          %mul3A_616 = arith.constant 16 : i32
          %mul3A_617 = arith.muli %rem3A_378, %mul3A_616 : i32
          %add3A_618 = arith.constant 1 : i32
          %add3A_619 = arith.addi %mul3A_617, %add3A_618 : i32
          %dma_start3A_620 = arith.constant 0 : i32
          %dma_start3A_621 = tpu.memref_slice %arg8[%add3A_577, %dma_start3A_620] : memref<2048x16xf32, #tpu.memory_space<vmem>> -> memref<128x16xf32, #tpu.memory_space<vmem>>
          %dma_start3A_622 = arith.constant 0 : i32
          %dma_start3A_623 = tpu.memref_slice %arg7[%add3A_619, %dma_start3A_622] : memref<80x128xi32, #tpu.memory_space<vmem>> -> memref<1x128xi32, #tpu.memory_space<vmem>>
          %dma_start3A_624 = tpu.memref_squeeze %dma_start3A_623 : memref<1x128xi32, #tpu.memory_space<vmem>> -> memref<128xi32, #tpu.memory_space<vmem>>
          %dma_start3A_625 = arith.constant 0 : i32
          %dma_start3A_626 = arith.constant 0 : i32
          %dma_start3A_627 = tpu.memref_slice %arg3[%dma_start3A_625, %dma_start3A_626] : memref<10240x16xf32, #tpu.memory_space<hbm>> -> memref<10240x16xf32, #tpu.memory_space<hbm>>
          tpu.enqueue_indirect_dma source(%dma_start3A_627 : memref<10240x16xf32, #tpu.memory_space<hbm>>) target(%dma_start3A_621 : memref<128x16xf32, #tpu.memory_space<vmem>>) offsets(%dma_start3A_624 : memref<128xi32, #tpu.memory_space<vmem>>) semaphore(%arg10 : memref<!tpu.dma_semaphore, #tpu.memory_space<semaphore_mem>>)
        } else {
        }
        %mul3A_588 = arith.constant 512 : i32
        %mul3A_589 = arith.muli %rem3A_372, %mul3A_588 : i32
        %add3A_590 = arith.constant 256 : i32
        %add3A_591 = arith.addi %mul3A_589, %add3A_590 : i32
        %eq3A_592 = arith.constant 0 : i32
        %eq3A_593 = arith.cmpi eq, %arg0, %eq3A_592 : i32
        %convert_element_type3A_594 = arith.extui %eq3A_593 : i1 to i32
        %cond3A_595 = arith.constant 0 : i32
        %cond3A_596 = arith.cmpi ne, %convert_element_type3A_594, %cond3A_595 : i32
        scf.if %cond3A_596 {
          %mul3A_616 = arith.constant 16 : i32
          %mul3A_617 = arith.muli %rem3A_378, %mul3A_616 : i32
          %add3A_618 = arith.constant 2 : i32
          %add3A_619 = arith.addi %mul3A_617, %add3A_618 : i32
          %dma_start3A_620 = arith.constant 0 : i32
          %dma_start3A_621 = tpu.memref_slice %arg8[%add3A_591, %dma_start3A_620] : memref<2048x16xf32, #tpu.memory_space<vmem>> -> memref<128x16xf32, #tpu.memory_space<vmem>>
          %dma_start3A_622 = arith.constant 0 : i32
          %dma_start3A_623 = tpu.memref_slice %arg7[%add3A_619, %dma_start3A_622] : memref<80x128xi32, #tpu.memory_space<vmem>> -> memref<1x128xi32, #tpu.memory_space<vmem>>
          %dma_start3A_624 = tpu.memref_squeeze %dma_start3A_623 : memref<1x128xi32, #tpu.memory_space<vmem>> -> memref<128xi32, #tpu.memory_space<vmem>>
          %dma_start3A_625 = arith.constant 0 : i32
          %dma_start3A_626 = arith.constant 0 : i32
          %dma_start3A_627 = tpu.memref_slice %arg2[%dma_start3A_625, %dma_start3A_626] : memref<10240x16xf32, #tpu.memory_space<hbm>> -> memref<10240x16xf32, #tpu.memory_space<hbm>>
          tpu.enqueue_indirect_dma source(%dma_start3A_627 : memref<10240x16xf32, #tpu.memory_space<hbm>>) target(%dma_start3A_621 : memref<128x16xf32, #tpu.memory_space<vmem>>) offsets(%dma_start3A_624 : memref<128xi32, #tpu.memory_space<vmem>>) semaphore(%arg10 : memref<!tpu.dma_semaphore, #tpu.memory_space<semaphore_mem>>)
        } else {
        }
        %eq3A_597 = arith.constant 1 : i32
        %eq3A_598 = arith.cmpi eq, %arg0, %eq3A_597 : i32
        %convert_element_type3A_599 = arith.extui %eq3A_598 : i1 to i32
        %cond3A_600 = arith.constant 0 : i32
        %cond3A_601 = arith.cmpi ne, %convert_element_type3A_599, %cond3A_600 : i32
        scf.if %cond3A_601 {
          %mul3A_616 = arith.constant 16 : i32
          %mul3A_617 = arith.muli %rem3A_378, %mul3A_616 : i32
          %add3A_618 = arith.constant 2 : i32
          %add3A_619 = arith.addi %mul3A_617, %add3A_618 : i32
          %dma_start3A_620 = arith.constant 0 : i32
          %dma_start3A_621 = tpu.memref_slice %arg8[%add3A_591, %dma_start3A_620] : memref<2048x16xf32, #tpu.memory_space<vmem>> -> memref<128x16xf32, #tpu.memory_space<vmem>>
          %dma_start3A_622 = arith.constant 0 : i32
          %dma_start3A_623 = tpu.memref_slice %arg7[%add3A_619, %dma_start3A_622] : memref<80x128xi32, #tpu.memory_space<vmem>> -> memref<1x128xi32, #tpu.memory_space<vmem>>
          %dma_start3A_624 = tpu.memref_squeeze %dma_start3A_623 : memref<1x128xi32, #tpu.memory_space<vmem>> -> memref<128xi32, #tpu.memory_space<vmem>>
          %dma_start3A_625 = arith.constant 0 : i32
          %dma_start3A_626 = arith.constant 0 : i32
          %dma_start3A_627 = tpu.memref_slice %arg3[%dma_start3A_625, %dma_start3A_626] : memref<10240x16xf32, #tpu.memory_space<hbm>> -> memref<10240x16xf32, #tpu.memory_space<hbm>>
          tpu.enqueue_indirect_dma source(%dma_start3A_627 : memref<10240x16xf32, #tpu.memory_space<hbm>>) target(%dma_start3A_621 : memref<128x16xf32, #tpu.memory_space<vmem>>) offsets(%dma_start3A_624 : memref<128xi32, #tpu.memory_space<vmem>>) semaphore(%arg10 : memref<!tpu.dma_semaphore, #tpu.memory_space<semaphore_mem>>)
        } else {
        }
        %mul3A_602 = arith.constant 512 : i32
        %mul3A_603 = arith.muli %rem3A_372, %mul3A_602 : i32
        %add3A_604 = arith.constant 384 : i32
        %add3A_605 = arith.addi %mul3A_603, %add3A_604 : i32
        %eq3A_606 = arith.constant 0 : i32
        %eq3A_607 = arith.cmpi eq, %arg0, %eq3A_606 : i32
        %convert_element_type3A_608 = arith.extui %eq3A_607 : i1 to i32
        %cond3A_609 = arith.constant 0 : i32
        %cond3A_610 = arith.cmpi ne, %convert_element_type3A_608, %cond3A_609 : i32
        scf.if %cond3A_610 {
          %mul3A_616 = arith.constant 16 : i32
          %mul3A_617 = arith.muli %rem3A_378, %mul3A_616 : i32
          %add3A_618 = arith.constant 3 : i32
          %add3A_619 = arith.addi %mul3A_617, %add3A_618 : i32
          %dma_start3A_620 = arith.constant 0 : i32
          %dma_start3A_621 = tpu.memref_slice %arg8[%add3A_605, %dma_start3A_620] : memref<2048x16xf32, #tpu.memory_space<vmem>> -> memref<128x16xf32, #tpu.memory_space<vmem>>
          %dma_start3A_622 = arith.constant 0 : i32
          %dma_start3A_623 = tpu.memref_slice %arg7[%add3A_619, %dma_start3A_622] : memref<80x128xi32, #tpu.memory_space<vmem>> -> memref<1x128xi32, #tpu.memory_space<vmem>>
          %dma_start3A_624 = tpu.memref_squeeze %dma_start3A_623 : memref<1x128xi32, #tpu.memory_space<vmem>> -> memref<128xi32, #tpu.memory_space<vmem>>
          %dma_start3A_625 = arith.constant 0 : i32
          %dma_start3A_626 = arith.constant 0 : i32
          %dma_start3A_627 = tpu.memref_slice %arg2[%dma_start3A_625, %dma_start3A_626] : memref<10240x16xf32, #tpu.memory_space<hbm>> -> memref<10240x16xf32, #tpu.memory_space<hbm>>
          tpu.enqueue_indirect_dma source(%dma_start3A_627 : memref<10240x16xf32, #tpu.memory_space<hbm>>) target(%dma_start3A_621 : memref<128x16xf32, #tpu.memory_space<vmem>>) offsets(%dma_start3A_624 : memref<128xi32, #tpu.memory_space<vmem>>) semaphore(%arg10 : memref<!tpu.dma_semaphore, #tpu.memory_space<semaphore_mem>>)
        } else {
        }
        %eq3A_611 = arith.constant 1 : i32
        %eq3A_612 = arith.cmpi eq, %arg0, %eq3A_611 : i32
        %convert_element_type3A_613 = arith.extui %eq3A_612 : i1 to i32
        %cond3A_614 = arith.constant 0 : i32
        %cond3A_615 = arith.cmpi ne, %convert_element_type3A_613, %cond3A_614 : i32
        scf.if %cond3A_615 {
          %mul3A_616 = arith.constant 16 : i32
          %mul3A_617 = arith.muli %rem3A_378, %mul3A_616 : i32
          %add3A_618 = arith.constant 3 : i32
          %add3A_619 = arith.addi %mul3A_617, %add3A_618 : i32
          %dma_start3A_620 = arith.constant 0 : i32
          %dma_start3A_621 = tpu.memref_slice %arg8[%add3A_605, %dma_start3A_620] : memref<2048x16xf32, #tpu.memory_space<vmem>> -> memref<128x16xf32, #tpu.memory_space<vmem>>
          %dma_start3A_622 = arith.constant 0 : i32
          %dma_start3A_623 = tpu.memref_slice %arg7[%add3A_619, %dma_start3A_622] : memref<80x128xi32, #tpu.memory_space<vmem>> -> memref<1x128xi32, #tpu.memory_space<vmem>>
          %dma_start3A_624 = tpu.memref_squeeze %dma_start3A_623 : memref<1x128xi32, #tpu.memory_space<vmem>> -> memref<128xi32, #tpu.memory_space<vmem>>
          %dma_start3A_625 = arith.constant 0 : i32
          %dma_start3A_626 = arith.constant 0 : i32
          %dma_start3A_627 = tpu.memref_slice %arg3[%dma_start3A_625, %dma_start3A_626] : memref<10240x16xf32, #tpu.memory_space<hbm>> -> memref<10240x16xf32, #tpu.memory_space<hbm>>
          tpu.enqueue_indirect_dma source(%dma_start3A_627 : memref<10240x16xf32, #tpu.memory_space<hbm>>) target(%dma_start3A_621 : memref<128x16xf32, #tpu.memory_space<vmem>>) offsets(%dma_start3A_624 : memref<128xi32, #tpu.memory_space<vmem>>) semaphore(%arg10 : memref<!tpu.dma_semaphore, #tpu.memory_space<semaphore_mem>>)
        } else {
        }
      } else {
      }
      %add3A_457 = arith.constant 2 : i32
      %add3A_458 = arith.addi %scan3A_366, %add3A_457 : i32
      %lt3A_459 = arith.constant 40 : i32
      %lt3A_460 = arith.cmpi slt, %add3A_458, %lt3A_459 : i32
      %convert_element_type3A_461 = arith.extui %lt3A_460 : i1 to i32
      %cond3A_462 = arith.constant 0 : i32
      %cond3A_463 = arith.cmpi ne, %convert_element_type3A_461, %cond3A_462 : i32
      scf.if %cond3A_463 {
        %add3A_546 = arith.addi %mul3A_26, %scan3A_366 : i32
        %add3A_547 = arith.constant 2 : i32
        %add3A_548 = arith.addi %add3A_546, %add3A_547 : i32
        %mul3A_549 = arith.constant 16 : i32
        %mul3A_550 = arith.muli %rem3A_382, %mul3A_549 : i32
        %dma_start3A_551 = arith.constant 0 : i32
        %dma_start3A_552 = tpu.memref_slice %arg7[%mul3A_550, %dma_start3A_551] : memref<80x128xi32, #tpu.memory_space<vmem>> -> memref<16x128xi32, #tpu.memory_space<vmem>>
        %dma_start3A_553 = arith.constant 0 : i32
        %dma_start3A_554 = arith.constant 0 : i32
        %dma_start3A_555 = tpu.memref_slice %arg4[%add3A_548, %dma_start3A_553, %dma_start3A_554] : memref<640x16x128xi32, #tpu.memory_space<hbm>> -> memref<1x16x128xi32, #tpu.memory_space<hbm>>
        %dma_start3A_556 = tpu.memref_squeeze %dma_start3A_555 : memref<1x16x128xi32, #tpu.memory_space<hbm>> -> memref<16x128xi32, #tpu.memory_space<hbm>>
        %dma_start3A_557 = arith.constant 0 : i32
        %dma_start3A_558 = tpu.memref_slice %arg7[%mul3A_550, %dma_start3A_557] : memref<80x128xi32, #tpu.memory_space<vmem>> -> memref<16x128xi32, #tpu.memory_space<vmem>>
        %dma_start3A_559 = arith.constant 0 : i32
        %dma_start3A_560 = arith.constant 0 : i32
        %dma_start3A_561 = tpu.memref_slice %arg4[%add3A_548, %dma_start3A_559, %dma_start3A_560] : memref<640x16x128xi32, #tpu.memory_space<hbm>> -> memref<1x16x128xi32, #tpu.memory_space<hbm>>
        %dma_start3A_562 = tpu.memref_squeeze %dma_start3A_561 : memref<1x16x128xi32, #tpu.memory_space<hbm>> -> memref<16x128xi32, #tpu.memory_space<hbm>>
        tpu.enqueue_dma source(%dma_start3A_562 : memref<16x128xi32, #tpu.memory_space<hbm>>) target(%dma_start3A_558 : memref<16x128xi32, #tpu.memory_space<vmem>>) target_semaphore(%arg12 : memref<!tpu.dma_semaphore, #tpu.memory_space<semaphore_mem>>)
      } else {
      }
      %mul3A_464 = arith.constant 16 : i32
      %mul3A_465 = arith.muli %rem3A_374, %mul3A_464 : i32
      %add3A_466 = arith.constant 8 : i32
      %add3A_467 = arith.addi %mul3A_465, %add3A_466 : i32
      %mul3A_468 = arith.constant 4 : i32
      %mul3A_469 = arith.muli %arg0, %mul3A_468 : i32
      %add3A_470 = arith.addi %add3A_467, %mul3A_469 : i32
      %parallel_loop3A = arith.constant 0 : i32
      %parallel_loop3A_471 = arith.constant 32 : i32
      %parallel_loop3A_472 = arith.constant 1 : i32
      scf.for %parallel_loop3A_546 = %parallel_loop3A to %parallel_loop3A_471 step %parallel_loop3A_472  : i32 {
        %parallel_loop3A_547 = arith.constant 8 : i32
        %parallel_loop3A_548 = arith.divsi %parallel_loop3A_546, %parallel_loop3A_547 : i32
        %parallel_loop3A_549 = arith.constant 8 : i32
        %parallel_loop3A_550 = arith.remsi %parallel_loop3A_546, %parallel_loop3A_549 : i32
        %parallel_loop3A_551 = arith.constant 16 : i32
        %parallel_loop3A_552 = arith.muli %parallel_loop3A_550, %parallel_loop3A_551 : i32
        %parallel_loop3A_553 = arith.addi %add3A_470, %parallel_loop3A_548 : i32
        %parallel_loop3A_554 = arith.index_cast %parallel_loop3A_553 : i32 to index
        %parallel_loop3A_555 = arith.index_cast %parallel_loop3A_552 : i32 to index
        %parallel_loop3A_556 = tpu.vector_load %arg7[%parallel_loop3A_554, %parallel_loop3A_555] {strides = array<i32>} : memref<80x128xi32, #tpu.memory_space<vmem>>, vector<16xi32>,
        %parallel_loop3A_557 = vector.bitcast %parallel_loop3A_556 : vector<16xi32> to vector<16xf32>
        %parallel_loop3A_558 = arith.constant 512 : i32
        %parallel_loop3A_559 = arith.muli %rem3A_368, %parallel_loop3A_558 : i32
        %parallel_loop3A_560 = arith.constant 16 : i32
        %parallel_loop3A_561 = arith.muli %parallel_loop3A_546, %parallel_loop3A_560 : i32
        %parallel_loop3A_562 = arith.addi %parallel_loop3A_559, %parallel_loop3A_561 : i32
        %parallel_loop3A_563 = arith.constant 0 : i32
        %parallel_loop3A_564 = vector.broadcast %parallel_loop3A_563 : i32 to vector<16x1xi32>
        %parallel_loop3A_565 = vector.shape_cast %parallel_loop3A_564 : vector<16x1xi32> to vector<16xi32>
        %parallel_loop3A_566 = tpu.dynamic_gather %parallel_loop3A_557[%parallel_loop3A_565] in [0] : vector<16xf32>, vector<16xi32> -> vector<16xf32>
        %parallel_loop3A_567 = arith.constant 0 : i32
        %parallel_loop3A_568 = arith.addi %parallel_loop3A_562, %parallel_loop3A_567 : i32
        %parallel_loop3A_569 = arith.index_cast %parallel_loop3A_568 : i32 to index
        %parallel_loop3A_570 = arith.constant 0 : index
        %parallel_loop3A_571 = tpu.vector_load %arg8[%parallel_loop3A_569, %parallel_loop3A_570] {strides = array<i32>} : memref<2048x16xf32, #tpu.memory_space<vmem>>, vector<16xf32>,
        %parallel_loop3A_572 = arith.mulf %parallel_loop3A_571, %parallel_loop3A_566 : vector<16xf32>
        %parallel_loop3A_573 = arith.index_cast %parallel_loop3A_568 : i32 to index
        %parallel_loop3A_574 = arith.constant 0 : index
        %parallel_loop3A_575 = tpu.vector_load %arg8[%parallel_loop3A_573, %parallel_loop3A_574] {strides = array<i32>} : memref<2048x16xf32, #tpu.memory_space<vmem>>, vector<16xf32>,
        tpu.vector_store %arg8[%parallel_loop3A_573, %parallel_loop3A_574], %parallel_loop3A_572 {strides = array<i32>} : memref<2048x16xf32, #tpu.memory_space<vmem>>, vector<16xf32>,
        %parallel_loop3A_576 = arith.constant 1 : i32
        %parallel_loop3A_577 = vector.broadcast %parallel_loop3A_576 : i32 to vector<16x1xi32>
        %parallel_loop3A_578 = vector.shape_cast %parallel_loop3A_577 : vector<16x1xi32> to vector<16xi32>
        %parallel_loop3A_579 = tpu.dynamic_gather %parallel_loop3A_557[%parallel_loop3A_578] in [0] : vector<16xf32>, vector<16xi32> -> vector<16xf32>
        %parallel_loop3A_580 = arith.constant 1 : i32
        %parallel_loop3A_581 = arith.addi %parallel_loop3A_562, %parallel_loop3A_580 : i32
        %parallel_loop3A_582 = arith.index_cast %parallel_loop3A_581 : i32 to index
        %parallel_loop3A_583 = arith.constant 0 : index
        %parallel_loop3A_584 = tpu.vector_load %arg8[%parallel_loop3A_582, %parallel_loop3A_583] {strides = array<i32>} : memref<2048x16xf32, #tpu.memory_space<vmem>>, vector<16xf32>,
        %parallel_loop3A_585 = arith.mulf %parallel_loop3A_584, %parallel_loop3A_579 : vector<16xf32>
        %parallel_loop3A_586 = arith.index_cast %parallel_loop3A_581 : i32 to index
        %parallel_loop3A_587 = arith.constant 0 : index
        %parallel_loop3A_588 = tpu.vector_load %arg8[%parallel_loop3A_586, %parallel_loop3A_587] {strides = array<i32>} : memref<2048x16xf32, #tpu.memory_space<vmem>>, vector<16xf32>,
        tpu.vector_store %arg8[%parallel_loop3A_586, %parallel_loop3A_587], %parallel_loop3A_585 {strides = array<i32>} : memref<2048x16xf32, #tpu.memory_space<vmem>>, vector<16xf32>,
        %parallel_loop3A_589 = arith.constant 2 : i32
        %parallel_loop3A_590 = vector.broadcast %parallel_loop3A_589 : i32 to vector<16x1xi32>
        %parallel_loop3A_591 = vector.shape_cast %parallel_loop3A_590 : vector<16x1xi32> to vector<16xi32>
        %parallel_loop3A_592 = tpu.dynamic_gather %parallel_loop3A_557[%parallel_loop3A_591] in [0] : vector<16xf32>, vector<16xi32> -> vector<16xf32>
        %parallel_loop3A_593 = arith.constant 2 : i32
        %parallel_loop3A_594 = arith.addi %parallel_loop3A_562, %parallel_loop3A_593 : i32
        %parallel_loop3A_595 = arith.index_cast %parallel_loop3A_594 : i32 to index
        %parallel_loop3A_596 = arith.constant 0 : index
        %parallel_loop3A_597 = tpu.vector_load %arg8[%parallel_loop3A_595, %parallel_loop3A_596] {strides = array<i32>} : memref<2048x16xf32, #tpu.memory_space<vmem>>, vector<16xf32>,
        %parallel_loop3A_598 = arith.mulf %parallel_loop3A_597, %parallel_loop3A_592 : vector<16xf32>
        %parallel_loop3A_599 = arith.index_cast %parallel_loop3A_594 : i32 to index
        %parallel_loop3A_600 = arith.constant 0 : index
        %parallel_loop3A_601 = tpu.vector_load %arg8[%parallel_loop3A_599, %parallel_loop3A_600] {strides = array<i32>} : memref<2048x16xf32, #tpu.memory_space<vmem>>, vector<16xf32>,
        tpu.vector_store %arg8[%parallel_loop3A_599, %parallel_loop3A_600], %parallel_loop3A_598 {strides = array<i32>} : memref<2048x16xf32, #tpu.memory_space<vmem>>, vector<16xf32>,
        %parallel_loop3A_602 = arith.constant 3 : i32
        %parallel_loop3A_603 = vector.broadcast %parallel_loop3A_602 : i32 to vector<16x1xi32>
        %parallel_loop3A_604 = vector.shape_cast %parallel_loop3A_603 : vector<16x1xi32> to vector<16xi32>
        %parallel_loop3A_605 = tpu.dynamic_gather %parallel_loop3A_557[%parallel_loop3A_604] in [0] : vector<16xf32>, vector<16xi32> -> vector<16xf32>
        %parallel_loop3A_606 = arith.constant 3 : i32
        %parallel_loop3A_607 = arith.addi %parallel_loop3A_562, %parallel_loop3A_606 : i32
        %parallel_loop3A_608 = arith.index_cast %parallel_loop3A_607 : i32 to index
        %parallel_loop3A_609 = arith.constant 0 : index
        %parallel_loop3A_610 = tpu.vector_load %arg8[%parallel_loop3A_608, %parallel_loop3A_609] {strides = array<i32>} : memref<2048x16xf32, #tpu.memory_space<vmem>>, vector<16xf32>,
        %parallel_loop3A_611 = arith.mulf %parallel_loop3A_610, %parallel_loop3A_605 : vector<16xf32>
        %parallel_loop3A_612 = arith.index_cast %parallel_loop3A_607 : i32 to index
        %parallel_loop3A_613 = arith.constant 0 : index
        %parallel_loop3A_614 = tpu.vector_load %arg8[%parallel_loop3A_612, %parallel_loop3A_613] {strides = array<i32>} : memref<2048x16xf32, #tpu.memory_space<vmem>>, vector<16xf32>,
        tpu.vector_store %arg8[%parallel_loop3A_612, %parallel_loop3A_613], %parallel_loop3A_611 {strides = array<i32>} : memref<2048x16xf32, #tpu.memory_space<vmem>>, vector<16xf32>,
        %parallel_loop3A_615 = arith.constant 4 : i32
        %parallel_loop3A_616 = vector.broadcast %parallel_loop3A_615 : i32 to vector<16x1xi32>
        %parallel_loop3A_617 = vector.shape_cast %parallel_loop3A_616 : vector<16x1xi32> to vector<16xi32>
        %parallel_loop3A_618 = tpu.dynamic_gather %parallel_loop3A_557[%parallel_loop3A_617] in [0] : vector<16xf32>, vector<16xi32> -> vector<16xf32>
        %parallel_loop3A_619 = arith.constant 4 : i32
        %parallel_loop3A_620 = arith.addi %parallel_loop3A_562, %parallel_loop3A_619 : i32
        %parallel_loop3A_621 = arith.index_cast %parallel_loop3A_620 : i32 to index
        %parallel_loop3A_622 = arith.constant 0 : index
        %parallel_loop3A_623 = tpu.vector_load %arg8[%parallel_loop3A_621, %parallel_loop3A_622] {strides = array<i32>} : memref<2048x16xf32, #tpu.memory_space<vmem>>, vector<16xf32>,
        %parallel_loop3A_624 = arith.mulf %parallel_loop3A_623, %parallel_loop3A_618 : vector<16xf32>
        %parallel_loop3A_625 = arith.index_cast %parallel_loop3A_620 : i32 to index
        %parallel_loop3A_626 = arith.constant 0 : index
        %parallel_loop3A_627 = tpu.vector_load %arg8[%parallel_loop3A_625, %parallel_loop3A_626] {strides = array<i32>} : memref<2048x16xf32, #tpu.memory_space<vmem>>, vector<16xf32>,
        tpu.vector_store %arg8[%parallel_loop3A_625, %parallel_loop3A_626], %parallel_loop3A_624 {strides = array<i32>} : memref<2048x16xf32, #tpu.memory_space<vmem>>, vector<16xf32>,
        %parallel_loop3A_628 = arith.constant 5 : i32
        %parallel_loop3A_629 = vector.broadcast %parallel_loop3A_628 : i32 to vector<16x1xi32>
        %parallel_loop3A_630 = vector.shape_cast %parallel_loop3A_629 : vector<16x1xi32> to vector<16xi32>
        %parallel_loop3A_631 = tpu.dynamic_gather %parallel_loop3A_557[%parallel_loop3A_630] in [0] : vector<16xf32>, vector<16xi32> -> vector<16xf32>
        %parallel_loop3A_632 = arith.constant 5 : i32
        %parallel_loop3A_633 = arith.addi %parallel_loop3A_562, %parallel_loop3A_632 : i32
        %parallel_loop3A_634 = arith.index_cast %parallel_loop3A_633 : i32 to index
        %parallel_loop3A_635 = arith.constant 0 : index
        %parallel_loop3A_636 = tpu.vector_load %arg8[%parallel_loop3A_634, %parallel_loop3A_635] {strides = array<i32>} : memref<2048x16xf32, #tpu.memory_space<vmem>>, vector<16xf32>,
        %parallel_loop3A_637 = arith.mulf %parallel_loop3A_636, %parallel_loop3A_631 : vector<16xf32>
        %parallel_loop3A_638 = arith.index_cast %parallel_loop3A_633 : i32 to index
        %parallel_loop3A_639 = arith.constant 0 : index
        %parallel_loop3A_640 = tpu.vector_load %arg8[%parallel_loop3A_638, %parallel_loop3A_639] {strides = array<i32>} : memref<2048x16xf32, #tpu.memory_space<vmem>>, vector<16xf32>,
        tpu.vector_store %arg8[%parallel_loop3A_638, %parallel_loop3A_639], %parallel_loop3A_637 {strides = array<i32>} : memref<2048x16xf32, #tpu.memory_space<vmem>>, vector<16xf32>,
        %parallel_loop3A_641 = arith.constant 6 : i32
        %parallel_loop3A_642 = vector.broadcast %parallel_loop3A_641 : i32 to vector<16x1xi32>
        %parallel_loop3A_643 = vector.shape_cast %parallel_loop3A_642 : vector<16x1xi32> to vector<16xi32>
        %parallel_loop3A_644 = tpu.dynamic_gather %parallel_loop3A_557[%parallel_loop3A_643] in [0] : vector<16xf32>, vector<16xi32> -> vector<16xf32>
        %parallel_loop3A_645 = arith.constant 6 : i32
        %parallel_loop3A_646 = arith.addi %parallel_loop3A_562, %parallel_loop3A_645 : i32
        %parallel_loop3A_647 = arith.index_cast %parallel_loop3A_646 : i32 to index
        %parallel_loop3A_648 = arith.constant 0 : index
        %parallel_loop3A_649 = tpu.vector_load %arg8[%parallel_loop3A_647, %parallel_loop3A_648] {strides = array<i32>} : memref<2048x16xf32, #tpu.memory_space<vmem>>, vector<16xf32>,
        %parallel_loop3A_650 = arith.mulf %parallel_loop3A_649, %parallel_loop3A_644 : vector<16xf32>
        %parallel_loop3A_651 = arith.index_cast %parallel_loop3A_646 : i32 to index
        %parallel_loop3A_652 = arith.constant 0 : index
        %parallel_loop3A_653 = tpu.vector_load %arg8[%parallel_loop3A_651, %parallel_loop3A_652] {strides = array<i32>} : memref<2048x16xf32, #tpu.memory_space<vmem>>, vector<16xf32>,
        tpu.vector_store %arg8[%parallel_loop3A_651, %parallel_loop3A_652], %parallel_loop3A_650 {strides = array<i32>} : memref<2048x16xf32, #tpu.memory_space<vmem>>, vector<16xf32>,
        %parallel_loop3A_654 = arith.constant 7 : i32
        %parallel_loop3A_655 = vector.broadcast %parallel_loop3A_654 : i32 to vector<16x1xi32>
        %parallel_loop3A_656 = vector.shape_cast %parallel_loop3A_655 : vector<16x1xi32> to vector<16xi32>
        %parallel_loop3A_657 = tpu.dynamic_gather %parallel_loop3A_557[%parallel_loop3A_656] in [0] : vector<16xf32>, vector<16xi32> -> vector<16xf32>
        %parallel_loop3A_658 = arith.constant 7 : i32
        %parallel_loop3A_659 = arith.addi %parallel_loop3A_562, %parallel_loop3A_658 : i32
        %parallel_loop3A_660 = arith.index_cast %parallel_loop3A_659 : i32 to index
        %parallel_loop3A_661 = arith.constant 0 : index
        %parallel_loop3A_662 = tpu.vector_load %arg8[%parallel_loop3A_660, %parallel_loop3A_661] {strides = array<i32>} : memref<2048x16xf32, #tpu.memory_space<vmem>>, vector<16xf32>,
        %parallel_loop3A_663 = arith.mulf %parallel_loop3A_662, %parallel_loop3A_657 : vector<16xf32>
        %parallel_loop3A_664 = arith.index_cast %parallel_loop3A_659 : i32 to index
        %parallel_loop3A_665 = arith.constant 0 : index
        %parallel_loop3A_666 = tpu.vector_load %arg8[%parallel_loop3A_664, %parallel_loop3A_665] {strides = array<i32>} : memref<2048x16xf32, #tpu.memory_space<vmem>>, vector<16xf32>,
        tpu.vector_store %arg8[%parallel_loop3A_664, %parallel_loop3A_665], %parallel_loop3A_663 {strides = array<i32>} : memref<2048x16xf32, #tpu.memory_space<vmem>>, vector<16xf32>,
        %parallel_loop3A_667 = arith.constant 8 : i32
        %parallel_loop3A_668 = vector.broadcast %parallel_loop3A_667 : i32 to vector<16x1xi32>
        %parallel_loop3A_669 = vector.shape_cast %parallel_loop3A_668 : vector<16x1xi32> to vector<16xi32>
        %parallel_loop3A_670 = tpu.dynamic_gather %parallel_loop3A_557[%parallel_loop3A_669] in [0] : vector<16xf32>, vector<16xi32> -> vector<16xf32>
        %parallel_loop3A_671 = arith.constant 8 : i32
        %parallel_loop3A_672 = arith.addi %parallel_loop3A_562, %parallel_loop3A_671 : i32
        %parallel_loop3A_673 = arith.index_cast %parallel_loop3A_672 : i32 to index
        %parallel_loop3A_674 = arith.constant 0 : index
        %parallel_loop3A_675 = tpu.vector_load %arg8[%parallel_loop3A_673, %parallel_loop3A_674] {strides = array<i32>} : memref<2048x16xf32, #tpu.memory_space<vmem>>, vector<16xf32>,
        %parallel_loop3A_676 = arith.mulf %parallel_loop3A_675, %parallel_loop3A_670 : vector<16xf32>
        %parallel_loop3A_677 = arith.index_cast %parallel_loop3A_672 : i32 to index
        %parallel_loop3A_678 = arith.constant 0 : index
        %parallel_loop3A_679 = tpu.vector_load %arg8[%parallel_loop3A_677, %parallel_loop3A_678] {strides = array<i32>} : memref<2048x16xf32, #tpu.memory_space<vmem>>, vector<16xf32>,
        tpu.vector_store %arg8[%parallel_loop3A_677, %parallel_loop3A_678], %parallel_loop3A_676 {strides = array<i32>} : memref<2048x16xf32, #tpu.memory_space<vmem>>, vector<16xf32>,
        %parallel_loop3A_680 = arith.constant 9 : i32
        %parallel_loop3A_681 = vector.broadcast %parallel_loop3A_680 : i32 to vector<16x1xi32>
        %parallel_loop3A_682 = vector.shape_cast %parallel_loop3A_681 : vector<16x1xi32> to vector<16xi32>
        %parallel_loop3A_683 = tpu.dynamic_gather %parallel_loop3A_557[%parallel_loop3A_682] in [0] : vector<16xf32>, vector<16xi32> -> vector<16xf32>
        %parallel_loop3A_684 = arith.constant 9 : i32
        %parallel_loop3A_685 = arith.addi %parallel_loop3A_562, %parallel_loop3A_684 : i32
        %parallel_loop3A_686 = arith.index_cast %parallel_loop3A_685 : i32 to index
        %parallel_loop3A_687 = arith.constant 0 : index
        %parallel_loop3A_688 = tpu.vector_load %arg8[%parallel_loop3A_686, %parallel_loop3A_687] {strides = array<i32>} : memref<2048x16xf32, #tpu.memory_space<vmem>>, vector<16xf32>,
        %parallel_loop3A_689 = arith.mulf %parallel_loop3A_688, %parallel_loop3A_683 : vector<16xf32>
        %parallel_loop3A_690 = arith.index_cast %parallel_loop3A_685 : i32 to index
        %parallel_loop3A_691 = arith.constant 0 : index
        %parallel_loop3A_692 = tpu.vector_load %arg8[%parallel_loop3A_690, %parallel_loop3A_691] {strides = array<i32>} : memref<2048x16xf32, #tpu.memory_space<vmem>>, vector<16xf32>,
        tpu.vector_store %arg8[%parallel_loop3A_690, %parallel_loop3A_691], %parallel_loop3A_689 {strides = array<i32>} : memref<2048x16xf32, #tpu.memory_space<vmem>>, vector<16xf32>,
        %parallel_loop3A_693 = arith.constant 10 : i32
        %parallel_loop3A_694 = vector.broadcast %parallel_loop3A_693 : i32 to vector<16x1xi32>
        %parallel_loop3A_695 = vector.shape_cast %parallel_loop3A_694 : vector<16x1xi32> to vector<16xi32>
        %parallel_loop3A_696 = tpu.dynamic_gather %parallel_loop3A_557[%parallel_loop3A_695] in [0] : vector<16xf32>, vector<16xi32> -> vector<16xf32>
        %parallel_loop3A_697 = arith.constant 10 : i32
        %parallel_loop3A_698 = arith.addi %parallel_loop3A_562, %parallel_loop3A_697 : i32
        %parallel_loop3A_699 = arith.index_cast %parallel_loop3A_698 : i32 to index
        %parallel_loop3A_700 = arith.constant 0 : index
        %parallel_loop3A_701 = tpu.vector_load %arg8[%parallel_loop3A_699, %parallel_loop3A_700] {strides = array<i32>} : memref<2048x16xf32, #tpu.memory_space<vmem>>, vector<16xf32>,
        %parallel_loop3A_702 = arith.mulf %parallel_loop3A_701, %parallel_loop3A_696 : vector<16xf32>
        %parallel_loop3A_703 = arith.index_cast %parallel_loop3A_698 : i32 to index
        %parallel_loop3A_704 = arith.constant 0 : index
        %parallel_loop3A_705 = tpu.vector_load %arg8[%parallel_loop3A_703, %parallel_loop3A_704] {strides = array<i32>} : memref<2048x16xf32, #tpu.memory_space<vmem>>, vector<16xf32>,
        tpu.vector_store %arg8[%parallel_loop3A_703, %parallel_loop3A_704], %parallel_loop3A_702 {strides = array<i32>} : memref<2048x16xf32, #tpu.memory_space<vmem>>, vector<16xf32>,
        %parallel_loop3A_706 = arith.constant 11 : i32
        %parallel_loop3A_707 = vector.broadcast %parallel_loop3A_706 : i32 to vector<16x1xi32>
        %parallel_loop3A_708 = vector.shape_cast %parallel_loop3A_707 : vector<16x1xi32> to vector<16xi32>
        %parallel_loop3A_709 = tpu.dynamic_gather %parallel_loop3A_557[%parallel_loop3A_708] in [0] : vector<16xf32>, vector<16xi32> -> vector<16xf32>
        %parallel_loop3A_710 = arith.constant 11 : i32
        %parallel_loop3A_711 = arith.addi %parallel_loop3A_562, %parallel_loop3A_710 : i32
        %parallel_loop3A_712 = arith.index_cast %parallel_loop3A_711 : i32 to index
        %parallel_loop3A_713 = arith.constant 0 : index
        %parallel_loop3A_714 = tpu.vector_load %arg8[%parallel_loop3A_712, %parallel_loop3A_713] {strides = array<i32>} : memref<2048x16xf32, #tpu.memory_space<vmem>>, vector<16xf32>,
        %parallel_loop3A_715 = arith.mulf %parallel_loop3A_714, %parallel_loop3A_709 : vector<16xf32>
        %parallel_loop3A_716 = arith.index_cast %parallel_loop3A_711 : i32 to index
        %parallel_loop3A_717 = arith.constant 0 : index
        %parallel_loop3A_718 = tpu.vector_load %arg8[%parallel_loop3A_716, %parallel_loop3A_717] {strides = array<i32>} : memref<2048x16xf32, #tpu.memory_space<vmem>>, vector<16xf32>,
        tpu.vector_store %arg8[%parallel_loop3A_716, %parallel_loop3A_717], %parallel_loop3A_715 {strides = array<i32>} : memref<2048x16xf32, #tpu.memory_space<vmem>>, vector<16xf32>,
        %parallel_loop3A_719 = arith.constant 12 : i32
        %parallel_loop3A_720 = vector.broadcast %parallel_loop3A_719 : i32 to vector<16x1xi32>
        %parallel_loop3A_721 = vector.shape_cast %parallel_loop3A_720 : vector<16x1xi32> to vector<16xi32>
        %parallel_loop3A_722 = tpu.dynamic_gather %parallel_loop3A_557[%parallel_loop3A_721] in [0] : vector<16xf32>, vector<16xi32> -> vector<16xf32>
        %parallel_loop3A_723 = arith.constant 12 : i32
        %parallel_loop3A_724 = arith.addi %parallel_loop3A_562, %parallel_loop3A_723 : i32
        %parallel_loop3A_725 = arith.index_cast %parallel_loop3A_724 : i32 to index
        %parallel_loop3A_726 = arith.constant 0 : index
        %parallel_loop3A_727 = tpu.vector_load %arg8[%parallel_loop3A_725, %parallel_loop3A_726] {strides = array<i32>} : memref<2048x16xf32, #tpu.memory_space<vmem>>, vector<16xf32>,
        %parallel_loop3A_728 = arith.mulf %parallel_loop3A_727, %parallel_loop3A_722 : vector<16xf32>
        %parallel_loop3A_729 = arith.index_cast %parallel_loop3A_724 : i32 to index
        %parallel_loop3A_730 = arith.constant 0 : index
        %parallel_loop3A_731 = tpu.vector_load %arg8[%parallel_loop3A_729, %parallel_loop3A_730] {strides = array<i32>} : memref<2048x16xf32, #tpu.memory_space<vmem>>, vector<16xf32>,
        tpu.vector_store %arg8[%parallel_loop3A_729, %parallel_loop3A_730], %parallel_loop3A_728 {strides = array<i32>} : memref<2048x16xf32, #tpu.memory_space<vmem>>, vector<16xf32>,
        %parallel_loop3A_732 = arith.constant 13 : i32
        %parallel_loop3A_733 = vector.broadcast %parallel_loop3A_732 : i32 to vector<16x1xi32>
        %parallel_loop3A_734 = vector.shape_cast %parallel_loop3A_733 : vector<16x1xi32> to vector<16xi32>
        %parallel_loop3A_735 = tpu.dynamic_gather %parallel_loop3A_557[%parallel_loop3A_734] in [0] : vector<16xf32>, vector<16xi32> -> vector<16xf32>
        %parallel_loop3A_736 = arith.constant 13 : i32
        %parallel_loop3A_737 = arith.addi %parallel_loop3A_562, %parallel_loop3A_736 : i32
        %parallel_loop3A_738 = arith.index_cast %parallel_loop3A_737 : i32 to index
        %parallel_loop3A_739 = arith.constant 0 : index
        %parallel_loop3A_740 = tpu.vector_load %arg8[%parallel_loop3A_738, %parallel_loop3A_739] {strides = array<i32>} : memref<2048x16xf32, #tpu.memory_space<vmem>>, vector<16xf32>,
        %parallel_loop3A_741 = arith.mulf %parallel_loop3A_740, %parallel_loop3A_735 : vector<16xf32>
        %parallel_loop3A_742 = arith.index_cast %parallel_loop3A_737 : i32 to index
        %parallel_loop3A_743 = arith.constant 0 : index
        %parallel_loop3A_744 = tpu.vector_load %arg8[%parallel_loop3A_742, %parallel_loop3A_743] {strides = array<i32>} : memref<2048x16xf32, #tpu.memory_space<vmem>>, vector<16xf32>,
        tpu.vector_store %arg8[%parallel_loop3A_742, %parallel_loop3A_743], %parallel_loop3A_741 {strides = array<i32>} : memref<2048x16xf32, #tpu.memory_space<vmem>>, vector<16xf32>,
        %parallel_loop3A_745 = arith.constant 14 : i32
        %parallel_loop3A_746 = vector.broadcast %parallel_loop3A_745 : i32 to vector<16x1xi32>
        %parallel_loop3A_747 = vector.shape_cast %parallel_loop3A_746 : vector<16x1xi32> to vector<16xi32>
        %parallel_loop3A_748 = tpu.dynamic_gather %parallel_loop3A_557[%parallel_loop3A_747] in [0] : vector<16xf32>, vector<16xi32> -> vector<16xf32>
        %parallel_loop3A_749 = arith.constant 14 : i32
        %parallel_loop3A_750 = arith.addi %parallel_loop3A_562, %parallel_loop3A_749 : i32
        %parallel_loop3A_751 = arith.index_cast %parallel_loop3A_750 : i32 to index
        %parallel_loop3A_752 = arith.constant 0 : index
        %parallel_loop3A_753 = tpu.vector_load %arg8[%parallel_loop3A_751, %parallel_loop3A_752] {strides = array<i32>} : memref<2048x16xf32, #tpu.memory_space<vmem>>, vector<16xf32>,
        %parallel_loop3A_754 = arith.mulf %parallel_loop3A_753, %parallel_loop3A_748 : vector<16xf32>
        %parallel_loop3A_755 = arith.index_cast %parallel_loop3A_750 : i32 to index
        %parallel_loop3A_756 = arith.constant 0 : index
        %parallel_loop3A_757 = tpu.vector_load %arg8[%parallel_loop3A_755, %parallel_loop3A_756] {strides = array<i32>} : memref<2048x16xf32, #tpu.memory_space<vmem>>, vector<16xf32>,
        tpu.vector_store %arg8[%parallel_loop3A_755, %parallel_loop3A_756], %parallel_loop3A_754 {strides = array<i32>} : memref<2048x16xf32, #tpu.memory_space<vmem>>, vector<16xf32>,
        %parallel_loop3A_758 = arith.constant 15 : i32
        %parallel_loop3A_759 = vector.broadcast %parallel_loop3A_758 : i32 to vector<16x1xi32>
        %parallel_loop3A_760 = vector.shape_cast %parallel_loop3A_759 : vector<16x1xi32> to vector<16xi32>
        %parallel_loop3A_761 = tpu.dynamic_gather %parallel_loop3A_557[%parallel_loop3A_760] in [0] : vector<16xf32>, vector<16xi32> -> vector<16xf32>
        %parallel_loop3A_762 = arith.constant 15 : i32
        %parallel_loop3A_763 = arith.addi %parallel_loop3A_562, %parallel_loop3A_762 : i32
        %parallel_loop3A_764 = arith.index_cast %parallel_loop3A_763 : i32 to index
        %parallel_loop3A_765 = arith.constant 0 : index
        %parallel_loop3A_766 = tpu.vector_load %arg8[%parallel_loop3A_764, %parallel_loop3A_765] {strides = array<i32>} : memref<2048x16xf32, #tpu.memory_space<vmem>>, vector<16xf32>,
        %parallel_loop3A_767 = arith.mulf %parallel_loop3A_766, %parallel_loop3A_761 : vector<16xf32>
        %parallel_loop3A_768 = arith.index_cast %parallel_loop3A_763 : i32 to index
        %parallel_loop3A_769 = arith.constant 0 : index
        %parallel_loop3A_770 = tpu.vector_load %arg8[%parallel_loop3A_768, %parallel_loop3A_769] {strides = array<i32>} : memref<2048x16xf32, #tpu.memory_space<vmem>>, vector<16xf32>,
        tpu.vector_store %arg8[%parallel_loop3A_768, %parallel_loop3A_769], %parallel_loop3A_767 {strides = array<i32>} : memref<2048x16xf32, #tpu.memory_space<vmem>>, vector<16xf32>,
      } {sc.loop_unroll_factor = 4 : i64, sc.parallel_access}
      %mul3A_473 = arith.constant 512 : i32
      %mul3A_474 = arith.muli %rem3A_368, %mul3A_473 : i32
      %add3A_475 = arith.constant 0 : i32
      %add3A_476 = arith.addi %mul3A_474, %add3A_475 : i32
      %mul3A_477 = arith.constant 16 : i32
      %mul3A_478 = arith.muli %rem3A_374, %mul3A_477 : i32
      %add3A_479 = arith.constant 4 : i32
      %add3A_480 = arith.addi %mul3A_478, %add3A_479 : i32
      %add3A_481 = arith.constant 0 : i32
      %add3A_482 = arith.addi %add3A_480, %add3A_481 : i32
      %dma_start3A_483 = arith.constant 0 : i32
      %dma_start3A_484 = tpu.memref_slice %arg8[%add3A_476, %dma_start3A_483] : memref<2048x16xf32, #tpu.memory_space<vmem>> -> memref<128x16xf32, #tpu.memory_space<vmem>>
      %dma_start3A_485 = arith.constant 0 : i32
      %dma_start3A_486 = tpu.memref_slice %arg7[%add3A_482, %dma_start3A_485] : memref<80x128xi32, #tpu.memory_space<vmem>> -> memref<1x128xi32, #tpu.memory_space<vmem>>
      %dma_start3A_487 = tpu.memref_squeeze %dma_start3A_486 : memref<1x128xi32, #tpu.memory_space<vmem>> -> memref<128xi32, #tpu.memory_space<vmem>>
      %dma_start3A_488 = arith.constant 0 : i32
      %dma_start3A_489 = arith.constant 0 : i32
      %dma_start3A_490 = tpu.memref_slice %arg9[%dma_start3A_488, %dma_start3A_489] : memref<10240x16xf32, #tpu.memory_space<vmem_shared>> -> memref<10240x16xf32, #tpu.memory_space<vmem_shared>>
      tpu.enqueue_indirect_dma source(%dma_start3A_484 : memref<128x16xf32, #tpu.memory_space<vmem>>) target(%dma_start3A_490 : memref<10240x16xf32, #tpu.memory_space<vmem_shared>>) offsets(%dma_start3A_487 : memref<128xi32, #tpu.memory_space<vmem>>) semaphore(%arg11 : memref<!tpu.dma_semaphore, #tpu.memory_space<semaphore_mem>>) {add = true}
      %mul3A_491 = arith.constant 512 : i32
      %mul3A_492 = arith.muli %rem3A_368, %mul3A_491 : i32
      %add3A_493 = arith.constant 128 : i32
      %add3A_494 = arith.addi %mul3A_492, %add3A_493 : i32
      %mul3A_495 = arith.constant 16 : i32
      %mul3A_496 = arith.muli %rem3A_374, %mul3A_495 : i32
      %add3A_497 = arith.constant 4 : i32
      %add3A_498 = arith.addi %mul3A_496, %add3A_497 : i32
      %add3A_499 = arith.constant 1 : i32
      %add3A_500 = arith.addi %add3A_498, %add3A_499 : i32
      %dma_start3A_501 = arith.constant 0 : i32
      %dma_start3A_502 = tpu.memref_slice %arg8[%add3A_494, %dma_start3A_501] : memref<2048x16xf32, #tpu.memory_space<vmem>> -> memref<128x16xf32, #tpu.memory_space<vmem>>
      %dma_start3A_503 = arith.constant 0 : i32
      %dma_start3A_504 = tpu.memref_slice %arg7[%add3A_500, %dma_start3A_503] : memref<80x128xi32, #tpu.memory_space<vmem>> -> memref<1x128xi32, #tpu.memory_space<vmem>>
      %dma_start3A_505 = tpu.memref_squeeze %dma_start3A_504 : memref<1x128xi32, #tpu.memory_space<vmem>> -> memref<128xi32, #tpu.memory_space<vmem>>
      %dma_start3A_506 = arith.constant 0 : i32
      %dma_start3A_507 = arith.constant 0 : i32
      %dma_start3A_508 = tpu.memref_slice %arg9[%dma_start3A_506, %dma_start3A_507] : memref<10240x16xf32, #tpu.memory_space<vmem_shared>> -> memref<10240x16xf32, #tpu.memory_space<vmem_shared>>
      tpu.enqueue_indirect_dma source(%dma_start3A_502 : memref<128x16xf32, #tpu.memory_space<vmem>>) target(%dma_start3A_508 : memref<10240x16xf32, #tpu.memory_space<vmem_shared>>) offsets(%dma_start3A_505 : memref<128xi32, #tpu.memory_space<vmem>>) semaphore(%arg11 : memref<!tpu.dma_semaphore, #tpu.memory_space<semaphore_mem>>) {add = true}
      %mul3A_509 = arith.constant 512 : i32
      %mul3A_510 = arith.muli %rem3A_368, %mul3A_509 : i32
      %add3A_511 = arith.constant 256 : i32
      %add3A_512 = arith.addi %mul3A_510, %add3A_511 : i32
      %mul3A_513 = arith.constant 16 : i32
      %mul3A_514 = arith.muli %rem3A_374, %mul3A_513 : i32
      %add3A_515 = arith.constant 4 : i32
      %add3A_516 = arith.addi %mul3A_514, %add3A_515 : i32
      %add3A_517 = arith.constant 2 : i32
      %add3A_518 = arith.addi %add3A_516, %add3A_517 : i32
      %dma_start3A_519 = arith.constant 0 : i32
      %dma_start3A_520 = tpu.memref_slice %arg8[%add3A_512, %dma_start3A_519] : memref<2048x16xf32, #tpu.memory_space<vmem>> -> memref<128x16xf32, #tpu.memory_space<vmem>>
      %dma_start3A_521 = arith.constant 0 : i32
      %dma_start3A_522 = tpu.memref_slice %arg7[%add3A_518, %dma_start3A_521] : memref<80x128xi32, #tpu.memory_space<vmem>> -> memref<1x128xi32, #tpu.memory_space<vmem>>
      %dma_start3A_523 = tpu.memref_squeeze %dma_start3A_522 : memref<1x128xi32, #tpu.memory_space<vmem>> -> memref<128xi32, #tpu.memory_space<vmem>>
      %dma_start3A_524 = arith.constant 0 : i32
      %dma_start3A_525 = arith.constant 0 : i32
      %dma_start3A_526 = tpu.memref_slice %arg9[%dma_start3A_524, %dma_start3A_525] : memref<10240x16xf32, #tpu.memory_space<vmem_shared>> -> memref<10240x16xf32, #tpu.memory_space<vmem_shared>>
      tpu.enqueue_indirect_dma source(%dma_start3A_520 : memref<128x16xf32, #tpu.memory_space<vmem>>) target(%dma_start3A_526 : memref<10240x16xf32, #tpu.memory_space<vmem_shared>>) offsets(%dma_start3A_523 : memref<128xi32, #tpu.memory_space<vmem>>) semaphore(%arg11 : memref<!tpu.dma_semaphore, #tpu.memory_space<semaphore_mem>>) {add = true}
      %mul3A_527 = arith.constant 512 : i32
      %mul3A_528 = arith.muli %rem3A_368, %mul3A_527 : i32
      %add3A_529 = arith.constant 384 : i32
      %add3A_530 = arith.addi %mul3A_528, %add3A_529 : i32
      %mul3A_531 = arith.constant 16 : i32
      %mul3A_532 = arith.muli %rem3A_374, %mul3A_531 : i32
      %add3A_533 = arith.constant 4 : i32
      %add3A_534 = arith.addi %mul3A_532, %add3A_533 : i32
      %add3A_535 = arith.constant 3 : i32
      %add3A_536 = arith.addi %add3A_534, %add3A_535 : i32
      %dma_start3A_537 = arith.constant 0 : i32
      %dma_start3A_538 = tpu.memref_slice %arg8[%add3A_530, %dma_start3A_537] : memref<2048x16xf32, #tpu.memory_space<vmem>> -> memref<128x16xf32, #tpu.memory_space<vmem>>
      %dma_start3A_539 = arith.constant 0 : i32
      %dma_start3A_540 = tpu.memref_slice %arg7[%add3A_536, %dma_start3A_539] : memref<80x128xi32, #tpu.memory_space<vmem>> -> memref<1x128xi32, #tpu.memory_space<vmem>>
      %dma_start3A_541 = tpu.memref_squeeze %dma_start3A_540 : memref<1x128xi32, #tpu.memory_space<vmem>> -> memref<128xi32, #tpu.memory_space<vmem>>
      %dma_start3A_542 = arith.constant 0 : i32
      %dma_start3A_543 = arith.constant 0 : i32
      %dma_start3A_544 = tpu.memref_slice %arg9[%dma_start3A_542, %dma_start3A_543] : memref<10240x16xf32, #tpu.memory_space<vmem_shared>> -> memref<10240x16xf32, #tpu.memory_space<vmem_shared>>
      tpu.enqueue_indirect_dma source(%dma_start3A_538 : memref<128x16xf32, #tpu.memory_space<vmem>>) target(%dma_start3A_544 : memref<10240x16xf32, #tpu.memory_space<vmem_shared>>) offsets(%dma_start3A_541 : memref<128xi32, #tpu.memory_space<vmem>>) semaphore(%arg11 : memref<!tpu.dma_semaphore, #tpu.memory_space<semaphore_mem>>) {add = true}
      %scan3A_545 = arith.constant 0 : i32
      scf.yield %scan3A_545 : i32
    }
    %scan3A_113 = arith.constant 40 : i32
    %mul3A_114 = arith.constant 1 : i32
    %mul3A_115 = arith.constant 512 : i32
    %mul3A_116 = arith.muli %mul3A_114, %mul3A_115 : i32
    %add3A_117 = arith.constant 0 : i32
    %add3A_118 = arith.addi %mul3A_116, %add3A_117 : i32
    %mul3A_119 = arith.constant 2 : i32
    %mul3A_120 = arith.constant 16 : i32
    %mul3A_121 = arith.muli %mul3A_119, %mul3A_120 : i32
    %add3A_122 = arith.constant 4 : i32
    %add3A_123 = arith.addi %mul3A_121, %add3A_122 : i32
    %add3A_124 = arith.constant 0 : i32
    %add3A_125 = arith.addi %add3A_123, %add3A_124 : i32
    %dma_wait3A = arith.constant 0 : i32
    %dma_wait3A_126 = tpu.memref_slice %arg8[%add3A_118, %dma_wait3A] : memref<2048x16xf32, #tpu.memory_space<vmem>> -> memref<128x16xf32, #tpu.memory_space<vmem>>
    %dma_wait3A_127 = arith.constant 0 : i32
    %dma_wait3A_128 = tpu.memref_slice %arg7[%add3A_125, %dma_wait3A_127] : memref<80x128xi32, #tpu.memory_space<vmem>> -> memref<1x128xi32, #tpu.memory_space<vmem>>
    %dma_wait3A_129 = tpu.memref_squeeze %dma_wait3A_128 : memref<1x128xi32, #tpu.memory_space<vmem>> -> memref<128xi32, #tpu.memory_space<vmem>>
    %dma_wait3A_130 = arith.constant 0 : i32
    %dma_wait3A_131 = arith.constant 0 : i32
    %dma_wait3A_132 = tpu.memref_slice %arg9[%dma_wait3A_130, %dma_wait3A_131] : memref<10240x16xf32, #tpu.memory_space<vmem_shared>> -> memref<10240x16xf32, #tpu.memory_space<vmem_shared>>
    tpu.wait_indirect_dma semaphore(%arg11 : memref<!tpu.dma_semaphore, #tpu.memory_space<semaphore_mem>>) src(%dma_wait3A_126 : memref<128x16xf32, #tpu.memory_space<vmem>>) dst(%dma_wait3A_132 : memref<10240x16xf32, #tpu.memory_space<vmem_shared>>)
    %mul3A_133 = arith.constant 1 : i32
    %mul3A_134 = arith.constant 512 : i32
    %mul3A_135 = arith.muli %mul3A_133, %mul3A_134 : i32
    %add3A_136 = arith.constant 128 : i32
    %add3A_137 = arith.addi %mul3A_135, %add3A_136 : i32
    %mul3A_138 = arith.constant 2 : i32
    %mul3A_139 = arith.constant 16 : i32
    %mul3A_140 = arith.muli %mul3A_138, %mul3A_139 : i32
    %add3A_141 = arith.constant 4 : i32
    %add3A_142 = arith.addi %mul3A_140, %add3A_141 : i32
    %add3A_143 = arith.constant 1 : i32
    %add3A_144 = arith.addi %add3A_142, %add3A_143 : i32
    %dma_wait3A_145 = arith.constant 0 : i32
    %dma_wait3A_146 = tpu.memref_slice %arg8[%add3A_137, %dma_wait3A_145] : memref<2048x16xf32, #tpu.memory_space<vmem>> -> memref<128x16xf32, #tpu.memory_space<vmem>>
    %dma_wait3A_147 = arith.constant 0 : i32
    %dma_wait3A_148 = tpu.memref_slice %arg7[%add3A_144, %dma_wait3A_147] : memref<80x128xi32, #tpu.memory_space<vmem>> -> memref<1x128xi32, #tpu.memory_space<vmem>>
    %dma_wait3A_149 = tpu.memref_squeeze %dma_wait3A_148 : memref<1x128xi32, #tpu.memory_space<vmem>> -> memref<128xi32, #tpu.memory_space<vmem>>
    %dma_wait3A_150 = arith.constant 0 : i32
    %dma_wait3A_151 = arith.constant 0 : i32
    %dma_wait3A_152 = tpu.memref_slice %arg9[%dma_wait3A_150, %dma_wait3A_151] : memref<10240x16xf32, #tpu.memory_space<vmem_shared>> -> memref<10240x16xf32, #tpu.memory_space<vmem_shared>>
    tpu.wait_indirect_dma semaphore(%arg11 : memref<!tpu.dma_semaphore, #tpu.memory_space<semaphore_mem>>) src(%dma_wait3A_146 : memref<128x16xf32, #tpu.memory_space<vmem>>) dst(%dma_wait3A_152 : memref<10240x16xf32, #tpu.memory_space<vmem_shared>>)
    %mul3A_153 = arith.constant 1 : i32
    %mul3A_154 = arith.constant 512 : i32
    %mul3A_155 = arith.muli %mul3A_153, %mul3A_154 : i32
    %add3A_156 = arith.constant 256 : i32
    %add3A_157 = arith.addi %mul3A_155, %add3A_156 : i32
    %mul3A_158 = arith.constant 2 : i32
    %mul3A_159 = arith.constant 16 : i32
    %mul3A_160 = arith.muli %mul3A_158, %mul3A_159 : i32
    %add3A_161 = arith.constant 4 : i32
    %add3A_162 = arith.addi %mul3A_160, %add3A_161 : i32
    %add3A_163 = arith.constant 2 : i32
    %add3A_164 = arith.addi %add3A_162, %add3A_163 : i32
    %dma_wait3A_165 = arith.constant 0 : i32
    %dma_wait3A_166 = tpu.memref_slice %arg8[%add3A_157, %dma_wait3A_165] : memref<2048x16xf32, #tpu.memory_space<vmem>> -> memref<128x16xf32, #tpu.memory_space<vmem>>
    %dma_wait3A_167 = arith.constant 0 : i32
    %dma_wait3A_168 = tpu.memref_slice %arg7[%add3A_164, %dma_wait3A_167] : memref<80x128xi32, #tpu.memory_space<vmem>> -> memref<1x128xi32, #tpu.memory_space<vmem>>
    %dma_wait3A_169 = tpu.memref_squeeze %dma_wait3A_168 : memref<1x128xi32, #tpu.memory_space<vmem>> -> memref<128xi32, #tpu.memory_space<vmem>>
    %dma_wait3A_170 = arith.constant 0 : i32
    %dma_wait3A_171 = arith.constant 0 : i32
    %dma_wait3A_172 = tpu.memref_slice %arg9[%dma_wait3A_170, %dma_wait3A_171] : memref<10240x16xf32, #tpu.memory_space<vmem_shared>> -> memref<10240x16xf32, #tpu.memory_space<vmem_shared>>
    tpu.wait_indirect_dma semaphore(%arg11 : memref<!tpu.dma_semaphore, #tpu.memory_space<semaphore_mem>>) src(%dma_wait3A_166 : memref<128x16xf32, #tpu.memory_space<vmem>>) dst(%dma_wait3A_172 : memref<10240x16xf32, #tpu.memory_space<vmem_shared>>)
    %mul3A_173 = arith.constant 1 : i32
    %mul3A_174 = arith.constant 512 : i32
    %mul3A_175 = arith.muli %mul3A_173, %mul3A_174 : i32
    %add3A_176 = arith.constant 384 : i32
    %add3A_177 = arith.addi %mul3A_175, %add3A_176 : i32
    %mul3A_178 = arith.constant 2 : i32
    %mul3A_179 = arith.constant 16 : i32
    %mul3A_180 = arith.muli %mul3A_178, %mul3A_179 : i32
    %add3A_181 = arith.constant 4 : i32
    %add3A_182 = arith.addi %mul3A_180, %add3A_181 : i32
    %add3A_183 = arith.constant 3 : i32
    %add3A_184 = arith.addi %add3A_182, %add3A_183 : i32
    %dma_wait3A_185 = arith.constant 0 : i32
    %dma_wait3A_186 = tpu.memref_slice %arg8[%add3A_177, %dma_wait3A_185] : memref<2048x16xf32, #tpu.memory_space<vmem>> -> memref<128x16xf32, #tpu.memory_space<vmem>>
    %dma_wait3A_187 = arith.constant 0 : i32
    %dma_wait3A_188 = tpu.memref_slice %arg7[%add3A_184, %dma_wait3A_187] : memref<80x128xi32, #tpu.memory_space<vmem>> -> memref<1x128xi32, #tpu.memory_space<vmem>>
    %dma_wait3A_189 = tpu.memref_squeeze %dma_wait3A_188 : memref<1x128xi32, #tpu.memory_space<vmem>> -> memref<128xi32, #tpu.memory_space<vmem>>
    %dma_wait3A_190 = arith.constant 0 : i32
    %dma_wait3A_191 = arith.constant 0 : i32
    %dma_wait3A_192 = tpu.memref_slice %arg9[%dma_wait3A_190, %dma_wait3A_191] : memref<10240x16xf32, #tpu.memory_space<vmem_shared>> -> memref<10240x16xf32, #tpu.memory_space<vmem_shared>>
    tpu.wait_indirect_dma semaphore(%arg11 : memref<!tpu.dma_semaphore, #tpu.memory_space<semaphore_mem>>) src(%dma_wait3A_186 : memref<128x16xf32, #tpu.memory_space<vmem>>) dst(%dma_wait3A_192 : memref<10240x16xf32, #tpu.memory_space<vmem_shared>>)
    %mul3A_193 = arith.constant 2 : i32
    %mul3A_194 = arith.constant 512 : i32
    %mul3A_195 = arith.muli %mul3A_193, %mul3A_194 : i32
    %add3A_196 = arith.constant 0 : i32
    %add3A_197 = arith.addi %mul3A_195, %add3A_196 : i32
    %mul3A_198 = arith.constant 3 : i32
    %mul3A_199 = arith.constant 16 : i32
    %mul3A_200 = arith.muli %mul3A_198, %mul3A_199 : i32
    %add3A_201 = arith.constant 4 : i32
    %add3A_202 = arith.addi %mul3A_200, %add3A_201 : i32
    %add3A_203 = arith.constant 0 : i32
    %add3A_204 = arith.addi %add3A_202, %add3A_203 : i32
    %dma_wait3A_205 = arith.constant 0 : i32
    %dma_wait3A_206 = tpu.memref_slice %arg8[%add3A_197, %dma_wait3A_205] : memref<2048x16xf32, #tpu.memory_space<vmem>> -> memref<128x16xf32, #tpu.memory_space<vmem>>
    %dma_wait3A_207 = arith.constant 0 : i32
    %dma_wait3A_208 = tpu.memref_slice %arg7[%add3A_204, %dma_wait3A_207] : memref<80x128xi32, #tpu.memory_space<vmem>> -> memref<1x128xi32, #tpu.memory_space<vmem>>
    %dma_wait3A_209 = tpu.memref_squeeze %dma_wait3A_208 : memref<1x128xi32, #tpu.memory_space<vmem>> -> memref<128xi32, #tpu.memory_space<vmem>>
    %dma_wait3A_210 = arith.constant 0 : i32
    %dma_wait3A_211 = arith.constant 0 : i32
    %dma_wait3A_212 = tpu.memref_slice %arg9[%dma_wait3A_210, %dma_wait3A_211] : memref<10240x16xf32, #tpu.memory_space<vmem_shared>> -> memref<10240x16xf32, #tpu.memory_space<vmem_shared>>
    tpu.wait_indirect_dma semaphore(%arg11 : memref<!tpu.dma_semaphore, #tpu.memory_space<semaphore_mem>>) src(%dma_wait3A_206 : memref<128x16xf32, #tpu.memory_space<vmem>>) dst(%dma_wait3A_212 : memref<10240x16xf32, #tpu.memory_space<vmem_shared>>)
    %mul3A_213 = arith.constant 2 : i32
    %mul3A_214 = arith.constant 512 : i32
    %mul3A_215 = arith.muli %mul3A_213, %mul3A_214 : i32
    %add3A_216 = arith.constant 128 : i32
    %add3A_217 = arith.addi %mul3A_215, %add3A_216 : i32
    %mul3A_218 = arith.constant 3 : i32
    %mul3A_219 = arith.constant 16 : i32
    %mul3A_220 = arith.muli %mul3A_218, %mul3A_219 : i32
    %add3A_221 = arith.constant 4 : i32
    %add3A_222 = arith.addi %mul3A_220, %add3A_221 : i32
    %add3A_223 = arith.constant 1 : i32
    %add3A_224 = arith.addi %add3A_222, %add3A_223 : i32
    %dma_wait3A_225 = arith.constant 0 : i32
    %dma_wait3A_226 = tpu.memref_slice %arg8[%add3A_217, %dma_wait3A_225] : memref<2048x16xf32, #tpu.memory_space<vmem>> -> memref<128x16xf32, #tpu.memory_space<vmem>>
    %dma_wait3A_227 = arith.constant 0 : i32
    %dma_wait3A_228 = tpu.memref_slice %arg7[%add3A_224, %dma_wait3A_227] : memref<80x128xi32, #tpu.memory_space<vmem>> -> memref<1x128xi32, #tpu.memory_space<vmem>>
    %dma_wait3A_229 = tpu.memref_squeeze %dma_wait3A_228 : memref<1x128xi32, #tpu.memory_space<vmem>> -> memref<128xi32, #tpu.memory_space<vmem>>
    %dma_wait3A_230 = arith.constant 0 : i32
    %dma_wait3A_231 = arith.constant 0 : i32
    %dma_wait3A_232 = tpu.memref_slice %arg9[%dma_wait3A_230, %dma_wait3A_231] : memref<10240x16xf32, #tpu.memory_space<vmem_shared>> -> memref<10240x16xf32, #tpu.memory_space<vmem_shared>>
    tpu.wait_indirect_dma semaphore(%arg11 : memref<!tpu.dma_semaphore, #tpu.memory_space<semaphore_mem>>) src(%dma_wait3A_226 : memref<128x16xf32, #tpu.memory_space<vmem>>) dst(%dma_wait3A_232 : memref<10240x16xf32, #tpu.memory_space<vmem_shared>>)
    %mul3A_233 = arith.constant 2 : i32
    %mul3A_234 = arith.constant 512 : i32
    %mul3A_235 = arith.muli %mul3A_233, %mul3A_234 : i32
    %add3A_236 = arith.constant 256 : i32
    %add3A_237 = arith.addi %mul3A_235, %add3A_236 : i32
    %mul3A_238 = arith.constant 3 : i32
    %mul3A_239 = arith.constant 16 : i32
    %mul3A_240 = arith.muli %mul3A_238, %mul3A_239 : i32
    %add3A_241 = arith.constant 4 : i32
    %add3A_242 = arith.addi %mul3A_240, %add3A_241 : i32
    %add3A_243 = arith.constant 2 : i32
    %add3A_244 = arith.addi %add3A_242, %add3A_243 : i32
    %dma_wait3A_245 = arith.constant 0 : i32
    %dma_wait3A_246 = tpu.memref_slice %arg8[%add3A_237, %dma_wait3A_245] : memref<2048x16xf32, #tpu.memory_space<vmem>> -> memref<128x16xf32, #tpu.memory_space<vmem>>
    %dma_wait3A_247 = arith.constant 0 : i32
    %dma_wait3A_248 = tpu.memref_slice %arg7[%add3A_244, %dma_wait3A_247] : memref<80x128xi32, #tpu.memory_space<vmem>> -> memref<1x128xi32, #tpu.memory_space<vmem>>
    %dma_wait3A_249 = tpu.memref_squeeze %dma_wait3A_248 : memref<1x128xi32, #tpu.memory_space<vmem>> -> memref<128xi32, #tpu.memory_space<vmem>>
    %dma_wait3A_250 = arith.constant 0 : i32
    %dma_wait3A_251 = arith.constant 0 : i32
    %dma_wait3A_252 = tpu.memref_slice %arg9[%dma_wait3A_250, %dma_wait3A_251] : memref<10240x16xf32, #tpu.memory_space<vmem_shared>> -> memref<10240x16xf32, #tpu.memory_space<vmem_shared>>
    tpu.wait_indirect_dma semaphore(%arg11 : memref<!tpu.dma_semaphore, #tpu.memory_space<semaphore_mem>>) src(%dma_wait3A_246 : memref<128x16xf32, #tpu.memory_space<vmem>>) dst(%dma_wait3A_252 : memref<10240x16xf32, #tpu.memory_space<vmem_shared>>)
    %mul3A_253 = arith.constant 2 : i32
    %mul3A_254 = arith.constant 512 : i32
    %mul3A_255 = arith.muli %mul3A_253, %mul3A_254 : i32
    %add3A_256 = arith.constant 384 : i32
    %add3A_257 = arith.addi %mul3A_255, %add3A_256 : i32
    %mul3A_258 = arith.constant 3 : i32
    %mul3A_259 = arith.constant 16 : i32
    %mul3A_260 = arith.muli %mul3A_258, %mul3A_259 : i32
    %add3A_261 = arith.constant 4 : i32
    %add3A_262 = arith.addi %mul3A_260, %add3A_261 : i32
    %add3A_263 = arith.constant 3 : i32
    %add3A_264 = arith.addi %add3A_262, %add3A_263 : i32
    %dma_wait3A_265 = arith.constant 0 : i32
    %dma_wait3A_266 = tpu.memref_slice %arg8[%add3A_257, %dma_wait3A_265] : memref<2048x16xf32, #tpu.memory_space<vmem>> -> memref<128x16xf32, #tpu.memory_space<vmem>>
    %dma_wait3A_267 = arith.constant 0 : i32
    %dma_wait3A_268 = tpu.memref_slice %arg7[%add3A_264, %dma_wait3A_267] : memref<80x128xi32, #tpu.memory_space<vmem>> -> memref<1x128xi32, #tpu.memory_space<vmem>>
    %dma_wait3A_269 = tpu.memref_squeeze %dma_wait3A_268 : memref<1x128xi32, #tpu.memory_space<vmem>> -> memref<128xi32, #tpu.memory_space<vmem>>
    %dma_wait3A_270 = arith.constant 0 : i32
    %dma_wait3A_271 = arith.constant 0 : i32
    %dma_wait3A_272 = tpu.memref_slice %arg9[%dma_wait3A_270, %dma_wait3A_271] : memref<10240x16xf32, #tpu.memory_space<vmem_shared>> -> memref<10240x16xf32, #tpu.memory_space<vmem_shared>>
    tpu.wait_indirect_dma semaphore(%arg11 : memref<!tpu.dma_semaphore, #tpu.memory_space<semaphore_mem>>) src(%dma_wait3A_266 : memref<128x16xf32, #tpu.memory_space<vmem>>) dst(%dma_wait3A_272 : memref<10240x16xf32, #tpu.memory_space<vmem_shared>>)
    %mul3A_273 = arith.constant 3 : i32
    %mul3A_274 = arith.constant 512 : i32
    %mul3A_275 = arith.muli %mul3A_273, %mul3A_274 : i32
    %add3A_276 = arith.constant 0 : i32
    %add3A_277 = arith.addi %mul3A_275, %add3A_276 : i32
    %mul3A_278 = arith.constant 4 : i32
    %mul3A_279 = arith.constant 16 : i32
    %mul3A_280 = arith.muli %mul3A_278, %mul3A_279 : i32
    %add3A_281 = arith.constant 4 : i32
    %add3A_282 = arith.addi %mul3A_280, %add3A_281 : i32
    %add3A_283 = arith.constant 0 : i32
    %add3A_284 = arith.addi %add3A_282, %add3A_283 : i32
    %dma_wait3A_285 = arith.constant 0 : i32
    %dma_wait3A_286 = tpu.memref_slice %arg8[%add3A_277, %dma_wait3A_285] : memref<2048x16xf32, #tpu.memory_space<vmem>> -> memref<128x16xf32, #tpu.memory_space<vmem>>
    %dma_wait3A_287 = arith.constant 0 : i32
    %dma_wait3A_288 = tpu.memref_slice %arg7[%add3A_284, %dma_wait3A_287] : memref<80x128xi32, #tpu.memory_space<vmem>> -> memref<1x128xi32, #tpu.memory_space<vmem>>
    %dma_wait3A_289 = tpu.memref_squeeze %dma_wait3A_288 : memref<1x128xi32, #tpu.memory_space<vmem>> -> memref<128xi32, #tpu.memory_space<vmem>>
    %dma_wait3A_290 = arith.constant 0 : i32
    %dma_wait3A_291 = arith.constant 0 : i32
    %dma_wait3A_292 = tpu.memref_slice %arg9[%dma_wait3A_290, %dma_wait3A_291] : memref<10240x16xf32, #tpu.memory_space<vmem_shared>> -> memref<10240x16xf32, #tpu.memory_space<vmem_shared>>
    tpu.wait_indirect_dma semaphore(%arg11 : memref<!tpu.dma_semaphore, #tpu.memory_space<semaphore_mem>>) src(%dma_wait3A_286 : memref<128x16xf32, #tpu.memory_space<vmem>>) dst(%dma_wait3A_292 : memref<10240x16xf32, #tpu.memory_space<vmem_shared>>)
    %mul3A_293 = arith.constant 3 : i32
    %mul3A_294 = arith.constant 512 : i32
    %mul3A_295 = arith.muli %mul3A_293, %mul3A_294 : i32
    %add3A_296 = arith.constant 128 : i32
    %add3A_297 = arith.addi %mul3A_295, %add3A_296 : i32
    %mul3A_298 = arith.constant 4 : i32
    %mul3A_299 = arith.constant 16 : i32
    %mul3A_300 = arith.muli %mul3A_298, %mul3A_299 : i32
    %add3A_301 = arith.constant 4 : i32
    %add3A_302 = arith.addi %mul3A_300, %add3A_301 : i32
    %add3A_303 = arith.constant 1 : i32
    %add3A_304 = arith.addi %add3A_302, %add3A_303 : i32
    %dma_wait3A_305 = arith.constant 0 : i32
    %dma_wait3A_306 = tpu.memref_slice %arg8[%add3A_297, %dma_wait3A_305] : memref<2048x16xf32, #tpu.memory_space<vmem>> -> memref<128x16xf32, #tpu.memory_space<vmem>>
    %dma_wait3A_307 = arith.constant 0 : i32
    %dma_wait3A_308 = tpu.memref_slice %arg7[%add3A_304, %dma_wait3A_307] : memref<80x128xi32, #tpu.memory_space<vmem>> -> memref<1x128xi32, #tpu.memory_space<vmem>>
    %dma_wait3A_309 = tpu.memref_squeeze %dma_wait3A_308 : memref<1x128xi32, #tpu.memory_space<vmem>> -> memref<128xi32, #tpu.memory_space<vmem>>
    %dma_wait3A_310 = arith.constant 0 : i32
    %dma_wait3A_311 = arith.constant 0 : i32
    %dma_wait3A_312 = tpu.memref_slice %arg9[%dma_wait3A_310, %dma_wait3A_311] : memref<10240x16xf32, #tpu.memory_space<vmem_shared>> -> memref<10240x16xf32, #tpu.memory_space<vmem_shared>>
    tpu.wait_indirect_dma semaphore(%arg11 : memref<!tpu.dma_semaphore, #tpu.memory_space<semaphore_mem>>) src(%dma_wait3A_306 : memref<128x16xf32, #tpu.memory_space<vmem>>) dst(%dma_wait3A_312 : memref<10240x16xf32, #tpu.memory_space<vmem_shared>>)
    %mul3A_313 = arith.constant 3 : i32
    %mul3A_314 = arith.constant 512 : i32
    %mul3A_315 = arith.muli %mul3A_313, %mul3A_314 : i32
    %add3A_316 = arith.constant 256 : i32
    %add3A_317 = arith.addi %mul3A_315, %add3A_316 : i32
    %mul3A_318 = arith.constant 4 : i32
    %mul3A_319 = arith.constant 16 : i32
    %mul3A_320 = arith.muli %mul3A_318, %mul3A_319 : i32
    %add3A_321 = arith.constant 4 : i32
    %add3A_322 = arith.addi %mul3A_320, %add3A_321 : i32
    %add3A_323 = arith.constant 2 : i32
    %add3A_324 = arith.addi %add3A_322, %add3A_323 : i32
    %dma_wait3A_325 = arith.constant 0 : i32
    %dma_wait3A_326 = tpu.memref_slice %arg8[%add3A_317, %dma_wait3A_325] : memref<2048x16xf32, #tpu.memory_space<vmem>> -> memref<128x16xf32, #tpu.memory_space<vmem>>
    %dma_wait3A_327 = arith.constant 0 : i32
    %dma_wait3A_328 = tpu.memref_slice %arg7[%add3A_324, %dma_wait3A_327] : memref<80x128xi32, #tpu.memory_space<vmem>> -> memref<1x128xi32, #tpu.memory_space<vmem>>
    %dma_wait3A_329 = tpu.memref_squeeze %dma_wait3A_328 : memref<1x128xi32, #tpu.memory_space<vmem>> -> memref<128xi32, #tpu.memory_space<vmem>>
    %dma_wait3A_330 = arith.constant 0 : i32
    %dma_wait3A_331 = arith.constant 0 : i32
    %dma_wait3A_332 = tpu.memref_slice %arg9[%dma_wait3A_330, %dma_wait3A_331] : memref<10240x16xf32, #tpu.memory_space<vmem_shared>> -> memref<10240x16xf32, #tpu.memory_space<vmem_shared>>
    tpu.wait_indirect_dma semaphore(%arg11 : memref<!tpu.dma_semaphore, #tpu.memory_space<semaphore_mem>>) src(%dma_wait3A_326 : memref<128x16xf32, #tpu.memory_space<vmem>>) dst(%dma_wait3A_332 : memref<10240x16xf32, #tpu.memory_space<vmem_shared>>)
    %mul3A_333 = arith.constant 3 : i32
    %mul3A_334 = arith.constant 512 : i32
    %mul3A_335 = arith.muli %mul3A_333, %mul3A_334 : i32
    %add3A_336 = arith.constant 384 : i32
    %add3A_337 = arith.addi %mul3A_335, %add3A_336 : i32
    %mul3A_338 = arith.constant 4 : i32
    %mul3A_339 = arith.constant 16 : i32
    %mul3A_340 = arith.muli %mul3A_338, %mul3A_339 : i32
    %add3A_341 = arith.constant 4 : i32
    %add3A_342 = arith.addi %mul3A_340, %add3A_341 : i32
    %add3A_343 = arith.constant 3 : i32
    %add3A_344 = arith.addi %add3A_342, %add3A_343 : i32
    %dma_wait3A_345 = arith.constant 0 : i32
    %dma_wait3A_346 = tpu.memref_slice %arg8[%add3A_337, %dma_wait3A_345] : memref<2048x16xf32, #tpu.memory_space<vmem>> -> memref<128x16xf32, #tpu.memory_space<vmem>>
    %dma_wait3A_347 = arith.constant 0 : i32
    %dma_wait3A_348 = tpu.memref_slice %arg7[%add3A_344, %dma_wait3A_347] : memref<80x128xi32, #tpu.memory_space<vmem>> -> memref<1x128xi32, #tpu.memory_space<vmem>>
    %dma_wait3A_349 = tpu.memref_squeeze %dma_wait3A_348 : memref<1x128xi32, #tpu.memory_space<vmem>> -> memref<128xi32, #tpu.memory_space<vmem>>
    %dma_wait3A_350 = arith.constant 0 : i32
    %dma_wait3A_351 = arith.constant 0 : i32
    %dma_wait3A_352 = tpu.memref_slice %arg9[%dma_wait3A_350, %dma_wait3A_351] : memref<10240x16xf32, #tpu.memory_space<vmem_shared>> -> memref<10240x16xf32, #tpu.memory_space<vmem_shared>>
    tpu.wait_indirect_dma semaphore(%arg11 : memref<!tpu.dma_semaphore, #tpu.memory_space<semaphore_mem>>) src(%dma_wait3A_346 : memref<128x16xf32, #tpu.memory_space<vmem>>) dst(%dma_wait3A_352 : memref<10240x16xf32, #tpu.memory_space<vmem_shared>>)
    %barrier3A_353 = arith.constant 0 : index
    tpu.barrier barrier_id(%barrier3A_353)
    %mul3A_354 = arith.constant 640 : i32
    %mul3A_355 = arith.muli %arg1, %mul3A_354 : i32
    %eq3A_356 = arith.constant 0 : i32
    %eq3A_357 = arith.cmpi eq, %arg0, %eq3A_356 : i32
    %convert_element_type3A_358 = arith.extui %eq3A_357 : i1 to i32
    %cond3A_359 = arith.constant 0 : i32
    %cond3A_360 = arith.cmpi ne, %convert_element_type3A_358, %cond3A_359 : i32
    scf.if %cond3A_360 {
      "tpu.region"() ({
        %run_scoped3A = tpu.sem_alloc : memref<!tpu.dma_semaphore, #tpu.memory_space<semaphore_mem>>
        %dma_start3A_366 = arith.constant 0 : i32
        %dma_start3A_367 = tpu.memref_slice %arg5[%mul3A_355, %dma_start3A_366] : memref<10240x16xf32, #tpu.memory_space<hbm>> -> memref<640x16xf32, #tpu.memory_space<hbm>>
        %dma_start3A_368 = arith.constant 0 : i32
        %dma_start3A_369 = tpu.memref_slice %arg9[%mul3A_355, %dma_start3A_368] : memref<10240x16xf32, #tpu.memory_space<vmem_shared>> -> memref<640x16xf32, #tpu.memory_space<vmem_shared>>
        tpu.enqueue_dma source(%dma_start3A_369 : memref<640x16xf32, #tpu.memory_space<vmem_shared>>) target(%dma_start3A_367 : memref<640x16xf32, #tpu.memory_space<hbm>>) target_semaphore(%run_scoped3A : memref<!tpu.dma_semaphore, #tpu.memory_space<semaphore_mem>>)
        %dma_wait3A_370 = arith.constant 0 : i32
        %dma_wait3A_371 = tpu.memref_slice %arg5[%mul3A_355, %dma_wait3A_370] : memref<10240x16xf32, #tpu.memory_space<hbm>> -> memref<640x16xf32, #tpu.memory_space<hbm>>
        %dma_wait3A_372 = arith.constant 0 : i32
        %dma_wait3A_373 = tpu.memref_slice %arg9[%mul3A_355, %dma_wait3A_372] : memref<10240x16xf32, #tpu.memory_space<vmem_shared>> -> memref<640x16xf32, #tpu.memory_space<vmem_shared>>
        tpu.wait_dma2 semaphore(%run_scoped3A : memref<!tpu.dma_semaphore, #tpu.memory_space<semaphore_mem>>) src(%dma_wait3A_373 : memref<640x16xf32, #tpu.memory_space<vmem_shared>>) dst(%dma_wait3A_371 : memref<640x16xf32, #tpu.memory_space<hbm>>)
        tpu.yield
      }) : () -> ()
    } else {
    }
    %eq3A_361 = arith.constant 1 : i32
    %eq3A_362 = arith.cmpi eq, %arg0, %eq3A_361 : i32
    %convert_element_type3A_363 = arith.extui %eq3A_362 : i1 to i32
    %cond3A_364 = arith.constant 0 : i32
    %cond3A_365 = arith.cmpi ne, %convert_element_type3A_363, %cond3A_364 : i32
    scf.if %cond3A_365 {
      "tpu.region"() ({
        %run_scoped3A = tpu.sem_alloc : memref<!tpu.dma_semaphore, #tpu.memory_space<semaphore_mem>>
        %dma_start3A_366 = arith.constant 0 : i32
        %dma_start3A_367 = tpu.memref_slice %arg6[%mul3A_355, %dma_start3A_366] : memref<10240x16xf32, #tpu.memory_space<hbm>> -> memref<640x16xf32, #tpu.memory_space<hbm>>
        %dma_start3A_368 = arith.constant 0 : i32
        %dma_start3A_369 = tpu.memref_slice %arg9[%mul3A_355, %dma_start3A_368] : memref<10240x16xf32, #tpu.memory_space<vmem_shared>> -> memref<640x16xf32, #tpu.memory_space<vmem_shared>>
        tpu.enqueue_dma source(%dma_start3A_369 : memref<640x16xf32, #tpu.memory_space<vmem_shared>>) target(%dma_start3A_367 : memref<640x16xf32, #tpu.memory_space<hbm>>) target_semaphore(%run_scoped3A : memref<!tpu.dma_semaphore, #tpu.memory_space<semaphore_mem>>)
        %dma_wait3A_370 = arith.constant 0 : i32
        %dma_wait3A_371 = tpu.memref_slice %arg6[%mul3A_355, %dma_wait3A_370] : memref<10240x16xf32, #tpu.memory_space<hbm>> -> memref<640x16xf32, #tpu.memory_space<hbm>>
        %dma_wait3A_372 = arith.constant 0 : i32
        %dma_wait3A_373 = tpu.memref_slice %arg9[%mul3A_355, %dma_wait3A_372] : memref<10240x16xf32, #tpu.memory_space<vmem_shared>> -> memref<640x16xf32, #tpu.memory_space<vmem_shared>>
        tpu.wait_dma2 semaphore(%run_scoped3A : memref<!tpu.dma_semaphore, #tpu.memory_space<semaphore_mem>>) src(%dma_wait3A_373 : memref<640x16xf32, #tpu.memory_space<vmem_shared>>) dst(%dma_wait3A_371 : memref<640x16xf32, #tpu.memory_space<hbm>>)
        tpu.yield
      }) : () -> ()
    } else {
    }
    return
  }
}

module attributes {stable_mosaic.version = 14 : i64} {
  func.func @_tca_body(%arg0: i32, %arg1: memref<256x128xf32, #tpu.memory_space<vmem>>, %arg2: memref<128x64xf32, #tpu.memory_space<vmem>>, %arg3: memref<256x64xf32, #tpu.memory_space<vmem>>, %arg4: memref<256x64xf32, #tpu.memory_space<vmem>>) attributes {dimension_semantics = [#tpu.dimension_semantics<arbitrary>], iteration_bounds = array<i64: 40>, scalar_prefetch = 0 : i64, scratch_operands = 0 : i64, tpu.core_type = #tpu.core_type<tc>, window_params = [{transform_indices = @transform_0, window_bounds = array<i64: 256, 128>}, {pipeline_mode = #tpu.pipeline_mode<synchronous>, transform_indices = @transform_1, window_bounds = array<i64: 128, 64>}, {transform_indices = @transform_2, window_bounds = array<i64: 256, 64>}, {transform_indices = @transform_3, window_bounds = array<i64: 256, 64>}]} {
    %get3A = arith.constant 0 : index
    %get3A_0 = arith.constant 0 : index
    %get3A_1 = vector.load %arg1[%get3A, %get3A_0] : memref<256x128xf32, #tpu.memory_space<vmem>>, vector<256x128xf32>
    %get3A_2 = arith.constant 0 : index
    %get3A_3 = arith.constant 0 : index
    %get3A_4 = vector.load %arg2[%get3A_2, %get3A_3] : memref<128x64xf32, #tpu.memory_space<vmem>>, vector<128x64xf32>
    %dot_general3A = arith.constant dense<0.000000e+00> : vector<256x64xf32>
    %dot_general3A_5 = tpu.matmul %get3A_1, %get3A_4, %dot_general3A {dimension_numbers = #tpu.dot_dimension_numbers<[1], [0], [0], [1], [0, 0, 1, 1], [], []>, transpose_lhs_hint = false} : vector<256x128xf32>, vector<128x64xf32>, vector<256x64xf32> -> vector<256x64xf32>
    %max3A = arith.constant 0.000000e+00 : f32
    %max3A_6 = vector.broadcast %max3A : f32 to vector<256x64xf32>
    %max3A_7 = arith.maximumf %dot_general3A_5, %max3A_6 : vector<256x64xf32>
    %mul3A = arith.constant -1.000000e+00 : f32
    %mul3A_8 = vector.broadcast %mul3A : f32 to vector<256x64xf32>
    %mul3A_9 = arith.mulf %mul3A_8, %max3A_7 : vector<256x64xf32>
    %exp3A = math.exp %mul3A_9 : vector<256x64xf32>
    %mul3A_10 = arith.mulf %max3A_7, %exp3A : vector<256x64xf32>
    %swap3A = arith.constant 0 : index
    %swap3A_11 = arith.constant 0 : index
    %swap3A_12 = vector.load %arg3[%swap3A, %swap3A_11] : memref<256x64xf32, #tpu.memory_space<vmem>>, vector<256x64xf32>
    tpu.vector_store %arg3[%swap3A, %swap3A_11], %mul3A_10 {strides = array<i32>} : memref<256x64xf32, #tpu.memory_space<vmem>>, vector<256x64xf32>,
    %mul3A_13 = arith.mulf %mul3A_10, %exp3A : vector<256x64xf32>
    %swap3A_14 = arith.constant 0 : index
    %swap3A_15 = arith.constant 0 : index
    %swap3A_16 = vector.load %arg4[%swap3A_14, %swap3A_15] : memref<256x64xf32, #tpu.memory_space<vmem>>, vector<256x64xf32>
    tpu.vector_store %arg4[%swap3A_14, %swap3A_15], %mul3A_13 {strides = array<i32>} : memref<256x64xf32, #tpu.memory_space<vmem>>, vector<256x64xf32>,
    return
  }
  func.func @transform_0(%arg0: i32) -> (i32, i32) {
    %c0_i32 = arith.constant 0 : i32
    %c0_i32_0 = arith.constant 0 : i32
    return %arg0, %c0_i32 : i32, i32
  }
  func.func @transform_1(%arg0: i32) -> (i32, i32) {
    %c0_i32 = arith.constant 0 : i32
    %c0_i32_0 = arith.constant 0 : i32
    %c0_i32_1 = arith.constant 0 : i32
    return %c0_i32, %c0_i32_0 : i32, i32
  }
  func.func @transform_2(%arg0: i32) -> (i32, i32) {
    %c0_i32 = arith.constant 0 : i32
    %c0_i32_0 = arith.constant 0 : i32
    return %arg0, %c0_i32 : i32, i32
  }
  func.func @transform_3(%arg0: i32) -> (i32, i32) {
    %c0_i32 = arith.constant 0 : i32
    %c0_i32_0 = arith.constant 0 : i32
    return %arg0, %c0_i32 : i32, i32
  }
}

module attributes {stable_mosaic.version = 14 : i64} {
  func.func @_tcb_body(%arg0: i32, %arg1: memref<256x64xf32, #tpu.memory_space<vmem>>, %arg2: memref<256x64xf32, #tpu.memory_space<vmem>>, %arg3: memref<64x16xf32, #tpu.memory_space<vmem>>, %arg4: memref<64x16xf32, #tpu.memory_space<vmem>>, %arg5: memref<256x16xf32, #tpu.memory_space<vmem>>, %arg6: memref<256x16xf32, #tpu.memory_space<vmem>>) attributes {dimension_semantics = [#tpu.dimension_semantics<arbitrary>], iteration_bounds = array<i64: 40>, scalar_prefetch = 0 : i64, scratch_operands = 0 : i64, tpu.core_type = #tpu.core_type<tc>, window_params = [{transform_indices = @transform_0, window_bounds = array<i64: 256, 64>}, {transform_indices = @transform_1, window_bounds = array<i64: 256, 64>}, {pipeline_mode = #tpu.pipeline_mode<synchronous>, transform_indices = @transform_2, window_bounds = array<i64: 64, 16>}, {pipeline_mode = #tpu.pipeline_mode<synchronous>, transform_indices = @transform_3, window_bounds = array<i64: 64, 16>}, {transform_indices = @transform_4, window_bounds = array<i64: 256, 16>}, {transform_indices = @transform_5, window_bounds = array<i64: 256, 16>}]} {
    %get3A = arith.constant 0 : index
    %get3A_0 = arith.constant 0 : index
    %get3A_1 = vector.load %arg1[%get3A, %get3A_0] : memref<256x64xf32, #tpu.memory_space<vmem>>, vector<256x64xf32>
    %get3A_2 = arith.constant 0 : index
    %get3A_3 = arith.constant 0 : index
    %get3A_4 = vector.load %arg3[%get3A_2, %get3A_3] : memref<64x16xf32, #tpu.memory_space<vmem>>, vector<64x16xf32>
    %dot_general3A = arith.constant dense<0.000000e+00> : vector<256x16xf32>
    %dot_general3A_5 = tpu.matmul %get3A_1, %get3A_4, %dot_general3A {dimension_numbers = #tpu.dot_dimension_numbers<[1], [0], [0], [1], [0, 0, 1, 1], [], []>, transpose_lhs_hint = false} : vector<256x64xf32>, vector<64x16xf32>, vector<256x16xf32> -> vector<256x16xf32>
    %get3A_6 = arith.constant 0 : index
    %get3A_7 = arith.constant 0 : index
    %get3A_8 = vector.load %arg2[%get3A_6, %get3A_7] : memref<256x64xf32, #tpu.memory_space<vmem>>, vector<256x64xf32>
    %get3A_9 = arith.constant 0 : index
    %get3A_10 = arith.constant 0 : index
    %get3A_11 = vector.load %arg4[%get3A_9, %get3A_10] : memref<64x16xf32, #tpu.memory_space<vmem>>, vector<64x16xf32>
    %dot_general3A_12 = arith.constant dense<0.000000e+00> : vector<256x16xf32>
    %dot_general3A_13 = tpu.matmul %get3A_8, %get3A_11, %dot_general3A_12 {dimension_numbers = #tpu.dot_dimension_numbers<[1], [0], [0], [1], [0, 0, 1, 1], [], []>, transpose_lhs_hint = false} : vector<256x64xf32>, vector<64x16xf32>, vector<256x16xf32> -> vector<256x16xf32>
    %max3A = arith.constant 0.000000e+00 : f32
    %max3A_14 = vector.broadcast %max3A : f32 to vector<256x16xf32>
    %max3A_15 = arith.maximumf %dot_general3A_13, %max3A_14 : vector<256x16xf32>
    %mul3A = arith.constant -1.000000e+00 : f32
    %mul3A_16 = vector.broadcast %mul3A : f32 to vector<256x16xf32>
    %mul3A_17 = arith.mulf %mul3A_16, %max3A_15 : vector<256x16xf32>
    %exp3A = math.exp %mul3A_17 : vector<256x16xf32>
    %mul3A_18 = arith.mulf %dot_general3A_5, %exp3A : vector<256x16xf32>
    %swap3A = arith.constant 0 : index
    %swap3A_19 = arith.constant 0 : index
    %swap3A_20 = vector.load %arg5[%swap3A, %swap3A_19] : memref<256x16xf32, #tpu.memory_space<vmem>>, vector<256x16xf32>
    tpu.vector_store %arg5[%swap3A, %swap3A_19], %mul3A_18 {strides = array<i32>} : memref<256x16xf32, #tpu.memory_space<vmem>>, vector<256x16xf32>,
    %mul3A_21 = arith.mulf %max3A_15, %exp3A : vector<256x16xf32>
    %mul3A_22 = arith.mulf %mul3A_21, %exp3A : vector<256x16xf32>
    %swap3A_23 = arith.constant 0 : index
    %swap3A_24 = arith.constant 0 : index
    %swap3A_25 = vector.load %arg6[%swap3A_23, %swap3A_24] : memref<256x16xf32, #tpu.memory_space<vmem>>, vector<256x16xf32>
    tpu.vector_store %arg6[%swap3A_23, %swap3A_24], %mul3A_22 {strides = array<i32>} : memref<256x16xf32, #tpu.memory_space<vmem>>, vector<256x16xf32>,
    return
  }
  func.func @transform_0(%arg0: i32) -> (i32, i32) {
    %c0_i32 = arith.constant 0 : i32
    %c0_i32_0 = arith.constant 0 : i32
    return %arg0, %c0_i32 : i32, i32
  }
  func.func @transform_1(%arg0: i32) -> (i32, i32) {
    %c0_i32 = arith.constant 0 : i32
    %c0_i32_0 = arith.constant 0 : i32
    return %arg0, %c0_i32 : i32, i32
  }
  func.func @transform_2(%arg0: i32) -> (i32, i32) {
    %c0_i32 = arith.constant 0 : i32
    %c0_i32_0 = arith.constant 0 : i32
    %c0_i32_1 = arith.constant 0 : i32
    return %c0_i32, %c0_i32_0 : i32, i32
  }
  func.func @transform_3(%arg0: i32) -> (i32, i32) {
    %c0_i32 = arith.constant 0 : i32
    %c0_i32_0 = arith.constant 0 : i32
    %c0_i32_1 = arith.constant 0 : i32
    return %c0_i32, %c0_i32_0 : i32, i32
  }
  func.func @transform_4(%arg0: i32) -> (i32, i32) {
    %c0_i32 = arith.constant 0 : i32
    %c0_i32_0 = arith.constant 0 : i32
    return %arg0, %c0_i32 : i32, i32
  }
  func.func @transform_5(%arg0: i32) -> (i32, i32) {
    %c0_i32 = arith.constant 0 : i32
    %c0_i32_0 = arith.constant 0 : i32
    return %arg0, %c0_i32 : i32, i32
  }
}

module attributes {stable_mosaic.version = 14 : i64} {
  func.func @_tcd_body(%arg0: i32, %arg1: memref<1024x16xf32, #tpu.memory_space<vmem>>, %arg2: memref<1024x16xf32, #tpu.memory_space<vmem>>, %arg3: memref<1024x16xf32, #tpu.memory_space<vmem>>, %arg4: memref<1024x16xf32, #tpu.memory_space<vmem>>) attributes {dimension_semantics = [#tpu.dimension_semantics<arbitrary>], iteration_bounds = array<i64: 10>, scalar_prefetch = 0 : i64, scratch_operands = 0 : i64, tpu.core_type = #tpu.core_type<tc>, window_params = [{transform_indices = @transform_0, window_bounds = array<i64: 1024, 16>}, {transform_indices = @transform_1, window_bounds = array<i64: 1024, 16>}, {transform_indices = @transform_2, window_bounds = array<i64: 1024, 16>}, {transform_indices = @transform_3, window_bounds = array<i64: 1024, 16>}]} {
    %get3A = arith.constant 0 : index
    %get3A_0 = arith.constant 0 : index
    %get3A_1 = vector.load %arg1[%get3A, %get3A_0] : memref<1024x16xf32, #tpu.memory_space<vmem>>, vector<1024x16xf32>
    %get3A_2 = arith.constant 0 : index
    %get3A_3 = arith.constant 0 : index
    %get3A_4 = vector.load %arg2[%get3A_2, %get3A_3] : memref<1024x16xf32, #tpu.memory_space<vmem>>, vector<1024x16xf32>
    %add3A = arith.constant 9.99999993E-9 : f32
    %add3A_5 = vector.broadcast %add3A : f32 to vector<1024x16xf32>
    %add3A_6 = arith.addf %get3A_4, %add3A_5 : vector<1024x16xf32>
    %sqrt3A = math.sqrt %add3A_6 : vector<1024x16xf32>
    %get3A_7 = arith.constant 0 : index
    %get3A_8 = arith.constant 0 : index
    %get3A_9 = vector.load %arg3[%get3A_7, %get3A_8] : memref<1024x16xf32, #tpu.memory_space<vmem>>, vector<1024x16xf32>
    %mul3A = arith.mulf %sqrt3A, %get3A_9 : vector<1024x16xf32>
    %add3A_10 = arith.addf %get3A_1, %mul3A : vector<1024x16xf32>
    %swap3A = arith.constant 0 : index
    %swap3A_11 = arith.constant 0 : index
    %swap3A_12 = vector.load %arg4[%swap3A, %swap3A_11] : memref<1024x16xf32, #tpu.memory_space<vmem>>, vector<1024x16xf32>
    tpu.vector_store %arg4[%swap3A, %swap3A_11], %add3A_10 {strides = array<i32>} : memref<1024x16xf32, #tpu.memory_space<vmem>>, vector<1024x16xf32>,
    return
  }
  func.func @transform_0(%arg0: i32) -> (i32, i32) {
    %c0_i32 = arith.constant 0 : i32
    %c0_i32_0 = arith.constant 0 : i32
    return %arg0, %c0_i32 : i32, i32
  }
  func.func @transform_1(%arg0: i32) -> (i32, i32) {
    %c0_i32 = arith.constant 0 : i32
    %c0_i32_0 = arith.constant 0 : i32
    return %arg0, %c0_i32 : i32, i32
  }
  func.func @transform_2(%arg0: i32) -> (i32, i32) {
    %c0_i32 = arith.constant 0 : i32
    %c0_i32_0 = arith.constant 0 : i32
    return %arg0, %c0_i32 : i32, i32
  }
  func.func @transform_3(%arg0: i32) -> (i32, i32) {
    %c0_i32 = arith.constant 0 : i32
    %c0_i32_0 = arith.constant 0 : i32
    return %arg0, %c0_i32 : i32, i32
  }
}

</mosaic_0001>

<sc_bundles>
// kernel: kernel.11.cloned.1.call-start
scs
__scs_entry_jumppad:
0x0: {  	(pc) =	sbr.rel $0x88, $3  }
0x1: {  	(tag) =	ssettag $0x0;
	lr =	simm.s32 $0x1  }
0x2: {  	[smem:$0x3F99] =	sst lr;
	_ =	strace $0xD0000000  }
0x3: {  	_ = 	snop  }
0x4: {  	_ = 	snop  }
0x5: {  	_ = 	snop  }
0x6: {  	_ = 	snop  }
0x7: {  	_ = 	snop  }
__scs_overlays_trampoline_lowered:
0x8: {  	[smem:$0x3FA8] =	sst s0  }
0x9: {  	[smem:$0x3FA9] =	sst s1  }
0xa: {  	[smem:$0x3FAA] =	sst s2  }
0xb: {  	[smem:$0x3FAB] =	sst s3  }
0xc: {  	[smem:$0x3FAC] =	sst s4  }
0xd: {  	[smem:$0x3FAD] =	sst s5  }
0xe: {  	[smem:$0x3FAE] =	sst s6  }
0xf: {  	[smem:$0x3FAF] =	sst s7  }
0x10: {  	[smem:$0x3FB0] =	sst s8  }
0x11: {  	[smem:$0x3FB1] =	sst s9;
	s0 =	simm.s32 @!p0 $0x0  }
0x12: {  	s1 =	sld [smem:$0x3F97];
	s0 =	simm.s32 @p0 $0x1  }
0x13: {  	[smem:$0x3FB2] =	sst s0;
	s0 =	simm.s32 @!p1 $0x0  }
0x14: {  	s2 =	sld [smem:$0x3F96];
	s0 =	simm.s32 @p1 $0x1  }
0x15: {  	[smem:$0x3FB3] =	sst s0;
	s0 =	simm.s32 @!p2 $0x0  }
0x16: {  	s3 =	sld [smem:$0x3FDB];
	s0 =	simm.s32 @p2 $0x1  }
0x17: {  	s4 =	simm.s32 $0x1BF5;
	[smem:$0x3FB5] =	sst s0  }
0x18: {  	s0 =	sld [smem:$0x3F98];
	_ =	swait.ge [sflag:s4], $0x0  }
0x19: {  	s7 =	sld [smem:$0x3F99]  }
0x1a: {  	s8 =	sadd.s32 $0xFFFFE003, lr  }
0x1b: {  	s9 =	sadd.s32 $0xFFFFFEF7, lr;
	s5 =	simm.s32 $0xFFFFFFFF;
	p2 =	slt.u32 s8, $0xFFFFF086  }
0x1c: {  	p1 =	slt.u32 s9, $0xF7A;
	s5 =	simm.s32 @!p2 $0x0  }
0x1d: {  	s5 =	simm.s32 @p1 $0x1;
	p0 =	seq.s32 s7, s2  }
0x1e: {  	s7 =	smul.u32 @!p0 $0xF7A, s2;
	p2 =	seq.s32 @!p0 s5, $0x0  }
0x1f: {  	s9 =	smul.u32 $0xF7A, s1;
	s8 =	simm.s32 @!p0 $0x1BF5;
	p2 =	por !p2, p0  }
0x20: {  	[sflag:s8] =	ssyncset.s32 @!p0 $0xFFFFF086;
	s6 =	sadd.s32 @!p0 s3, s7;
	s7 =	simm.s32 @!p0 $0x108  }
0x21: {  	s3 =	sadd.s32 s3, s9;
	s6 =	sadd.s32 @!p0 $0x88, s6;
	s7 =	simm.s32 @p2 $0x1082  }
0x22: {  	[simem:s7], [sflag:s8] =	dma.local @!p0 [hbm:s6], $0xF7A  }
0x23: {  	s9 =	sor.u32 $0xD0000000, s2;
	s6 =	simm.s32 $0x108;
	_ =	swait.ge @!p0 [sflag:s8], $0x0  }
0x24: {  	s3 =	sadd.s32 $0x88, s3;
	s6 =	simm.s32 @!p1 $0x1082;
	[sflag:s4] =	ssyncset.s32 $0xFFFFF086  }
0x25: {  	[simem:s6], [sflag:s4] =	dma.local [hbm:s3], $0xF7A  }
0x26: {  	[smem:$0x3F99] =	sst s1;
	(tag) =	ssettag s2;
	_ =	strace s9  }
0x27: {  	s1 =	sld [smem:$0x3FA9]  }
0x28: {  	s2 =	sld [smem:$0x3FAA]  }
0x29: {  	s4 =	sld [smem:$0x3FAC]  }
0x2a: {  	p0 =	seq.s32 s5, $0x0;
	s5 =	sld [smem:$0x3FAD]  }
0x2b: {  	s6 =	sld [smem:$0x3FAE]  }
0x2c: {  	s7 =	sld [smem:$0x3FAF]  }
0x2d: {  	s3 =	simm.s32 $0x108;
	s8 =	sld [smem:$0x3FB0]  }
0x2e: {  	s3 =	simm.s32 @!p0 $0x1082;
	s9 =	sld [smem:$0x3FB1]  }
0x2f: {  	lr =	sadd.s32 s0, s3;
	s0 =	sld [smem:$0x3FA8]  }
0x30: {  	s3 =	sld [smem:$0x3FAB]  }
0x31: {  	[smem:$0x3FB4] =	sst s10  }
0x32: {  	s10 =	sld [smem:$0x3FB2];
	_ =	sdelay $0x3  }
0x33: {  	p0 =	seq.s32 s10, $0x1;
	s10 =	sld [smem:$0x3FB4];
	_ =	sdelay $0x3  }
0x34: {  	[smem:$0x3FB4] =	sst s10  }
0x35: {  	s10 =	sld [smem:$0x3FB3];
	_ =	sdelay $0x3  }
0x36: {  	p1 =	seq.s32 s10, $0x1;
	s10 =	sld [smem:$0x3FB4];
	_ =	sdelay $0x3  }
0x37: {  	[smem:$0x3FB4] =	sst s10  }
0x38: {  	s10 =	sld [smem:$0x3FB5]  }
0x39: {  	_ = 	snop;
	(pc) =	sbr.ind lr, $3  }
0x3a: {  	_ = 	snop  }
0x3b: {  	_ = 	snop  }
0x3c: {  	p2 =	seq.s32 s10, $0x1;
	s10 =	sld [smem:$0x3FB4]  }
0x3d: {  	_ =	shalt  }
0x3e: {  	_ =	shalt  }
0x3f: {  	_ =	shalt  }
0x40: {  	_ =	shalt  }
0x41: {  	_ =	shalt  }
0x42: {  	_ =	shalt  }
0x43: {  	_ =	shalt  }
0x44: {  	_ =	shalt  }
0x45: {  	_ =	shalt  }
0x46: {  	_ =	shalt  }
0x47: {  	_ =	shalt  }
0x48: {  	_ =	shalt  }
0x49: {  	_ =	shalt  }
0x4a: {  	_ =	shalt  }
0x4b: {  	_ =	shalt  }
0x4c: {  	_ =	shalt  }
0x4d: {  	_ =	shalt  }
0x4e: {  	_ =	shalt  }
0x4f: {  	_ =	shalt  }
0x50: {  	_ =	shalt  }
0x51: {  	_ =	shalt  }
0x52: {  	_ =	shalt  }
0x53: {  	_ =	shalt  }
0x54: {  	_ =	shalt  }
0x55: {  	_ =	shalt  }
0x56: {  	_ =	shalt  }
0x57: {  	_ =	shalt  }
0x58: {  	_ =	shalt  }
0x59: {  	_ =	shalt  }
0x5a: {  	_ =	shalt  }
0x5b: {  	_ =	shalt  }
0x5c: {  	_ =	shalt  }
0x5d: {  	_ =	shalt  }
0x5e: {  	_ =	shalt  }
0x5f: {  	_ =	shalt  }
0x60: {  	_ =	shalt  }
0x61: {  	_ =	shalt  }
0x62: {  	_ =	shalt  }
0x63: {  	_ =	shalt  }
0x64: {  	_ =	shalt  }
0x65: {  	_ =	shalt  }
0x66: {  	_ =	shalt  }
0x67: {  	_ =	shalt  }
0x68: {  	_ =	shalt  }
0x69: {  	_ =	shalt  }
0x6a: {  	_ =	shalt  }
0x6b: {  	_ =	shalt  }
0x6c: {  	_ =	shalt  }
0x6d: {  	_ =	shalt  }
0x6e: {  	_ =	shalt  }
0x6f: {  	_ =	shalt  }
0x70: {  	_ =	shalt  }
0x71: {  	_ =	shalt  }
0x72: {  	_ =	shalt  }
0x73: {  	_ =	shalt  }
0x74: {  	_ =	shalt  }
0x75: {  	_ =	shalt  }
0x76: {  	_ =	shalt  }
0x77: {  	_ =	shalt  }
0x78: {  	_ =	shalt  }
0x79: {  	_ =	shalt  }
0x7a: {  	_ =	shalt  }
0x7b: {  	_ =	shalt  }
0x7c: {  	_ =	shalt  }
0x7d: {  	_ =	shalt  }
0x7e: {  	_ =	shalt  }
0x7f: {  	_ =	shalt  }
0x80: {  	_ =	shalt  }
0x81: {  	_ =	shalt  }
0x82: {  	_ =	shalt  }
0x83: {  	_ =	shalt  }
0x84: {  	_ =	shalt  }
0x85: {  	_ =	shalt  }
0x86: {  	_ =	shalt  }
0x87: {  	_ =	shalt  }
.Lfunc_end0:
.L_simem_size_0:
called_computation.1_lowered:
.L_overlay_start_0:
0x88: {  	s2 =	sld [smem:$0x3FD9]  }
0x89: {  	s3 =	sld [smem:$0x3FFE];
	_ =	sdelay $0x1  }
0x8a: {  	s1 =	srdreg.scid  }
0x8b: {  	s0 =	sand.u32 $0x1, s1  }
0x8c: {  	s16 =	sshll.u32 s0, $0xA;
	s2 =	sadd.s32 s3, s2  }
0x8d: {  	s2 =	sadd.s32 s2, s16  }
0x8e: {  	[smem:$0x3FC0] =	sst s2  }
0x8f: {  	_ = 	snop  }
0x90: {  	(tm) =	ssettm $0x1  }
0x91: {  	s17 =	sld [smem:$0x3FFB];
	_ =	sdelay $0x3  }
0x92: {  	_ =	strace s17  }
0x93: {  	s2 =	sld [smem:$0x3FFC];
	_ =	sdelay $0x3  }
0x94: {  	_ =	strace s2  }
0x95: {  	s2 =	sld [smem:$0x3FFD];
	_ =	sdelay $0x3  }
0x96: {  	_ =	strace s2  }
0x97: {  	_ =	strace $0x8FFFFFFF  }
0x98: {  	s18 =	sld [smem:$0x3FDB];
	_ =	sdelay $0x1  }
0x99: {  	s19 =	simm.s32 $_scs_section_size  }
0x9a: {  	s4 =	simm.s32 $_size__tile_overlayer_lowered;
	s5 =	simm.s32 $_tile_overlayer_lowered  }
0x9b: {  	s22 =	simm.s32 $0x1BFF;
	s21 =	sshll.u32 s5, $0x1;
	s2 =	sadd.s32 s19, s18  }
0x9c: {  	s6 =	simm.s32 $0x0;
	s20 =	sshll.u32 s4, $0x1;
	s4 =	sadd.s32 s21, s2  }
0x9d: {  	[timem:s6], [sflag:s22] =	dma.local [hbm:s4], s20  }
0x9e: {  	_ =	swait.ge [sflag:s22], s20  }
0x9f: {  	s3 =	ssub.s32 $0x0, s20;
	[sflag:s22] =	ssyncset.done $0x0  }
0xa0: {  	[sflag:s22] =	ssyncadd.s32 s3;
	_ =	sdelay $0x1  }
0xa1: {  	s23 =	simm.s32 $0x1B8B  }
0xa2: {  	_ =	swait.ge [sflag:s23], $0x1  }
0xa3: {  	[sflag:s23] =	ssyncset.done $0x0  }
0xa4: {  	s25 =	simm.s32 $0x1B8E;
	s24 =	sld [smem:$0x3FFE];
	[sflag:s23] =	ssyncadd.s32 $0xFFFFFFFF  }
0xa5: {  	s26 =	simm.s32 $execute0_lowered;
	[smem:$0x3FD2] =	sst s25  }
0xa6: {  	s4 =	sshll.u32 s26, $0x1;
	_ =	strace $0x80000049;
	[dreg:$0x1] =	wrdreg $0xFFFFFFFF  }
0xa7: {  	s28 =	simm.s32 $_size_execute0_lowered;
	s2 =	sadd.s32 s2, s4;
	[dreg:$0x0] =	wrdreg $0x0  }
0xa8: {  	s4 =	sshll.u32 s28, $0x1;
	[dreg:$0x2] =	wrdreg s2  }
0xa9: {  	[dreg:$0x3] =	wrdreg s4  }
0xaa: {  	[dreg:$0x4] =	wrdreg $0xC0  }
0xab: {  	_ =	task [dreg:s6], $0x5FFFF  }
0xac: {  	[dreg:$0x1] =	wrdreg $0xFFFFFFFF  }
0xad: {  	[dreg:$0x0] =	wrdreg $0x60  }
0xae: {  	[dreg:$0x2] =	wrdreg s24  }
0xaf: {  	[dreg:$0x3] =	wrdreg $0xA8000  }
0xb0: {  	[dreg:$0x4] =	wrdreg $0x9  }
0xb1: {  	_ =	task.clear_ibuf [dreg:s6], $0x5FFFF;
	_ =	strace $0x90000049  }
0xb2: {  	s29 =	simm.s32 $0x9;
	_ =	strace $0x8000004B  }
0xb3: {  	_ =	swait.ge [sflag:s29], $0x1  }
0xb4: {  	[sflag:s29] =	ssyncadd.s32 $0xFFFFFFFF  }
0xb5: {  	_ =	strace $0x9000004B  }
0xb6: {  	_ =	sfence  }
0xb7: {  	s30 =	sld [smem:$0x0];
	_ =	sdelay $0x2  }
0xb8: {  	s31 =	sshll.u32 s1, $0xD;
	s1 =	sshrl.u32 s1, $0x2  }
0xb9: {  	s3 =	sand.u32 $0x4000, s31;
	s1 =	sadd.s32 s1, s30  }
0xba: {  	s0 =	sor.u32 s3, s0;
	s1 =	sshll.u32 s1, $0x11  }
0xbb: {  	s0 =	sor.u32 s1, s0  }
0xbc: {  	s0 =	sadd.s32 $0x8F2B, s0  }
0xbd: {  	[sflag:s0] =	ssyncadd.remote.s32 $0x1  }
0xbe: {  	_ =	sfence.sel $0xFFFF  }
0xbf: {  	[dreg:$0x0] =	wrdreg $0xFFFFFFFF;
	(pc) =	sbr.abs _section_cstart, $3  }
0xc0: {  	[dreg:$0x1] =	wrdreg $0xFFFFFFFF  }
0xc1: {  	_ =	task.clear_ibuf [dreg:s6], $0x2FFFF;
	_ =	strace $0x9FFFFFFF  }
0xc2: {  	(tm) =	ssettm $0x7FFFFFFF  }
0xc3: {  	_ =	shalt  }
tec
execute0_lowered:
.L_overlay_start_1:
0x0: {  	(tag) =	ssettag $0x1  }
0x1: {  	s0 =	rddreg [dreg:$0x0]  }
0x2: {  	s1 =	rddreg [dreg:$0x1];
	s3 =	simm.s32 $0x0  }
0x3: {  	s10 =	stileid.u32;
	s5 =	srdreg.scid;
	s18 =	simm.s32 $0x4  }
0x4: {  	s19 =	simm.s32 $0x80;
	s28 =	simm.s32 $0x2;
	s29 =	simm.s32 $0x3  }
0x5: {  	[smem:$0x7FF] =	sst s3;
	s2 =	sadd.s32 $0x7400, s0;
	s6 =	smul.u32 $0x2800, s10  }
0x6: {  	s4 =	sadd.s32 $0x2400, s0;
	s14 =	sand.u32 $0x1, s5;
	s21 =	smul.u32 $0xA000, s10  }
0x7: {  	s15 =	sadd.s32 $0x11400, s0;
	s16 =	sadd.s32 $0xC400, s0;
	s10 =	smul.u32 $0x28, s10  }
0x8: {  	s13 =	sadd.s32 $0x7A600, s0;
	_ =	strace $0x8000004A;
	s7 =	ssub.s32 $0x2, s14  }
0x9: {  	p0 =	seq.s32 s14, $0x0;
	s14 =	sshll.u32 s14, $0x2;
	s12 =	sadd.s32 s6, s0  }
0xa: {  	s8 =	sshrl.u32 s7, $0x1;
	s9 =	sshrl.u32 s21, $0x2;
	s5 =	sadd.s32 s6, s1  }
0xb: {  	s31 =	sshrl.u32 s6, $0x3;
	s16 =	smov.u32 @p0 s15;
	s26 =	sadd.s32 $0x7A400, s12  }
0xc: {  	s9 =	sadd.s32 s9, s1;
	s30 =	sadd.s32 $0x7A500, s12;
	[dreg:$0x7] =	wrdreg s26  }
0xd: {  	s4 =	smov.u32 @p0 s2;
	s22 =	sadd.s32 $0x800, s9;
	[dreg:$0x8] =	wrdreg s30  }
0xe: {  	s17 =	ssub.s32 s7, s8;
	s23 =	sadd.s32 $0x1000, s9;
	[dreg:$0x3] =	wrdreg s22  }
0xf: {  	s16 =	sadd.s32 s16, s31;
	s24 =	sadd.s32 $0x1800, s9;
	[dreg:$0x4] =	wrdreg s23  }
0x10: {  	v0 =	vimm.f32 $0.0e+00;
	v57 =	vimm.s32 $0x0;
	v58 =	vimm.s32 $0x1;
	s25 =	sadd.s32 $0x2000, s9;
	s15 =	smax.u32 s17, $0x1;
	[dreg:$0x5] =	wrdreg s24  }
0x11: {  	v10 =	vimm.s32 $0x3;
	v30 =	vimm.s32 $0xA;
	v8 =	vimm.s32 $0xF;
	s17 =	simm.s32 $0x2800;
	s26 =	simm.s32 $0x1;
	[dreg:$0x6] =	wrdreg s25  }
.LBB2_1:
0x12: {  	s0 =	simm.s32 $0x40;
	s2 =	simm.s32 $0x0  }
.LBB2_2:
0x13: {  	p0 =	sne.s32 s0, $0x1FC0;
	[tilespmem:s2+$0x2800] =	vst v0;
	s2 =	smov.u32 s0;
	s0 =	sadd.s32 $0x40, s0  }
.Ltmp0:
0x14: {  	(pc) =	sbr.rel @p0 .LBB2_2-.Ltmp0, $2  }
0x15: {  	_ =	sdelay $0x2  }
0x16: {  	s2 =	sshra.s32 s2, $0x2  }
0x17: {  	[tilespmem:s2+$0x2800] =	vst v0  }
0x18: {  	[spmem:s5] =	stream.linear.scatter [tilespmem:s17], [sflag:$0x4], $0x800, $0x38;
	[tilespmem:$0xD000] =	vst v63  }
0x19: {  	_ =	swait.ge [sflag:s18], $0x800  }
0x1a: {  	[sflag:s18] =	ssyncset.done $0x0  }
0x1b: {  	s0 =	rddreg [dreg:$0x3];
	[sflag:s18] =	ssyncadd.s32 $0xFFFFF800  }
0x1c: {  	[spmem:s0] =	stream.linear.scatter [tilespmem:s17], [sflag:$0x4], $0x800, $0x38;
	[tilespmem:$0xD000] =	vst v63  }
0x1d: {  	_ =	swait.ge [sflag:s18], $0x800  }
0x1e: {  	[sflag:s18] =	ssyncset.done $0x0  }
0x1f: {  	s7 =	rddreg [dreg:$0x4];
	[sflag:s18] =	ssyncadd.s32 $0xFFFFF800  }
0x20: {  	[spmem:s7] =	stream.linear.scatter [tilespmem:s17], [sflag:$0x4], $0x800, $0x38;
	[tilespmem:$0xD000] =	vst v63  }
0x21: {  	_ =	swait.ge [sflag:s18], $0x800  }
0x22: {  	[sflag:s18] =	ssyncset.done $0x0  }
0x23: {  	s8 =	rddreg [dreg:$0x5];
	[sflag:s18] =	ssyncadd.s32 $0xFFFFF800  }
0x24: {  	[spmem:s8] =	stream.linear.scatter [tilespmem:s17], [sflag:$0x4], $0x800, $0x38;
	[tilespmem:$0xD000] =	vst v63  }
0x25: {  	_ =	swait.ge [sflag:s18], $0x800  }
0x26: {  	[sflag:s18] =	ssyncset.done $0x0  }
0x27: {  	s9 =	rddreg [dreg:$0x6];
	[sflag:s18] =	ssyncadd.s32 $0xFFFFF800  }
0x28: {  	[spmem:s9] =	stream.linear.scatter [tilespmem:s17], [sflag:$0x4], $0x800, $0x38;
	[tilespmem:$0xD000] =	vst v63  }
0x29: {  	_ =	swait.ge [sflag:s18], $0x800  }
0x2a: {  	[sflag:s18] =	ssyncset.done $0x0  }
0x2b: {  	[sflag:s18] =	ssyncadd.s32 $0xFFFFF800  }
0x2c: {  	[bflag:$0x0] =	sbarrier.arrive $0xFFFF  }
0x2d: {  	s31 =	simm.s32 $0x0;
	s11 =	rddreg [dreg:$0x7]  }
0x2e: {  	[tilespmem:s31], [sflag:$0x4] =	stream.linear.gather [hbm4b:s11+s31], $0x800, $0x38;
	[tilespmem:$0xD000] =	vst v63  }
0x2f: {  	_ =	swait.ge [sflag:s18], $0x800  }
0x30: {  	[sflag:s18] =	ssyncset.done $0x0  }
0x31: {  	[sflag:s18] =	ssyncadd.s32 $0xFFFFF800  }
0x32: {  	[tilespmem:s17], [sflag:$0x1] =	stream.indirect.gather [hbm4b:s4+s19], $0x10, s31, s19, $0xb8;
	[tilespmem:$0xD000] =	vst v63  }
0x33: {  	s12 =	simm.s32 $0x3000  }
0x34: {  	[tilespmem:s12], [sflag:$0x1] =	stream.indirect.gather [hbm4b:s4+s19], $0x10, s19, s19, $0xb8;
	[tilespmem:$0xD000] =	vst v63  }
0x35: {  	s20 =	simm.s32 $0x100;
	s21 =	simm.s32 $0x3800  }
0x36: {  	[tilespmem:s21], [sflag:$0x1] =	stream.indirect.gather [hbm4b:s4+s19], $0x10, s20, s19, $0xb8;
	[tilespmem:$0xD000] =	vst v63  }
0x37: {  	s22 =	simm.s32 $0x180;
	s23 =	simm.s32 $0x4000  }
0x38: {  	[tilespmem:s23], [sflag:$0x1] =	stream.indirect.gather [hbm4b:s4+s19], $0x10, s22, s19, $0xb8;
	[tilespmem:$0xD000] =	vst v63  }
0x39: {  	s25 =	simm.s32 $0x800;
	s30 =	simm.s32 $0x0;
	s24 =	rddreg [dreg:$0x8]  }
0x3a: {  	[tilespmem:s25], [sflag:$0x3] =	stream.linear.gather [hbm4b:s24+s31], $0x800, $0x38;
	[tilespmem:$0xD000] =	vst v63  }
.LBB2_4:
0x3b: {  	_ =	swait.ge [sflag:s26], $0x800  }
0x3c: {  	[sflag:s26] =	ssyncset.done $0x0  }
0x3d: {  	[sflag:s26] =	ssyncadd.s32 $0xFFFFF800  }
0x3e: {  	_ =	swait.ge [sflag:s26], $0x800  }
0x3f: {  	[sflag:s26] =	ssyncset.done $0x0  }
0x40: {  	[sflag:s26] =	ssyncadd.s32 $0xFFFFF800  }
0x41: {  	_ =	swait.ge [sflag:s26], $0x800  }
0x42: {  	[sflag:s26] =	ssyncset.done $0x0  }
0x43: {  	[sflag:s26] =	ssyncadd.s32 $0xFFFFF800  }
0x44: {  	_ =	swait.ge [sflag:s26], $0x800  }
0x45: {  	p0 =	slt.u32 s31, $0x3;
	[sflag:s26] =	ssyncset.done $0x0  }
0x46: {  	s2 =	simm.s32 @!p0 $0x2;
	[sflag:s26] =	ssyncadd.s32 $0xFFFFF800  }
0x47: {  	_ =	swait.ge @!p0 [sflag:s2], $0x800  }
0x48: {  	[sflag:s2] =	ssyncset.done @!p0 $0x0  }
0x49: {  	[sflag:s2] =	ssyncadd.s32 @!p0 $0xFFFFF800  }
0x4a: {  	_ =	swait.ge @!p0 [sflag:s2], $0x800  }
0x4b: {  	[sflag:s2] =	ssyncset.done @!p0 $0x0  }
0x4c: {  	p1 =	seq.s32 @!p0 s31, $0x27;
	[sflag:s2] =	ssyncadd.s32 @!p0 $0xFFFFF800  }
0x4d: {  	p1 =	por p0, !p1;
	_ =	swait.ge @!p0 [sflag:s2], $0x800  }
.Ltmp1:
0x4e: {  	[sflag:s2] =	ssyncset.done @!p0 $0x0;
	(pc) =	sbr.rel @!p1 .LBB2_6-.Ltmp1, $4  }
0x4f: {  	[sflag:s2] =	ssyncadd.s32 @!p0 $0xFFFFF800  }
0x50: {  	_ =	swait.ge @!p0 [sflag:s2], $0x800  }
0x51: {  	[sflag:s2] =	ssyncset.done @!p0 $0x0  }
0x52: {  	s24 =	sadd.s32 $0x1, s31;
	s0 =	smul.u32 $0xCD, s31;
	[sflag:s2] =	ssyncadd.s32 @!p0 $0xFFFFF800  }
0x53: {  	_ = 	snop  }
0x54: {  	s2 =	sadd.s32 $0xCD, s0  }
0x55: {  	s2 =	sshrl.u32 s2, $0xA  }
0x56: {  	s2 =	sand.u32 $0x3F, s2  }
0x57: {  	s6 =	sadd.s32 $0x2, s31;
	_ =	swait.ge [sflag:s29], $0x800;
	s2 =	smul.u32 $0x5, s2  }
0x58: {  	s20 =	sshll.u32 s24, $0xD;
	p0 =	sgt.u32 s31, $0x25;
	s21 =	sand.u32 $0xFF, s6  }
0x59: {  	[sflag:s29] =	ssyncset.done $0x0;
	s20 =	sand.u32 $0x6000, s20;
	s2 =	ssub.s32 s24, s2  }
0x5a: {  	[sflag:s29] =	ssyncadd.s32 $0xFFFFF800;
	s22 =	sadd.s32 $0x2800, s20;
	s2 =	sand.u32 $0xFF, s2  }
0x5b: {  	s21 =	smul.u32 $0xCD, s21;
	s9 =	sadd.s32 $0x3000, s20;
	s2 =	sshll.u32 s2, $0xB  }
0x5c: {  	[tilespmem:s22], [sflag:$0x1] =	stream.indirect.gather [hbm4b:s4+s19], $0x10, s2, s19, $0xb8;
	[tilespmem:$0xD000] =	vst v63  }
0x5d: {  	s11 =	sadd.s32 $0x3800, s20;
	s21 =	sshrl.u32 s21, $0xA;
	s23 =	sor.u32 $0x80, s2  }
0x5e: {  	[tilespmem:s9], [sflag:$0x1] =	stream.indirect.gather [hbm4b:s4+s19], $0x10, s23, s19, $0xb8;
	[tilespmem:$0xD000] =	vst v63  }
0x5f: {  	s20 =	sadd.s32 $0x4000, s20;
	s21 =	smul.u32 $0x5, s21;
	s12 =	sor.u32 $0x100, s2  }
0x60: {  	[tilespmem:s11], [sflag:$0x1] =	stream.indirect.gather [hbm4b:s4+s19], $0x10, s12, s19, $0xb8;
	[tilespmem:$0xD000] =	vst v63  }
0x61: {  	s25 =	ssub.s32 s6, s21;
	s6 =	sadd.s32 @!p0 s10, s31;
	s2 =	sor.u32 $0x180, s2  }
0x62: {  	[tilespmem:s20], [sflag:$0x1] =	stream.indirect.gather [hbm4b:s4+s19], $0x10, s2, s19, $0xb8;
	[tilespmem:$0xD000] =	vst v63  }
0x63: {  	s6 =	sshll.u32 @!p0 s6, $0x8;
	s2 =	sand.u32 $0xFF, s25  }
0x64: {  	s6 =	sadd.s32 @!p0 s6, s13;
	s20 =	simm.s32 @!p0 $0x0;
	s2 =	sshll.u32 @!p0 s2, $0xB  }
0x65: {  	[tilespmem:s2], [sflag:$0x3] =	stream.linear.gather @!p0 [hbm4b:s6+s20], $0x800, $0x38;
	[tilespmem:$0xD000] =	vst v63  }
.LBB2_6:
0x66: {  	_ = 	snop  }
0x67: {  	s0 =	sshrl.u32 s0, $0xA  }
0x68: {  	s0 =	sand.u32 $0x3F, s0  }
0x69: {  	s0 =	smul.u32 $0x5, s0;
	_ =	sdelay $0x1  }
0x6a: {  	s0 =	ssub.s32 s31, s0  }
0x6b: {  	s0 =	sand.u32 $0xFF, s0  }
0x6c: {  	s2 =	sshll.u32 s0, $0x4  }
0x6d: {  	s21 =	sor.u32 s14, s2  }
0x6e: {  	s6 =	sadd.s32 $0x0, s21  }
0x6f: {  	s8 =	sand.u32 $0x3, s30;
	s22 =	simm.s32 $0xC0;
	s6 =	sshll.u32 s6, $0x7  }
0x70: {  	s11 =	sand.u32 $0x1C0, s22;
	s2 =	sshll.u32 s8, $0xD;
	s9 =	sand.u32 $0x3FFFFF80, s6  }
0x71: {  	s20 =	sadd.s32 $0x2A00, s2;
	s6 =	sshrl.u32 s11, $0x2;
	s2 =	sadd.s32 $0x400, s9  }
0x72: {  	s6 =	sor.u32 s6, s2  }
0x73: {  	v17 =	vld [tilespmem:s6+$0x0]  }
0x74: {  	s12 =	simm.s32 $0x0;
	v1 =	vld [tilespmem:s20+$0x1F0]  }
0x75: {  	s23 =	simm.s32 $0x40;
	s22 =	sand.u32 $0x100, s12;
	v4 =	vld [tilespmem:s20+$0xFFFFFE00]  }
0x76: {  	s25 =	simm.s32 $0x80;
	s23 =	sand.u32 $0x140, s23;
	s22 =	sshrl.u32 s22, $0x2;
	v5 =	vld [tilespmem:s20+$0xFFFFFE10]  }
0x77: {  	s25 =	sand.u32 $0x180, s25;
	s23 =	sshrl.u32 s23, $0x2;
	v6 =	vld [tilespmem:s20+$0xFFFFFE20];
	s22 =	sor.u32 s22, s2  }
0x78: {  	s23 =	sor.u32 s23, s2;
	s6 =	sshrl.u32 s25, $0x2;
	v2 =	vld [tilespmem:s22+$0x0];
	v7 =	vperm.xlane v17, v57  }
0x79: {  	v13 =	vimm.s32 $0x2;
	v3 =	vld [tilespmem:s23+$0x0];
	s2 =	sor.u32 s6, s2;
	v9 =	vperm.xlane v17, v58  }
0x7a: {  	v0 =	vld [tilespmem:s2+$0x0];
	v11 =	vperm.xlane v17, v13;
	[tilespmem:$0x1FF10] =	vst v7  }
0x7b: {  	v10 =	vperm.xlane v17, v10;
	v7 =	vld [tilespmem:s20+$0xFFFFFE30];
	[tilespmem:$0x1FF20] =	vst v9  }
0x7c: {  	v9 =	vld [tilespmem:s20+$0xFFFFFE40];
	[tilespmem:$0x1FF30] =	vst v11  }
0x7d: {  	[tilespmem:$0x1FF40] =	vst v10  }
0x7e: {  	v38 =	vimm.s32 $0xF;
	v61 =	vimm.s32 $0x3;
	v59 =	vimm.s32 $0x2;
	v10 =	vld [tilespmem:s20+$0xFFFFFE50]  }
0x7f: {  	v16 =	vimm.s32 $0x4;
	v46 =	vimm.s32 $0x5;
	v47 =	vimm.s32 $0x6;
	v11 =	vld [tilespmem:s20+$0xFFFFFE60]  }
0x80: {  	v49 =	vimm.s32 $0x7;
	v8 =	vperm.xlane v17, v8;
	v12 =	vperm.xlane v2, v58;
	v14 =	vld [tilespmem:s20+$0xFFFFFE70]  }
0x81: {  	v33 =	vimm.s32 $0xC;
	v13 =	vperm.xlane v2, v13;
	v15 =	vperm.xlane v2, v61;
	v22 =	vld [tilespmem:s20+$0xFFFFFE80]  }
0x82: {  	v35 =	vimm.s32 $0xD;
	v16 =	vperm.xlane v2, v16;
	v30 =	vperm.xlane v2, v30;
	v25 =	vld [tilespmem:s20+$0xFFFFFE90]  }
0x83: {  	v36 =	vimm.s32 $0xE;
	v33 =	vperm.xlane v2, v33;
	v35 =	vperm.xlane v2, v35;
	v28 =	vld [tilespmem:s20+$0xFFFFFEA0]  }
0x84: {  	v21 =	vimm.s32 $0x8;
	v36 =	vperm.xlane v2, v36;
	v40 =	vperm.xlane v3, v58;
	v31 =	vld [tilespmem:s20+$0xFFFFFEB0]  }
0x85: {  	v44 =	vimm.s32 $0x4;
	v41 =	vperm.xlane v3, v59;
	v43 =	vperm.xlane v3, v61;
	v34 =	vld [tilespmem:s20+$0xFFFFFEC0]  }
0x86: {  	v20 =	vimm.s32 $0x9;
	v44 =	vperm.xlane v3, v44;
	v46 =	vperm.xlane v3, v46;
	v37 =	vld [tilespmem:s20+$0xFFFFFED0]  }
0x87: {  	v53 =	vimm.s32 $0xA;
	v47 =	vperm.xlane v3, v47;
	v49 =	vperm.xlane v3, v49;
	v39 =	vld [tilespmem:s20+$0xFFFFFEE0]  }
0x88: {  	v55 =	vimm.s32 $0xB;
	v50 =	vperm.xlane v3, v21;
	v52 =	vperm.xlane v3, v20;
	v42 =	vld [tilespmem:s20+$0xFFFFFEF0]  }
0x89: {  	v53 =	vperm.xlane v3, v53;
	v18 =	vmul.f32 v1, v8;
	v1 =	vimm.s32 $0x5;
	v45 =	vld [tilespmem:s20+$0xFFFFFF00]  }
0x8a: {  	v55 =	vperm.xlane v3, v55;
	v23 =	vperm.xlane v2, v1;
	v1 =	vimm.s32 $0x6;
	v48 =	vld [tilespmem:s20+$0xFFFFFF10]  }
0x8b: {  	v8 =	vperm.xlane v2, v57;
	v24 =	vperm.xlane v2, v1;
	v1 =	vimm.s32 $0x7;
	v51 =	vld [tilespmem:s20+$0xFFFFFF20]  }
0x8c: {  	v5 =	vmul.f32 v5, v12;
	v26 =	vperm.xlane v2, v1;
	v1 =	vimm.s32 $0x8;
	v54 =	vld [tilespmem:s20+$0xFFFFFF30]  }
0x8d: {  	v6 =	vmul.f32 v6, v13;
	v56 =	vld [tilespmem:s20+$0xFFFFFF40];
	v27 =	vperm.xlane v2, v1;
	v1 =	vimm.s32 $0x9  }
0x8e: {  	v4 =	vmul.f32 v4, v8;
	v12 =	vld [tilespmem:s20+$0xFFFFFF50];
	v29 =	vperm.xlane v2, v1;
	v1 =	vimm.s32 $0xB  }
0x8f: {  	v13 =	vld [tilespmem:s20+$0xFFFFFF60];
	v32 =	vperm.xlane v2, v1;
	v2 =	vperm.xlane v2, v38  }
0x90: {  	v38 =	vperm.xlane v3, v57;
	v9 =	vmul.f32 v9, v16;
	v16 =	vld [tilespmem:s20+$0xFFFFFF70]  }
0x91: {  	v63 =	vimm.s32 $0xD;
	v7 =	vmul.f32 v7, v15;
	v10 =	vmul.f32 v10, v23;
	v23 =	vld [tilespmem:s20+$0xFFFFFF80]  }
0x92: {  	v1 =	vimm.s32 $0xC;
	v15 =	vperm.xlane v3, v63;
	v14 =	vmul.f32 v14, v26;
	v26 =	vld [tilespmem:s20+$0xFFFFFF90]  }
0x93: {  	v62 =	vimm.s32 $0x5;
	v8 =	vperm.xlane v3, v1;
	v22 =	vmul.f32 v22, v27;
	v27 =	vld [tilespmem:s20+$0xFFFFFFA0]  }
0x94: {  	v1 =	vperm.xlane v0, v62;
	v25 =	vmul.f32 v25, v29;
	v29 =	vld [tilespmem:s20+$0xFFFFFFB0]  }
0x95: {  	v60 =	vimm.s32 $0xE;
	v11 =	vmul.f32 v11, v24;
	v31 =	vmul.f32 v31, v32;
	v32 =	vld [tilespmem:s20+$0xFFFFFFC0]  }
0x96: {  	v19 =	vimm.s32 $0xF;
	v24 =	vperm.xlane v3, v60;
	v33 =	vmul.f32 v34, v33;
	v34 =	vld [tilespmem:s20+$0xFFFFFFD0]  }
0x97: {  	v3 =	vperm.xlane v3, v19;
	v36 =	vmul.f32 v39, v36;
	v39 =	vld [tilespmem:s20+$0xFFFFFFE0]  }
0x98: {  	v28 =	vmul.f32 v28, v30;
	v2 =	vmul.f32 v42, v2;
	v42 =	vld [tilespmem:s20+$0xFFFFFFF0]  }
0x99: {  	v30 =	vperm.xlane v0, v57;
	v40 =	vmul.f32 v48, v40;
	v48 =	vld [tilespmem:s20+$0x0]  }
0x9a: {  	v35 =	vmul.f32 v37, v35;
	v41 =	vmul.f32 v51, v41;
	v51 =	vld [tilespmem:s20+$0x10]  }
0x9b: {  	v37 =	vperm.xlane v0, v58;
	v44 =	vmul.f32 v56, v44;
	v56 =	vld [tilespmem:s20+$0x20]  }
0x9c: {  	[tilespmem:s20+$0x1F0] =	vst v18;
	v38 =	vmul.f32 v45, v38;
	v19 =	vmul.f32 v12, v46;
	v46 =	vld [tilespmem:s20+$0x30]  }
0x9d: {  	[tilespmem:s20+$0xFFFFFE10] =	vst v5;
	v45 =	vperm.xlane v0, v59;
	v16 =	vmul.f32 v16, v49;
	v49 =	vld [tilespmem:s20+$0x40]  }
0x9e: {  	[tilespmem:s20+$0xFFFFFE20] =	vst v6;
	v43 =	vmul.f32 v54, v43;
	v23 =	vmul.f32 v23, v50;
	v50 =	vld [tilespmem:s20+$0x50]  }
0x9f: {  	v18 =	vimm.s32 $0x9;
	[tilespmem:s20+$0xFFFFFE00] =	vst v4;
	v54 =	vperm.xlane v0, v61;
	v26 =	vmul.f32 v26, v52;
	v52 =	vld [tilespmem:s20+$0x60]  }
0xa0: {  	v62 =	vimm.s32 $0x6;
	[tilespmem:s20+$0xFFFFFE30] =	vst v7;
	v27 =	vmul.f32 v27, v53;
	v53 =	vld [tilespmem:s20+$0x70];
	v34 =	vmul.f32 v34, v15  }
0xa1: {  	v20 =	vmul.f32 v13, v47;
	v13 =	vimm.s32 $0x4;
	[tilespmem:s20+$0xFFFFFE40] =	vst v9;
	v29 =	vmul.f32 v29, v55;
	v55 =	vld [tilespmem:s20+$0x80]  }
0xa2: {  	v4 =	vperm.xlane v0, v62;
	v60 =	vimm.s32 $0x7;
	v63 =	vmul.f32 v32, v8;
	v32 =	vld [tilespmem:s20+$0x90];
	[tilespmem:$0x1FF60] =	vst v34  }
0xa3: {  	v61 =	vimm.s32 $0x8;
	v7 =	vperm.xlane v0, v18;
	v47 =	vperm.xlane v0, v13;
	[tilespmem:s20+$0xFFFFFE50] =	vst v10  }
0xa4: {  	v12 =	vimm.s32 $0xB;
	v5 =	vperm.xlane v0, v60;
	v6 =	vperm.xlane v0, v61;
	[tilespmem:s20+$0xFFFFFE60] =	vst v11  }
0xa5: {  	v59 =	vimm.s32 $0xC;
	v24 =	vmul.f32 v39, v24;
	v42 =	vmul.f32 v42, v3;
	[tilespmem:s20+$0xFFFFFE70] =	vst v14  }
0xa6: {  	v8 =	vimm.s32 $0xA;
	v30 =	vmul.f32 v48, v30;
	v37 =	vmul.f32 v51, v37;
	v34 =	vld [tilespmem:s20+$0xA0];
	[tilespmem:s20+$0xFFFFFE80] =	vst v22  }
0xa7: {  	v13 =	vimm.s32 $0xD;
	v46 =	vmul.f32 v46, v54;
	v9 =	vperm.xlane v0, v8;
	v39 =	vld [tilespmem:s20+$0xB0];
	[tilespmem:s20+$0xFFFFFE90] =	vst v25  }
0xa8: {  	v15 =	vimm.s32 $0xE;
	v10 =	vperm.xlane v0, v12;
	v11 =	vperm.xlane v0, v59;
	v3 =	vld [tilespmem:s20+$0xC0];
	[tilespmem:s20+$0xFFFFFEB0] =	vst v31  }
0xa9: {  	v21 =	vimm.s32 $0x5;
	v14 =	vperm.xlane v0, v13;
	v48 =	vld [tilespmem:s20+$0xD0];
	v22 =	vperm.xlane v0, v15;
	[tilespmem:s20+$0xFFFFFEC0] =	vst v33  }
0xaa: {  	v51 =	vld [tilespmem:s20+$0xE0];
	v31 =	vperm.xlane v17, v21;
	v33 =	vperm.xlane v17, v62;
	[tilespmem:s20+$0xFFFFFED0] =	vst v35  }
0xab: {  	v25 =	vimm.s32 $0xF;
	v54 =	vld [tilespmem:s20+$0x100];
	v35 =	vperm.xlane v17, v60;
	[tilespmem:s20+$0xFFFFFEE0] =	vst v36;
	v36 =	vperm.xlane v17, v61  }
0xac: {  	v0 =	vperm.xlane v0, v25;
	v25 =	vmul.f32 v56, v45;
	v45 =	vld [tilespmem:s20+$0xF0]  }
0xad: {  	[tilespmem:s20+$0xFFFFFEF0] =	vst v2;
	v2 =	vperm.xlane v17, v18;
	v47 =	vmul.f32 v49, v47;
	v49 =	vld [tilespmem:s20+$0x110]  }
0xae: {  	[tilespmem:s20+$0xFFFFFF00] =	vst v38;
	v38 =	vperm.xlane v17, v8;
	v50 =	vmul.f32 v50, v1;
	v1 =	vld [tilespmem:s20+$0x120]  }
0xaf: {  	[tilespmem:s20+$0xFFFFFF10] =	vst v40;
	v40 =	vperm.xlane v17, v12;
	v52 =	vmul.f32 v52, v4;
	v4 =	vld [tilespmem:s20+$0x130]  }
0xb0: {  	[tilespmem:s20+$0xFFFFFF20] =	vst v41;
	v41 =	vperm.xlane v17, v59;
	v53 =	vmul.f32 v53, v5;
	v5 =	vld [tilespmem:s20+$0x140]  }
0xb1: {  	[tilespmem:s20+$0xFFFFFEA0] =	vst v28;
	v28 =	vimm.s32 $0x4;
	v59 =	vperm.xlane v17, v13;
	v55 =	vmul.f32 v55, v6;
	v6 =	vld [tilespmem:s20+$0x150]  }
0xb2: {  	v28 =	vperm.xlane v17, v28;
	v56 =	vmul.f32 v32, v7;
	v7 =	vld [tilespmem:s20+$0x160]  }
0xb3: {  	[tilespmem:s20+$0xFFFFFF30] =	vst v43;
	v17 =	vperm.xlane v17, v15;
	v9 =	vmul.f32 v34, v9;
	v34 =	vld [tilespmem:s20+$0x170]  }
0xb4: {  	[tilespmem:s20+$0xFFFFFF40] =	vst v44;
	v10 =	vmul.f32 v39, v10;
	v39 =	vld [tilespmem:s20+$0x180]  }
0xb5: {  	v11 =	vmul.f32 v3, v11;
	v3 =	vld [tilespmem:s20+$0x190];
	[tilespmem:$0x1FF00] =	vst v17  }
0xb6: {  	[tilespmem:s20+$0xFFFFFF50] =	vst v19  }
0xb7: {  	[tilespmem:s20+$0xFFFFFF60] =	vst v20  }
0xb8: {  	v8 =	vld [tilespmem:$0x1FF10];
	_ =	sdelay $0x4  }
0xb9: {  	v13 =	vmul.f32 v54, v8;
	v8 =	vld [tilespmem:$0x1FF20];
	_ =	sdelay $0x3  }
0xba: {  	[tilespmem:s20+$0xFFFFFF70] =	vst v16  }
0xbb: {  	v61 =	vmul.f32 v49, v8;
	v8 =	vld [tilespmem:$0x1FF30];
	_ =	sdelay $0x4  }
0xbc: {  	v16 =	vmul.f32 v1, v8;
	v1 =	vld [tilespmem:$0x1FF40];
	_ =	sdelay $0x4  }
0xbd: {  	s7 =	sadd.s32 $0x0, s21;
	v18 =	vmul.f32 v4, v1;
	v4 =	vld [tilespmem:s20+$0x1E0]  }
0xbe: {  	s23 =	simm.s32 $0x1C0;
	s2 =	sshll.u32 s7, $0x7;
	v17 =	vld [tilespmem:s20+$0x1A0]  }
0xbf: {  	s8 =	sand.u32 $0x1C0, s23;
	s2 =	sand.u32 $0x3FFFFF80, s2;
	v12 =	vmul.f32 v51, v22;
	v22 =	vmul.f32 v45, v0;
	v0 =	vld [tilespmem:s20+$0x1B0]  }
0xc0: {  	s6 =	sshrl.u32 s8, $0x2;
	s2 =	sadd.s32 $0x400, s2;
	v21 =	vld [tilespmem:s20+$0x1C0];
	[tilespmem:s20+$0xFFFFFF80] =	vst v23  }
0xc1: {  	s6 =	sor.u32 s6, s2;
	v19 =	vld [tilespmem:s20+$0x1D0];
	[tilespmem:s20+$0xFFFFFF90] =	vst v26  }
0xc2: {  	v32 =	vld [tilespmem:s6+$0x0];
	v1 =	vmul.f32 v3, v2;
	[tilespmem:$0x1FF50] =	vst v4  }
0xc3: {  	s9 =	simm.s32 $0x100;
	[tilespmem:s20+$0xFFFFFFA0] =	vst v27  }
0xc4: {  	s11 =	simm.s32 $0x140;
	s22 =	sand.u32 $0x100, s9;
	v0 =	vmul.f32 v0, v40;
	[tilespmem:$0x1FFB0] =	vst v1  }
0xc5: {  	s25 =	sand.u32 $0x140, s11;
	s12 =	sshrl.u32 s22, $0x2;
	s22 =	sadd.s32 $0x400, s20;
	[tilespmem:s20+$0xFFFFFFB0] =	vst v29  }
0xc6: {  	s25 =	sshrl.u32 s25, $0x2;
	s6 =	sor.u32 s12, s2;
	v26 =	vmul.f32 v7, v33;
	v27 =	vld [tilespmem:s22+$0x1F0];
	[tilespmem:$0x1FFC0] =	vst v0  }
0xc7: {  	s25 =	sor.u32 s25, s2;
	v7 =	vmul.f32 v17, v38;
	v0 =	vmul.f32 v19, v59;
	v17 =	vld [tilespmem:s6+$0x0]  }
0xc8: {  	[tilespmem:s20+$0xFFFFFFC0] =	vst v63;
	v8 =	vld [tilespmem:s25+$0x0]  }
0xc9: {  	[tilespmem:$0x1FFD0] =	vst v0;
	v0 =	vld [tilespmem:$0x1FF60];
	_ =	sdelay $0x1  }
0xca: {  	s7 =	simm.s32 $0x180  }
0xcb: {  	s7 =	sand.u32 $0x180, s7  }
0xcc: {  	s7 =	sshrl.u32 s7, $0x2;
	v15 =	vperm.xlane v32, v57  }
0xcd: {  	s2 =	sor.u32 s7, s2;
	[tilespmem:s20+$0xFFFFFFD0] =	vst v0  }
0xce: {  	v4 =	vmul.f32 v21, v41;
	v21 =	vperm.xlane v32, v58;
	v23 =	vld [tilespmem:s2+$0x0];
	[tilespmem:$0x1FF70] =	vst v15  }
0xcf: {  	v0 =	vimm.s32 $0x2;
	[tilespmem:s20+$0xFFFFFFE0] =	vst v24  }
0xd0: {  	v19 =	vld [tilespmem:s22+$0xFFFFFE00];
	[tilespmem:$0x1FF80] =	vst v21;
	v21 =	vperm.xlane v32, v0  }
0xd1: {  	v20 =	vimm.s32 $0x3  }
0xd2: {  	v24 =	vperm.xlane v32, v20;
	[tilespmem:$0x1FF90] =	vst v21  }
0xd3: {  	[tilespmem:s20+$0xFFFFFFF0] =	vst v42  }
0xd4: {  	v21 =	vld [tilespmem:s22+$0xFFFFFE10];
	[tilespmem:$0x1FFA0] =	vst v24  }
0xd5: {  	[tilespmem:s20+$0x0] =	vst v30  }
0xd6: {  	v14 =	vmul.f32 v48, v14;
	v48 =	vimm.s32 $0xF;
	[tilespmem:s20+$0x10] =	vst v37  }
0xd7: {  	v15 =	vperm.xlane v32, v48;
	[tilespmem:s20+$0x20] =	vst v25  }
0xd8: {  	[tilespmem:s20+$0x30] =	vst v46  }
0xd9: {  	v15 =	vmul.f32 v27, v15;
	[tilespmem:s20+$0x40] =	vst v47  }
0xda: {  	[tilespmem:s20+$0x50] =	vst v50  }
0xdb: {  	[tilespmem:s22+$0x1F0] =	vst v15  }
0xdc: {  	[tilespmem:s20+$0x60] =	vst v52  }
0xdd: {  	[tilespmem:s20+$0x70] =	vst v53  }
0xde: {  	[tilespmem:s20+$0x80] =	vst v55  }
0xdf: {  	[tilespmem:s20+$0x90] =	vst v56  }
0xe0: {  	[tilespmem:s20+$0xA0] =	vst v9  }
0xe1: {  	[tilespmem:s20+$0xB0] =	vst v10  }
0xe2: {  	[tilespmem:s20+$0xC0] =	vst v11  }
0xe3: {  	v28 =	vmul.f32 v5, v28;
	v5 =	vmul.f32 v6, v31;
	[tilespmem:s20+$0xD0] =	vst v14  }
0xe4: {  	v60 =	vimm.s32 $0x5;
	v62 =	vmul.f32 v34, v35;
	v6 =	vmul.f32 v39, v36;
	[tilespmem:s20+$0xE0] =	vst v12  }
0xe5: {  	v54 =	vimm.s32 $0xB;
	v63 =	vimm.s32 $0x9;
	v31 =	vperm.xlane v17, v20;
	v29 =	vld [tilespmem:s22+$0xFFFFFE20];
	[tilespmem:s20+$0xF0] =	vst v22  }
0xe6: {  	v1 =	vimm.s32 $0xA;
	v35 =	vperm.xlane v17, v60;
	v41 =	vperm.xlane v17, v63;
	v33 =	vld [tilespmem:s22+$0xFFFFFE30];
	[tilespmem:s20+$0x100] =	vst v13  }
0xe7: {  	v51 =	vimm.s32 $0xD;
	v43 =	vperm.xlane v17, v1;
	v44 =	vperm.xlane v17, v54;
	v34 =	vld [tilespmem:s22+$0xFFFFFE40];
	[tilespmem:s20+$0x110] =	vst v61  }
0xe8: {  	v45 =	vperm.xlane v17, v51;
	v20 =	vimm.s32 $0x8;
	v27 =	vperm.xlane v17, v58;
	v36 =	vld [tilespmem:s22+$0xFFFFFE50];
	[tilespmem:s20+$0x120] =	vst v16  }
0xe9: {  	v59 =	vimm.s32 $0x6;
	v40 =	vperm.xlane v17, v20;
	v24 =	vperm.xlane v17, v57;
	v39 =	vld [tilespmem:s22+$0xFFFFFE60];
	[tilespmem:s20+$0x130] =	vst v18  }
0xea: {  	v30 =	vperm.xlane v17, v0;
	v25 =	vimm.s32 $0x4;
	v37 =	vperm.xlane v17, v59;
	v42 =	vld [tilespmem:s22+$0xFFFFFE70];
	[tilespmem:s20+$0x140] =	vst v28  }
0xeb: {  	v0 =	vimm.s32 $0x7;
	v15 =	vld [tilespmem:s22+$0xFFFFFE80];
	v22 =	vperm.xlane v8, v59;
	v28 =	vperm.xlane v8, v54;
	[tilespmem:s20+$0x150] =	vst v5  }
0xec: {  	v49 =	vimm.s32 $0xC;
	v59 =	vld [tilespmem:s22+$0xFFFFFF60];
	[tilespmem:s20+$0x160] =	vst v26;
	v25 =	vperm.xlane v17, v25;
	v38 =	vperm.xlane v17, v0  }
0xed: {  	v50 =	vimm.s32 $0xE;
	[tilespmem:s20+$0x170] =	vst v62;
	v54 =	vld [tilespmem:s22+$0xFFFFFFA0];
	v19 =	vmul.f32 v19, v24;
	v24 =	vperm.xlane v17, v49  }
0xee: {  	[tilespmem:s20+$0x180] =	vst v6;
	v46 =	vperm.xlane v17, v50;
	v17 =	vperm.xlane v17, v48;
	v48 =	vld [tilespmem:s22+$0xFFFFFEC0]  }
0xef: {  	v13 =	vperm.xlane v8, v0;
	v0 =	vld [tilespmem:$0x1FFB0]  }
0xf0: {  	v21 =	vmul.f32 v21, v27;
	v27 =	vld [tilespmem:s22+$0xFFFFFE90]  }
0xf1: {  	v20 =	vperm.xlane v8, v20;
	v29 =	vmul.f32 v29, v30;
	v30 =	vld [tilespmem:s22+$0xFFFFFEA0]  }
0xf2: {  	v47 =	vperm.xlane v8, v57;
	v31 =	vmul.f32 v33, v31;
	v33 =	vld [tilespmem:s22+$0xFFFFFEB0]  }
0xf3: {  	v2 =	vimm.s32 $0x2;
	v9 =	vperm.xlane v8, v58;
	v36 =	vmul.f32 v36, v35;
	v35 =	vld [tilespmem:s22+$0xFFFFFED0]  }
0xf4: {  	v3 =	vimm.s32 $0x3;
	v10 =	vperm.xlane v8, v2;
	v37 =	vmul.f32 v39, v37;
	v39 =	vld [tilespmem:s22+$0xFFFFFEE0]  }
0xf5: {  	v11 =	vperm.xlane v8, v3;
	v38 =	vmul.f32 v42, v38;
	v42 =	vld [tilespmem:s22+$0xFFFFFEF0]  }
0xf6: {  	v12 =	vperm.xlane v8, v60;
	v15 =	vmul.f32 v15, v40;
	v40 =	vld [tilespmem:s22+$0xFFFFFF00]  }
0xf7: {  	v16 =	vperm.xlane v8, v63;
	v25 =	vmul.f32 v34, v25;
	v34 =	vld [tilespmem:s22+$0xFFFFFF40]  }
0xf8: {  	v18 =	vperm.xlane v8, v1;
	v27 =	vmul.f32 v27, v41;
	v41 =	vld [tilespmem:s22+$0xFFFFFF10]  }
0xf9: {  	v5 =	vperm.xlane v8, v49;
	v33 =	vmul.f32 v33, v44;
	v44 =	vld [tilespmem:s22+$0xFFFFFF30]  }
0xfa: {  	v56 =	vimm.s32 $0x4;
	v26 =	vperm.xlane v8, v51;
	v61 =	vmul.f32 v35, v45;
	v35 =	vld [tilespmem:s22+$0xFFFFFF50]  }
0xfb: {  	v14 =	vperm.xlane v8, v56;
	v30 =	vmul.f32 v30, v43;
	v43 =	vld [tilespmem:s22+$0xFFFFFF20]  }
0xfc: {  	v1 =	vperm.xlane v8, v50;
	v17 =	vmul.f32 v42, v17;
	v42 =	vld [tilespmem:s22+$0xFFFFFF70]  }
0xfd: {  	v55 =	vimm.s32 $0xF;
	[tilespmem:s20+$0x190] =	vst v0;
	v63 =	vmul.f32 v40, v47;
	v40 =	vld [tilespmem:s22+$0xFFFFFF80];
	v0 =	vmul.f32 v34, v14  }
0xfe: {  	v6 =	vperm.xlane v8, v55;
	v9 =	vmul.f32 v41, v9;
	v41 =	vld [tilespmem:s22+$0xFFFFFF90]  }
0xff: {  	v8 =	vmul.f32 v44, v11;
	v11 =	vld [tilespmem:s22+$0xFFFFFFB0];
	[tilespmem:$0x1FFE0] =	vst v0;
	v0 =	vmul.f32 v35, v12  }
0x100: {  	v51 =	vld [tilespmem:s22+$0xFFFFFFC0];
	[tilespmem:s20+$0x1A0] =	vst v7  }
0x101: {  	[tilespmem:$0x1FFF0] =	vst v0;
	v0 =	vld [tilespmem:$0x1FFC0];
	_ =	sdelay $0x4  }
0x102: {  	[tilespmem:s20+$0x1B0] =	vst v0;
	v0 =	vimm.s32 $0x2  }
0x103: {  	[tilespmem:s20+$0x1C0] =	vst v4;
	v3 =	vperm.xlane v23, v0;
	v0 =	vimm.s32 $0x3  }
0x104: {  	v4 =	vperm.xlane v23, v0;
	v0 =	vld [tilespmem:$0x1FFD0];
	[tilespmem:s22+$0xFFFFFE00] =	vst v19  }
0x105: {  	[tilespmem:s22+$0xFFFFFE10] =	vst v21  }
0x106: {  	[tilespmem:s22+$0xFFFFFE20] =	vst v29  }
0x107: {  	[tilespmem:s22+$0xFFFFFE30] =	vst v31  }
0x108: {  	[tilespmem:s22+$0xFFFFFE40] =	vst v25  }
0x109: {  	v50 =	vld [tilespmem:s22+$0xFFFFFFD0];
	[tilespmem:s22+$0xFFFFFE50] =	vst v36  }
0x10a: {  	v7 =	vperm.xlane v23, v58;
	v58 =	vmul.f32 v59, v22;
	v22 =	vld [tilespmem:s22+$0xFFFFFFE0];
	[tilespmem:s22+$0xFFFFFE60] =	vst v37  }
0x10b: {  	v2 =	vperm.xlane v23, v57;
	v62 =	vld [tilespmem:s22+$0xFFFFFFF0];
	[tilespmem:s22+$0xFFFFFE70] =	vst v38  }
0x10c: {  	v55 =	vmul.f32 v54, v18;
	v35 =	vmul.f32 v40, v20;
	v20 =	vld [tilespmem:s22+$0x0];
	[tilespmem:s22+$0xFFFFFE80] =	vst v15  }
0x10d: {  	v24 =	vmul.f32 v48, v24;
	v47 =	vimm.s32 $0xE;
	v57 =	vmul.f32 v41, v16;
	v16 =	vld [tilespmem:s22+$0x10];
	[tilespmem:s22+$0xFFFFFE90] =	vst v27  }
0x10e: {  	v56 =	vimm.s32 $0x7;
	v46 =	vmul.f32 v39, v46;
	v14 =	vperm.xlane v23, v47;
	v18 =	vld [tilespmem:s22+$0x20];
	[tilespmem:s22+$0xFFFFFEA0] =	vst v30  }
0x10f: {  	v40 =	vperm.xlane v23, v56;
	v56 =	vmul.f32 v11, v28;
	v11 =	vld [tilespmem:s22+$0x30];
	[tilespmem:s22+$0xFFFFFEB0] =	vst v33  }
0x110: {  	v53 =	vimm.s32 $0x5;
	v10 =	vmul.f32 v43, v10;
	v50 =	vmul.f32 v50, v26;
	v26 =	vld [tilespmem:s22+$0x50];
	[tilespmem:s22+$0xFFFFFEC0] =	vst v24  }
0x111: {  	v52 =	vimm.s32 $0x8;
	v59 =	vmul.f32 v42, v13;
	v44 =	vmul.f32 v62, v6;
	v6 =	vld [tilespmem:s22+$0x70];
	[tilespmem:s22+$0xFFFFFED0] =	vst v61  }
0x112: {  	v48 =	vimm.s32 $0x6;
	v19 =	vperm.xlane v23, v53;
	v53 =	vmul.f32 v51, v5;
	v5 =	vld [tilespmem:s22+$0x40];
	[tilespmem:s22+$0xFFFFFEE0] =	vst v46  }
0x113: {  	v45 =	vimm.s32 $0xB;
	v21 =	vperm.xlane v23, v48;
	v48 =	vmul.f32 v22, v1;
	v1 =	vld [tilespmem:s22+$0x60];
	[tilespmem:s22+$0xFFFFFEF0] =	vst v17  }
0x114: {  	v42 =	vimm.s32 $0xC;
	v37 =	vperm.xlane v23, v45;
	v45 =	vmul.f32 v20, v2;
	v2 =	vld [tilespmem:s22+$0x80];
	[tilespmem:s22+$0xFFFFFF00] =	vst v63  }
0x115: {  	v34 =	vimm.s32 $0xA;
	v12 =	vperm.xlane v23, v42;
	v51 =	vmul.f32 v16, v7;
	v7 =	vld [tilespmem:s22+$0x90];
	[tilespmem:s22+$0xFFFFFF10] =	vst v9  }
0x116: {  	v49 =	vimm.s32 $0xF;
	v41 =	vperm.xlane v23, v52;
	v28 =	vperm.xlane v32, v34;
	v15 =	vld [tilespmem:s22+$0xD0];
	[tilespmem:s22+$0xFFFFFF20] =	vst v10  }
0x117: {  	v60 =	vimm.s32 $0x9;
	v62 =	vperm.xlane v23, v49;
	[tilespmem:s22+$0xFFFFFF30] =	vst v8;
	v47 =	vmul.f32 v18, v3;
	v3 =	vld [tilespmem:s22+$0xA0]  }
0x118: {  	v52 =	vmul.f32 v11, v4;
	v4 =	vld [tilespmem:s22+$0xB0];
	v46 =	vmul.f32 v6, v40;
	v6 =	vimm.s32 $0xB;
	[tilespmem:s20+$0x1D0] =	vst v0  }
0x119: {  	v25 =	vperm.xlane v23, v60;
	v22 =	vimm.s32 $0xD;
	v20 =	vperm.xlane v32, v6;
	v6 =	vld [tilespmem:$0x1FFE0]  }
0x11a: {  	v36 =	vperm.xlane v23, v34;
	v16 =	vimm.s32 $0x4;
	v13 =	vperm.xlane v23, v22;
	v11 =	vld [tilespmem:s22+$0xE0]  }
0x11b: {  	v33 =	vperm.xlane v32, v16;
	v0 =	vimm.s32 $0x4;
	v39 =	vmul.f32 v1, v21;
	v1 =	vld [tilespmem:s22+$0x100]  }
0x11c: {  	v17 =	vimm.s32 $0x8;
	v40 =	vmul.f32 v2, v41;
	v2 =	vld [tilespmem:s22+$0x110];
	v0 =	vperm.xlane v23, v0  }
0x11d: {  	v60 =	vperm.xlane v32, v17;
	v43 =	vmul.f32 v7, v25;
	v7 =	vld [tilespmem:s22+$0x150]  }
0x11e: {  	v18 =	vimm.s32 $0x5;
	v34 =	vperm.xlane v32, v22;
	v49 =	vmul.f32 v5, v0;
	v5 =	vld [tilespmem:s22+$0xC0];
	[tilespmem:s22+$0xFFFFFF40] =	vst v6  }
0x11f: {  	v31 =	vperm.xlane v32, v18;
	v54 =	vmul.f32 v26, v19;
	v19 =	vimm.s32 $0x7;
	v6 =	vld [tilespmem:$0x1FFF0]  }
0x120: {  	v29 =	vperm.xlane v32, v19;
	v36 =	vmul.f32 v3, v36;
	v3 =	vld [tilespmem:s22+$0x120]  }
0x121: {  	v25 =	vperm.xlane v32, v42;
	v41 =	vmul.f32 v4, v37;
	v4 =	vld [tilespmem:s22+$0x130];
	v0 =	vimm.s32 $0x6  }
0x122: {  	s25 =	sshll.u32 s31, $0xD;
	v21 =	vimm.s32 $0x9;
	v42 =	vmul.f32 v15, v13;
	v61 =	vperm.xlane v32, v0;
	v0 =	vld [tilespmem:s22+$0xF0]  }
0x123: {  	s31 =	sand.u32 $0x6000, s25;
	v38 =	vimm.s32 $0xE;
	v27 =	vperm.xlane v32, v21;
	v37 =	vmul.f32 v5, v12;
	v5 =	vld [tilespmem:s22+$0x140]  }
0x124: {  	s6 =	simm.s32 $0x4;
	s25 =	sadd.s32 $0x2800, s31;
	s2 =	smov.u32 s22;
	v32 =	vperm.xlane v32, v38;
	v38 =	vmul.f32 v11, v14;
	[tilespmem:s22+$0xFFFFFF50] =	vst v6;
	v6 =	vld [tilespmem:s22+$0x160]  }
.LBB2_7:
0x125: {  	_ =	sdelay $0x2  }
0x126: {  	v12 =	vmul.f32 v0, v62;
	v0 =	vld [tilespmem:$0x1FF70];
	_ =	sdelay $0x4  }
0x127: {  	v26 =	vmul.f32 v1, v0;
	v1 =	vld [tilespmem:$0x1FF80];
	_ =	sdelay $0x4  }
0x128: {  	v30 =	vmul.f32 v2, v1;
	v1 =	vld [tilespmem:$0x1FF90];
	_ =	sdelay $0x1  }
0x129: {  	v2 =	vld [tilespmem:$0x1FFA0];
	_ =	sdelay $0x2  }
0x12a: {  	[tilespmem:s22+$0xFFFFFF60] =	vst v58;
	v24 =	vmul.f32 v3, v1;
	v1 =	vld [tilespmem:s22+$0x180]  }
0x12b: {  	s6 =	sadd.s32 $0x4, s6;
	[tilespmem:s22+$0xFFFFFF70] =	vst v59;
	v0 =	vld [tilespmem:s22+$0x170]  }
0x12c: {  	[tilespmem:s22+$0xFFFFFF80] =	vst v35;
	s7 =	sshrl.u32 s6, $0x3;
	v23 =	vmul.f32 v4, v2;
	v4 =	vld [tilespmem:$0x1FF00]  }
0x12d: {  	[tilespmem:s22+$0xFFFFFF90] =	vst v57;
	s7 =	sadd.s32 s21, s7;
	v2 =	vmul.f32 v5, v33;
	v5 =	vld [tilespmem:$0x1FF50]  }
0x12e: {  	s23 =	sadd.s32 $0x100, s23;
	[tilespmem:s22+$0xFFFFFFA0] =	vst v55;
	s7 =	sshll.u32 s7, $0x7;
	v3 =	vld [tilespmem:s22+$0x1A0]  }
0x12f: {  	[tilespmem:s22+$0xFFFFFFB0] =	vst v56;
	s9 =	sand.u32 $0x1C0, s23;
	s7 =	sand.u32 $0x3FFFFF80, s7;
	v62 =	vmul.f32 v1, v60;
	v1 =	vld [tilespmem:s22+$0x1D0]  }
0x130: {  	[tilespmem:s22+$0xFFFFFFC0] =	vst v53;
	s9 =	sshrl.u32 s9, $0x2;
	s7 =	sadd.s32 $0x400, s7;
	v29 =	vmul.f32 v0, v29;
	v0 =	vld [tilespmem:s22+$0x1C0]  }
0x131: {  	s9 =	sor.u32 s9, s7;
	[tilespmem:$0x1FC90] =	vst v2;
	v2 =	vld [tilespmem:s22+$0x190]  }
0x132: {  	[tilespmem:s22+$0xFFFFFFD0] =	vst v50;
	v5 =	vmul.f32 v5, v4;
	v4 =	vmov v32;
	v32 =	vld [tilespmem:s9+$0x0]  }
0x133: {  	[tilespmem:$0x1FF00] =	vst v4;
	v4 =	vld [tilespmem:s22+$0x1B0];
	s22 =	sadd.s32 $0x400, s22  }
0x134: {  	[tilespmem:s2+$0x0] =	vst v45;
	s8 =	sadd.s32 $0xFFFFFF40, s23;
	s11 =	sadd.s32 $0xFFFFFF80, s23;
	s12 =	sadd.s32 $0xFFFFFFC0, s23;
	v13 =	vmul.f32 v3, v28;
	v28 =	vmul.f32 v1, v34;
	v1 =	vld [tilespmem:s22+$0xFFFFFE00]  }
0x135: {  	[tilespmem:s2+$0x10] =	vst v51;
	s8 =	sand.u32 $0x100, s8;
	s11 =	sand.u32 $0x140, s11;
	s12 =	sand.u32 $0x180, s12  }
0x136: {  	[tilespmem:s2+$0xFFFFFFE0] =	vst v48;
	s8 =	sshrl.u32 s8, $0x2;
	s11 =	sshrl.u32 s11, $0x2;
	s12 =	sshrl.u32 s12, $0x2  }
0x137: {  	[tilespmem:s2+$0xFFFFFFF0] =	vst v44;
	s8 =	sor.u32 s8, s7;
	s9 =	sor.u32 s11, s7;
	s7 =	sor.u32 s12, s7  }
0x138: {  	v15 =	vimm.s32 $0x1;
	v14 =	vmul.f32 v6, v61;
	v61 =	vmul.f32 v0, v25;
	v25 =	vld [tilespmem:s7+$0x0];
	[tilespmem:s2+$0x20] =	vst v47  }
0x139: {  	[tilespmem:$0x1FCB0] =	vst v1;
	v1 =	vperm.xlane v32, v15  }
0x13a: {  	v10 =	vimm.s32 $0x2;
	[tilespmem:s2+$0x30] =	vst v52  }
0x13b: {  	[tilespmem:$0x1FF80] =	vst v1;
	v1 =	vperm.xlane v32, v10  }
0x13c: {  	[tilespmem:s2+$0x40] =	vst v49  }
0x13d: {  	[tilespmem:$0x1FF90] =	vst v1;
	v1 =	vld [tilespmem:s22+$0xFFFFFE10]  }
0x13e: {  	v63 =	vmul.f32 v7, v31;
	[tilespmem:s2+$0x50] =	vst v54;
	v31 =	vmul.f32 v2, v27;
	v2 =	vld [tilespmem:s2+$0x1E0]  }
0x13f: {  	v11 =	vld [tilespmem:s8+$0x0];
	[tilespmem:s2+$0x70] =	vst v46  }
0x140: {  	[tilespmem:s2+$0x90] =	vst v43  }
0x141: {  	v3 =	vimm.s32 $0x3;
	[tilespmem:$0x1FCA0] =	vst v5  }
0x142: {  	v9 =	vimm.s32 $0x0;
	v33 =	vmul.f32 v4, v20;
	v20 =	vld [tilespmem:s9+$0x0];
	[tilespmem:$0x1FCC0] =	vst v1;
	v1 =	vperm.xlane v32, v3  }
0x143: {  	v0 =	vperm.xlane v32, v9;
	[tilespmem:$0x1FF50] =	vst v2;
	v2 =	vld [tilespmem:s22+$0x1F0]  }
0x144: {  	[tilespmem:$0x1FFA0] =	vst v1;
	v1 =	vperm.xlane v11, v15  }
0x145: {  	v8 =	vimm.s32 $0xF;
	[tilespmem:$0x1FF70] =	vst v0  }
0x146: {  	v0 =	vperm.xlane v32, v8;
	[tilespmem:$0x1FCD0] =	vst v1;
	v1 =	vld [tilespmem:s22+$0xFFFFFE20]  }
0x147: {  	[tilespmem:s2+$0x190] =	vst v31;
	v48 =	vperm.xlane v20, v18  }
0x148: {  	[tilespmem:s2+$0x1B0] =	vst v33;
	v0 =	vmul.f32 v2, v0  }
0x149: {  	[tilespmem:$0x1FDC0] =	vst v48  }
0x14a: {  	[tilespmem:s22+$0x1F0] =	vst v0  }
0x14b: {  	[tilespmem:$0x1FCE0] =	vst v1;
	v1 =	vperm.xlane v11, v3  }
0x14c: {  	v43 =	vperm.xlane v20, v3;
	[tilespmem:s2+$0x1C0] =	vst v61;
	v3 =	vperm.xlane v25, v3  }
0x14d: {  	v0 =	vperm.xlane v11, v18;
	[tilespmem:$0x1FCF0] =	vst v1  }
0x14e: {  	v1 =	vld [tilespmem:s22+$0xFFFFFE30];
	[tilespmem:$0x1FE40] =	vst v3;
	v3 =	vperm.xlane v25, v16  }
0x14f: {  	[tilespmem:$0x1FD10] =	vst v0  }
0x150: {  	v0 =	vimm.s32 $0x6;
	[tilespmem:$0x1FE50] =	vst v3;
	v3 =	vperm.xlane v25, v18  }
0x151: {  	[tilespmem:s2+$0x1D0] =	vst v28;
	v44 =	vperm.xlane v11, v0  }
0x152: {  	v48 =	vperm.xlane v20, v0;
	[tilespmem:$0x1FE60] =	vst v3;
	v3 =	vperm.xlane v25, v0  }
0x153: {  	v31 =	vperm.xlane v32, v0;
	v0 =	vld [tilespmem:$0x1FCA0];
	[tilespmem:$0x1FD00] =	vst v1;
	v1 =	vperm.xlane v11, v19  }
0x154: {  	[tilespmem:$0x1FE70] =	vst v3;
	v3 =	vperm.xlane v25, v19  }
0x155: {  	[tilespmem:$0x1FD20] =	vst v1;
	v1 =	vperm.xlane v11, v21  }
0x156: {  	[tilespmem:$0x1FE80] =	vst v3  }
0x157: {  	v4 =	vimm.s32 $0xB;
	v3 =	vperm.xlane v25, v17;
	[tilespmem:$0x1FD30] =	vst v1  }
0x158: {  	v1 =	vperm.xlane v11, v4;
	[tilespmem:s20+$0x1E0] =	vst v0  }
0x159: {  	v34 =	vimm.s32 $0xC;
	[tilespmem:$0x1FE90] =	vst v3;
	v3 =	vperm.xlane v25, v21  }
0x15a: {  	v55 =	vperm.xlane v11, v9;
	v60 =	vimm.s32 $0xA;
	[tilespmem:$0x1FD40] =	vst v1;
	v1 =	vperm.xlane v11, v34  }
0x15b: {  	v27 =	vperm.xlane v32, v34;
	v0 =	vld [tilespmem:$0x1FCB0];
	[tilespmem:$0x1FEA0] =	vst v3;
	v3 =	vperm.xlane v25, v60  }
0x15c: {  	v53 =	vperm.xlane v20, v9;
	v51 =	vperm.xlane v20, v4;
	[tilespmem:$0x1FD50] =	vst v1  }
0x15d: {  	v49 =	vperm.xlane v20, v19;
	v1 =	vimm.s32 $0xD;
	[tilespmem:$0x1FEB0] =	vst v3;
	v3 =	vperm.xlane v25, v4  }
0x15e: {  	v50 =	vperm.xlane v20, v21;
	[tilespmem:$0x1FDF0] =	vst v51;
	v2 =	vperm.xlane v11, v1  }
0x15f: {  	v51 =	vperm.xlane v20, v34;
	[tilespmem:$0x1FEC0] =	vst v3;
	v3 =	vperm.xlane v25, v34  }
0x160: {  	v52 =	vperm.xlane v20, v1;
	v55 =	vmul.f32 v0, v55;
	v0 =	vld [tilespmem:$0x1FCC0];
	[tilespmem:$0x1FD60] =	vst v2  }
0x161: {  	v2 =	vimm.s32 $0xE;
	v34 =	vperm.xlane v32, v1;
	[tilespmem:$0x1FED0] =	vst v3;
	v3 =	vperm.xlane v25, v1;
	v1 =	vld [tilespmem:$0x1FCD0]  }
0x162: {  	v47 =	vperm.xlane v20, v10;
	[tilespmem:$0x1FDD0] =	vst v49;
	v5 =	vperm.xlane v11, v2  }
0x163: {  	v46 =	vperm.xlane v20, v16;
	v54 =	vperm.xlane v20, v8;
	[tilespmem:$0x1FDE0] =	vst v50  }
0x164: {  	v49 =	vperm.xlane v20, v17;
	[tilespmem:$0x1FD70] =	vst v5;
	v5 =	vperm.xlane v11, v8  }
0x165: {  	v50 =	vperm.xlane v20, v60;
	[tilespmem:$0x1FE00] =	vst v52;
	v52 =	vperm.xlane v20, v2  }
0x166: {  	[tilespmem:$0x1FD80] =	vst v5;
	v5 =	vperm.xlane v20, v15;
	v20 =	vmul.f32 v0, v1;
	v0 =	vld [tilespmem:$0x1FCE0];
	_ =	sdelay $0x2  }
0x167: {  	v56 =	vperm.xlane v11, v10  }
0x168: {  	v1 =	vld [tilespmem:$0x1FD00]  }
0x169: {  	v56 =	vmul.f32 v0, v56;
	v0 =	vld [tilespmem:$0x1FCF0];
	_ =	sdelay $0x3  }
0x16a: {  	[tilespmem:s2+$0x60] =	vst v39;
	v39 =	vld [tilespmem:s22+$0xFFFFFE50]  }
0x16b: {  	[tilespmem:s22+$0xFFFFFE00] =	vst v55;
	v55 =	vmul.f32 v1, v0;
	v0 =	vld [tilespmem:$0x1FD10];
	_ =	sdelay $0x3  }
0x16c: {  	v59 =	vld [tilespmem:s22+$0xFFFFFE70]  }
0x16d: {  	[tilespmem:s22+$0xFFFFFE10] =	vst v20;
	v20 =	vmul.f32 v39, v0;
	v0 =	vld [tilespmem:$0x1FD20];
	_ =	sdelay $0x2  }
0x16e: {  	[tilespmem:s2+$0xC0] =	vst v37;
	v37 =	vld [tilespmem:$0x1FC90]  }
0x16f: {  	v7 =	vld [tilespmem:s22+$0xFFFFFE90]  }
0x170: {  	v59 =	vmul.f32 v59, v0;
	v0 =	vld [tilespmem:$0x1FD30]  }
0x171: {  	v35 =	vld [tilespmem:s22+$0xFFFFFE40]  }
0x172: {  	v58 =	vld [tilespmem:s22+$0xFFFFFE60]  }
0x173: {  	[tilespmem:s2+$0x100] =	vst v26;
	v57 =	vld [tilespmem:s22+$0xFFFFFE80]  }
0x174: {  	[tilespmem:$0x1FD90] =	vst v5;
	v5 =	vld [tilespmem:s22+$0xFFFFFEB0]  }
0x175: {  	[tilespmem:s2+$0x110] =	vst v30;
	v7 =	vmul.f32 v7, v0;
	v0 =	vld [tilespmem:$0x1FD40]  }
0x176: {  	[tilespmem:s2+$0x120] =	vst v24;
	v6 =	vld [tilespmem:s22+$0xFFFFFEA0]  }
0x177: {  	[tilespmem:s2+$0xD0] =	vst v42;
	v42 =	vld [tilespmem:s22+$0xFFFFFEE0]  }
0x178: {  	[tilespmem:s2+$0xB0] =	vst v41;
	v41 =	vld [tilespmem:s22+$0xFFFFFEF0]  }
0x179: {  	[tilespmem:$0x1FDA0] =	vst v43;
	v43 =	vld [tilespmem:s22+$0xFFFFFEC0]  }
0x17a: {  	[tilespmem:s2+$0x130] =	vst v23;
	v5 =	vmul.f32 v5, v0;
	v0 =	vld [tilespmem:$0x1FD50]  }
0x17b: {  	[tilespmem:s2+$0xA0] =	vst v36;
	v36 =	vld [tilespmem:s22+$0xFFFFFF00]  }
0x17c: {  	[tilespmem:s2+$0x150] =	vst v63;
	v30 =	vld [tilespmem:s22+$0xFFFFFF10]  }
0x17d: {  	[tilespmem:s2+$0x160] =	vst v14;
	v24 =	vld [tilespmem:s22+$0xFFFFFF20]  }
0x17e: {  	[tilespmem:$0x1FDB0] =	vst v46;
	v46 =	vld [tilespmem:s22+$0xFFFFFED0]  }
0x17f: {  	[tilespmem:s2+$0x170] =	vst v29;
	v28 =	vperm.xlane v32, v4;
	v4 =	vmul.f32 v43, v0;
	v0 =	vld [tilespmem:$0x1FD60]  }
0x180: {  	[tilespmem:s2+$0x80] =	vst v40;
	v23 =	vld [tilespmem:s22+$0xFFFFFF30]  }
0x181: {  	v63 =	vld [tilespmem:s22+$0xFFFFFF40];
	[tilespmem:s2+$0x1A0] =	vst v13  }
0x182: {  	v22 =	vperm.xlane v11, v16;
	v13 =	vld [tilespmem:s22+$0xFFFFFF90];
	[tilespmem:$0x1FEE0] =	vst v3;
	v3 =	vperm.xlane v25, v2  }
0x183: {  	v40 =	vperm.xlane v11, v60;
	[tilespmem:s2+$0xE0] =	vst v38;
	v14 =	vld [tilespmem:s22+$0xFFFFFFA0];
	v26 =	vperm.xlane v32, v17  }
0x184: {  	v29 =	vperm.xlane v32, v21;
	[tilespmem:$0x1FEF0] =	vst v3;
	v3 =	vmul.f32 v46, v0;
	v0 =	vld [tilespmem:$0x1FD70]  }
0x185: {  	[tilespmem:s2+$0xF0] =	vst v12;
	v12 =	vperm.xlane v25, v15;
	v35 =	vmul.f32 v35, v22;
	v22 =	vld [tilespmem:s22+$0x10]  }
0x186: {  	[tilespmem:s2+$0x140] =	vst v37;
	v38 =	vperm.xlane v25, v10;
	v6 =	vmul.f32 v6, v40;
	v40 =	vld [tilespmem:s22+$0x40]  }
0x187: {  	v37 =	vperm.xlane v32, v19;
	[tilespmem:$0x1FE20] =	vst v12;
	v12 =	vld [tilespmem:s22+$0xFFFFFF80];
	v33 =	vperm.xlane v32, v16  }
0x188: {  	[tilespmem:$0x1FE30] =	vst v38;
	v38 =	vperm.xlane v32, v18;
	v10 =	vld [tilespmem:s22+$0xFFFFFF60];
	v61 =	vperm.xlane v32, v60  }
0x189: {  	v32 =	vperm.xlane v32, v2;
	v2 =	vmul.f32 v42, v0;
	v0 =	vld [tilespmem:$0x1FD80]  }
0x18a: {  	[tilespmem:s22+$0xFFFFFEA0] =	vst v6;
	v6 =	vld [tilespmem:s22+$0xB0]  }
0x18b: {  	[tilespmem:$0x1FE10] =	vst v54;
	v54 =	vperm.xlane v25, v9;
	v9 =	vld [tilespmem:s22+$0xFFFFFF50];
	v58 =	vmul.f32 v58, v44  }
0x18c: {  	[tilespmem:s22+$0xFFFFFE40] =	vst v35;
	v35 =	vmul.f32 v12, v49;
	v12 =	vld [tilespmem:s22+$0xE0]  }
0x18d: {  	[tilespmem:s22+$0xFFFFFE60] =	vst v58;
	v58 =	vmul.f32 v10, v48;
	v10 =	vld [tilespmem:s22+$0xC0]  }
0x18e: {  	v1 =	vmul.f32 v41, v0;
	v0 =	vld [tilespmem:$0x1FD90]  }
0x18f: {  	v16 =	vld [tilespmem:s22+$0xFFFFFFC0]  }
0x190: {  	v18 =	vld [tilespmem:s22+$0xFFFFFFE0]  }
0x191: {  	v19 =	vld [tilespmem:s22+$0xFFFFFFF0]  }
0x192: {  	v45 =	vperm.xlane v11, v17;
	v17 =	vld [tilespmem:s22+$0xFFFFFFD0]  }
0x193: {  	v30 =	vmul.f32 v30, v0;
	v0 =	vld [tilespmem:$0x1FDA0]  }
0x194: {  	v21 =	vld [tilespmem:s22+$0x0]  }
0x195: {  	v60 =	vld [tilespmem:s22+$0x20]  }
0x196: {  	v11 =	vld [tilespmem:s22+$0xFFFFFF70]  }
0x197: {  	[tilespmem:s2+$0x180] =	vst v62;
	v62 =	vperm.xlane v25, v8;
	v8 =	vld [tilespmem:s22+$0x30]  }
0x198: {  	v23 =	vmul.f32 v23, v0;
	v0 =	vld [tilespmem:$0x1FDB0]  }
0x199: {  	v25 =	vld [tilespmem:s22+$0x80]  }
0x19a: {  	[tilespmem:s22+$0xFFFFFEB0] =	vst v5;
	v5 =	vld [tilespmem:$0x1FEA0]  }
0x19b: {  	v43 =	vld [tilespmem:s22+$0x50]  }
0x19c: {  	[tilespmem:s22+$0xFFFFFED0] =	vst v3;
	v3 =	vld [tilespmem:$0x1FE60]  }
0x19d: {  	v42 =	vmul.f32 v63, v0;
	v0 =	vld [tilespmem:$0x1FDC0]  }
0x19e: {  	v63 =	vld [tilespmem:s22+$0x90]  }
0x19f: {  	v15 =	vld [tilespmem:s22+$0xFFFFFFB0]  }
0x1a0: {  	v45 =	vmul.f32 v57, v45;
	[tilespmem:s22+$0xFFFFFE50] =	vst v20;
	v20 =	vld [tilespmem:s22+$0x60]  }
0x1a1: {  	[tilespmem:s22+$0xFFFFFE90] =	vst v7;
	v7 =	vld [tilespmem:s22+$0xA0]  }
0x1a2: {  	[tilespmem:s22+$0xFFFFFE80] =	vst v45;
	v45 =	vmul.f32 v21, v54;
	v9 =	vmul.f32 v9, v0;
	v0 =	vld [tilespmem:$0x1FDD0]  }
0x1a3: {  	v54 =	vmul.f32 v43, v3;
	v43 =	vmul.f32 v63, v5;
	v5 =	vld [tilespmem:$0x1FEB0]  }
0x1a4: {  	[tilespmem:s22+$0xFFFFFEC0] =	vst v4;
	v4 =	vld [tilespmem:$0x1FE80]  }
0x1a5: {  	[tilespmem:s22+$0xFFFFFEE0] =	vst v2;
	v2 =	vld [tilespmem:$0x1FE40]  }
0x1a6: {  	v41 =	vld [tilespmem:s22+$0x70]  }
0x1a7: {  	[tilespmem:s22+$0xFFFFFE70] =	vst v59;
	v59 =	vmul.f32 v11, v0;
	v0 =	vld [tilespmem:$0x1FDE0]  }
0x1a8: {  	v39 =	vmul.f32 v36, v53;
	v36 =	vmul.f32 v7, v5;
	v7 =	vld [tilespmem:$0x1FEC0]  }
0x1a9: {  	v3 =	vld [tilespmem:$0x1FE70]  }
0x1aa: {  	v48 =	vmul.f32 v18, v52;
	v52 =	vmul.f32 v8, v2;
	v2 =	vld [tilespmem:$0x1FE50]  }
0x1ab: {  	v46 =	vmul.f32 v41, v4;
	v4 =	vld [tilespmem:$0x1FE90]  }
0x1ac: {  	v57 =	vmul.f32 v13, v0;
	v0 =	vld [tilespmem:$0x1FDF0]  }
0x1ad: {  	v41 =	vmul.f32 v6, v7;
	v6 =	vld [tilespmem:$0x1FED0]  }
0x1ae: {  	[tilespmem:s22+$0xFFFFFEF0] =	vst v1;
	v1 =	vld [tilespmem:$0x1FE20]  }
0x1af: {  	[tilespmem:s22+$0xFFFFFF00] =	vst v39;
	v39 =	vmul.f32 v20, v3;
	v3 =	vld [tilespmem:s22+$0x120]  }
0x1b0: {  	v11 =	vld [tilespmem:s22+$0xD0]  }
0x1b1: {  	[tilespmem:s22+$0xFFFFFE20] =	vst v56;
	v49 =	vmul.f32 v40, v2;
	v56 =	vmul.f32 v15, v0;
	v0 =	vld [tilespmem:$0x1FE00]  }
0x1b2: {  	v40 =	vmul.f32 v25, v4;
	v25 =	vmovc v27;
	v27 =	vmovc v29;
	v29 =	vmov v37;
	v37 =	vmul.f32 v10, v6;
	v6 =	vld [tilespmem:$0x1FEE0]  }
0x1b3: {  	v53 =	vmul.f32 v16, v51;
	v51 =	vmul.f32 v22, v1;
	v1 =	vld [tilespmem:$0x1FE30]  }
0x1b4: {  	v2 =	vld [tilespmem:s22+$0x110]  }
0x1b5: {  	v4 =	vld [tilespmem:s22+$0x130]  }
0x1b6: {  	[tilespmem:s22+$0xFFFFFE30] =	vst v55;
	v55 =	vmul.f32 v14, v50;
	v50 =	vmul.f32 v17, v0;
	v0 =	vld [tilespmem:$0x1FE10]  }
0x1b7: {  	p0 =	slt.u32 s6, $0x1C;
	v24 =	vmul.f32 v24, v47;
	[tilespmem:s22+$0xFFFFFF40] =	vst v42;
	v42 =	vmul.f32 v11, v6;
	v6 =	vld [tilespmem:$0x1FEF0]  }
.Ltmp2:
0x1b8: {  	v47 =	vmul.f32 v60, v1;
	v1 =	vld [tilespmem:s22+$0x100];
	(pc) =	sbr.rel @p0 .LBB2_7-.Ltmp2, $4  }
0x1b9: {  	[tilespmem:s22+$0xFFFFFF20] =	vst v24;
	v5 =	vld [tilespmem:s22+$0x140]  }
0x1ba: {  	v21 =	vimm.s32 $0x9;
	v18 =	vimm.s32 $0x5;
	[tilespmem:s22+$0xFFFFFF10] =	vst v30;
	v7 =	vld [tilespmem:s22+$0x150]  }
0x1bb: {  	v16 =	vimm.s32 $0x4;
	v20 =	vmovc v28;
	v28 =	vmovc v61;
	v61 =	vmov v31;
	[tilespmem:s22+$0xFFFFFF30] =	vst v23;
	v44 =	vmul.f32 v19, v0;
	v0 =	vld [tilespmem:s22+$0xF0]  }
0x1bc: {  	s20 =	smov.u32 s2;
	s2 =	smov.u32 s22;
	v31 =	vmovc v38;
	v60 =	vmovc v26;
	[tilespmem:s22+$0xFFFFFF50] =	vst v9;
	v17 =	vimm.s32 $0x8;
	v19 =	vimm.s32 $0x7;
	v38 =	vmul.f32 v12, v6;
	v6 =	vld [tilespmem:s22+$0x160]  }
0x1bd: {  	[tilespmem:s22+$0xFFFFFF60] =	vst v58  }
0x1be: {  	[tilespmem:s22+$0xFFFFFF70] =	vst v59  }
0x1bf: {  	[tilespmem:s22+$0xFFFFFF80] =	vst v35  }
0x1c0: {  	[tilespmem:s22+$0xFFFFFF90] =	vst v57  }
0x1c1: {  	[tilespmem:s22+$0xFFFFFFA0] =	vst v55  }
0x1c2: {  	[tilespmem:s22+$0xFFFFFFB0] =	vst v56  }
0x1c3: {  	[tilespmem:s22+$0xFFFFFFC0] =	vst v53  }
0x1c4: {  	[tilespmem:s22+$0xFFFFFFD0] =	vst v50  }
0x1c5: {  	[tilespmem:s2+$0x0] =	vst v45  }
0x1c6: {  	[tilespmem:s2+$0x10] =	vst v51  }
0x1c7: {  	[tilespmem:s2+$0x20] =	vst v47  }
0x1c8: {  	[tilespmem:s2+$0x30] =	vst v52  }
0x1c9: {  	[tilespmem:s2+$0x40] =	vst v49  }
0x1ca: {  	[tilespmem:s2+$0x50] =	vst v54  }
0x1cb: {  	[tilespmem:s2+$0x60] =	vst v39  }
0x1cc: {  	[tilespmem:s2+$0x70] =	vst v46  }
0x1cd: {  	[tilespmem:s2+$0x80] =	vst v40  }
0x1ce: {  	[tilespmem:s2+$0x90] =	vst v43  }
0x1cf: {  	[tilespmem:s2+$0xA0] =	vst v36  }
0x1d0: {  	[tilespmem:s2+$0xB0] =	vst v41  }
0x1d1: {  	[tilespmem:s2+$0xC0] =	vst v37  }
0x1d2: {  	[tilespmem:s2+$0xD0] =	vst v42  }
0x1d3: {  	v8 =	vld [tilespmem:s22+$0x170];
	[tilespmem:s2+$0xFFFFFFE0] =	vst v48  }
0x1d4: {  	v9 =	vld [tilespmem:s22+$0x180];
	[tilespmem:s2+$0xFFFFFFF0] =	vst v44  }
0x1d5: {  	v14 =	vld [tilespmem:$0x1FF70];
	[tilespmem:s2+$0xE0] =	vst v38  }
0x1d6: {  	v15 =	vld [tilespmem:$0x1FF80]  }
0x1d7: {  	v10 =	vld [tilespmem:s22+$0x190]  }
0x1d8: {  	v11 =	vld [tilespmem:s22+$0x1A0]  }
0x1d9: {  	v12 =	vld [tilespmem:s22+$0x1B0];
	v0 =	vmul.f32 v0, v62  }
0x1da: {  	v13 =	vld [tilespmem:s22+$0x1C0];
	v1 =	vmul.f32 v1, v14  }
0x1db: {  	v50 =	vld [tilespmem:s22+$0x1D0];
	[tilespmem:s2+$0xF0] =	vst v0;
	v2 =	vmul.f32 v2, v15  }
0x1dc: {  	v52 =	vmul.f32 v5, v33;
	v0 =	vld [tilespmem:$0x1FF90];
	[tilespmem:s2+$0x100] =	vst v1  }
0x1dd: {  	v53 =	vmul.f32 v7, v31;
	v1 =	vld [tilespmem:$0x1FFA0];
	[tilespmem:s2+$0x110] =	vst v2  }
0x1de: {  	v54 =	vmul.f32 v6, v61;
	[tilespmem:s2+$0x140] =	vst v52  }
0x1df: {  	v55 =	vmul.f32 v8, v29;
	[tilespmem:s2+$0x150] =	vst v53  }
0x1e0: {  	v56 =	vmul.f32 v9, v60;
	[tilespmem:s2+$0x160] =	vst v54  }
0x1e1: {  	v57 =	vmul.f32 v10, v27;
	[tilespmem:s2+$0x170] =	vst v55  }
0x1e2: {  	v58 =	vmul.f32 v11, v28;
	[tilespmem:s2+$0x180] =	vst v56  }
0x1e3: {  	v59 =	vmul.f32 v12, v20;
	[tilespmem:s2+$0x190] =	vst v57  }
0x1e4: {  	[tilespmem:s2+$0x1A0] =	vst v58;
	v0 =	vmul.f32 v3, v0  }
0x1e5: {  	[tilespmem:s2+$0x1B0] =	vst v59;
	v1 =	vmul.f32 v4, v1  }
0x1e6: {  	[tilespmem:s2+$0x120] =	vst v0  }
0x1e7: {  	v51 =	vld [tilespmem:s2+$0x1E0];
	[tilespmem:s2+$0x130] =	vst v1  }
0x1e8: {  	v0 =	vld [tilespmem:$0x1FF00]  }
0x1e9: {  	v62 =	vld [tilespmem:$0x1FF50];
	_ =	sdelay $0x1  }
0x1ea: {  	v60 =	vmul.f32 v13, v25  }
0x1eb: {  	v61 =	vmul.f32 v50, v34  }
0x1ec: {  	v63 =	vmul.f32 v51, v32;
	[tilespmem:s2+$0x1C0] =	vst v60  }
0x1ed: {  	[tilespmem:s2+$0x1D0] =	vst v61;
	v0 =	vmul.f32 v62, v0  }
0x1ee: {  	s0 =	sshll.u32 s0, $0xB;
	[tilespmem:s2+$0x1E0] =	vst v63  }
0x1ef: {  	[tilespmem:s20+$0x1E0] =	vst v0;
	s20 =	sor.u32 $0x200, s0  }
0x1f0: {  	[spmem:s1] =	stream.indirect.scatter.add.f32 [tilespmem:s25], [sflag:$0x2], $0x10, s20, s19, $0xb8;
	[tilespmem:$0xD000] =	vst v63  }
0x1f1: {  	s21 =	sadd.s32 $0x3000, s31;
	p0 =	sne.s32 s24, $0x28;
	s6 =	sor.u32 $0x280, s0  }
0x1f2: {  	[spmem:s1] =	stream.indirect.scatter.add.f32 [tilespmem:s21], [sflag:$0x2], $0x10, s6, s19, $0xb8;
	[tilespmem:$0xD000] =	vst v63  }
.Ltmp3:
0x1f3: {  	_ = 	snop;
	(pc) =	sbr.rel @p0 .LBB2_4-.Ltmp3, $4  }
0x1f4: {  	s22 =	sadd.s32 $0x3800, s31;
	s30 =	sadd.s32 $0x1, s30;
	s23 =	sor.u32 $0x300, s0  }
0x1f5: {  	[spmem:s1] =	stream.indirect.scatter.add.f32 [tilespmem:s22], [sflag:$0x2], $0x10, s23, s19, $0xb8;
	[tilespmem:$0xD000] =	vst v63  }
0x1f6: {  	v30 =	vimm.s32 $0xA;
	v10 =	vimm.s32 $0x3;
	s0 =	sor.u32 $0x380, s0;
	s25 =	sadd.s32 $0x4000, s31;
	s31 =	smov.u32 s24  }
0x1f7: {  	v8 =	vimm.s32 $0xF;
	v57 =	vimm.s32 $0x0;
	v58 =	vimm.s32 $0x1;
	[spmem:s1] =	stream.indirect.scatter.add.f32 [tilespmem:s25], [sflag:$0x2], $0x10, s0, s19, $0xb8;
	[tilespmem:$0xD000] =	vst v63  }
0x1f8: {  	_ =	swait.ge [sflag:s28], $0x800  }
0x1f9: {  	[sflag:s28] =	ssyncset.done $0x0  }
0x1fa: {  	[sflag:s28] =	ssyncadd.s32 $0xFFFFF800  }
0x1fb: {  	_ =	swait.ge [sflag:s28], $0x800  }
0x1fc: {  	[sflag:s28] =	ssyncset.done $0x0  }
0x1fd: {  	[sflag:s28] =	ssyncadd.s32 $0xFFFFF800  }
0x1fe: {  	_ =	swait.ge [sflag:s28], $0x800  }
0x1ff: {  	[sflag:s28] =	ssyncset.done $0x0  }
0x200: {  	[sflag:s28] =	ssyncadd.s32 $0xFFFFF800  }
0x201: {  	_ =	swait.ge [sflag:s28], $0x800  }
0x202: {  	[sflag:s28] =	ssyncset.done $0x0  }
0x203: {  	[sflag:s28] =	ssyncadd.s32 $0xFFFFF800  }
0x204: {  	_ =	swait.ge [sflag:s28], $0x800  }
0x205: {  	[sflag:s28] =	ssyncset.done $0x0  }
0x206: {  	[sflag:s28] =	ssyncadd.s32 $0xFFFFF800  }
0x207: {  	_ =	swait.ge [sflag:s28], $0x800  }
0x208: {  	[sflag:s28] =	ssyncset.done $0x0  }
0x209: {  	[sflag:s28] =	ssyncadd.s32 $0xFFFFF800  }
0x20a: {  	_ =	swait.ge [sflag:s28], $0x800  }
0x20b: {  	[sflag:s28] =	ssyncset.done $0x0  }
0x20c: {  	[sflag:s28] =	ssyncadd.s32 $0xFFFFF800  }
0x20d: {  	_ =	swait.ge [sflag:s28], $0x800  }
0x20e: {  	[sflag:s28] =	ssyncset.done $0x0  }
0x20f: {  	[sflag:s28] =	ssyncadd.s32 $0xFFFFF800  }
0x210: {  	_ =	swait.ge [sflag:s28], $0x800  }
0x211: {  	[sflag:s28] =	ssyncset.done $0x0  }
0x212: {  	[sflag:s28] =	ssyncadd.s32 $0xFFFFF800  }
0x213: {  	_ =	swait.ge [sflag:s28], $0x800  }
0x214: {  	[sflag:s28] =	ssyncset.done $0x0  }
0x215: {  	[sflag:s28] =	ssyncadd.s32 $0xFFFFF800  }
0x216: {  	_ =	swait.ge [sflag:s28], $0x800  }
0x217: {  	[sflag:s28] =	ssyncset.done $0x0  }
0x218: {  	[sflag:s28] =	ssyncadd.s32 $0xFFFFF800  }
0x219: {  	s0 =	stileid.u32;
	_ =	swait.ge [sflag:s28], $0x800  }
0x21a: {  	s2 =	sshrl.u32 s5, $0x3;
	s3 =	sadd.s32 $0x1, s3;
	[sflag:s28] =	ssyncset.done $0x0  }
0x21b: {  	s0 =	sshll.u32 s0, $0x6;
	p0 =	sne.s32 s3, s15;
	[sflag:s28] =	ssyncadd.s32 $0xFFFFF800  }
.Ltmp4:
0x21c: {  	s0 =	sor.u32 $0x1C04, s0;
	[bflag:$0x0] =	sbarrier.arrive $0xFFFF;
	(pc) =	sbr.rel @p0 .LBB2_1-.Ltmp4, $4  }
0x21d: {  	[hbm:s16], [sflag:s0] =	dma.local [spmem:s2], $0x500  }
0x21e: {  	_ =	swait.ge [sflag:s18], $0x500  }
0x21f: {  	[sflag:s18] =	ssyncset.done $0x0  }
0x220: {  	v0 =	vimm.f32 $0.0e+00;
	[sflag:s18] =	ssyncadd.s32 $0xFFFFFB00  }
0x221: {  	_ =	sfence.sel $0x180000  }
0x222: {  	[bflag:$0x0] =	sbarrier.arrive $0xFFFF  }
0x223: {  	_ =	strace $0x9000004A  }
0x224: {  	s0 =	stileid.u32;
	[bflag:$0x2] =	sbarrier.arrive $0xFFFF  }
0x225: {  	p0 =	sne.s32 s0, $0x0;
	s0 =	rddreg [dreg:$0x2]  }
0x226: {  	s0 =	sadd.s32 @!p0 $0x100000, s0  }
0x227: {  	[sflag:s0] =	ssyncadd.tile.s32 @!p0 $0x1;
	_ =	shalt  }
.Lfunc_end2:
_tile_overlayer_lowered:
.L_overlay_start_2:
0x228: {  	(tag) =	ssettag $0x2  }
0x229: {  	s0 =	rddreg [dreg:$0x0];
	s2 =	stileid.u32  }
0x22a: {  	s1 =	rddreg [dreg:$0x1];
	p0 =	sne.s32 s2, $0x0  }
0x22b: {  	s3 =	rddreg [dreg:$0x2];
	[bflag:$0x3] =	sbarrier.arrive $0xFFFF;
	s2 =	simm.s32 @!p0 $0x1C04  }
0x22c: {  	[timem:s3], [sflag:s2] =	dma.local @!p0 [hbm:s0], s1  }
0x22d: {  	s0 =	simm.s32 @!p0 $0x4  }
0x22e: {  	_ =	swait.ge @!p0 [sflag:s0], s1  }
0x22f: {  	s1 =	ssub.s32 @!p0 $0x0, s1;
	[sflag:s0] =	ssyncset.done @!p0 $0x0  }
0x230: {  	[sflag:s0] =	ssyncadd.s32 @!p0 s1  }
0x231: {  	[bflag:$0x3] =	sbarrier.arrive $0xFFFF  }
0x232: {  	_ =	shalt  }

// kernel: kernel.14.cloned.1.call-start
scs
__scs_entry_jumppad:
0x0: {  	(pc) =	sbr.rel $0x88, $3  }
0x1: {  	(tag) =	ssettag $0x0;
	lr =	simm.s32 $0x1  }
0x2: {  	[smem:$0x3F99] =	sst lr;
	_ =	strace $0xD0000000  }
0x3: {  	_ = 	snop  }
0x4: {  	_ = 	snop  }
0x5: {  	_ = 	snop  }
0x6: {  	_ = 	snop  }
0x7: {  	_ = 	snop  }
__scs_overlays_trampoline_lowered:
0x8: {  	[smem:$0x3FA8] =	sst s0  }
0x9: {  	[smem:$0x3FA9] =	sst s1  }
0xa: {  	[smem:$0x3FAA] =	sst s2  }
0xb: {  	[smem:$0x3FAB] =	sst s3  }
0xc: {  	[smem:$0x3FAC] =	sst s4  }
0xd: {  	[smem:$0x3FAD] =	sst s5  }
0xe: {  	[smem:$0x3FAE] =	sst s6  }
0xf: {  	[smem:$0x3FAF] =	sst s7  }
0x10: {  	[smem:$0x3FB0] =	sst s8  }
0x11: {  	[smem:$0x3FB1] =	sst s9;
	s0 =	simm.s32 @!p0 $0x0  }
0x12: {  	s1 =	sld [smem:$0x3F97];
	s0 =	simm.s32 @p0 $0x1  }
0x13: {  	[smem:$0x3FB2] =	sst s0;
	s0 =	simm.s32 @!p1 $0x0  }
0x14: {  	s2 =	sld [smem:$0x3F96];
	s0 =	simm.s32 @p1 $0x1  }
0x15: {  	[smem:$0x3FB3] =	sst s0;
	s0 =	simm.s32 @!p2 $0x0  }
0x16: {  	s3 =	sld [smem:$0x3FDB];
	s0 =	simm.s32 @p2 $0x1  }
0x17: {  	s4 =	simm.s32 $0x1BF5;
	[smem:$0x3FB5] =	sst s0  }
0x18: {  	s0 =	sld [smem:$0x3F98];
	_ =	swait.ge [sflag:s4], $0x0  }
0x19: {  	s7 =	sld [smem:$0x3F99]  }
0x1a: {  	s8 =	sadd.s32 $0xFFFFE003, lr  }
0x1b: {  	s9 =	sadd.s32 $0xFFFFFEF7, lr;
	s5 =	simm.s32 $0xFFFFFFFF;
	p2 =	slt.u32 s8, $0xFFFFF086  }
0x1c: {  	p1 =	slt.u32 s9, $0xF7A;
	s5 =	simm.s32 @!p2 $0x0  }
0x1d: {  	s5 =	simm.s32 @p1 $0x1;
	p0 =	seq.s32 s7, s2  }
0x1e: {  	s7 =	smul.u32 @!p0 $0xF7A, s2;
	p2 =	seq.s32 @!p0 s5, $0x0  }
0x1f: {  	s9 =	smul.u32 $0xF7A, s1;
	s8 =	simm.s32 @!p0 $0x1BF5;
	p2 =	por !p2, p0  }
0x20: {  	[sflag:s8] =	ssyncset.s32 @!p0 $0xFFFFF086;
	s6 =	sadd.s32 @!p0 s3, s7;
	s7 =	simm.s32 @!p0 $0x108  }
0x21: {  	s3 =	sadd.s32 s3, s9;
	s6 =	sadd.s32 @!p0 $0x88, s6;
	s7 =	simm.s32 @p2 $0x1082  }
0x22: {  	[simem:s7], [sflag:s8] =	dma.local @!p0 [hbm:s6], $0xF7A  }
0x23: {  	s9 =	sor.u32 $0xD0000000, s2;
	s6 =	simm.s32 $0x108;
	_ =	swait.ge @!p0 [sflag:s8], $0x0  }
0x24: {  	s3 =	sadd.s32 $0x88, s3;
	s6 =	simm.s32 @!p1 $0x1082;
	[sflag:s4] =	ssyncset.s32 $0xFFFFF086  }
0x25: {  	[simem:s6], [sflag:s4] =	dma.local [hbm:s3], $0xF7A  }
0x26: {  	[smem:$0x3F99] =	sst s1;
	(tag) =	ssettag s2;
	_ =	strace s9  }
0x27: {  	s1 =	sld [smem:$0x3FA9]  }
0x28: {  	s2 =	sld [smem:$0x3FAA]  }
0x29: {  	s4 =	sld [smem:$0x3FAC]  }
0x2a: {  	p0 =	seq.s32 s5, $0x0;
	s5 =	sld [smem:$0x3FAD]  }
0x2b: {  	s6 =	sld [smem:$0x3FAE]  }
0x2c: {  	s7 =	sld [smem:$0x3FAF]  }
0x2d: {  	s3 =	simm.s32 $0x108;
	s8 =	sld [smem:$0x3FB0]  }
0x2e: {  	s3 =	simm.s32 @!p0 $0x1082;
	s9 =	sld [smem:$0x3FB1]  }
0x2f: {  	lr =	sadd.s32 s0, s3;
	s0 =	sld [smem:$0x3FA8]  }
0x30: {  	s3 =	sld [smem:$0x3FAB]  }
0x31: {  	[smem:$0x3FB4] =	sst s10  }
0x32: {  	s10 =	sld [smem:$0x3FB2];
	_ =	sdelay $0x3  }
0x33: {  	p0 =	seq.s32 s10, $0x1;
	s10 =	sld [smem:$0x3FB4];
	_ =	sdelay $0x3  }
0x34: {  	[smem:$0x3FB4] =	sst s10  }
0x35: {  	s10 =	sld [smem:$0x3FB3];
	_ =	sdelay $0x3  }
0x36: {  	p1 =	seq.s32 s10, $0x1;
	s10 =	sld [smem:$0x3FB4];
	_ =	sdelay $0x3  }
0x37: {  	[smem:$0x3FB4] =	sst s10  }
0x38: {  	s10 =	sld [smem:$0x3FB5]  }
0x39: {  	_ = 	snop;
	(pc) =	sbr.ind lr, $3  }
0x3a: {  	_ = 	snop  }
0x3b: {  	_ = 	snop  }
0x3c: {  	p2 =	seq.s32 s10, $0x1;
	s10 =	sld [smem:$0x3FB4]  }
0x3d: {  	_ =	shalt  }
0x3e: {  	_ =	shalt  }
0x3f: {  	_ =	shalt  }
0x40: {  	_ =	shalt  }
0x41: {  	_ =	shalt  }
0x42: {  	_ =	shalt  }
0x43: {  	_ =	shalt  }
0x44: {  	_ =	shalt  }
0x45: {  	_ =	shalt  }
0x46: {  	_ =	shalt  }
0x47: {  	_ =	shalt  }
0x48: {  	_ =	shalt  }
0x49: {  	_ =	shalt  }
0x4a: {  	_ =	shalt  }
0x4b: {  	_ =	shalt  }
0x4c: {  	_ =	shalt  }
0x4d: {  	_ =	shalt  }
0x4e: {  	_ =	shalt  }
0x4f: {  	_ =	shalt  }
0x50: {  	_ =	shalt  }
0x51: {  	_ =	shalt  }
0x52: {  	_ =	shalt  }
0x53: {  	_ =	shalt  }
0x54: {  	_ =	shalt  }
0x55: {  	_ =	shalt  }
0x56: {  	_ =	shalt  }
0x57: {  	_ =	shalt  }
0x58: {  	_ =	shalt  }
0x59: {  	_ =	shalt  }
0x5a: {  	_ =	shalt  }
0x5b: {  	_ =	shalt  }
0x5c: {  	_ =	shalt  }
0x5d: {  	_ =	shalt  }
0x5e: {  	_ =	shalt  }
0x5f: {  	_ =	shalt  }
0x60: {  	_ =	shalt  }
0x61: {  	_ =	shalt  }
0x62: {  	_ =	shalt  }
0x63: {  	_ =	shalt  }
0x64: {  	_ =	shalt  }
0x65: {  	_ =	shalt  }
0x66: {  	_ =	shalt  }
0x67: {  	_ =	shalt  }
0x68: {  	_ =	shalt  }
0x69: {  	_ =	shalt  }
0x6a: {  	_ =	shalt  }
0x6b: {  	_ =	shalt  }
0x6c: {  	_ =	shalt  }
0x6d: {  	_ =	shalt  }
0x6e: {  	_ =	shalt  }
0x6f: {  	_ =	shalt  }
0x70: {  	_ =	shalt  }
0x71: {  	_ =	shalt  }
0x72: {  	_ =	shalt  }
0x73: {  	_ =	shalt  }
0x74: {  	_ =	shalt  }
0x75: {  	_ =	shalt  }
0x76: {  	_ =	shalt  }
0x77: {  	_ =	shalt  }
0x78: {  	_ =	shalt  }
0x79: {  	_ =	shalt  }
0x7a: {  	_ =	shalt  }
0x7b: {  	_ =	shalt  }
0x7c: {  	_ =	shalt  }
0x7d: {  	_ =	shalt  }
0x7e: {  	_ =	shalt  }
0x7f: {  	_ =	shalt  }
0x80: {  	_ =	shalt  }
0x81: {  	_ =	shalt  }
0x82: {  	_ =	shalt  }
0x83: {  	_ =	shalt  }
0x84: {  	_ =	shalt  }
0x85: {  	_ =	shalt  }
0x86: {  	_ =	shalt  }
0x87: {  	_ =	shalt  }
.Lfunc_end0:
.L_simem_size_0:
called_computation.2_lowered:
.L_overlay_start_0:
0x88: {  	s2 =	sld [smem:$0x3FD9]  }
0x89: {  	s3 =	sld [smem:$0x3FFE];
	_ =	sdelay $0x1  }
0x8a: {  	s1 =	srdreg.scid  }
0x8b: {  	s0 =	sand.u32 $0x1, s1  }
0x8c: {  	s17 =	sshll.u32 s0, $0xA;
	s2 =	sadd.s32 s3, s2  }
0x8d: {  	s2 =	sadd.s32 s2, s17  }
0x8e: {  	[smem:$0x3FC0] =	sst s2  }
0x8f: {  	_ = 	snop  }
0x90: {  	s2 =	sld [smem:$0x3FD0];
	(tm) =	ssettm $0x1  }
0x91: {  	s18 =	sld [smem:$0x3FFB];
	_ =	sdelay $0x3  }
0x92: {  	_ =	strace s18  }
0x93: {  	s3 =	sld [smem:$0x3FFC];
	_ =	sdelay $0x3  }
0x94: {  	_ =	strace s3  }
0x95: {  	s3 =	sld [smem:$0x3FFD];
	_ =	sdelay $0x3  }
0x96: {  	_ =	strace s3  }
0x97: {  	_ =	strace $0x8FFFFFFF  }
0x98: {  	s19 =	sld [smem:$0x3FDB];
	_ =	sdelay $0x1  }
0x99: {  	s4 =	simm.s32 $_scs_section_size  }
0x9a: {  	s5 =	simm.s32 $_size__tile_overlayer_lowered;
	s6 =	simm.s32 $_tile_overlayer_lowered  }
0x9b: {  	s22 =	simm.s32 $0x1BFF;
	s21 =	sshll.u32 s6, $0x1;
	s3 =	sadd.s32 s4, s19  }
0x9c: {  	s7 =	simm.s32 $0x0;
	s20 =	sshll.u32 s5, $0x1;
	s5 =	sadd.s32 s21, s3  }
0x9d: {  	[timem:s7], [sflag:s22] =	dma.local [hbm:s5], s20  }
0x9e: {  	_ =	swait.ge [sflag:s22], s20  }
0x9f: {  	s4 =	ssub.s32 $0x0, s20;
	[sflag:s22] =	ssyncset.done $0x0  }
0xa0: {  	[sflag:s22] =	ssyncadd.s32 s4;
	_ =	sdelay $0x1  }
0xa1: {  	s23 =	simm.s32 $0x1B8B  }
0xa2: {  	_ =	swait.ge [sflag:s23], $0x1  }
0xa3: {  	[sflag:s23] =	ssyncset.done $0x0  }
0xa4: {  	s25 =	simm.s32 $0x1B8E;
	s24 =	sld [smem:$0x3FFE];
	[sflag:s23] =	ssyncadd.s32 $0xFFFFFFFF  }
0xa5: {  	s26 =	simm.s32 $execute0_lowered;
	[smem:$0x3FD2] =	sst s25  }
0xa6: {  	s5 =	sshll.u32 s26, $0x1;
	_ =	strace $0x8000004C;
	[dreg:$0x1] =	wrdreg $0xFFFFFFFF  }
0xa7: {  	s28 =	simm.s32 $_size_execute0_lowered;
	s3 =	sadd.s32 s3, s5;
	[dreg:$0x0] =	wrdreg $0x0  }
0xa8: {  	s5 =	sshll.u32 s28, $0x1;
	[dreg:$0x2] =	wrdreg s3  }
0xa9: {  	[dreg:$0x3] =	wrdreg s5  }
0xaa: {  	[dreg:$0x4] =	wrdreg $0xC0  }
0xab: {  	_ =	task [dreg:s7], $0x5FFFF  }
0xac: {  	[dreg:$0x1] =	wrdreg $0xFFFFFFFF  }
0xad: {  	[dreg:$0x0] =	wrdreg $0x60  }
0xae: {  	[dreg:$0x2] =	wrdreg s24  }
0xaf: {  	[dreg:$0x3] =	wrdreg s2  }
0xb0: {  	[dreg:$0x4] =	wrdreg $0x9  }
0xb1: {  	_ =	task.clear_ibuf [dreg:s7], $0x5FFFF;
	_ =	strace $0x9000004C  }
0xb2: {  	s29 =	simm.s32 $0x9;
	_ =	strace $0x8000004E  }
0xb3: {  	_ =	swait.ge [sflag:s29], $0x1  }
0xb4: {  	[sflag:s29] =	ssyncadd.s32 $0xFFFFFFFF  }
0xb5: {  	_ =	strace $0x9000004E  }
0xb6: {  	_ =	sfence  }
0xb7: {  	s30 =	sld [smem:$0x0];
	_ =	sdelay $0x2  }
0xb8: {  	s31 =	sshll.u32 s1, $0xD;
	s1 =	sshrl.u32 s1, $0x2  }
0xb9: {  	s3 =	sand.u32 $0x4000, s31;
	s1 =	sadd.s32 s1, s30  }
0xba: {  	s0 =	sor.u32 s3, s0;
	s1 =	sshll.u32 s1, $0x11  }
0xbb: {  	s0 =	sor.u32 s1, s0  }
0xbc: {  	s0 =	sadd.s32 $0x8F2B, s0  }
0xbd: {  	[sflag:s0] =	ssyncadd.remote.s32 $0x1  }
0xbe: {  	_ =	sfence.sel $0xFFFF  }
0xbf: {  	[dreg:$0x0] =	wrdreg $0xFFFFFFFF;
	(pc) =	sbr.abs _section_cstart, $3  }
0xc0: {  	[dreg:$0x1] =	wrdreg $0xFFFFFFFF  }
0xc1: {  	_ =	task.clear_ibuf [dreg:s7], $0x2FFFF;
	_ =	strace $0x9FFFFFFF  }
0xc2: {  	(tm) =	ssettm $0x7FFFFFFF  }
0xc3: {  	_ =	shalt  }
tec
execute0_lowered:
.L_overlay_start_1:
0x0: {  	(tag) =	ssettag $0x1  }
0x1: {  	s1 =	srdreg.scid  }
0x2: {  	s8 =	rddreg [dreg:$0x0];
	s0 =	stileid.u32  }
0x3: {  	s3 =	rddreg [dreg:$0x1];
	s2 =	simm.s32 $0x0;
	s6 =	sand.u32 $0x1, s1  }
0x4: {  	s4 =	sshll.u32 s0, $0x6;
	s1 =	rddreg [dreg:$0x2];
	s5 =	sshll.u32 s6, $0x5  }
0x5: {  	s7 =	simm.s32 $0x1;
	[smem:$0x7FF] =	sst s2;
	s9 =	sor.u32 s5, s4  }
0x6: {  	_ =	strace $0x8000004D;
	s10 =	ssub.s32 $0x2, s6;
	s4 =	sshrl.u32 s9, $0x3  }
0x7: {  	s6 =	simm.s32 $0x20;
	s4 =	sadd.s32 s3, s4;
	s3 =	simm.s32 $0x2  }
0x8: {  	[tilespmem:s2], [sflag:$0x2] =	stream.linear.gather [hbm4b:s4+s2], $0x20, $0x38;
	[tilespmem:$0x220] =	vst v63  }
0x9: {  	s5 =	sadd.s32 $0x2400, s8;
	s11 =	sshrl.u32 s10, $0x1;
	_ =	swait.ge [sflag:s3], $0x20  }
0xa: {  	s9 =	sshll.u32 s9, $0x1;
	s31 =	ssub.s32 s10, s11;
	[sflag:s3] =	ssyncset.done $0x0  }
0xb: {  	s8 =	sadd.s32 s9, s8;
	s9 =	smax.u32 s31, $0x1;
	[sflag:s3] =	ssyncadd.s32 $0xFFFFFFE0  }
0xc: {  	[tilespmem:s6], [sflag:$0x1] =	stream.indirect.gather [hbm4b:s5+s6], $0x10, s2, s6, $0xb8;
	[tilespmem:$0x220] =	vst v63  }
0xd: {  	p0 =	sne.s32 s9, $0x1;
	_ =	swait.ge [sflag:s7], $0x200  }
.Ltmp0:
0xe: {  	[sflag:s7] =	ssyncset.done $0x0;
	(pc) =	sbr.rel @!p0 .LBB2_2-.Ltmp0, $4  }
0xf: {  	s8 =	sadd.s32 $0x7400, s8;
	[sflag:s7] =	ssyncadd.s32 $0xFFFFFE00  }
0x10: {  	[hbm4b:s8+s2] =	stream.linear.scatter [tilespmem:s6], [sflag:$0x2], $0x200, $0x38;
	[tilespmem:$0x220] =	vst v63  }
0x11: {  	_ =	swait.ge [sflag:s3], $0x200  }
0x12: {  	s9 =	sadd.s32 $0xFFFFFFFF, s9;
	[sflag:s3] =	ssyncset.done $0x0  }
.LBB2_1:
0x13: {  	p0 =	sne.s32 s9, $0x1;
	s9 =	sadd.s32 $0xFFFFFFFF, s9;
	[sflag:s3] =	ssyncadd.s32 $0xFFFFFE00  }
0x14: {  	[tilespmem:s2], [sflag:$0x2] =	stream.linear.gather [hbm4b:s4+s2], $0x20, $0x38;
	[tilespmem:$0x220] =	vst v63  }
0x15: {  	_ =	swait.ge [sflag:s3], $0x20  }
0x16: {  	[sflag:s3] =	ssyncset.done $0x0  }
0x17: {  	[sflag:s3] =	ssyncadd.s32 $0xFFFFFFE0  }
0x18: {  	[tilespmem:s6], [sflag:$0x1] =	stream.indirect.gather [hbm4b:s5+s6], $0x10, s2, s6, $0xb8;
	[tilespmem:$0x220] =	vst v63  }
0x19: {  	_ =	swait.ge [sflag:s7], $0x200  }
.Ltmp1:
0x1a: {  	[sflag:s7] =	ssyncset.done $0x0;
	(pc) =	sbr.rel @p0 .LBB2_1-.Ltmp1, $4  }
0x1b: {  	[sflag:s7] =	ssyncadd.s32 $0xFFFFFE00  }
0x1c: {  	[hbm4b:s8+s2] =	stream.linear.scatter [tilespmem:s6], [sflag:$0x2], $0x200, $0x38;
	[tilespmem:$0x220] =	vst v63  }
0x1d: {  	_ =	swait.ge [sflag:s3], $0x200  }
0x1e: {  	[sflag:s3] =	ssyncset.done $0x0  }
.LBB2_2:
0x1f: {  	[sflag:s3] =	ssyncadd.s32 $0xFFFFFE00  }
0x20: {  	_ =	sfence.sel $0x180000  }
0x21: {  	[bflag:$0x0] =	sbarrier.arrive $0xFFFF  }
0x22: {  	p0 =	sne.s32 s0, $0x0;
	_ =	strace $0x9000004D  }
0x23: {  	s0 =	sadd.s32 @!p0 $0x100000, s1;
	[bflag:$0x2] =	sbarrier.arrive $0xFFFF  }
0x24: {  	[sflag:s0] =	ssyncadd.tile.s32 @!p0 $0x1;
	_ =	shalt  }
.Lfunc_end2:
_tile_overlayer_lowered:
.L_overlay_start_2:
0x25: {  	(tag) =	ssettag $0x2  }
0x26: {  	s0 =	rddreg [dreg:$0x0];
	s2 =	stileid.u32  }
0x27: {  	s1 =	rddreg [dreg:$0x1];
	p0 =	sne.s32 s2, $0x0  }
0x28: {  	s3 =	rddreg [dreg:$0x2];
	[bflag:$0x3] =	sbarrier.arrive $0xFFFF;
	s2 =	simm.s32 @!p0 $0x1C02  }
0x29: {  	[timem:s3], [sflag:s2] =	dma.local @!p0 [hbm:s0], s1  }
0x2a: {  	s0 =	simm.s32 @!p0 $0x2  }
0x2b: {  	_ =	swait.ge @!p0 [sflag:s0], s1  }
0x2c: {  	s1 =	ssub.s32 @!p0 $0x0, s1;
	[sflag:s0] =	ssyncset.done @!p0 $0x0  }
0x2d: {  	[sflag:s0] =	ssyncadd.s32 @!p0 s1  }
0x2e: {  	[bflag:$0x3] =	sbarrier.arrive $0xFFFF  }
0x2f: {  	_ =	shalt  }

// kernel: kernel.8.cloned.1.call-start
scs
__scs_entry_jumppad:
0x0: {  	(pc) =	sbr.rel $0x88, $3  }
0x1: {  	(tag) =	ssettag $0x0;
	lr =	simm.s32 $0x1  }
0x2: {  	[smem:$0x3F99] =	sst lr;
	_ =	strace $0xD0000000  }
0x3: {  	_ = 	snop  }
0x4: {  	_ = 	snop  }
0x5: {  	_ = 	snop  }
0x6: {  	_ = 	snop  }
0x7: {  	_ = 	snop  }
__scs_overlays_trampoline_lowered:
0x8: {  	[smem:$0x3FA8] =	sst s0  }
0x9: {  	[smem:$0x3FA9] =	sst s1  }
0xa: {  	[smem:$0x3FAA] =	sst s2  }
0xb: {  	[smem:$0x3FAB] =	sst s3  }
0xc: {  	[smem:$0x3FAC] =	sst s4  }
0xd: {  	[smem:$0x3FAD] =	sst s5  }
0xe: {  	[smem:$0x3FAE] =	sst s6  }
0xf: {  	[smem:$0x3FAF] =	sst s7  }
0x10: {  	[smem:$0x3FB0] =	sst s8  }
0x11: {  	[smem:$0x3FB1] =	sst s9;
	s0 =	simm.s32 @!p0 $0x0  }
0x12: {  	s1 =	sld [smem:$0x3F97];
	s0 =	simm.s32 @p0 $0x1  }
0x13: {  	[smem:$0x3FB2] =	sst s0;
	s0 =	simm.s32 @!p1 $0x0  }
0x14: {  	s2 =	sld [smem:$0x3F96];
	s0 =	simm.s32 @p1 $0x1  }
0x15: {  	[smem:$0x3FB3] =	sst s0;
	s0 =	simm.s32 @!p2 $0x0  }
0x16: {  	s3 =	sld [smem:$0x3FDB];
	s0 =	simm.s32 @p2 $0x1  }
0x17: {  	s4 =	simm.s32 $0x1BF5;
	[smem:$0x3FB5] =	sst s0  }
0x18: {  	s0 =	sld [smem:$0x3F98];
	_ =	swait.ge [sflag:s4], $0x0  }
0x19: {  	s7 =	sld [smem:$0x3F99]  }
0x1a: {  	s8 =	sadd.s32 $0xFFFFE003, lr  }
0x1b: {  	s9 =	sadd.s32 $0xFFFFFEF7, lr;
	s5 =	simm.s32 $0xFFFFFFFF;
	p2 =	slt.u32 s8, $0xFFFFF086  }
0x1c: {  	p1 =	slt.u32 s9, $0xF7A;
	s5 =	simm.s32 @!p2 $0x0  }
0x1d: {  	s5 =	simm.s32 @p1 $0x1;
	p0 =	seq.s32 s7, s2  }
0x1e: {  	s7 =	smul.u32 @!p0 $0xF7A, s2;
	p2 =	seq.s32 @!p0 s5, $0x0  }
0x1f: {  	s9 =	smul.u32 $0xF7A, s1;
	s8 =	simm.s32 @!p0 $0x1BF5;
	p2 =	por !p2, p0  }
0x20: {  	[sflag:s8] =	ssyncset.s32 @!p0 $0xFFFFF086;
	s6 =	sadd.s32 @!p0 s3, s7;
	s7 =	simm.s32 @!p0 $0x108  }
0x21: {  	s3 =	sadd.s32 s3, s9;
	s6 =	sadd.s32 @!p0 $0x88, s6;
	s7 =	simm.s32 @p2 $0x1082  }
0x22: {  	[simem:s7], [sflag:s8] =	dma.local @!p0 [hbm:s6], $0xF7A  }
0x23: {  	s9 =	sor.u32 $0xD0000000, s2;
	s6 =	simm.s32 $0x108;
	_ =	swait.ge @!p0 [sflag:s8], $0x0  }
0x24: {  	s3 =	sadd.s32 $0x88, s3;
	s6 =	simm.s32 @!p1 $0x1082;
	[sflag:s4] =	ssyncset.s32 $0xFFFFF086  }
0x25: {  	[simem:s6], [sflag:s4] =	dma.local [hbm:s3], $0xF7A  }
0x26: {  	[smem:$0x3F99] =	sst s1;
	(tag) =	ssettag s2;
	_ =	strace s9  }
0x27: {  	s1 =	sld [smem:$0x3FA9]  }
0x28: {  	s2 =	sld [smem:$0x3FAA]  }
0x29: {  	s4 =	sld [smem:$0x3FAC]  }
0x2a: {  	p0 =	seq.s32 s5, $0x0;
	s5 =	sld [smem:$0x3FAD]  }
0x2b: {  	s6 =	sld [smem:$0x3FAE]  }
0x2c: {  	s7 =	sld [smem:$0x3FAF]  }
0x2d: {  	s3 =	simm.s32 $0x108;
	s8 =	sld [smem:$0x3FB0]  }
0x2e: {  	s3 =	simm.s32 @!p0 $0x1082;
	s9 =	sld [smem:$0x3FB1]  }
0x2f: {  	lr =	sadd.s32 s0, s3;
	s0 =	sld [smem:$0x3FA8]  }
0x30: {  	s3 =	sld [smem:$0x3FAB]  }
0x31: {  	[smem:$0x3FB4] =	sst s10  }
0x32: {  	s10 =	sld [smem:$0x3FB2];
	_ =	sdelay $0x3  }
0x33: {  	p0 =	seq.s32 s10, $0x1;
	s10 =	sld [smem:$0x3FB4];
	_ =	sdelay $0x3  }
0x34: {  	[smem:$0x3FB4] =	sst s10  }
0x35: {  	s10 =	sld [smem:$0x3FB3];
	_ =	sdelay $0x3  }
0x36: {  	p1 =	seq.s32 s10, $0x1;
	s10 =	sld [smem:$0x3FB4];
	_ =	sdelay $0x3  }
0x37: {  	[smem:$0x3FB4] =	sst s10  }
0x38: {  	s10 =	sld [smem:$0x3FB5]  }
0x39: {  	_ = 	snop;
	(pc) =	sbr.ind lr, $3  }
0x3a: {  	_ = 	snop  }
0x3b: {  	_ = 	snop  }
0x3c: {  	p2 =	seq.s32 s10, $0x1;
	s10 =	sld [smem:$0x3FB4]  }
0x3d: {  	_ =	shalt  }
0x3e: {  	_ =	shalt  }
0x3f: {  	_ =	shalt  }
0x40: {  	_ =	shalt  }
0x41: {  	_ =	shalt  }
0x42: {  	_ =	shalt  }
0x43: {  	_ =	shalt  }
0x44: {  	_ =	shalt  }
0x45: {  	_ =	shalt  }
0x46: {  	_ =	shalt  }
0x47: {  	_ =	shalt  }
0x48: {  	_ =	shalt  }
0x49: {  	_ =	shalt  }
0x4a: {  	_ =	shalt  }
0x4b: {  	_ =	shalt  }
0x4c: {  	_ =	shalt  }
0x4d: {  	_ =	shalt  }
0x4e: {  	_ =	shalt  }
0x4f: {  	_ =	shalt  }
0x50: {  	_ =	shalt  }
0x51: {  	_ =	shalt  }
0x52: {  	_ =	shalt  }
0x53: {  	_ =	shalt  }
0x54: {  	_ =	shalt  }
0x55: {  	_ =	shalt  }
0x56: {  	_ =	shalt  }
0x57: {  	_ =	shalt  }
0x58: {  	_ =	shalt  }
0x59: {  	_ =	shalt  }
0x5a: {  	_ =	shalt  }
0x5b: {  	_ =	shalt  }
0x5c: {  	_ =	shalt  }
0x5d: {  	_ =	shalt  }
0x5e: {  	_ =	shalt  }
0x5f: {  	_ =	shalt  }
0x60: {  	_ =	shalt  }
0x61: {  	_ =	shalt  }
0x62: {  	_ =	shalt  }
0x63: {  	_ =	shalt  }
0x64: {  	_ =	shalt  }
0x65: {  	_ =	shalt  }
0x66: {  	_ =	shalt  }
0x67: {  	_ =	shalt  }
0x68: {  	_ =	shalt  }
0x69: {  	_ =	shalt  }
0x6a: {  	_ =	shalt  }
0x6b: {  	_ =	shalt  }
0x6c: {  	_ =	shalt  }
0x6d: {  	_ =	shalt  }
0x6e: {  	_ =	shalt  }
0x6f: {  	_ =	shalt  }
0x70: {  	_ =	shalt  }
0x71: {  	_ =	shalt  }
0x72: {  	_ =	shalt  }
0x73: {  	_ =	shalt  }
0x74: {  	_ =	shalt  }
0x75: {  	_ =	shalt  }
0x76: {  	_ =	shalt  }
0x77: {  	_ =	shalt  }
0x78: {  	_ =	shalt  }
0x79: {  	_ =	shalt  }
0x7a: {  	_ =	shalt  }
0x7b: {  	_ =	shalt  }
0x7c: {  	_ =	shalt  }
0x7d: {  	_ =	shalt  }
0x7e: {  	_ =	shalt  }
0x7f: {  	_ =	shalt  }
0x80: {  	_ =	shalt  }
0x81: {  	_ =	shalt  }
0x82: {  	_ =	shalt  }
0x83: {  	_ =	shalt  }
0x84: {  	_ =	shalt  }
0x85: {  	_ =	shalt  }
0x86: {  	_ =	shalt  }
0x87: {  	_ =	shalt  }
.Lfunc_end0:
.L_simem_size_0:
called_computation_lowered:
.L_overlay_start_0:
0x88: {  	s2 =	sld [smem:$0x3FD9]  }
0x89: {  	s3 =	sld [smem:$0x3FFE];
	_ =	sdelay $0x1  }
0x8a: {  	s1 =	srdreg.scid  }
0x8b: {  	s0 =	sand.u32 $0x1, s1  }
0x8c: {  	s16 =	sshll.u32 s0, $0xA;
	s2 =	sadd.s32 s3, s2  }
0x8d: {  	s2 =	sadd.s32 s2, s16  }
0x8e: {  	[smem:$0x3FC0] =	sst s2  }
0x8f: {  	_ = 	snop  }
0x90: {  	(tm) =	ssettm $0x1  }
0x91: {  	s17 =	sld [smem:$0x3FFB];
	_ =	sdelay $0x3  }
0x92: {  	_ =	strace s17  }
0x93: {  	s2 =	sld [smem:$0x3FFC];
	_ =	sdelay $0x3  }
0x94: {  	_ =	strace s2  }
0x95: {  	s2 =	sld [smem:$0x3FFD];
	_ =	sdelay $0x3  }
0x96: {  	_ =	strace s2  }
0x97: {  	_ =	strace $0x8FFFFFFF  }
0x98: {  	s18 =	sld [smem:$0x3FDB];
	_ =	sdelay $0x1  }
0x99: {  	s19 =	simm.s32 $_scs_section_size  }
0x9a: {  	s4 =	simm.s32 $_size__tile_overlayer_lowered;
	s5 =	simm.s32 $_tile_overlayer_lowered  }
0x9b: {  	s22 =	simm.s32 $0x1BFF;
	s21 =	sshll.u32 s5, $0x1;
	s2 =	sadd.s32 s19, s18  }
0x9c: {  	s6 =	simm.s32 $0x0;
	s20 =	sshll.u32 s4, $0x1;
	s4 =	sadd.s32 s21, s2  }
0x9d: {  	[timem:s6], [sflag:s22] =	dma.local [hbm:s4], s20  }
0x9e: {  	_ =	swait.ge [sflag:s22], s20  }
0x9f: {  	s3 =	ssub.s32 $0x0, s20;
	[sflag:s22] =	ssyncset.done $0x0  }
0xa0: {  	[sflag:s22] =	ssyncadd.s32 s3;
	_ =	sdelay $0x1  }
0xa1: {  	s23 =	simm.s32 $0x1B8B  }
0xa2: {  	_ =	swait.ge [sflag:s23], $0x1  }
0xa3: {  	[sflag:s23] =	ssyncset.done $0x0  }
0xa4: {  	s25 =	simm.s32 $0x1B8E;
	s24 =	sld [smem:$0x3FFE];
	[sflag:s23] =	ssyncadd.s32 $0xFFFFFFFF  }
0xa5: {  	s26 =	simm.s32 $execute0_lowered;
	[smem:$0x3FD2] =	sst s25  }
0xa6: {  	s4 =	sshll.u32 s26, $0x1;
	_ =	strace $0x80000046;
	[dreg:$0x1] =	wrdreg $0xFFFFFFFF  }
0xa7: {  	s28 =	simm.s32 $_size_execute0_lowered;
	s2 =	sadd.s32 s2, s4;
	[dreg:$0x0] =	wrdreg $0x0  }
0xa8: {  	s4 =	sshll.u32 s28, $0x1;
	[dreg:$0x2] =	wrdreg s2  }
0xa9: {  	[dreg:$0x3] =	wrdreg s4  }
0xaa: {  	[dreg:$0x4] =	wrdreg $0xC0  }
0xab: {  	_ =	task [dreg:s6], $0x5FFFF  }
0xac: {  	[dreg:$0x1] =	wrdreg $0xFFFFFFFF  }
0xad: {  	[dreg:$0x0] =	wrdreg $0x60  }
0xae: {  	[dreg:$0x2] =	wrdreg s24  }
0xaf: {  	[dreg:$0x3] =	wrdreg $0x68000  }
0xb0: {  	[dreg:$0x4] =	wrdreg $0x9  }
0xb1: {  	_ =	task.clear_ibuf [dreg:s6], $0x5FFFF;
	_ =	strace $0x90000046  }
0xb2: {  	s29 =	simm.s32 $0x9;
	_ =	strace $0x80000048  }
0xb3: {  	_ =	swait.ge [sflag:s29], $0x1  }
0xb4: {  	[sflag:s29] =	ssyncadd.s32 $0xFFFFFFFF  }
0xb5: {  	_ =	strace $0x90000048  }
0xb6: {  	_ =	sfence  }
0xb7: {  	s30 =	sld [smem:$0x0];
	_ =	sdelay $0x2  }
0xb8: {  	s31 =	sshll.u32 s1, $0xD;
	s1 =	sshrl.u32 s1, $0x2  }
0xb9: {  	s3 =	sand.u32 $0x4000, s31;
	s1 =	sadd.s32 s1, s30  }
0xba: {  	s0 =	sor.u32 s3, s0;
	s1 =	sshll.u32 s1, $0x11  }
0xbb: {  	s0 =	sor.u32 s1, s0  }
0xbc: {  	s0 =	sadd.s32 $0x8F2B, s0  }
0xbd: {  	[sflag:s0] =	ssyncadd.remote.s32 $0x1  }
0xbe: {  	_ =	sfence.sel $0xFFFF  }
0xbf: {  	[dreg:$0x0] =	wrdreg $0xFFFFFFFF;
	(pc) =	sbr.abs _section_cstart, $3  }
0xc0: {  	[dreg:$0x1] =	wrdreg $0xFFFFFFFF  }
0xc1: {  	_ =	task.clear_ibuf [dreg:s6], $0x2FFFF;
	_ =	strace $0x9FFFFFFF  }
0xc2: {  	(tm) =	ssettm $0x7FFFFFFF  }
0xc3: {  	_ =	shalt  }
tec
execute0_lowered:
.L_overlay_start_1:
0x0: {  	(tag) =	ssettag $0x1  }
0x1: {  	s13 =	rddreg [dreg:$0x0]  }
0x2: {  	s2 =	rddreg [dreg:$0x1];
	s3 =	simm.s32 $0x0;
	s0 =	stileid.u32  }
0x3: {  	s6 =	srdreg.scid;
	s21 =	simm.s32 $0x1;
	s22 =	simm.s32 $0x2  }
0x4: {  	s23 =	simm.s32 $0x3;
	[smem:$0x7FF] =	sst s3;
	s5 =	smul.u32 $0x2800, s0  }
0x5: {  	s16 =	sadd.s32 $0x16400, s13;
	s4 =	sadd.s32 $0x2400, s13;
	s7 =	smul.u32 $0x28000, s0  }
0x6: {  	s17 =	sadd.s32 $0x66400, s13;
	s14 =	sand.u32 $0x1, s6;
	s15 =	smul.u32 $0xA000, s0  }
0x7: {  	s18 =	sadd.s32 $0x52400, s13;
	s10 =	smul.u32 $0xA0, s0;
	_ =	strace $0x80000047  }
0x8: {  	s29 =	ssub.s32 $0x2, s14;
	p0 =	seq.s32 s14, $0x0;
	s14 =	sshll.u32 s14, $0x7  }
0x9: {  	s12 =	sadd.s32 s5, s13;
	s30 =	sshrl.u32 s7, $0x2;
	s31 =	sshrl.u32 s29, $0x1  }
0xa: {  	v0 =	vimm.f32 $0.0e+00;
	v1 =	vimm.s32 $0x0;
	s5 =	sadd.s32 s15, s2;
	s13 =	sadd.s32 $0x2A480, s13;
	s20 =	sshrl.u32 s15, $0x3  }
0xb: {  	v2 =	vimm.s32 $0x1;
	v3 =	vimm.s32 $0x2;
	v4 =	vimm.s32 $0x3;
	s18 =	smov.u32 @p0 s17;
	s4 =	smov.u32 @p0 s16;
	s17 =	simm.s32 $0x800  }
0xc: {  	v5 =	vimm.s32 $0x4;
	v6 =	vimm.s32 $0x5;
	v7 =	vimm.s32 $0x6;
	s9 =	sadd.s32 s30, s2;
	s19 =	ssub.s32 s29, s31;
	s11 =	sadd.s32 $0x2A400, s12  }
0xd: {  	v8 =	vimm.s32 $0x7;
	v9 =	vimm.s32 $0x8;
	v10 =	vimm.s32 $0x9;
	s12 =	sadd.s32 $0x2A440, s12;
	s16 =	sadd.s32 s18, s20;
	s18 =	simm.s32 $0x4  }
0xe: {  	v11 =	vimm.s32 $0xA;
	v12 =	vimm.s32 $0xB;
	v13 =	vimm.s32 $0xC;
	s6 =	sadd.s32 $0x2000, s9;
	s7 =	sadd.s32 $0x4000, s9;
	s8 =	sadd.s32 $0x6000, s9  }
0xf: {  	v14 =	vimm.s32 $0xD;
	v15 =	vimm.s32 $0xE;
	v16 =	vimm.s32 $0xF;
	s9 =	sadd.s32 $0x8000, s9;
	s15 =	smax.u32 s19, $0x1;
	s19 =	simm.s32 $0x80  }
.LBB2_1:
0x10: {  	s25 =	simm.s32 $0x100;
	s24 =	simm.s32 $0x0  }
.LBB2_2:
0x11: {  	p0 =	sne.s32 s25, $0x7F00;
	[tilespmem:s24+$0x830] =	vst v0;
	s26 =	smov.u32 s25;
	s25 =	sadd.s32 $0x100, s25  }
.Ltmp0:
0x12: {  	[tilespmem:s24+$0x820] =	vst v0;
	(pc) =	sbr.rel @p0 .LBB2_2-.Ltmp0, $3  }
0x13: {  	[tilespmem:s24+$0x800] =	vst v0  }
0x14: {  	[tilespmem:s24+$0x810] =	vst v0;
	_ =	sdelay $0x1  }
0x15: {  	s24 =	sshra.s32 s26, $0x2  }
0x16: {  	[tilespmem:s24+$0x830] =	vst v0  }
0x17: {  	[tilespmem:s24+$0x820] =	vst v0  }
0x18: {  	[tilespmem:s24+$0x800] =	vst v0  }
0x19: {  	[tilespmem:s24+$0x810] =	vst v0  }
0x1a: {  	[spmem:s5] =	stream.linear.scatter [tilespmem:s17], [sflag:$0x4], $0x2000, $0x38;
	[tilespmem:$0x10800] =	vst v63  }
0x1b: {  	_ =	swait.ge [sflag:s18], $0x2000  }
0x1c: {  	[sflag:s18] =	ssyncset.done $0x0  }
0x1d: {  	[sflag:s18] =	ssyncadd.s32 $0xFFFFE000  }
0x1e: {  	[spmem:s6] =	stream.linear.scatter [tilespmem:s17], [sflag:$0x4], $0x2000, $0x38;
	[tilespmem:$0x10800] =	vst v63  }
0x1f: {  	_ =	swait.ge [sflag:s18], $0x2000  }
0x20: {  	[sflag:s18] =	ssyncset.done $0x0  }
0x21: {  	[sflag:s18] =	ssyncadd.s32 $0xFFFFE000  }
0x22: {  	[spmem:s7] =	stream.linear.scatter [tilespmem:s17], [sflag:$0x4], $0x2000, $0x38;
	[tilespmem:$0x10800] =	vst v63  }
0x23: {  	_ =	swait.ge [sflag:s18], $0x2000  }
0x24: {  	[sflag:s18] =	ssyncset.done $0x0  }
0x25: {  	[sflag:s18] =	ssyncadd.s32 $0xFFFFE000  }
0x26: {  	[spmem:s8] =	stream.linear.scatter [tilespmem:s17], [sflag:$0x4], $0x2000, $0x38;
	[tilespmem:$0x10800] =	vst v63  }
0x27: {  	_ =	swait.ge [sflag:s18], $0x2000  }
0x28: {  	[sflag:s18] =	ssyncset.done $0x0  }
0x29: {  	[sflag:s18] =	ssyncadd.s32 $0xFFFFE000  }
0x2a: {  	[spmem:s9] =	stream.linear.scatter [tilespmem:s17], [sflag:$0x4], $0x2000, $0x38;
	[tilespmem:$0x10800] =	vst v63  }
0x2b: {  	_ =	swait.ge [sflag:s18], $0x2000  }
0x2c: {  	[sflag:s18] =	ssyncset.done $0x0  }
0x2d: {  	[sflag:s18] =	ssyncadd.s32 $0xFFFFE000  }
0x2e: {  	s25 =	simm.s32 $0x0;
	[bflag:$0x0] =	sbarrier.arrive $0xFFFF  }
0x2f: {  	[tilespmem:s25], [sflag:$0x4] =	stream.linear.gather [hbm4b:s11+s25], $0x200, $0x38;
	[tilespmem:$0x10800] =	vst v63  }
0x30: {  	_ =	swait.ge [sflag:s18], $0x200  }
0x31: {  	[sflag:s18] =	ssyncset.done $0x0  }
0x32: {  	[sflag:s18] =	ssyncadd.s32 $0xFFFFFE00  }
0x33: {  	[tilespmem:s17], [sflag:$0x1] =	stream.indirect.gather [hbm4b:s4+s19], $0x40, s25, s19, $0xb8;
	[tilespmem:$0x10800] =	vst v63  }
0x34: {  	s0 =	simm.s32 $0x200  }
0x35: {  	[tilespmem:s0], [sflag:$0x3] =	stream.linear.gather [hbm4b:s12+s25], $0x200, $0x38;
	[tilespmem:$0x10800] =	vst v63  }
.LBB2_4:
0x36: {  	p0 =	slt.u32 s25, $0x2  }
0x37: {  	p1 =	seq.s32 @!p0 s25, $0x9F  }
0x38: {  	_ =	swait.ge [sflag:s21], $0x2000;
	p1 =	por p0, !p1  }
.Ltmp1:
0x39: {  	[sflag:s21] =	ssyncset.done $0x0;
	(pc) =	sbr.rel @!p1 .LBB2_6-.Ltmp1, $4  }
0x3a: {  	s26 =	simm.s32 @!p0 $0x2;
	[sflag:s21] =	ssyncadd.s32 $0xFFFFE000  }
0x3b: {  	_ =	swait.ge @!p0 [sflag:s26], $0x2000  }
0x3c: {  	[sflag:s26] =	ssyncset.done @!p0 $0x0  }
0x3d: {  	s24 =	sadd.s32 $0x1, s25;
	[sflag:s26] =	ssyncadd.s32 @!p0 $0xFFFFE000  }
0x3e: {  	s26 =	sand.u32 $0xFF, s24  }
0x3f: {  	s26 =	smul.u32 $0xAB, s26;
	_ =	sdelay $0x1  }
0x40: {  	s26 =	sshrl.u32 s26, $0x9  }
0x41: {  	s26 =	smul.u32 $0x3, s26;
	_ =	sdelay $0x1  }
0x42: {  	s26 =	ssub.s32 s24, s26  }
0x43: {  	_ =	swait.ge [sflag:s23], $0x200;
	s28 =	sshll.u32 s24, $0x9;
	s26 =	sand.u32 $0xFF, s26  }
0x44: {  	p0 =	sgt.u32 s25, $0x9D;
	[sflag:s23] =	ssyncset.done $0x0;
	s26 =	sshll.u32 s26, $0xD  }
0x45: {  	s28 =	sand.u32 $0x600, s28;
	[sflag:s23] =	ssyncadd.s32 $0xFFFFFE00;
	s26 =	sor.u32 $0x800, s26  }
0x46: {  	[tilespmem:s26], [sflag:$0x1] =	stream.indirect.gather [hbm4b:s4+s19], $0x40, s28, s19, $0xb8;
	[tilespmem:$0x10800] =	vst v63  }
0x47: {  	s26 =	sshll.u32 @!p0 s25, $0xB  }
0x48: {  	s28 =	sadd.s32 @!p0 s10, s25;
	s26 =	sand.u32 @!p0 $0x1800, s26  }
0x49: {  	s28 =	sshll.u32 @!p0 s28, $0x6;
	s26 =	sxor.u32 @!p0 $0x1000, s26  }
0x4a: {  	s29 =	simm.s32 @!p0 $0x0;
	s28 =	sadd.s32 @!p0 s28, s13;
	s26 =	sshrl.u32 @!p0 s26, $0x2  }
0x4b: {  	[tilespmem:s26], [sflag:$0x3] =	stream.linear.gather @!p0 [hbm4b:s28+s29], $0x200, $0x38;
	[tilespmem:$0x10800] =	vst v63  }
.LBB2_6:
0x4c: {  	s26 =	smul.u32 $0xAB, s25;
	_ =	sdelay $0x1  }
0x4d: {  	s26 =	sshrl.u32 s26, $0x9  }
0x4e: {  	s26 =	sand.u32 $0x7F, s26  }
0x4f: {  	s28 =	sshll.u32 s25, $0xB;
	s26 =	smul.u32 $0x3, s26  }
0x50: {  	s30 =	sand.u32 $0x1800, s28  }
0x51: {  	s26 =	ssub.s32 s25, s26;
	s25 =	sshrl.u32 s30, $0x2  }
0x52: {  	s31 =	sand.u32 $0xFF, s26;
	s26 =	sor.u32 s25, s14  }
0x53: {  	s30 =	sor.u32 $0x100, s26  }
0x54: {  	s28 =	sshll.u32 s31, $0xD;
	v17 =	vmov s30  }
0x55: {  	s26 =	sor.u32 $0x800, s28  }
0x56: {  	s29 =	simm.s32 $0x0;
	p0 =	por $0x1, $0x1;
	v18 =	vmov s26  }
.LBB2_7:
0x57: {  	s28 =	sshll.u32 s29, $0x4  }
0x58: {  	s28 =	sand.u32 $0x3FFFFFF0, s28  }
0x59: {  	s30 =	sshll.u32 s29, $0xA;
	v19 =	vld.idx.msk [tilespmem:v17+s28+$0x0 ss:$0x1], $0xffff  }
0x5a: {  	s28 =	sand.u32 $0x3FFFFC00, s30  }
0x5b: {  	v20 =	vld.idx.msk [tilespmem:v18+s28+$0x0 ss:$0x1], $0xffff;
	_ =	sdelay $0x2  }
0x5c: {  	v21 =	vperm.xlane v19, v1;
	_ =	sdelay $0x1  }
0x5d: {  	v20 =	vmul.f32 v20, v21;
	_ =	sdelay $0x1  }
0x5e: {  	[tilespmem:v18+s28+$0x0 ss:$0x1] =	vst.idx.msk $0xffff, v20  }
0x5f: {  	v20 =	vld.idx.msk [tilespmem:v18+s28+$0x10 ss:$0x1], $0xffff;
	_ =	sdelay $0x4  }
0x60: {  	v20 =	vmul.f32 v20, v21;
	_ =	sdelay $0x1  }
0x61: {  	[tilespmem:v18+s28+$0x10 ss:$0x1] =	vst.idx.msk $0xffff, v20  }
0x62: {  	v20 =	vld.idx.msk [tilespmem:v18+s28+$0x20 ss:$0x1], $0xffff;
	_ =	sdelay $0x4  }
0x63: {  	v20 =	vmul.f32 v20, v21;
	_ =	sdelay $0x1  }
0x64: {  	[tilespmem:v18+s28+$0x20 ss:$0x1] =	vst.idx.msk $0xffff, v20  }
0x65: {  	v20 =	vld.idx.msk [tilespmem:v18+s28+$0x30 ss:$0x1], $0xffff;
	_ =	sdelay $0x4  }
0x66: {  	v20 =	vmul.f32 v20, v21;
	_ =	sdelay $0x1  }
0x67: {  	[tilespmem:v18+s28+$0x30 ss:$0x1] =	vst.idx.msk $0xffff, v20  }
0x68: {  	v20 =	vld.idx.msk [tilespmem:v18+s28+$0x40 ss:$0x1], $0xffff;
	_ =	sdelay $0x2  }
0x69: {  	v56 =	vperm.xlane v19, v2;
	_ =	sdelay $0x1  }
0x6a: {  	v20 =	vmul.f32 v20, v56;
	_ =	sdelay $0x1  }
0x6b: {  	[tilespmem:v18+s28+$0x40 ss:$0x1] =	vst.idx.msk $0xffff, v20  }
0x6c: {  	v20 =	vld.idx.msk [tilespmem:v18+s28+$0x50 ss:$0x1], $0xffff;
	_ =	sdelay $0x4  }
0x6d: {  	v20 =	vmul.f32 v20, v56;
	_ =	sdelay $0x1  }
0x6e: {  	[tilespmem:v18+s28+$0x50 ss:$0x1] =	vst.idx.msk $0xffff, v20  }
0x6f: {  	v20 =	vld.idx.msk [tilespmem:v18+s28+$0x60 ss:$0x1], $0xffff;
	_ =	sdelay $0x4  }
0x70: {  	v20 =	vmul.f32 v20, v56;
	_ =	sdelay $0x1  }
0x71: {  	[tilespmem:v18+s28+$0x60 ss:$0x1] =	vst.idx.msk $0xffff, v20  }
0x72: {  	v20 =	vld.idx.msk [tilespmem:v18+s28+$0x70 ss:$0x1], $0xffff;
	_ =	sdelay $0x4  }
0x73: {  	s30 =	sor.u32 $0x1, s29;
	v20 =	vmul.f32 v20, v56  }
0x74: {  	s0 =	sor.u32 $0x2, s29;
	s31 =	sshll.u32 s30, $0x4  }
0x75: {  	s1 =	sor.u32 $0x3, s29;
	s20 =	sshll.u32 s0, $0x4;
	s31 =	sand.u32 $0x3FFFFFF0, s31;
	[tilespmem:v18+s28+$0x70 ss:$0x1] =	vst.idx.msk $0xffff, v20  }
0x76: {  	s20 =	sand.u32 $0x3FFFFFF0, s20;
	s29 =	sshll.u32 s1, $0x4;
	v20 =	vld.idx.msk [tilespmem:v17+s31+$0x0 ss:$0x1], $0xffff  }
0x77: {  	s29 =	sand.u32 $0x3FFFFFF0, s29;
	v21 =	vld.idx.msk [tilespmem:v17+s20+$0x0 ss:$0x1], $0xffff;
	s31 =	sshll.u32 s30, $0xA  }
0x78: {  	s0 =	sshll.u32 s0, $0xA;
	v22 =	vld.idx.msk [tilespmem:v17+s29+$0x0 ss:$0x1], $0xffff;
	s29 =	sand.u32 $0x3FFFFC00, s31  }
0x79: {  	s1 =	sshll.u32 s1, $0xA;
	s30 =	sand.u32 $0x3FFFFC00, s0;
	v23 =	vld.idx.msk [tilespmem:v18+s29+$0x0 ss:$0x1], $0xffff  }
0x7a: {  	s20 =	sand.u32 $0x3FFFFC00, s1;
	v24 =	vld.idx.msk [tilespmem:v18+s30+$0x0 ss:$0x1], $0xffff  }
0x7b: {  	v25 =	vld.idx.msk [tilespmem:v18+s20+$0x0 ss:$0x1], $0xffff  }
0x7c: {  	v26 =	vperm.xlane v20, v1  }
0x7d: {  	v27 =	vperm.xlane v21, v1  }
0x7e: {  	v28 =	vperm.xlane v22, v1;
	v23 =	vmul.f32 v23, v26  }
0x7f: {  	v24 =	vmul.f32 v24, v27  }
0x80: {  	v57 =	vmul.f32 v25, v28;
	[tilespmem:v18+s29+$0x0 ss:$0x1] =	vst.idx.msk $0xffff, v23  }
0x81: {  	[tilespmem:v18+s30+$0x0 ss:$0x1] =	vst.idx.msk $0xffff, v24;
	v58 =	vld.idx.msk [tilespmem:v18+s29+$0x10 ss:$0x1], $0xffff  }
0x82: {  	[tilespmem:v18+s20+$0x0 ss:$0x1] =	vst.idx.msk $0xffff, v57;
	v24 =	vld.idx.msk [tilespmem:v18+s30+$0x10 ss:$0x1], $0xffff  }
0x83: {  	v23 =	vld.idx.msk [tilespmem:v18+s20+$0x10 ss:$0x1], $0xffff;
	_ =	sdelay $0x2  }
0x84: {  	v25 =	vmul.f32 v58, v26  }
0x85: {  	v24 =	vmul.f32 v24, v27  }
0x86: {  	v23 =	vmul.f32 v23, v28;
	[tilespmem:v18+s29+$0x10 ss:$0x1] =	vst.idx.msk $0xffff, v25  }
0x87: {  	[tilespmem:v18+s30+$0x10 ss:$0x1] =	vst.idx.msk $0xffff, v24;
	v25 =	vld.idx.msk [tilespmem:v18+s29+$0x20 ss:$0x1], $0xffff  }
0x88: {  	[tilespmem:v18+s20+$0x10 ss:$0x1] =	vst.idx.msk $0xffff, v23;
	v24 =	vld.idx.msk [tilespmem:v18+s30+$0x20 ss:$0x1], $0xffff  }
0x89: {  	v23 =	vld.idx.msk [tilespmem:v18+s20+$0x20 ss:$0x1], $0xffff;
	_ =	sdelay $0x2  }
0x8a: {  	v25 =	vmul.f32 v25, v26  }
0x8b: {  	v24 =	vmul.f32 v24, v27  }
0x8c: {  	v23 =	vmul.f32 v23, v28;
	[tilespmem:v18+s29+$0x20 ss:$0x1] =	vst.idx.msk $0xffff, v25  }
0x8d: {  	[tilespmem:v18+s30+$0x20 ss:$0x1] =	vst.idx.msk $0xffff, v24;
	v25 =	vld.idx.msk [tilespmem:v18+s29+$0x30 ss:$0x1], $0xffff  }
0x8e: {  	[tilespmem:v18+s20+$0x20 ss:$0x1] =	vst.idx.msk $0xffff, v23;
	v24 =	vld.idx.msk [tilespmem:v18+s30+$0x30 ss:$0x1], $0xffff  }
0x8f: {  	v23 =	vld.idx.msk [tilespmem:v18+s20+$0x30 ss:$0x1], $0xffff;
	_ =	sdelay $0x2  }
0x90: {  	v25 =	vmul.f32 v25, v26  }
0x91: {  	v24 =	vmul.f32 v24, v27  }
0x92: {  	v23 =	vmul.f32 v23, v28;
	[tilespmem:v18+s29+$0x30 ss:$0x1] =	vst.idx.msk $0xffff, v25  }
0x93: {  	[tilespmem:v18+s30+$0x30 ss:$0x1] =	vst.idx.msk $0xffff, v24;
	v25 =	vld.idx.msk [tilespmem:v18+s29+$0x40 ss:$0x1], $0xffff  }
0x94: {  	[tilespmem:v18+s20+$0x30 ss:$0x1] =	vst.idx.msk $0xffff, v23;
	v24 =	vld.idx.msk [tilespmem:v18+s30+$0x40 ss:$0x1], $0xffff  }
0x95: {  	v23 =	vld.idx.msk [tilespmem:v18+s20+$0x40 ss:$0x1], $0xffff  }
0x96: {  	v59 =	vperm.xlane v20, v2  }
0x97: {  	v60 =	vperm.xlane v21, v2  }
0x98: {  	v61 =	vperm.xlane v22, v2;
	v25 =	vmul.f32 v25, v59  }
0x99: {  	v24 =	vmul.f32 v24, v60  }
0x9a: {  	v23 =	vmul.f32 v23, v61;
	[tilespmem:v18+s29+$0x40 ss:$0x1] =	vst.idx.msk $0xffff, v25  }
0x9b: {  	[tilespmem:v18+s30+$0x40 ss:$0x1] =	vst.idx.msk $0xffff, v24;
	v25 =	vld.idx.msk [tilespmem:v18+s29+$0x50 ss:$0x1], $0xffff  }
0x9c: {  	[tilespmem:v18+s20+$0x40 ss:$0x1] =	vst.idx.msk $0xffff, v23;
	v24 =	vld.idx.msk [tilespmem:v18+s30+$0x50 ss:$0x1], $0xffff  }
0x9d: {  	v23 =	vld.idx.msk [tilespmem:v18+s20+$0x50 ss:$0x1], $0xffff;
	_ =	sdelay $0x2  }
0x9e: {  	v25 =	vmul.f32 v25, v59  }
0x9f: {  	v24 =	vmul.f32 v24, v60  }
0xa0: {  	v23 =	vmul.f32 v23, v61;
	[tilespmem:v18+s29+$0x50 ss:$0x1] =	vst.idx.msk $0xffff, v25  }
0xa1: {  	[tilespmem:v18+s30+$0x50 ss:$0x1] =	vst.idx.msk $0xffff, v24;
	v25 =	vld.idx.msk [tilespmem:v18+s29+$0x60 ss:$0x1], $0xffff  }
0xa2: {  	[tilespmem:v18+s20+$0x50 ss:$0x1] =	vst.idx.msk $0xffff, v23;
	v24 =	vld.idx.msk [tilespmem:v18+s30+$0x60 ss:$0x1], $0xffff  }
0xa3: {  	v23 =	vld.idx.msk [tilespmem:v18+s20+$0x60 ss:$0x1], $0xffff;
	_ =	sdelay $0x2  }
0xa4: {  	v25 =	vmul.f32 v25, v59  }
0xa5: {  	v24 =	vmul.f32 v24, v60  }
0xa6: {  	v23 =	vmul.f32 v23, v61;
	[tilespmem:v18+s29+$0x60 ss:$0x1] =	vst.idx.msk $0xffff, v25  }
0xa7: {  	[tilespmem:v18+s30+$0x60 ss:$0x1] =	vst.idx.msk $0xffff, v24;
	v25 =	vld.idx.msk [tilespmem:v18+s29+$0x70 ss:$0x1], $0xffff  }
0xa8: {  	[tilespmem:v18+s20+$0x60 ss:$0x1] =	vst.idx.msk $0xffff, v23;
	v24 =	vld.idx.msk [tilespmem:v18+s30+$0x70 ss:$0x1], $0xffff  }
0xa9: {  	v23 =	vld.idx.msk [tilespmem:v18+s20+$0x70 ss:$0x1], $0xffff;
	_ =	sdelay $0x2  }
0xaa: {  	v25 =	vmul.f32 v25, v59  }
0xab: {  	v24 =	vmul.f32 v24, v60  }
0xac: {  	v62 =	vld.idx.msk [tilespmem:v18+s28+$0x80 ss:$0x1], $0xffff;
	v23 =	vmul.f32 v23, v61;
	[tilespmem:v18+s29+$0x70 ss:$0x1] =	vst.idx.msk $0xffff, v25  }
0xad: {  	[tilespmem:v18+s30+$0x70 ss:$0x1] =	vst.idx.msk $0xffff, v24;
	v25 =	vld.idx.msk [tilespmem:v18+s29+$0x80 ss:$0x1], $0xffff  }
0xae: {  	[tilespmem:v18+s20+$0x70 ss:$0x1] =	vst.idx.msk $0xffff, v23;
	v24 =	vld.idx.msk [tilespmem:v18+s30+$0x80 ss:$0x1], $0xffff  }
0xaf: {  	v63 =	vperm.xlane v19, v3;
	v33 =	vld.idx.msk [tilespmem:v18+s20+$0x80 ss:$0x1], $0xffff  }
0xb0: {  	v34 =	vperm.xlane v20, v3  }
0xb1: {  	v29 =	vperm.xlane v21, v3;
	v26 =	vmul.f32 v62, v63  }
0xb2: {  	v30 =	vperm.xlane v22, v3;
	v25 =	vmul.f32 v25, v34  }
0xb3: {  	[tilespmem:v18+s28+$0x80 ss:$0x1] =	vst.idx.msk $0xffff, v26;
	v24 =	vmul.f32 v24, v29  }
0xb4: {  	v26 =	vld.idx.msk [tilespmem:v18+s28+$0x90 ss:$0x1], $0xffff;
	v35 =	vmul.f32 v33, v30;
	[tilespmem:v18+s29+$0x80 ss:$0x1] =	vst.idx.msk $0xffff, v25  }
0xb5: {  	[tilespmem:v18+s30+$0x80 ss:$0x1] =	vst.idx.msk $0xffff, v24;
	v36 =	vld.idx.msk [tilespmem:v18+s29+$0x90 ss:$0x1], $0xffff  }
0xb6: {  	[tilespmem:v18+s20+$0x80 ss:$0x1] =	vst.idx.msk $0xffff, v35;
	v24 =	vld.idx.msk [tilespmem:v18+s30+$0x90 ss:$0x1], $0xffff  }
0xb7: {  	v25 =	vld.idx.msk [tilespmem:v18+s20+$0x90 ss:$0x1], $0xffff;
	_ =	sdelay $0x1  }
0xb8: {  	v26 =	vmul.f32 v26, v63  }
0xb9: {  	v27 =	vmul.f32 v36, v34  }
0xba: {  	[tilespmem:v18+s28+$0x90 ss:$0x1] =	vst.idx.msk $0xffff, v26;
	v24 =	vmul.f32 v24, v29  }
0xbb: {  	v26 =	vld.idx.msk [tilespmem:v18+s28+$0xA0 ss:$0x1], $0xffff;
	v25 =	vmul.f32 v25, v30;
	[tilespmem:v18+s29+$0x90 ss:$0x1] =	vst.idx.msk $0xffff, v27  }
0xbc: {  	[tilespmem:v18+s30+$0x90 ss:$0x1] =	vst.idx.msk $0xffff, v24;
	v27 =	vld.idx.msk [tilespmem:v18+s29+$0xA0 ss:$0x1], $0xffff  }
0xbd: {  	[tilespmem:v18+s20+$0x90 ss:$0x1] =	vst.idx.msk $0xffff, v25;
	v24 =	vld.idx.msk [tilespmem:v18+s30+$0xA0 ss:$0x1], $0xffff  }
0xbe: {  	v25 =	vld.idx.msk [tilespmem:v18+s20+$0xA0 ss:$0x1], $0xffff;
	_ =	sdelay $0x1  }
0xbf: {  	v26 =	vmul.f32 v26, v63  }
0xc0: {  	v27 =	vmul.f32 v27, v34  }
0xc1: {  	[tilespmem:v18+s28+$0xA0 ss:$0x1] =	vst.idx.msk $0xffff, v26;
	v24 =	vmul.f32 v24, v29  }
0xc2: {  	v26 =	vld.idx.msk [tilespmem:v18+s28+$0xB0 ss:$0x1], $0xffff;
	v25 =	vmul.f32 v25, v30;
	[tilespmem:v18+s29+$0xA0 ss:$0x1] =	vst.idx.msk $0xffff, v27  }
0xc3: {  	[tilespmem:v18+s30+$0xA0 ss:$0x1] =	vst.idx.msk $0xffff, v24;
	v27 =	vld.idx.msk [tilespmem:v18+s29+$0xB0 ss:$0x1], $0xffff  }
0xc4: {  	[tilespmem:v18+s20+$0xA0 ss:$0x1] =	vst.idx.msk $0xffff, v25;
	v24 =	vld.idx.msk [tilespmem:v18+s30+$0xB0 ss:$0x1], $0xffff  }
0xc5: {  	v25 =	vld.idx.msk [tilespmem:v18+s20+$0xB0 ss:$0x1], $0xffff;
	_ =	sdelay $0x1  }
0xc6: {  	v23 =	vmul.f32 v26, v63  }
0xc7: {  	v37 =	vmul.f32 v27, v34  }
0xc8: {  	[tilespmem:v18+s28+$0xB0 ss:$0x1] =	vst.idx.msk $0xffff, v23;
	v38 =	vmul.f32 v24, v29  }
0xc9: {  	v39 =	vld.idx.msk [tilespmem:v18+s28+$0xC0 ss:$0x1], $0xffff;
	v25 =	vmul.f32 v25, v30;
	[tilespmem:v18+s29+$0xB0 ss:$0x1] =	vst.idx.msk $0xffff, v37  }
0xca: {  	[tilespmem:v18+s30+$0xB0 ss:$0x1] =	vst.idx.msk $0xffff, v38;
	v26 =	vld.idx.msk [tilespmem:v18+s29+$0xC0 ss:$0x1], $0xffff  }
0xcb: {  	[tilespmem:v18+s20+$0xB0 ss:$0x1] =	vst.idx.msk $0xffff, v25;
	v23 =	vld.idx.msk [tilespmem:v18+s30+$0xC0 ss:$0x1], $0xffff  }
0xcc: {  	v40 =	vperm.xlane v19, v4;
	v41 =	vld.idx.msk [tilespmem:v18+s20+$0xC0 ss:$0x1], $0xffff  }
0xcd: {  	v42 =	vperm.xlane v20, v4  }
0xce: {  	v43 =	vperm.xlane v21, v4;
	v24 =	vmul.f32 v39, v40  }
0xcf: {  	v44 =	vperm.xlane v22, v4;
	v26 =	vmul.f32 v26, v42  }
0xd0: {  	[tilespmem:v18+s28+$0xC0 ss:$0x1] =	vst.idx.msk $0xffff, v24;
	v23 =	vmul.f32 v23, v43  }
0xd1: {  	v24 =	vld.idx.msk [tilespmem:v18+s28+$0xD0 ss:$0x1], $0xffff;
	v45 =	vmul.f32 v41, v44;
	[tilespmem:v18+s29+$0xC0 ss:$0x1] =	vst.idx.msk $0xffff, v26  }
0xd2: {  	[tilespmem:v18+s30+$0xC0 ss:$0x1] =	vst.idx.msk $0xffff, v23;
	v46 =	vld.idx.msk [tilespmem:v18+s29+$0xD0 ss:$0x1], $0xffff  }
0xd3: {  	[tilespmem:v18+s20+$0xC0 ss:$0x1] =	vst.idx.msk $0xffff, v45;
	v23 =	vld.idx.msk [tilespmem:v18+s30+$0xD0 ss:$0x1], $0xffff  }
0xd4: {  	v26 =	vld.idx.msk [tilespmem:v18+s20+$0xD0 ss:$0x1], $0xffff;
	_ =	sdelay $0x1  }
0xd5: {  	v24 =	vmul.f32 v24, v40  }
0xd6: {  	v27 =	vmul.f32 v46, v42  }
0xd7: {  	[tilespmem:v18+s28+$0xD0 ss:$0x1] =	vst.idx.msk $0xffff, v24;
	v23 =	vmul.f32 v23, v43  }
0xd8: {  	v24 =	vld.idx.msk [tilespmem:v18+s28+$0xE0 ss:$0x1], $0xffff;
	v26 =	vmul.f32 v26, v44;
	[tilespmem:v18+s29+$0xD0 ss:$0x1] =	vst.idx.msk $0xffff, v27  }
0xd9: {  	[tilespmem:v18+s30+$0xD0 ss:$0x1] =	vst.idx.msk $0xffff, v23;
	v27 =	vld.idx.msk [tilespmem:v18+s29+$0xE0 ss:$0x1], $0xffff  }
0xda: {  	[tilespmem:v18+s20+$0xD0 ss:$0x1] =	vst.idx.msk $0xffff, v26;
	v23 =	vld.idx.msk [tilespmem:v18+s30+$0xE0 ss:$0x1], $0xffff  }
0xdb: {  	v26 =	vld.idx.msk [tilespmem:v18+s20+$0xE0 ss:$0x1], $0xffff;
	_ =	sdelay $0x1  }
0xdc: {  	v24 =	vmul.f32 v24, v40  }
0xdd: {  	v27 =	vmul.f32 v27, v42  }
0xde: {  	[tilespmem:v18+s28+$0xE0 ss:$0x1] =	vst.idx.msk $0xffff, v24;
	v23 =	vmul.f32 v23, v43  }
0xdf: {  	v24 =	vld.idx.msk [tilespmem:v18+s28+$0xF0 ss:$0x1], $0xffff;
	v26 =	vmul.f32 v26, v44;
	[tilespmem:v18+s29+$0xE0 ss:$0x1] =	vst.idx.msk $0xffff, v27  }
0xe0: {  	[tilespmem:v18+s30+$0xE0 ss:$0x1] =	vst.idx.msk $0xffff, v23;
	v27 =	vld.idx.msk [tilespmem:v18+s29+$0xF0 ss:$0x1], $0xffff  }
0xe1: {  	[tilespmem:v18+s20+$0xE0 ss:$0x1] =	vst.idx.msk $0xffff, v26;
	v23 =	vld.idx.msk [tilespmem:v18+s30+$0xF0 ss:$0x1], $0xffff  }
0xe2: {  	v26 =	vld.idx.msk [tilespmem:v18+s20+$0xF0 ss:$0x1], $0xffff;
	_ =	sdelay $0x1  }
0xe3: {  	v24 =	vmul.f32 v24, v40  }
0xe4: {  	v47 =	vmul.f32 v27, v42  }
0xe5: {  	[tilespmem:v18+s28+$0xF0 ss:$0x1] =	vst.idx.msk $0xffff, v24;
	v23 =	vmul.f32 v23, v43  }
0xe6: {  	v24 =	vld.idx.msk [tilespmem:v18+s28+$0x100 ss:$0x1], $0xffff;
	v48 =	vmul.f32 v26, v44;
	[tilespmem:v18+s29+$0xF0 ss:$0x1] =	vst.idx.msk $0xffff, v47  }
0xe7: {  	[tilespmem:v18+s30+$0xF0 ss:$0x1] =	vst.idx.msk $0xffff, v23;
	v49 =	vld.idx.msk [tilespmem:v18+s29+$0x100 ss:$0x1], $0xffff  }
0xe8: {  	[tilespmem:v18+s20+$0xF0 ss:$0x1] =	vst.idx.msk $0xffff, v48;
	v23 =	vld.idx.msk [tilespmem:v18+s30+$0x100 ss:$0x1], $0xffff  }
0xe9: {  	v50 =	vperm.xlane v19, v5;
	v51 =	vld.idx.msk [tilespmem:v18+s20+$0x100 ss:$0x1], $0xffff  }
0xea: {  	v52 =	vperm.xlane v20, v5  }
0xeb: {  	v53 =	vperm.xlane v21, v5;
	v24 =	vmul.f32 v24, v50  }
0xec: {  	v54 =	vperm.xlane v22, v5;
	v26 =	vmul.f32 v49, v52  }
0xed: {  	[tilespmem:v18+s28+$0x100 ss:$0x1] =	vst.idx.msk $0xffff, v24;
	v23 =	vmul.f32 v23, v53  }
0xee: {  	v24 =	vld.idx.msk [tilespmem:v18+s28+$0x110 ss:$0x1], $0xffff;
	v55 =	vmul.f32 v51, v54;
	[tilespmem:v18+s29+$0x100 ss:$0x1] =	vst.idx.msk $0xffff, v26  }
0xef: {  	[tilespmem:v18+s30+$0x100 ss:$0x1] =	vst.idx.msk $0xffff, v23;
	v56 =	vld.idx.msk [tilespmem:v18+s29+$0x110 ss:$0x1], $0xffff  }
0xf0: {  	[tilespmem:v18+s20+$0x100 ss:$0x1] =	vst.idx.msk $0xffff, v55;
	v23 =	vld.idx.msk [tilespmem:v18+s30+$0x110 ss:$0x1], $0xffff  }
0xf1: {  	v26 =	vld.idx.msk [tilespmem:v18+s20+$0x110 ss:$0x1], $0xffff;
	_ =	sdelay $0x1  }
0xf2: {  	v24 =	vmul.f32 v24, v50  }
0xf3: {  	v27 =	vmul.f32 v56, v52  }
0xf4: {  	[tilespmem:v18+s28+$0x110 ss:$0x1] =	vst.idx.msk $0xffff, v24;
	v23 =	vmul.f32 v23, v53  }
0xf5: {  	v24 =	vld.idx.msk [tilespmem:v18+s28+$0x120 ss:$0x1], $0xffff;
	v26 =	vmul.f32 v26, v54;
	[tilespmem:v18+s29+$0x110 ss:$0x1] =	vst.idx.msk $0xffff, v27  }
0xf6: {  	[tilespmem:v18+s30+$0x110 ss:$0x1] =	vst.idx.msk $0xffff, v23;
	v27 =	vld.idx.msk [tilespmem:v18+s29+$0x120 ss:$0x1], $0xffff  }
0xf7: {  	[tilespmem:v18+s20+$0x110 ss:$0x1] =	vst.idx.msk $0xffff, v26;
	v23 =	vld.idx.msk [tilespmem:v18+s30+$0x120 ss:$0x1], $0xffff  }
0xf8: {  	v26 =	vld.idx.msk [tilespmem:v18+s20+$0x120 ss:$0x1], $0xffff;
	_ =	sdelay $0x1  }
0xf9: {  	v24 =	vmul.f32 v24, v50  }
0xfa: {  	v27 =	vmul.f32 v27, v52  }
0xfb: {  	[tilespmem:v18+s28+$0x120 ss:$0x1] =	vst.idx.msk $0xffff, v24;
	v23 =	vmul.f32 v23, v53  }
0xfc: {  	v24 =	vld.idx.msk [tilespmem:v18+s28+$0x130 ss:$0x1], $0xffff;
	v26 =	vmul.f32 v26, v54;
	[tilespmem:v18+s29+$0x120 ss:$0x1] =	vst.idx.msk $0xffff, v27  }
0xfd: {  	[tilespmem:v18+s30+$0x120 ss:$0x1] =	vst.idx.msk $0xffff, v23;
	v27 =	vld.idx.msk [tilespmem:v18+s29+$0x130 ss:$0x1], $0xffff  }
0xfe: {  	[tilespmem:v18+s20+$0x120 ss:$0x1] =	vst.idx.msk $0xffff, v26;
	v23 =	vld.idx.msk [tilespmem:v18+s30+$0x130 ss:$0x1], $0xffff  }
0xff: {  	v26 =	vld.idx.msk [tilespmem:v18+s20+$0x130 ss:$0x1], $0xffff;
	_ =	sdelay $0x1  }
0x100: {  	v24 =	vmul.f32 v24, v50  }
0x101: {  	v57 =	vmul.f32 v27, v52  }
0x102: {  	[tilespmem:v18+s28+$0x130 ss:$0x1] =	vst.idx.msk $0xffff, v24;
	v23 =	vmul.f32 v23, v53  }
0x103: {  	v24 =	vld.idx.msk [tilespmem:v18+s28+$0x140 ss:$0x1], $0xffff;
	v58 =	vmul.f32 v26, v54;
	[tilespmem:v18+s29+$0x130 ss:$0x1] =	vst.idx.msk $0xffff, v57  }
0x104: {  	[tilespmem:v18+s30+$0x130 ss:$0x1] =	vst.idx.msk $0xffff, v23;
	v59 =	vld.idx.msk [tilespmem:v18+s29+$0x140 ss:$0x1], $0xffff  }
0x105: {  	[tilespmem:v18+s20+$0x130 ss:$0x1] =	vst.idx.msk $0xffff, v58;
	v23 =	vld.idx.msk [tilespmem:v18+s30+$0x140 ss:$0x1], $0xffff  }
0x106: {  	v60 =	vperm.xlane v19, v6;
	v61 =	vld.idx.msk [tilespmem:v18+s20+$0x140 ss:$0x1], $0xffff  }
0x107: {  	v62 =	vperm.xlane v20, v6  }
0x108: {  	v63 =	vperm.xlane v21, v6;
	v24 =	vmul.f32 v24, v60  }
0x109: {  	v33 =	vperm.xlane v22, v6;
	v26 =	vmul.f32 v59, v62  }
0x10a: {  	[tilespmem:v18+s28+$0x140 ss:$0x1] =	vst.idx.msk $0xffff, v24;
	v23 =	vmul.f32 v23, v63  }
0x10b: {  	v24 =	vld.idx.msk [tilespmem:v18+s28+$0x150 ss:$0x1], $0xffff;
	v34 =	vmul.f32 v61, v33;
	[tilespmem:v18+s29+$0x140 ss:$0x1] =	vst.idx.msk $0xffff, v26  }
0x10c: {  	[tilespmem:v18+s30+$0x140 ss:$0x1] =	vst.idx.msk $0xffff, v23;
	v35 =	vld.idx.msk [tilespmem:v18+s29+$0x150 ss:$0x1], $0xffff  }
0x10d: {  	[tilespmem:v18+s20+$0x140 ss:$0x1] =	vst.idx.msk $0xffff, v34;
	v23 =	vld.idx.msk [tilespmem:v18+s30+$0x150 ss:$0x1], $0xffff  }
0x10e: {  	v26 =	vld.idx.msk [tilespmem:v18+s20+$0x150 ss:$0x1], $0xffff;
	_ =	sdelay $0x1  }
0x10f: {  	v24 =	vmul.f32 v24, v60  }
0x110: {  	v27 =	vmul.f32 v35, v62  }
0x111: {  	[tilespmem:v18+s28+$0x150 ss:$0x1] =	vst.idx.msk $0xffff, v24;
	v23 =	vmul.f32 v23, v63  }
0x112: {  	v24 =	vld.idx.msk [tilespmem:v18+s28+$0x160 ss:$0x1], $0xffff;
	v26 =	vmul.f32 v26, v33;
	[tilespmem:v18+s29+$0x150 ss:$0x1] =	vst.idx.msk $0xffff, v27  }
0x113: {  	[tilespmem:v18+s30+$0x150 ss:$0x1] =	vst.idx.msk $0xffff, v23;
	v27 =	vld.idx.msk [tilespmem:v18+s29+$0x160 ss:$0x1], $0xffff  }
0x114: {  	[tilespmem:v18+s20+$0x150 ss:$0x1] =	vst.idx.msk $0xffff, v26;
	v23 =	vld.idx.msk [tilespmem:v18+s30+$0x160 ss:$0x1], $0xffff  }
0x115: {  	v26 =	vld.idx.msk [tilespmem:v18+s20+$0x160 ss:$0x1], $0xffff;
	_ =	sdelay $0x1  }
0x116: {  	v24 =	vmul.f32 v24, v60  }
0x117: {  	v27 =	vmul.f32 v27, v62  }
0x118: {  	[tilespmem:v18+s28+$0x160 ss:$0x1] =	vst.idx.msk $0xffff, v24;
	v23 =	vmul.f32 v23, v63  }
0x119: {  	v24 =	vld.idx.msk [tilespmem:v18+s28+$0x170 ss:$0x1], $0xffff;
	v26 =	vmul.f32 v26, v33;
	[tilespmem:v18+s29+$0x160 ss:$0x1] =	vst.idx.msk $0xffff, v27  }
0x11a: {  	[tilespmem:v18+s30+$0x160 ss:$0x1] =	vst.idx.msk $0xffff, v23;
	v27 =	vld.idx.msk [tilespmem:v18+s29+$0x170 ss:$0x1], $0xffff  }
0x11b: {  	[tilespmem:v18+s20+$0x160 ss:$0x1] =	vst.idx.msk $0xffff, v26;
	v23 =	vld.idx.msk [tilespmem:v18+s30+$0x170 ss:$0x1], $0xffff  }
0x11c: {  	v26 =	vld.idx.msk [tilespmem:v18+s20+$0x170 ss:$0x1], $0xffff;
	_ =	sdelay $0x1  }
0x11d: {  	v24 =	vmul.f32 v24, v60  }
0x11e: {  	v36 =	vmul.f32 v27, v62  }
0x11f: {  	[tilespmem:v18+s28+$0x170 ss:$0x1] =	vst.idx.msk $0xffff, v24;
	v23 =	vmul.f32 v23, v63  }
0x120: {  	v24 =	vld.idx.msk [tilespmem:v18+s28+$0x180 ss:$0x1], $0xffff;
	v37 =	vmul.f32 v26, v33;
	[tilespmem:v18+s29+$0x170 ss:$0x1] =	vst.idx.msk $0xffff, v36  }
0x121: {  	[tilespmem:v18+s30+$0x170 ss:$0x1] =	vst.idx.msk $0xffff, v23;
	v38 =	vld.idx.msk [tilespmem:v18+s29+$0x180 ss:$0x1], $0xffff  }
0x122: {  	[tilespmem:v18+s20+$0x170 ss:$0x1] =	vst.idx.msk $0xffff, v37;
	v23 =	vld.idx.msk [tilespmem:v18+s30+$0x180 ss:$0x1], $0xffff  }
0x123: {  	v39 =	vperm.xlane v19, v7;
	v40 =	vld.idx.msk [tilespmem:v18+s20+$0x180 ss:$0x1], $0xffff  }
0x124: {  	v41 =	vperm.xlane v20, v7  }
0x125: {  	v42 =	vperm.xlane v21, v7;
	v24 =	vmul.f32 v24, v39  }
0x126: {  	v43 =	vperm.xlane v22, v7;
	v26 =	vmul.f32 v38, v41  }
0x127: {  	[tilespmem:v18+s28+$0x180 ss:$0x1] =	vst.idx.msk $0xffff, v24;
	v23 =	vmul.f32 v23, v42  }
0x128: {  	v24 =	vld.idx.msk [tilespmem:v18+s28+$0x190 ss:$0x1], $0xffff;
	v44 =	vmul.f32 v40, v43;
	[tilespmem:v18+s29+$0x180 ss:$0x1] =	vst.idx.msk $0xffff, v26  }
0x129: {  	[tilespmem:v18+s30+$0x180 ss:$0x1] =	vst.idx.msk $0xffff, v23;
	v45 =	vld.idx.msk [tilespmem:v18+s29+$0x190 ss:$0x1], $0xffff  }
0x12a: {  	[tilespmem:v18+s20+$0x180 ss:$0x1] =	vst.idx.msk $0xffff, v44;
	v23 =	vld.idx.msk [tilespmem:v18+s30+$0x190 ss:$0x1], $0xffff  }
0x12b: {  	v26 =	vld.idx.msk [tilespmem:v18+s20+$0x190 ss:$0x1], $0xffff;
	_ =	sdelay $0x1  }
0x12c: {  	v24 =	vmul.f32 v24, v39  }
0x12d: {  	v27 =	vmul.f32 v45, v41  }
0x12e: {  	[tilespmem:v18+s28+$0x190 ss:$0x1] =	vst.idx.msk $0xffff, v24;
	v23 =	vmul.f32 v23, v42  }
0x12f: {  	v24 =	vld.idx.msk [tilespmem:v18+s28+$0x1A0 ss:$0x1], $0xffff;
	v26 =	vmul.f32 v26, v43;
	[tilespmem:v18+s29+$0x190 ss:$0x1] =	vst.idx.msk $0xffff, v27  }
0x130: {  	[tilespmem:v18+s30+$0x190 ss:$0x1] =	vst.idx.msk $0xffff, v23;
	v27 =	vld.idx.msk [tilespmem:v18+s29+$0x1A0 ss:$0x1], $0xffff  }
0x131: {  	[tilespmem:v18+s20+$0x190 ss:$0x1] =	vst.idx.msk $0xffff, v26;
	v23 =	vld.idx.msk [tilespmem:v18+s30+$0x1A0 ss:$0x1], $0xffff  }
0x132: {  	v26 =	vld.idx.msk [tilespmem:v18+s20+$0x1A0 ss:$0x1], $0xffff;
	_ =	sdelay $0x1  }
0x133: {  	v24 =	vmul.f32 v24, v39  }
0x134: {  	v27 =	vmul.f32 v27, v41  }
0x135: {  	[tilespmem:v18+s28+$0x1A0 ss:$0x1] =	vst.idx.msk $0xffff, v24;
	v23 =	vmul.f32 v23, v42  }
0x136: {  	v24 =	vld.idx.msk [tilespmem:v18+s28+$0x1B0 ss:$0x1], $0xffff;
	v26 =	vmul.f32 v26, v43;
	[tilespmem:v18+s29+$0x1A0 ss:$0x1] =	vst.idx.msk $0xffff, v27  }
0x137: {  	[tilespmem:v18+s30+$0x1A0 ss:$0x1] =	vst.idx.msk $0xffff, v23;
	v27 =	vld.idx.msk [tilespmem:v18+s29+$0x1B0 ss:$0x1], $0xffff  }
0x138: {  	[tilespmem:v18+s20+$0x1A0 ss:$0x1] =	vst.idx.msk $0xffff, v26;
	v23 =	vld.idx.msk [tilespmem:v18+s30+$0x1B0 ss:$0x1], $0xffff  }
0x139: {  	v26 =	vld.idx.msk [tilespmem:v18+s20+$0x1B0 ss:$0x1], $0xffff;
	_ =	sdelay $0x1  }
0x13a: {  	v24 =	vmul.f32 v24, v39  }
0x13b: {  	v46 =	vmul.f32 v27, v41  }
0x13c: {  	[tilespmem:v18+s28+$0x1B0 ss:$0x1] =	vst.idx.msk $0xffff, v24;
	v23 =	vmul.f32 v23, v42  }
0x13d: {  	v24 =	vld.idx.msk [tilespmem:v18+s28+$0x1C0 ss:$0x1], $0xffff;
	v47 =	vmul.f32 v26, v43;
	[tilespmem:v18+s29+$0x1B0 ss:$0x1] =	vst.idx.msk $0xffff, v46  }
0x13e: {  	[tilespmem:v18+s30+$0x1B0 ss:$0x1] =	vst.idx.msk $0xffff, v23;
	v48 =	vld.idx.msk [tilespmem:v18+s29+$0x1C0 ss:$0x1], $0xffff  }
0x13f: {  	[tilespmem:v18+s20+$0x1B0 ss:$0x1] =	vst.idx.msk $0xffff, v47;
	v23 =	vld.idx.msk [tilespmem:v18+s30+$0x1C0 ss:$0x1], $0xffff  }
0x140: {  	v49 =	vperm.xlane v19, v8;
	v50 =	vld.idx.msk [tilespmem:v18+s20+$0x1C0 ss:$0x1], $0xffff  }
0x141: {  	v51 =	vperm.xlane v20, v8  }
0x142: {  	v52 =	vperm.xlane v21, v8;
	v24 =	vmul.f32 v24, v49  }
0x143: {  	v53 =	vperm.xlane v22, v8;
	v26 =	vmul.f32 v48, v51  }
0x144: {  	[tilespmem:v18+s28+$0x1C0 ss:$0x1] =	vst.idx.msk $0xffff, v24;
	v23 =	vmul.f32 v23, v52  }
0x145: {  	v24 =	vld.idx.msk [tilespmem:v18+s28+$0x1D0 ss:$0x1], $0xffff;
	v54 =	vmul.f32 v50, v53;
	[tilespmem:v18+s29+$0x1C0 ss:$0x1] =	vst.idx.msk $0xffff, v26  }
0x146: {  	[tilespmem:v18+s30+$0x1C0 ss:$0x1] =	vst.idx.msk $0xffff, v23;
	v55 =	vld.idx.msk [tilespmem:v18+s29+$0x1D0 ss:$0x1], $0xffff  }
0x147: {  	[tilespmem:v18+s20+$0x1C0 ss:$0x1] =	vst.idx.msk $0xffff, v54;
	v23 =	vld.idx.msk [tilespmem:v18+s30+$0x1D0 ss:$0x1], $0xffff  }
0x148: {  	v26 =	vld.idx.msk [tilespmem:v18+s20+$0x1D0 ss:$0x1], $0xffff;
	_ =	sdelay $0x1  }
0x149: {  	v24 =	vmul.f32 v24, v49  }
0x14a: {  	v27 =	vmul.f32 v55, v51  }
0x14b: {  	[tilespmem:v18+s28+$0x1D0 ss:$0x1] =	vst.idx.msk $0xffff, v24;
	v23 =	vmul.f32 v23, v52  }
0x14c: {  	v24 =	vld.idx.msk [tilespmem:v18+s28+$0x1E0 ss:$0x1], $0xffff;
	v26 =	vmul.f32 v26, v53;
	[tilespmem:v18+s29+$0x1D0 ss:$0x1] =	vst.idx.msk $0xffff, v27  }
0x14d: {  	[tilespmem:v18+s30+$0x1D0 ss:$0x1] =	vst.idx.msk $0xffff, v23;
	v27 =	vld.idx.msk [tilespmem:v18+s29+$0x1E0 ss:$0x1], $0xffff  }
0x14e: {  	[tilespmem:v18+s20+$0x1D0 ss:$0x1] =	vst.idx.msk $0xffff, v26;
	v23 =	vld.idx.msk [tilespmem:v18+s30+$0x1E0 ss:$0x1], $0xffff  }
0x14f: {  	v26 =	vld.idx.msk [tilespmem:v18+s20+$0x1E0 ss:$0x1], $0xffff;
	_ =	sdelay $0x1  }
0x150: {  	v24 =	vmul.f32 v24, v49  }
0x151: {  	v27 =	vmul.f32 v27, v51  }
0x152: {  	[tilespmem:v18+s28+$0x1E0 ss:$0x1] =	vst.idx.msk $0xffff, v24;
	v23 =	vmul.f32 v23, v52  }
0x153: {  	v24 =	vld.idx.msk [tilespmem:v18+s28+$0x1F0 ss:$0x1], $0xffff;
	v26 =	vmul.f32 v26, v53;
	[tilespmem:v18+s29+$0x1E0 ss:$0x1] =	vst.idx.msk $0xffff, v27  }
0x154: {  	[tilespmem:v18+s30+$0x1E0 ss:$0x1] =	vst.idx.msk $0xffff, v23;
	v27 =	vld.idx.msk [tilespmem:v18+s29+$0x1F0 ss:$0x1], $0xffff  }
0x155: {  	[tilespmem:v18+s20+$0x1E0 ss:$0x1] =	vst.idx.msk $0xffff, v26;
	v23 =	vld.idx.msk [tilespmem:v18+s30+$0x1F0 ss:$0x1], $0xffff  }
0x156: {  	v26 =	vld.idx.msk [tilespmem:v18+s20+$0x1F0 ss:$0x1], $0xffff;
	_ =	sdelay $0x1  }
0x157: {  	v24 =	vmul.f32 v24, v49  }
0x158: {  	v56 =	vmul.f32 v27, v51  }
0x159: {  	[tilespmem:v18+s28+$0x1F0 ss:$0x1] =	vst.idx.msk $0xffff, v24;
	v23 =	vmul.f32 v23, v52  }
0x15a: {  	v24 =	vld.idx.msk [tilespmem:v18+s28+$0x200 ss:$0x1], $0xffff;
	v57 =	vmul.f32 v26, v53;
	[tilespmem:v18+s29+$0x1F0 ss:$0x1] =	vst.idx.msk $0xffff, v56  }
0x15b: {  	[tilespmem:v18+s30+$0x1F0 ss:$0x1] =	vst.idx.msk $0xffff, v23;
	v58 =	vld.idx.msk [tilespmem:v18+s29+$0x200 ss:$0x1], $0xffff  }
0x15c: {  	[tilespmem:v18+s20+$0x1F0 ss:$0x1] =	vst.idx.msk $0xffff, v57;
	v23 =	vld.idx.msk [tilespmem:v18+s30+$0x200 ss:$0x1], $0xffff  }
0x15d: {  	v59 =	vperm.xlane v19, v9;
	v60 =	vld.idx.msk [tilespmem:v18+s20+$0x200 ss:$0x1], $0xffff  }
0x15e: {  	v61 =	vperm.xlane v20, v9  }
0x15f: {  	v62 =	vperm.xlane v21, v9;
	v24 =	vmul.f32 v24, v59  }
0x160: {  	v63 =	vperm.xlane v22, v9;
	v26 =	vmul.f32 v58, v61  }
0x161: {  	[tilespmem:v18+s28+$0x200 ss:$0x1] =	vst.idx.msk $0xffff, v24;
	v23 =	vmul.f32 v23, v62  }
0x162: {  	v24 =	vld.idx.msk [tilespmem:v18+s28+$0x210 ss:$0x1], $0xffff;
	v32 =	vmul.f32 v60, v63;
	[tilespmem:v18+s29+$0x200 ss:$0x1] =	vst.idx.msk $0xffff, v26  }
0x163: {  	[tilespmem:v18+s30+$0x200 ss:$0x1] =	vst.idx.msk $0xffff, v23;
	v33 =	vld.idx.msk [tilespmem:v18+s29+$0x210 ss:$0x1], $0xffff  }
0x164: {  	[tilespmem:v18+s20+$0x200 ss:$0x1] =	vst.idx.msk $0xffff, v32;
	v23 =	vld.idx.msk [tilespmem:v18+s30+$0x210 ss:$0x1], $0xffff  }
0x165: {  	v26 =	vld.idx.msk [tilespmem:v18+s20+$0x210 ss:$0x1], $0xffff;
	_ =	sdelay $0x1  }
0x166: {  	v24 =	vmul.f32 v24, v59  }
0x167: {  	v27 =	vmul.f32 v33, v61  }
0x168: {  	[tilespmem:v18+s28+$0x210 ss:$0x1] =	vst.idx.msk $0xffff, v24;
	v23 =	vmul.f32 v23, v62  }
0x169: {  	v24 =	vld.idx.msk [tilespmem:v18+s28+$0x220 ss:$0x1], $0xffff;
	v26 =	vmul.f32 v26, v63;
	[tilespmem:v18+s29+$0x210 ss:$0x1] =	vst.idx.msk $0xffff, v27  }
0x16a: {  	[tilespmem:v18+s30+$0x210 ss:$0x1] =	vst.idx.msk $0xffff, v23;
	v27 =	vld.idx.msk [tilespmem:v18+s29+$0x220 ss:$0x1], $0xffff  }
0x16b: {  	[tilespmem:v18+s20+$0x210 ss:$0x1] =	vst.idx.msk $0xffff, v26;
	v23 =	vld.idx.msk [tilespmem:v18+s30+$0x220 ss:$0x1], $0xffff  }
0x16c: {  	v26 =	vld.idx.msk [tilespmem:v18+s20+$0x220 ss:$0x1], $0xffff;
	_ =	sdelay $0x1  }
0x16d: {  	v24 =	vmul.f32 v24, v59  }
0x16e: {  	v27 =	vmul.f32 v27, v61  }
0x16f: {  	[tilespmem:v18+s28+$0x220 ss:$0x1] =	vst.idx.msk $0xffff, v24;
	v23 =	vmul.f32 v23, v62  }
0x170: {  	v24 =	vld.idx.msk [tilespmem:v18+s28+$0x230 ss:$0x1], $0xffff;
	v26 =	vmul.f32 v26, v63;
	[tilespmem:v18+s29+$0x220 ss:$0x1] =	vst.idx.msk $0xffff, v27  }
0x171: {  	[tilespmem:v18+s30+$0x220 ss:$0x1] =	vst.idx.msk $0xffff, v23;
	v27 =	vld.idx.msk [tilespmem:v18+s29+$0x230 ss:$0x1], $0xffff  }
0x172: {  	[tilespmem:v18+s20+$0x220 ss:$0x1] =	vst.idx.msk $0xffff, v26;
	v23 =	vld.idx.msk [tilespmem:v18+s30+$0x230 ss:$0x1], $0xffff  }
0x173: {  	v26 =	vld.idx.msk [tilespmem:v18+s20+$0x230 ss:$0x1], $0xffff;
	_ =	sdelay $0x1  }
0x174: {  	v24 =	vmul.f32 v24, v59  }
0x175: {  	v34 =	vmul.f32 v27, v61  }
0x176: {  	[tilespmem:v18+s28+$0x230 ss:$0x1] =	vst.idx.msk $0xffff, v24;
	v23 =	vmul.f32 v23, v62  }
0x177: {  	v24 =	vld.idx.msk [tilespmem:v18+s28+$0x240 ss:$0x1], $0xffff;
	v35 =	vmul.f32 v26, v63;
	[tilespmem:v18+s29+$0x230 ss:$0x1] =	vst.idx.msk $0xffff, v34  }
0x178: {  	[tilespmem:v18+s30+$0x230 ss:$0x1] =	vst.idx.msk $0xffff, v23;
	v36 =	vld.idx.msk [tilespmem:v18+s29+$0x240 ss:$0x1], $0xffff  }
0x179: {  	[tilespmem:v18+s20+$0x230 ss:$0x1] =	vst.idx.msk $0xffff, v35;
	v23 =	vld.idx.msk [tilespmem:v18+s30+$0x240 ss:$0x1], $0xffff  }
0x17a: {  	v37 =	vperm.xlane v19, v10;
	v38 =	vld.idx.msk [tilespmem:v18+s20+$0x240 ss:$0x1], $0xffff  }
0x17b: {  	v39 =	vperm.xlane v20, v10  }
0x17c: {  	v40 =	vperm.xlane v21, v10;
	v24 =	vmul.f32 v24, v37  }
0x17d: {  	v41 =	vperm.xlane v22, v10;
	v26 =	vmul.f32 v36, v39  }
0x17e: {  	[tilespmem:v18+s28+$0x240 ss:$0x1] =	vst.idx.msk $0xffff, v24;
	v23 =	vmul.f32 v23, v40  }
0x17f: {  	v24 =	vld.idx.msk [tilespmem:v18+s28+$0x250 ss:$0x1], $0xffff;
	v42 =	vmul.f32 v38, v41;
	[tilespmem:v18+s29+$0x240 ss:$0x1] =	vst.idx.msk $0xffff, v26  }
0x180: {  	[tilespmem:v18+s30+$0x240 ss:$0x1] =	vst.idx.msk $0xffff, v23;
	v43 =	vld.idx.msk [tilespmem:v18+s29+$0x250 ss:$0x1], $0xffff  }
0x181: {  	[tilespmem:v18+s20+$0x240 ss:$0x1] =	vst.idx.msk $0xffff, v42;
	v23 =	vld.idx.msk [tilespmem:v18+s30+$0x250 ss:$0x1], $0xffff  }
0x182: {  	v26 =	vld.idx.msk [tilespmem:v18+s20+$0x250 ss:$0x1], $0xffff;
	_ =	sdelay $0x1  }
0x183: {  	v24 =	vmul.f32 v24, v37  }
0x184: {  	v27 =	vmul.f32 v43, v39  }
0x185: {  	[tilespmem:v18+s28+$0x250 ss:$0x1] =	vst.idx.msk $0xffff, v24;
	v23 =	vmul.f32 v23, v40  }
0x186: {  	v24 =	vld.idx.msk [tilespmem:v18+s28+$0x260 ss:$0x1], $0xffff;
	v26 =	vmul.f32 v26, v41;
	[tilespmem:v18+s29+$0x250 ss:$0x1] =	vst.idx.msk $0xffff, v27  }
0x187: {  	[tilespmem:v18+s30+$0x250 ss:$0x1] =	vst.idx.msk $0xffff, v23;
	v27 =	vld.idx.msk [tilespmem:v18+s29+$0x260 ss:$0x1], $0xffff  }
0x188: {  	[tilespmem:v18+s20+$0x250 ss:$0x1] =	vst.idx.msk $0xffff, v26;
	v23 =	vld.idx.msk [tilespmem:v18+s30+$0x260 ss:$0x1], $0xffff  }
0x189: {  	v26 =	vld.idx.msk [tilespmem:v18+s20+$0x260 ss:$0x1], $0xffff;
	_ =	sdelay $0x1  }
0x18a: {  	v24 =	vmul.f32 v24, v37  }
0x18b: {  	v27 =	vmul.f32 v27, v39  }
0x18c: {  	[tilespmem:v18+s28+$0x260 ss:$0x1] =	vst.idx.msk $0xffff, v24;
	v23 =	vmul.f32 v23, v40  }
0x18d: {  	v24 =	vld.idx.msk [tilespmem:v18+s28+$0x270 ss:$0x1], $0xffff;
	v26 =	vmul.f32 v26, v41;
	[tilespmem:v18+s29+$0x260 ss:$0x1] =	vst.idx.msk $0xffff, v27  }
0x18e: {  	[tilespmem:v18+s30+$0x260 ss:$0x1] =	vst.idx.msk $0xffff, v23;
	v27 =	vld.idx.msk [tilespmem:v18+s29+$0x270 ss:$0x1], $0xffff  }
0x18f: {  	[tilespmem:v18+s20+$0x260 ss:$0x1] =	vst.idx.msk $0xffff, v26;
	v23 =	vld.idx.msk [tilespmem:v18+s30+$0x270 ss:$0x1], $0xffff  }
0x190: {  	v26 =	vld.idx.msk [tilespmem:v18+s20+$0x270 ss:$0x1], $0xffff;
	_ =	sdelay $0x1  }
0x191: {  	v24 =	vmul.f32 v24, v37  }
0x192: {  	v44 =	vmul.f32 v27, v39  }
0x193: {  	[tilespmem:v18+s28+$0x270 ss:$0x1] =	vst.idx.msk $0xffff, v24;
	v23 =	vmul.f32 v23, v40  }
0x194: {  	v24 =	vld.idx.msk [tilespmem:v18+s28+$0x280 ss:$0x1], $0xffff;
	v45 =	vmul.f32 v26, v41;
	[tilespmem:v18+s29+$0x270 ss:$0x1] =	vst.idx.msk $0xffff, v44  }
0x195: {  	[tilespmem:v18+s30+$0x270 ss:$0x1] =	vst.idx.msk $0xffff, v23;
	v46 =	vld.idx.msk [tilespmem:v18+s29+$0x280 ss:$0x1], $0xffff  }
0x196: {  	[tilespmem:v18+s20+$0x270 ss:$0x1] =	vst.idx.msk $0xffff, v45;
	v23 =	vld.idx.msk [tilespmem:v18+s30+$0x280 ss:$0x1], $0xffff  }
0x197: {  	v47 =	vperm.xlane v19, v11;
	v48 =	vld.idx.msk [tilespmem:v18+s20+$0x280 ss:$0x1], $0xffff  }
0x198: {  	v49 =	vperm.xlane v20, v11  }
0x199: {  	v50 =	vperm.xlane v21, v11;
	v24 =	vmul.f32 v24, v47  }
0x19a: {  	v51 =	vperm.xlane v22, v11;
	v26 =	vmul.f32 v46, v49  }
0x19b: {  	[tilespmem:v18+s28+$0x280 ss:$0x1] =	vst.idx.msk $0xffff, v24;
	v23 =	vmul.f32 v23, v50  }
0x19c: {  	v24 =	vld.idx.msk [tilespmem:v18+s28+$0x290 ss:$0x1], $0xffff;
	v52 =	vmul.f32 v48, v51;
	[tilespmem:v18+s29+$0x280 ss:$0x1] =	vst.idx.msk $0xffff, v26  }
0x19d: {  	[tilespmem:v18+s30+$0x280 ss:$0x1] =	vst.idx.msk $0xffff, v23;
	v53 =	vld.idx.msk [tilespmem:v18+s29+$0x290 ss:$0x1], $0xffff  }
0x19e: {  	[tilespmem:v18+s20+$0x280 ss:$0x1] =	vst.idx.msk $0xffff, v52;
	v23 =	vld.idx.msk [tilespmem:v18+s30+$0x290 ss:$0x1], $0xffff  }
0x19f: {  	v26 =	vld.idx.msk [tilespmem:v18+s20+$0x290 ss:$0x1], $0xffff;
	_ =	sdelay $0x1  }
0x1a0: {  	v24 =	vmul.f32 v24, v47  }
0x1a1: {  	v27 =	vmul.f32 v53, v49  }
0x1a2: {  	[tilespmem:v18+s28+$0x290 ss:$0x1] =	vst.idx.msk $0xffff, v24;
	v23 =	vmul.f32 v23, v50  }
0x1a3: {  	v24 =	vld.idx.msk [tilespmem:v18+s28+$0x2A0 ss:$0x1], $0xffff;
	v26 =	vmul.f32 v26, v51;
	[tilespmem:v18+s29+$0x290 ss:$0x1] =	vst.idx.msk $0xffff, v27  }
0x1a4: {  	[tilespmem:v18+s30+$0x290 ss:$0x1] =	vst.idx.msk $0xffff, v23;
	v27 =	vld.idx.msk [tilespmem:v18+s29+$0x2A0 ss:$0x1], $0xffff  }
0x1a5: {  	[tilespmem:v18+s20+$0x290 ss:$0x1] =	vst.idx.msk $0xffff, v26;
	v23 =	vld.idx.msk [tilespmem:v18+s30+$0x2A0 ss:$0x1], $0xffff  }
0x1a6: {  	v26 =	vld.idx.msk [tilespmem:v18+s20+$0x2A0 ss:$0x1], $0xffff;
	_ =	sdelay $0x1  }
0x1a7: {  	v24 =	vmul.f32 v24, v47  }
0x1a8: {  	v27 =	vmul.f32 v27, v49  }
0x1a9: {  	[tilespmem:v18+s28+$0x2A0 ss:$0x1] =	vst.idx.msk $0xffff, v24;
	v23 =	vmul.f32 v23, v50  }
0x1aa: {  	v24 =	vld.idx.msk [tilespmem:v18+s28+$0x2B0 ss:$0x1], $0xffff;
	v26 =	vmul.f32 v26, v51;
	[tilespmem:v18+s29+$0x2A0 ss:$0x1] =	vst.idx.msk $0xffff, v27  }
0x1ab: {  	[tilespmem:v18+s30+$0x2A0 ss:$0x1] =	vst.idx.msk $0xffff, v23;
	v27 =	vld.idx.msk [tilespmem:v18+s29+$0x2B0 ss:$0x1], $0xffff  }
0x1ac: {  	[tilespmem:v18+s20+$0x2A0 ss:$0x1] =	vst.idx.msk $0xffff, v26;
	v23 =	vld.idx.msk [tilespmem:v18+s30+$0x2B0 ss:$0x1], $0xffff  }
0x1ad: {  	v26 =	vld.idx.msk [tilespmem:v18+s20+$0x2B0 ss:$0x1], $0xffff;
	_ =	sdelay $0x1  }
0x1ae: {  	v24 =	vmul.f32 v24, v47  }
0x1af: {  	v54 =	vmul.f32 v27, v49  }
0x1b0: {  	[tilespmem:v18+s28+$0x2B0 ss:$0x1] =	vst.idx.msk $0xffff, v24;
	v23 =	vmul.f32 v23, v50  }
0x1b1: {  	v24 =	vld.idx.msk [tilespmem:v18+s28+$0x2C0 ss:$0x1], $0xffff;
	v55 =	vmul.f32 v26, v51;
	[tilespmem:v18+s29+$0x2B0 ss:$0x1] =	vst.idx.msk $0xffff, v54  }
0x1b2: {  	[tilespmem:v18+s30+$0x2B0 ss:$0x1] =	vst.idx.msk $0xffff, v23;
	v56 =	vld.idx.msk [tilespmem:v18+s29+$0x2C0 ss:$0x1], $0xffff  }
0x1b3: {  	[tilespmem:v18+s20+$0x2B0 ss:$0x1] =	vst.idx.msk $0xffff, v55;
	v23 =	vld.idx.msk [tilespmem:v18+s30+$0x2C0 ss:$0x1], $0xffff  }
0x1b4: {  	v57 =	vperm.xlane v19, v12;
	v58 =	vld.idx.msk [tilespmem:v18+s20+$0x2C0 ss:$0x1], $0xffff  }
0x1b5: {  	v59 =	vperm.xlane v20, v12  }
0x1b6: {  	v60 =	vperm.xlane v21, v12;
	v24 =	vmul.f32 v24, v57  }
0x1b7: {  	v61 =	vperm.xlane v22, v12;
	v26 =	vmul.f32 v56, v59  }
0x1b8: {  	[tilespmem:v18+s28+$0x2C0 ss:$0x1] =	vst.idx.msk $0xffff, v24;
	v23 =	vmul.f32 v23, v60  }
0x1b9: {  	v24 =	vld.idx.msk [tilespmem:v18+s28+$0x2D0 ss:$0x1], $0xffff;
	v62 =	vmul.f32 v58, v61;
	[tilespmem:v18+s29+$0x2C0 ss:$0x1] =	vst.idx.msk $0xffff, v26  }
0x1ba: {  	[tilespmem:v18+s30+$0x2C0 ss:$0x1] =	vst.idx.msk $0xffff, v23;
	v63 =	vld.idx.msk [tilespmem:v18+s29+$0x2D0 ss:$0x1], $0xffff  }
0x1bb: {  	[tilespmem:v18+s20+$0x2C0 ss:$0x1] =	vst.idx.msk $0xffff, v62;
	v23 =	vld.idx.msk [tilespmem:v18+s30+$0x2D0 ss:$0x1], $0xffff  }
0x1bc: {  	v26 =	vld.idx.msk [tilespmem:v18+s20+$0x2D0 ss:$0x1], $0xffff;
	_ =	sdelay $0x1  }
0x1bd: {  	v24 =	vmul.f32 v24, v57  }
0x1be: {  	v27 =	vmul.f32 v63, v59  }
0x1bf: {  	[tilespmem:v18+s28+$0x2D0 ss:$0x1] =	vst.idx.msk $0xffff, v24;
	v23 =	vmul.f32 v23, v60  }
0x1c0: {  	v24 =	vld.idx.msk [tilespmem:v18+s28+$0x2E0 ss:$0x1], $0xffff;
	v26 =	vmul.f32 v26, v61;
	[tilespmem:v18+s29+$0x2D0 ss:$0x1] =	vst.idx.msk $0xffff, v27  }
0x1c1: {  	[tilespmem:v18+s30+$0x2D0 ss:$0x1] =	vst.idx.msk $0xffff, v23;
	v27 =	vld.idx.msk [tilespmem:v18+s29+$0x2E0 ss:$0x1], $0xffff  }
0x1c2: {  	[tilespmem:v18+s20+$0x2D0 ss:$0x1] =	vst.idx.msk $0xffff, v26;
	v23 =	vld.idx.msk [tilespmem:v18+s30+$0x2E0 ss:$0x1], $0xffff  }
0x1c3: {  	v26 =	vld.idx.msk [tilespmem:v18+s20+$0x2E0 ss:$0x1], $0xffff;
	_ =	sdelay $0x1  }
0x1c4: {  	v24 =	vmul.f32 v24, v57  }
0x1c5: {  	v27 =	vmul.f32 v27, v59  }
0x1c6: {  	[tilespmem:v18+s28+$0x2E0 ss:$0x1] =	vst.idx.msk $0xffff, v24;
	v23 =	vmul.f32 v23, v60  }
0x1c7: {  	v24 =	vld.idx.msk [tilespmem:v18+s28+$0x2F0 ss:$0x1], $0xffff;
	v26 =	vmul.f32 v26, v61;
	[tilespmem:v18+s29+$0x2E0 ss:$0x1] =	vst.idx.msk $0xffff, v27  }
0x1c8: {  	[tilespmem:v18+s30+$0x2E0 ss:$0x1] =	vst.idx.msk $0xffff, v23;
	v27 =	vld.idx.msk [tilespmem:v18+s29+$0x2F0 ss:$0x1], $0xffff  }
0x1c9: {  	[tilespmem:v18+s20+$0x2E0 ss:$0x1] =	vst.idx.msk $0xffff, v26;
	v23 =	vld.idx.msk [tilespmem:v18+s30+$0x2F0 ss:$0x1], $0xffff  }
0x1ca: {  	v26 =	vld.idx.msk [tilespmem:v18+s20+$0x2F0 ss:$0x1], $0xffff;
	_ =	sdelay $0x1  }
0x1cb: {  	v24 =	vmul.f32 v24, v57  }
0x1cc: {  	v31 =	vmul.f32 v27, v59  }
0x1cd: {  	[tilespmem:v18+s28+$0x2F0 ss:$0x1] =	vst.idx.msk $0xffff, v24;
	v23 =	vmul.f32 v23, v60  }
0x1ce: {  	v24 =	vld.idx.msk [tilespmem:v18+s28+$0x300 ss:$0x1], $0xffff;
	v32 =	vmul.f32 v26, v61;
	[tilespmem:v18+s29+$0x2F0 ss:$0x1] =	vst.idx.msk $0xffff, v31  }
0x1cf: {  	[tilespmem:v18+s30+$0x2F0 ss:$0x1] =	vst.idx.msk $0xffff, v23;
	v33 =	vld.idx.msk [tilespmem:v18+s29+$0x300 ss:$0x1], $0xffff  }
0x1d0: {  	[tilespmem:v18+s20+$0x2F0 ss:$0x1] =	vst.idx.msk $0xffff, v32;
	v23 =	vld.idx.msk [tilespmem:v18+s30+$0x300 ss:$0x1], $0xffff  }
0x1d1: {  	v34 =	vperm.xlane v19, v13;
	v35 =	vld.idx.msk [tilespmem:v18+s20+$0x300 ss:$0x1], $0xffff  }
0x1d2: {  	v36 =	vperm.xlane v20, v13  }
0x1d3: {  	v37 =	vperm.xlane v21, v13;
	v24 =	vmul.f32 v24, v34  }
0x1d4: {  	v38 =	vperm.xlane v22, v13;
	v26 =	vmul.f32 v33, v36  }
0x1d5: {  	[tilespmem:v18+s28+$0x300 ss:$0x1] =	vst.idx.msk $0xffff, v24;
	v23 =	vmul.f32 v23, v37  }
0x1d6: {  	v24 =	vld.idx.msk [tilespmem:v18+s28+$0x310 ss:$0x1], $0xffff;
	v39 =	vmul.f32 v35, v38;
	[tilespmem:v18+s29+$0x300 ss:$0x1] =	vst.idx.msk $0xffff, v26  }
0x1d7: {  	[tilespmem:v18+s30+$0x300 ss:$0x1] =	vst.idx.msk $0xffff, v23;
	v40 =	vld.idx.msk [tilespmem:v18+s29+$0x310 ss:$0x1], $0xffff  }
0x1d8: {  	[tilespmem:v18+s20+$0x300 ss:$0x1] =	vst.idx.msk $0xffff, v39;
	v23 =	vld.idx.msk [tilespmem:v18+s30+$0x310 ss:$0x1], $0xffff  }
0x1d9: {  	v26 =	vld.idx.msk [tilespmem:v18+s20+$0x310 ss:$0x1], $0xffff;
	_ =	sdelay $0x1  }
0x1da: {  	v24 =	vmul.f32 v24, v34  }
0x1db: {  	v27 =	vmul.f32 v40, v36  }
0x1dc: {  	[tilespmem:v18+s28+$0x310 ss:$0x1] =	vst.idx.msk $0xffff, v24;
	v23 =	vmul.f32 v23, v37  }
0x1dd: {  	v24 =	vld.idx.msk [tilespmem:v18+s28+$0x320 ss:$0x1], $0xffff;
	v26 =	vmul.f32 v26, v38;
	[tilespmem:v18+s29+$0x310 ss:$0x1] =	vst.idx.msk $0xffff, v27  }
0x1de: {  	[tilespmem:v18+s30+$0x310 ss:$0x1] =	vst.idx.msk $0xffff, v23;
	v27 =	vld.idx.msk [tilespmem:v18+s29+$0x320 ss:$0x1], $0xffff  }
0x1df: {  	[tilespmem:v18+s20+$0x310 ss:$0x1] =	vst.idx.msk $0xffff, v26;
	v23 =	vld.idx.msk [tilespmem:v18+s30+$0x320 ss:$0x1], $0xffff  }
0x1e0: {  	v26 =	vld.idx.msk [tilespmem:v18+s20+$0x320 ss:$0x1], $0xffff;
	_ =	sdelay $0x1  }
0x1e1: {  	v24 =	vmul.f32 v24, v34  }
0x1e2: {  	v27 =	vmul.f32 v27, v36  }
0x1e3: {  	[tilespmem:v18+s28+$0x320 ss:$0x1] =	vst.idx.msk $0xffff, v24;
	v23 =	vmul.f32 v23, v37  }
0x1e4: {  	v24 =	vld.idx.msk [tilespmem:v18+s28+$0x330 ss:$0x1], $0xffff;
	v26 =	vmul.f32 v26, v38;
	[tilespmem:v18+s29+$0x320 ss:$0x1] =	vst.idx.msk $0xffff, v27  }
0x1e5: {  	[tilespmem:v18+s30+$0x320 ss:$0x1] =	vst.idx.msk $0xffff, v23;
	v27 =	vld.idx.msk [tilespmem:v18+s29+$0x330 ss:$0x1], $0xffff  }
0x1e6: {  	[tilespmem:v18+s20+$0x320 ss:$0x1] =	vst.idx.msk $0xffff, v26;
	v23 =	vld.idx.msk [tilespmem:v18+s30+$0x330 ss:$0x1], $0xffff  }
0x1e7: {  	v26 =	vld.idx.msk [tilespmem:v18+s20+$0x330 ss:$0x1], $0xffff;
	_ =	sdelay $0x1  }
0x1e8: {  	v24 =	vmul.f32 v24, v34  }
0x1e9: {  	v41 =	vmul.f32 v27, v36  }
0x1ea: {  	[tilespmem:v18+s28+$0x330 ss:$0x1] =	vst.idx.msk $0xffff, v24;
	v23 =	vmul.f32 v23, v37  }
0x1eb: {  	v24 =	vld.idx.msk [tilespmem:v18+s28+$0x340 ss:$0x1], $0xffff;
	v42 =	vmul.f32 v26, v38;
	[tilespmem:v18+s29+$0x330 ss:$0x1] =	vst.idx.msk $0xffff, v41  }
0x1ec: {  	[tilespmem:v18+s30+$0x330 ss:$0x1] =	vst.idx.msk $0xffff, v23;
	v43 =	vld.idx.msk [tilespmem:v18+s29+$0x340 ss:$0x1], $0xffff  }
0x1ed: {  	[tilespmem:v18+s20+$0x330 ss:$0x1] =	vst.idx.msk $0xffff, v42;
	v23 =	vld.idx.msk [tilespmem:v18+s30+$0x340 ss:$0x1], $0xffff  }
0x1ee: {  	v44 =	vperm.xlane v19, v14;
	v45 =	vld.idx.msk [tilespmem:v18+s20+$0x340 ss:$0x1], $0xffff  }
0x1ef: {  	v46 =	vperm.xlane v20, v14  }
0x1f0: {  	v47 =	vperm.xlane v21, v14;
	v24 =	vmul.f32 v24, v44  }
0x1f1: {  	v48 =	vperm.xlane v22, v14;
	v26 =	vmul.f32 v43, v46  }
0x1f2: {  	[tilespmem:v18+s28+$0x340 ss:$0x1] =	vst.idx.msk $0xffff, v24;
	v23 =	vmul.f32 v23, v47  }
0x1f3: {  	v24 =	vld.idx.msk [tilespmem:v18+s28+$0x350 ss:$0x1], $0xffff;
	v49 =	vmul.f32 v45, v48;
	[tilespmem:v18+s29+$0x340 ss:$0x1] =	vst.idx.msk $0xffff, v26  }
0x1f4: {  	[tilespmem:v18+s30+$0x340 ss:$0x1] =	vst.idx.msk $0xffff, v23;
	v50 =	vld.idx.msk [tilespmem:v18+s29+$0x350 ss:$0x1], $0xffff  }
0x1f5: {  	[tilespmem:v18+s20+$0x340 ss:$0x1] =	vst.idx.msk $0xffff, v49;
	v23 =	vld.idx.msk [tilespmem:v18+s30+$0x350 ss:$0x1], $0xffff  }
0x1f6: {  	v26 =	vld.idx.msk [tilespmem:v18+s20+$0x350 ss:$0x1], $0xffff;
	_ =	sdelay $0x1  }
0x1f7: {  	v24 =	vmul.f32 v24, v44  }
0x1f8: {  	v27 =	vmul.f32 v50, v46  }
0x1f9: {  	[tilespmem:v18+s28+$0x350 ss:$0x1] =	vst.idx.msk $0xffff, v24;
	v23 =	vmul.f32 v23, v47  }
0x1fa: {  	v24 =	vld.idx.msk [tilespmem:v18+s28+$0x360 ss:$0x1], $0xffff;
	v26 =	vmul.f32 v26, v48;
	[tilespmem:v18+s29+$0x350 ss:$0x1] =	vst.idx.msk $0xffff, v27  }
0x1fb: {  	[tilespmem:v18+s30+$0x350 ss:$0x1] =	vst.idx.msk $0xffff, v23;
	v27 =	vld.idx.msk [tilespmem:v18+s29+$0x360 ss:$0x1], $0xffff  }
0x1fc: {  	[tilespmem:v18+s20+$0x350 ss:$0x1] =	vst.idx.msk $0xffff, v26;
	v23 =	vld.idx.msk [tilespmem:v18+s30+$0x360 ss:$0x1], $0xffff  }
0x1fd: {  	v26 =	vld.idx.msk [tilespmem:v18+s20+$0x360 ss:$0x1], $0xffff;
	_ =	sdelay $0x1  }
0x1fe: {  	v24 =	vmul.f32 v24, v44  }
0x1ff: {  	v27 =	vmul.f32 v27, v46  }
0x200: {  	[tilespmem:v18+s28+$0x360 ss:$0x1] =	vst.idx.msk $0xffff, v24;
	v23 =	vmul.f32 v23, v47  }
0x201: {  	v24 =	vld.idx.msk [tilespmem:v18+s28+$0x370 ss:$0x1], $0xffff;
	v26 =	vmul.f32 v26, v48;
	[tilespmem:v18+s29+$0x360 ss:$0x1] =	vst.idx.msk $0xffff, v27  }
0x202: {  	[tilespmem:v18+s30+$0x360 ss:$0x1] =	vst.idx.msk $0xffff, v23;
	v27 =	vld.idx.msk [tilespmem:v18+s29+$0x370 ss:$0x1], $0xffff  }
0x203: {  	[tilespmem:v18+s20+$0x360 ss:$0x1] =	vst.idx.msk $0xffff, v26;
	v23 =	vld.idx.msk [tilespmem:v18+s30+$0x370 ss:$0x1], $0xffff  }
0x204: {  	v26 =	vld.idx.msk [tilespmem:v18+s20+$0x370 ss:$0x1], $0xffff;
	_ =	sdelay $0x1  }
0x205: {  	v24 =	vmul.f32 v24, v44  }
0x206: {  	v51 =	vmul.f32 v27, v46  }
0x207: {  	[tilespmem:v18+s28+$0x370 ss:$0x1] =	vst.idx.msk $0xffff, v24;
	v23 =	vmul.f32 v23, v47  }
0x208: {  	v24 =	vld.idx.msk [tilespmem:v18+s28+$0x380 ss:$0x1], $0xffff;
	v52 =	vmul.f32 v26, v48;
	[tilespmem:v18+s29+$0x370 ss:$0x1] =	vst.idx.msk $0xffff, v51  }
0x209: {  	[tilespmem:v18+s30+$0x370 ss:$0x1] =	vst.idx.msk $0xffff, v23;
	v53 =	vld.idx.msk [tilespmem:v18+s29+$0x380 ss:$0x1], $0xffff  }
0x20a: {  	[tilespmem:v18+s20+$0x370 ss:$0x1] =	vst.idx.msk $0xffff, v52;
	v23 =	vld.idx.msk [tilespmem:v18+s30+$0x380 ss:$0x1], $0xffff  }
0x20b: {  	v54 =	vperm.xlane v19, v15;
	v55 =	vld.idx.msk [tilespmem:v18+s20+$0x380 ss:$0x1], $0xffff  }
0x20c: {  	v56 =	vperm.xlane v20, v15  }
0x20d: {  	v57 =	vperm.xlane v21, v15;
	v24 =	vmul.f32 v24, v54  }
0x20e: {  	v58 =	vperm.xlane v22, v15;
	v26 =	vmul.f32 v53, v56  }
0x20f: {  	[tilespmem:v18+s28+$0x380 ss:$0x1] =	vst.idx.msk $0xffff, v24;
	v23 =	vmul.f32 v23, v57  }
0x210: {  	v24 =	vld.idx.msk [tilespmem:v18+s28+$0x390 ss:$0x1], $0xffff;
	v59 =	vmul.f32 v55, v58;
	[tilespmem:v18+s29+$0x380 ss:$0x1] =	vst.idx.msk $0xffff, v26  }
0x211: {  	[tilespmem:v18+s30+$0x380 ss:$0x1] =	vst.idx.msk $0xffff, v23;
	v60 =	vld.idx.msk [tilespmem:v18+s29+$0x390 ss:$0x1], $0xffff  }
0x212: {  	[tilespmem:v18+s20+$0x380 ss:$0x1] =	vst.idx.msk $0xffff, v59;
	v23 =	vld.idx.msk [tilespmem:v18+s30+$0x390 ss:$0x1], $0xffff  }
0x213: {  	v26 =	vld.idx.msk [tilespmem:v18+s20+$0x390 ss:$0x1], $0xffff;
	_ =	sdelay $0x1  }
0x214: {  	v24 =	vmul.f32 v24, v54  }
0x215: {  	v27 =	vmul.f32 v60, v56  }
0x216: {  	[tilespmem:v18+s28+$0x390 ss:$0x1] =	vst.idx.msk $0xffff, v24;
	v23 =	vmul.f32 v23, v57  }
0x217: {  	v24 =	vld.idx.msk [tilespmem:v18+s28+$0x3A0 ss:$0x1], $0xffff;
	v26 =	vmul.f32 v26, v58;
	[tilespmem:v18+s29+$0x390 ss:$0x1] =	vst.idx.msk $0xffff, v27  }
0x218: {  	[tilespmem:v18+s30+$0x390 ss:$0x1] =	vst.idx.msk $0xffff, v23;
	v27 =	vld.idx.msk [tilespmem:v18+s29+$0x3A0 ss:$0x1], $0xffff  }
0x219: {  	[tilespmem:v18+s20+$0x390 ss:$0x1] =	vst.idx.msk $0xffff, v26;
	v23 =	vld.idx.msk [tilespmem:v18+s30+$0x3A0 ss:$0x1], $0xffff  }
0x21a: {  	v26 =	vld.idx.msk [tilespmem:v18+s20+$0x3A0 ss:$0x1], $0xffff;
	_ =	sdelay $0x1  }
0x21b: {  	v24 =	vmul.f32 v24, v54  }
0x21c: {  	v27 =	vmul.f32 v27, v56  }
0x21d: {  	[tilespmem:v18+s28+$0x3A0 ss:$0x1] =	vst.idx.msk $0xffff, v24;
	v23 =	vmul.f32 v23, v57  }
0x21e: {  	v24 =	vld.idx.msk [tilespmem:v18+s28+$0x3B0 ss:$0x1], $0xffff;
	v26 =	vmul.f32 v26, v58;
	[tilespmem:v18+s29+$0x3A0 ss:$0x1] =	vst.idx.msk $0xffff, v27  }
0x21f: {  	[tilespmem:v18+s30+$0x3A0 ss:$0x1] =	vst.idx.msk $0xffff, v23;
	v27 =	vld.idx.msk [tilespmem:v18+s29+$0x3B0 ss:$0x1], $0xffff  }
0x220: {  	[tilespmem:v18+s20+$0x3A0 ss:$0x1] =	vst.idx.msk $0xffff, v26;
	v23 =	vld.idx.msk [tilespmem:v18+s30+$0x3B0 ss:$0x1], $0xffff  }
0x221: {  	v26 =	vld.idx.msk [tilespmem:v18+s20+$0x3B0 ss:$0x1], $0xffff;
	_ =	sdelay $0x1  }
0x222: {  	v24 =	vmul.f32 v24, v54  }
0x223: {  	v61 =	vmul.f32 v27, v56  }
0x224: {  	[tilespmem:v18+s28+$0x3B0 ss:$0x1] =	vst.idx.msk $0xffff, v24;
	v23 =	vmul.f32 v23, v57  }
0x225: {  	v24 =	vld.idx.msk [tilespmem:v18+s28+$0x3C0 ss:$0x1], $0xffff;
	v62 =	vmul.f32 v26, v58;
	[tilespmem:v18+s29+$0x3B0 ss:$0x1] =	vst.idx.msk $0xffff, v61  }
0x226: {  	[tilespmem:v18+s30+$0x3B0 ss:$0x1] =	vst.idx.msk $0xffff, v23;
	v63 =	vld.idx.msk [tilespmem:v18+s29+$0x3C0 ss:$0x1], $0xffff  }
0x227: {  	[tilespmem:v18+s20+$0x3B0 ss:$0x1] =	vst.idx.msk $0xffff, v62;
	v23 =	vld.idx.msk [tilespmem:v18+s30+$0x3C0 ss:$0x1], $0xffff  }
0x228: {  	v19 =	vperm.xlane v19, v16;
	v25 =	vld.idx.msk [tilespmem:v18+s20+$0x3C0 ss:$0x1], $0xffff  }
0x229: {  	v20 =	vperm.xlane v20, v16  }
0x22a: {  	v21 =	vperm.xlane v21, v16;
	v24 =	vmul.f32 v24, v19  }
0x22b: {  	v22 =	vperm.xlane v22, v16;
	v26 =	vmul.f32 v63, v20  }
0x22c: {  	[tilespmem:v18+s28+$0x3C0 ss:$0x1] =	vst.idx.msk $0xffff, v24;
	v23 =	vmul.f32 v23, v21  }
0x22d: {  	v24 =	vld.idx.msk [tilespmem:v18+s28+$0x3D0 ss:$0x1], $0xffff;
	v25 =	vmul.f32 v25, v22;
	[tilespmem:v18+s29+$0x3C0 ss:$0x1] =	vst.idx.msk $0xffff, v26  }
0x22e: {  	[tilespmem:v18+s30+$0x3C0 ss:$0x1] =	vst.idx.msk $0xffff, v23;
	v26 =	vld.idx.msk [tilespmem:v18+s29+$0x3D0 ss:$0x1], $0xffff  }
0x22f: {  	[tilespmem:v18+s20+$0x3C0 ss:$0x1] =	vst.idx.msk $0xffff, v25;
	v23 =	vld.idx.msk [tilespmem:v18+s30+$0x3D0 ss:$0x1], $0xffff  }
0x230: {  	v25 =	vld.idx.msk [tilespmem:v18+s20+$0x3D0 ss:$0x1], $0xffff;
	_ =	sdelay $0x1  }
0x231: {  	v24 =	vmul.f32 v24, v19  }
0x232: {  	v26 =	vmul.f32 v26, v20  }
0x233: {  	[tilespmem:v18+s28+$0x3D0 ss:$0x1] =	vst.idx.msk $0xffff, v24;
	v23 =	vmul.f32 v23, v21  }
0x234: {  	v24 =	vld.idx.msk [tilespmem:v18+s28+$0x3E0 ss:$0x1], $0xffff;
	v25 =	vmul.f32 v25, v22;
	[tilespmem:v18+s29+$0x3D0 ss:$0x1] =	vst.idx.msk $0xffff, v26  }
0x235: {  	[tilespmem:v18+s30+$0x3D0 ss:$0x1] =	vst.idx.msk $0xffff, v23;
	v26 =	vld.idx.msk [tilespmem:v18+s29+$0x3E0 ss:$0x1], $0xffff  }
0x236: {  	[tilespmem:v18+s20+$0x3D0 ss:$0x1] =	vst.idx.msk $0xffff, v25;
	v23 =	vld.idx.msk [tilespmem:v18+s30+$0x3E0 ss:$0x1], $0xffff  }
0x237: {  	v25 =	vld.idx.msk [tilespmem:v18+s20+$0x3E0 ss:$0x1], $0xffff;
	_ =	sdelay $0x1  }
0x238: {  	v24 =	vmul.f32 v24, v19  }
0x239: {  	v26 =	vmul.f32 v26, v20  }
0x23a: {  	[tilespmem:v18+s28+$0x3E0 ss:$0x1] =	vst.idx.msk $0xffff, v24;
	v23 =	vmul.f32 v23, v21  }
0x23b: {  	v24 =	vld.idx.msk [tilespmem:v18+s28+$0x3F0 ss:$0x1], $0xffff;
	v25 =	vmul.f32 v25, v22;
	[tilespmem:v18+s29+$0x3E0 ss:$0x1] =	vst.idx.msk $0xffff, v26  }
0x23c: {  	[tilespmem:v18+s30+$0x3E0 ss:$0x1] =	vst.idx.msk $0xffff, v23;
	v26 =	vld.idx.msk [tilespmem:v18+s29+$0x3F0 ss:$0x1], $0xffff  }
0x23d: {  	[tilespmem:v18+s20+$0x3E0 ss:$0x1] =	vst.idx.msk $0xffff, v25;
	v23 =	vld.idx.msk [tilespmem:v18+s30+$0x3F0 ss:$0x1], $0xffff  }
0x23e: {  	v25 =	vld.idx.msk [tilespmem:v18+s20+$0x3F0 ss:$0x1], $0xffff;
	_ =	sdelay $0x1  }
0x23f: {  	p1 =	por p0, p0;
	v19 =	vmul.f32 v24, v19  }
.Ltmp2:
0x240: {  	v20 =	vmul.f32 v26, v20;
	(pc) =	sbr.rel @p1 .LBB2_7-.Ltmp2, $4  }
0x241: {  	[tilespmem:v18+s28+$0x3F0 ss:$0x1] =	vst.idx.msk $0xffff, v19;
	v19 =	vmul.f32 v23, v21  }
0x242: {  	[tilespmem:v18+s29+$0x3F0 ss:$0x1] =	vst.idx.msk $0xffff, v20;
	v20 =	vmul.f32 v25, v22  }
0x243: {  	[tilespmem:v18+s30+$0x3F0 ss:$0x1] =	vst.idx.msk $0xffff, v19  }
0x244: {  	p0 =	por $0x0, $0x0;
	s29 =	simm.s32 $0x4;
	[tilespmem:v18+s20+$0x3F0 ss:$0x1] =	vst.idx.msk $0xffff, v20  }
0x245: {  	p0 =	sne.s32 s24, $0xA0  }
.Ltmp3:
0x246: {  	_ = 	snop;
	(pc) =	sbr.rel @p0 .LBB2_4-.Ltmp3, $3  }
0x247: {  	_ =	sdelay $0x1  }
0x248: {  	s0 =	sadd.s32 $0x80, s25;
	s25 =	smov.u32 s24  }
0x249: {  	[spmem:s2] =	stream.indirect.scatter.add.f32 [tilespmem:s26], [sflag:$0x2], $0x40, s0, s19, $0xb8;
	[tilespmem:$0x10800] =	vst v63  }
0x24a: {  	_ =	swait.ge [sflag:s22], $0x2000  }
0x24b: {  	[sflag:s22] =	ssyncset.done $0x0  }
0x24c: {  	[sflag:s22] =	ssyncadd.s32 $0xFFFFE000  }
0x24d: {  	s0 =	stileid.u32;
	_ =	swait.ge [sflag:s22], $0x2000  }
0x24e: {  	s1 =	sshrl.u32 s5, $0x3;
	s3 =	sadd.s32 $0x1, s3;
	[sflag:s22] =	ssyncset.done $0x0  }
0x24f: {  	s0 =	sshll.u32 s0, $0x6;
	p0 =	sne.s32 s3, s15;
	[sflag:s22] =	ssyncadd.s32 $0xFFFFE000  }
.Ltmp4:
0x250: {  	s0 =	sor.u32 $0x1C04, s0;
	[bflag:$0x0] =	sbarrier.arrive $0xFFFF;
	(pc) =	sbr.rel @p0 .LBB2_1-.Ltmp4, $4  }
0x251: {  	[hbm:s16], [sflag:s0] =	dma.local [spmem:s1], $0x1400  }
0x252: {  	_ =	swait.ge [sflag:s18], $0x1400  }
0x253: {  	[sflag:s18] =	ssyncset.done $0x0  }
0x254: {  	[sflag:s18] =	ssyncadd.s32 $0xFFFFEC00  }
0x255: {  	_ =	sfence.sel $0x180000  }
0x256: {  	[bflag:$0x0] =	sbarrier.arrive $0xFFFF  }
0x257: {  	_ =	strace $0x90000047  }
0x258: {  	s0 =	stileid.u32;
	[bflag:$0x2] =	sbarrier.arrive $0xFFFF  }
0x259: {  	p0 =	sne.s32 s0, $0x0;
	s0 =	rddreg [dreg:$0x2]  }
0x25a: {  	s0 =	sadd.s32 @!p0 $0x100000, s0  }
0x25b: {  	[sflag:s0] =	ssyncadd.tile.s32 @!p0 $0x1;
	_ =	shalt  }
.Lfunc_end2:
_tile_overlayer_lowered:
.L_overlay_start_2:
0x25c: {  	(tag) =	ssettag $0x2  }
0x25d: {  	s0 =	rddreg [dreg:$0x0];
	s2 =	stileid.u32  }
0x25e: {  	s1 =	rddreg [dreg:$0x1];
	p0 =	sne.s32 s2, $0x0  }
0x25f: {  	s3 =	rddreg [dreg:$0x2];
	[bflag:$0x3] =	sbarrier.arrive $0xFFFF;
	s2 =	simm.s32 @!p0 $0x1C04  }
0x260: {  	[timem:s3], [sflag:s2] =	dma.local @!p0 [hbm:s0], s1  }
0x261: {  	s0 =	simm.s32 @!p0 $0x4  }
0x262: {  	_ =	swait.ge @!p0 [sflag:s0], s1  }
0x263: {  	s1 =	ssub.s32 @!p0 $0x0, s1;
	[sflag:s0] =	ssyncset.done @!p0 $0x0  }
0x264: {  	[sflag:s0] =	ssyncadd.s32 @!p0 s1  }
0x265: {  	[bflag:$0x3] =	sbarrier.arrive $0xFFFF  }
0x266: {  	_ =	shalt  }

</sc_bundles>
